<compile_context>
chip_gen: v7x
topology: tpu7x:2x2x1
jax: 0.10.2.dev20260603
libtpu: 0.0.44.dev20260713+nightly
codegen_flags: <defaults>
</compile_context>

<pallas_src>
import functools

import jax
import jax.numpy as jnp
from jax import lax
from jax.experimental import pallas as pl
from jax.experimental.pallas import tpu as pltpu
from jax.experimental.pallas import tpu_sc as plsc

N_NODES = 50000
KNN_NUM = 8
EF_DIM = 128
N_GATHER = N_NODES * KNN_NUM

NC, NS = 2, 16
NW = 25
CH = 128
NSLAB = 5
NCH = 25
ROWS_SLAB = NW * NCH * CH
PTS_SLAB = ROWS_SLAB // KNN_NUM

TAIL_ROWS = 16000
TAIL_PTS = TAIL_ROWS // KNN_NUM
TAIL_BLKS = ROWS_SLAB // TAIL_ROWS


def _tail_body(g_ref, xyz_ref, wf_ref, wx_ref, b1_ref, w2_ref, b2_ref, o_ref):
    pre = (
        jnp.dot(g_ref[...], wf_ref[...], preferred_element_type=jnp.float32)
        + lax.dot_general(
            xyz_ref[...],
            wx_ref[...],
            (((0,), (0,)), ((), ())),
            preferred_element_type=jnp.float32,
        )
        + b1_ref[...]
    )
    act = jnp.where(pre >= 0, pre, 0.01 * pre)
    h2 = (
        jnp.dot(act, w2_ref[...], preferred_element_type=jnp.float32)
        + b2_ref[...]
    )
    o_ref[...] = jnp.max(h2.reshape(TAIL_PTS, KNN_NUM, EF_DIM), axis=1)


NBUF = 5
GWIN = 3


def _sc_gather_body(h_hbm, idx_hbm, out_hbm, idx_v, *scr):
    rows = scr[0:NBUF]
    gsem = scr[NBUF : 2 * NBUF]
    ssem = scr[2 * NBUF : 3 * NBUF]
    wid = lax.axis_index("c") * NS + lax.axis_index("s")

    @pl.when(wid < NW)
    def _():
        base_ch = wid * NCH
        pltpu.sync_copy(idx_hbm.at[wid], idx_v)

        def out_slice(c):
            return out_hbm.at[pl.ds((base_ch + c) * CH, CH)]

        def fire_gather(c, b):
            pltpu.async_copy(h_hbm.at[idx_v.at[c]], rows[b], gsem[b])

        def wait_gather(c, b):
            pltpu.make_async_copy(h_hbm.at[idx_v.at[c]], rows[b], gsem[b]).wait()

        def fire_store(c, b):
            pltpu.async_copy(rows[b], out_slice(c), ssem[b])

        def wait_store(c, b):
            pltpu.make_async_copy(rows[b], out_slice(c), ssem[b]).wait()

        def visit(c, b, do_store_wait, do_gather_fire):
            wait_gather(c, b)
            fire_store(c, b)
            b2 = (b + GWIN) % NBUF
            if do_store_wait:
                wait_store(c + GWIN - NBUF, b2)
            if do_gather_fire:
                fire_gather(c + GWIN, b2)

        for c in range(GWIN):
            fire_gather(c, c)
        for b in range(NBUF):
            visit(b, b, do_store_wait=(b + GWIN - NBUF >= 0), do_gather_fire=True)

        def round_body(j, carry):
            for b in range(NBUF):
                visit(NBUF * j + b, b, do_store_wait=True, do_gather_fire=True)
            return carry

        lax.fori_loop(1, NCH // NBUF - 1, round_body, 0)

        for b in range(NBUF):
            c = NCH - NBUF + b
            visit(c, b, do_store_wait=True, do_gather_fire=(c + GWIN < NCH))
        for c in range(NCH + GWIN - NBUF, NCH):
            wait_store(c, c % NBUF)


@functools.lru_cache(maxsize=1)
def _sc_gather():
    return pl.kernel(
        _sc_gather_body,
        out_type=jax.ShapeDtypeStruct((ROWS_SLAB, EF_DIM), jnp.float32),
        mesh=plsc.VectorSubcoreMesh(
            core_axis_name="c", subcore_axis_name="s", num_cores=NC, num_subcores=NS
        ),
        scratch_types=(
            [pltpu.VMEM((NCH, CH), jnp.int32)]
            + [pltpu.VMEM((CH, EF_DIM), jnp.float32) for _ in range(NBUF)]
            + [pltpu.SemaphoreType.DMA for _ in range(2 * NBUF)]
        ),
    )


def kernel(input, KNN_idx, KNN_xyz, W1, b1, W2, b2):
    idx = KNN_idx.astype(jnp.int32)
    w1f_t = W1[:, :EF_DIM].T
    w1x_t = W1[:, EF_DIM:].T
    w2_t = W2.T

    idx_s = idx.reshape(NSLAB, NW, NCH, CH)
    xyz_t = KNN_xyz.T
    gs = [_sc_gather()(input, idx_s[s]) for s in range(NSLAB)]

    b1r = b1.reshape(1, EF_DIM)
    b2r = b2.reshape(1, EF_DIM)
    outs = []
    for s in range(NSLAB):
        xyz_slab = lax.slice_in_dim(xyz_t, s * ROWS_SLAB, (s + 1) * ROWS_SLAB, axis=1)
        outs.append(
            pl.pallas_call(
                _tail_body,
                grid=(TAIL_BLKS,),
                in_specs=[
                    pl.BlockSpec((TAIL_ROWS, EF_DIM), lambda i: (i, 0)),
                    pl.BlockSpec((3, TAIL_ROWS), lambda i: (0, i)),
                    pl.BlockSpec((EF_DIM, EF_DIM), lambda i: (0, 0)),
                    pl.BlockSpec((3, EF_DIM), lambda i: (0, 0)),
                    pl.BlockSpec((1, EF_DIM), lambda i: (0, 0)),
                    pl.BlockSpec((EF_DIM, EF_DIM), lambda i: (0, 0)),
                    pl.BlockSpec((1, EF_DIM), lambda i: (0, 0)),
                ],
                out_specs=pl.BlockSpec((TAIL_PTS, EF_DIM), lambda i: (i, 0)),
                out_shape=jax.ShapeDtypeStruct((PTS_SLAB, EF_DIM), jnp.float32),
            )(gs[s], xyz_slab, w1f_t, w1x_t, b1r, w2_t, b2r)
        )
    return jnp.concatenate(outs)

# --- scband reference (transcript-rebuilt; emitter-appended) ---
"""Pipeline reference for scband-pc-conv-30159260352601 (READ-ONLY COPY).

The authoritative reference and input builder live on the scoring server;
editing this copy changes nothing except your own understanding.
"""

import jax, jax.numpy as jnp
import numpy as np

N_NODES = 50000
KNN_NUM = 8
EF_DIM = 128
N_GATHER = N_NODES * KNN_NUM


def setup_inputs(seed: int = 0) -> dict:
    key = jax.random.key(seed)
    k_in, k_idx, k_xyz, k_w1, k_b1, k_w2, k_b2 = jax.random.split(key, 7)
    inp = jax.random.normal(k_in, (N_NODES, EF_DIM), dtype=jnp.float32)
    knn_idx = jax.random.randint(k_idx, (N_GATHER,), 0, N_NODES, dtype=jnp.int64)
    knn_xyz = jax.random.normal(k_xyz, (N_GATHER, 3), dtype=jnp.float32)
    # torch.nn.Linear params: weight [out, in], bias [out]
    lim1 = 1.0 / np.sqrt(EF_DIM + 3)
    W1 = jax.random.uniform(k_w1, (EF_DIM, EF_DIM + 3), dtype=jnp.float32, minval=-lim1, maxval=lim1)
    b1 = jax.random.uniform(k_b1, (EF_DIM,), dtype=jnp.float32, minval=-lim1, maxval=lim1)
    lim2 = 1.0 / np.sqrt(EF_DIM)
    W2 = jax.random.uniform(k_w2, (EF_DIM, EF_DIM), dtype=jnp.float32, minval=-lim2, maxval=lim2)
    b2 = jax.random.uniform(k_b2, (EF_DIM,), dtype=jnp.float32, minval=-lim2, maxval=lim2)
    return {"input": inp, "KNN_idx": knn_idx, "KNN_xyz": knn_xyz, "W1": W1, "b1": b1, "W2": W2, "b2": b2}


def reference(input, KNN_idx, KNN_xyz, W1, b1, W2, b2):
    # gather neighbor features: SparseCore gather
    out = jnp.take(input, KNN_idx, axis=0)            # [N*K, ef_dim]
    out = jnp.concatenate([out, KNN_xyz], axis=1)     # [N*K, ef_dim+3]
    out = out @ W1.T + b1                             # linear_1
    out = jnp.where(out >= 0, out, 0.01 * out)        # leaky_relu(0.01)
    out = out @ W2.T + b2                             # linear_2
    out = out.reshape(-1, KNN_NUM, EF_DIM)            # [N, K, ef_dim]
    out = jnp.max(out, axis=1)                        # per-point max pool
    return out

if __name__ == "__main__":
    import jax
    _d = setup_inputs()
    print(jax.jit(kernel)(*tuple(_d.values())))

</pallas_src>

<mosaic_0001>
#map = affine_map<(d0, d1) -> (0, 0)>
#map1 = affine_map<(d0, d1) -> (0, 0, 0)>
module attributes {stable_mosaic.version = 14 : i64} {
  func.func @_sc_gather_body(%arg0: i32, %arg1: i32, %arg2: memref<50000x128xf32, #tpu.memory_space<hbm>>, %arg3: memref<25x25x128xi32, #tpu.memory_space<hbm>>, %arg4: memref<80000x128xf32, #tpu.memory_space<hbm>>, %arg5: memref<25x128xi32, #tpu.memory_space<vmem>>, %arg6: memref<128x128xf32, #tpu.memory_space<vmem>>, %arg7: memref<128x128xf32, #tpu.memory_space<vmem>>, %arg8: memref<128x128xf32, #tpu.memory_space<vmem>>, %arg9: memref<128x128xf32, #tpu.memory_space<vmem>>, %arg10: memref<128x128xf32, #tpu.memory_space<vmem>>, %arg11: memref<!tpu.dma_semaphore, #tpu.memory_space<semaphore_mem>>, %arg12: memref<!tpu.dma_semaphore, #tpu.memory_space<semaphore_mem>>, %arg13: memref<!tpu.dma_semaphore, #tpu.memory_space<semaphore_mem>>, %arg14: memref<!tpu.dma_semaphore, #tpu.memory_space<semaphore_mem>>, %arg15: memref<!tpu.dma_semaphore, #tpu.memory_space<semaphore_mem>>, %arg16: memref<!tpu.dma_semaphore, #tpu.memory_space<semaphore_mem>>, %arg17: memref<!tpu.dma_semaphore, #tpu.memory_space<semaphore_mem>>, %arg18: memref<!tpu.dma_semaphore, #tpu.memory_space<semaphore_mem>>, %arg19: memref<!tpu.dma_semaphore, #tpu.memory_space<semaphore_mem>>, %arg20: memref<!tpu.dma_semaphore, #tpu.memory_space<semaphore_mem>>) attributes {dimension_semantics = [#tpu.dimension_semantics<core_parallel>, #tpu.dimension_semantics<subcore_parallel>], iteration_bounds = array<i64: 2, 16>, scalar_prefetch = 0 : i64, scratch_operands = 16 : i64, tpu.core_type = #tpu.core_type<sc_vector_subcore>, window_params = [{transform_indices = #map}, {transform_indices = #map1}, {transform_indices = #map}]} {
    %mul3A = arith.constant 16 : i32
    %mul3A_0 = arith.muli %arg0, %mul3A : i32
    %add3A = arith.addi %mul3A_0, %arg1 : i32
    %lt3A = arith.constant 25 : i32
    %lt3A_1 = arith.cmpi slt, %add3A, %lt3A : i32
    %convert_element_type3A = arith.extui %lt3A_1 : i1 to i32
    %cond3A = arith.constant 0 : i32
    %cond3A_2 = arith.cmpi ne, %convert_element_type3A, %cond3A : i32
    scf.if %cond3A_2 {
      %mul3A_3 = arith.constant 25 : i32
      %mul3A_4 = arith.muli %add3A, %mul3A_3 : i32
      "tpu.region"() ({
        %run_scoped3A = tpu.sem_alloc : memref<!tpu.dma_semaphore, #tpu.memory_space<semaphore_mem>>
        %dma_start3A_308 = arith.constant 0 : i32
        %dma_start3A_309 = arith.constant 0 : i32
        %dma_start3A_310 = tpu.memref_slice %arg3[%add3A, %dma_start3A_308, %dma_start3A_309] : memref<25x25x128xi32, #tpu.memory_space<hbm>> -> memref<1x25x128xi32, #tpu.memory_space<hbm>>
        %dma_start3A_311 = tpu.memref_squeeze %dma_start3A_310 : memref<1x25x128xi32, #tpu.memory_space<hbm>> -> memref<25x128xi32, #tpu.memory_space<hbm>>
        %dma_start3A_312 = arith.constant 0 : i32
        %dma_start3A_313 = arith.constant 0 : i32
        %dma_start3A_314 = tpu.memref_slice %arg3[%add3A, %dma_start3A_312, %dma_start3A_313] : memref<25x25x128xi32, #tpu.memory_space<hbm>> -> memref<1x25x128xi32, #tpu.memory_space<hbm>>
        %dma_start3A_315 = tpu.memref_squeeze %dma_start3A_314 : memref<1x25x128xi32, #tpu.memory_space<hbm>> -> memref<25x128xi32, #tpu.memory_space<hbm>>
        tpu.enqueue_dma source(%dma_start3A_315 : memref<25x128xi32, #tpu.memory_space<hbm>>) target(%arg5 : memref<25x128xi32, #tpu.memory_space<vmem>>) target_semaphore(%run_scoped3A : memref<!tpu.dma_semaphore, #tpu.memory_space<semaphore_mem>>)
        %dma_wait3A_316 = arith.constant 0 : i32
        %dma_wait3A_317 = arith.constant 0 : i32
        %dma_wait3A_318 = tpu.memref_slice %arg3[%add3A, %dma_wait3A_316, %dma_wait3A_317] : memref<25x25x128xi32, #tpu.memory_space<hbm>> -> memref<1x25x128xi32, #tpu.memory_space<hbm>>
        %dma_wait3A_319 = tpu.memref_squeeze %dma_wait3A_318 : memref<1x25x128xi32, #tpu.memory_space<hbm>> -> memref<25x128xi32, #tpu.memory_space<hbm>>
        %dma_wait3A_320 = arith.constant 0 : i32
        %dma_wait3A_321 = arith.constant 0 : i32
        %dma_wait3A_322 = tpu.memref_slice %arg3[%add3A, %dma_wait3A_320, %dma_wait3A_321] : memref<25x25x128xi32, #tpu.memory_space<hbm>> -> memref<1x25x128xi32, #tpu.memory_space<hbm>>
        %dma_wait3A_323 = tpu.memref_squeeze %dma_wait3A_322 : memref<1x25x128xi32, #tpu.memory_space<hbm>> -> memref<25x128xi32, #tpu.memory_space<hbm>>
        tpu.wait_dma2 semaphore(%run_scoped3A : memref<!tpu.dma_semaphore, #tpu.memory_space<semaphore_mem>>) src(%dma_wait3A_323 : memref<25x128xi32, #tpu.memory_space<hbm>>) dst(%arg5 : memref<25x128xi32, #tpu.memory_space<vmem>>)
        tpu.yield
      }) : () -> ()
      %dma_start3A = arith.constant 0 : i32
      %dma_start3A_5 = arith.constant 0 : i32
      %dma_start3A_6 = tpu.memref_slice %arg5[%dma_start3A, %dma_start3A_5] : memref<25x128xi32, #tpu.memory_space<vmem>> -> memref<1x128xi32, #tpu.memory_space<vmem>>
      %dma_start3A_7 = tpu.memref_squeeze %dma_start3A_6 : memref<1x128xi32, #tpu.memory_space<vmem>> -> memref<128xi32, #tpu.memory_space<vmem>>
      %dma_start3A_8 = arith.constant 0 : i32
      %dma_start3A_9 = arith.constant 0 : i32
      %dma_start3A_10 = tpu.memref_slice %arg2[%dma_start3A_8, %dma_start3A_9] : memref<50000x128xf32, #tpu.memory_space<hbm>> -> memref<50000x128xf32, #tpu.memory_space<hbm>>
      tpu.enqueue_indirect_dma source(%dma_start3A_10 : memref<50000x128xf32, #tpu.memory_space<hbm>>) target(%arg6 : memref<128x128xf32, #tpu.memory_space<vmem>>) offsets(%dma_start3A_7 : memref<128xi32, #tpu.memory_space<vmem>>) semaphore(%arg11 : memref<!tpu.dma_semaphore, #tpu.memory_space<semaphore_mem>>)
      %dma_start3A_11 = arith.constant 1 : i32
      %dma_start3A_12 = arith.constant 0 : i32
      %dma_start3A_13 = tpu.memref_slice %arg5[%dma_start3A_11, %dma_start3A_12] : memref<25x128xi32, #tpu.memory_space<vmem>> -> memref<1x128xi32, #tpu.memory_space<vmem>>
      %dma_start3A_14 = tpu.memref_squeeze %dma_start3A_13 : memref<1x128xi32, #tpu.memory_space<vmem>> -> memref<128xi32, #tpu.memory_space<vmem>>
      %dma_start3A_15 = arith.constant 0 : i32
      %dma_start3A_16 = arith.constant 0 : i32
      %dma_start3A_17 = tpu.memref_slice %arg2[%dma_start3A_15, %dma_start3A_16] : memref<50000x128xf32, #tpu.memory_space<hbm>> -> memref<50000x128xf32, #tpu.memory_space<hbm>>
      tpu.enqueue_indirect_dma source(%dma_start3A_17 : memref<50000x128xf32, #tpu.memory_space<hbm>>) target(%arg7 : memref<128x128xf32, #tpu.memory_space<vmem>>) offsets(%dma_start3A_14 : memref<128xi32, #tpu.memory_space<vmem>>) semaphore(%arg12 : memref<!tpu.dma_semaphore, #tpu.memory_space<semaphore_mem>>)
      %dma_start3A_18 = arith.constant 2 : i32
      %dma_start3A_19 = arith.constant 0 : i32
      %dma_start3A_20 = tpu.memref_slice %arg5[%dma_start3A_18, %dma_start3A_19] : memref<25x128xi32, #tpu.memory_space<vmem>> -> memref<1x128xi32, #tpu.memory_space<vmem>>
      %dma_start3A_21 = tpu.memref_squeeze %dma_start3A_20 : memref<1x128xi32, #tpu.memory_space<vmem>> -> memref<128xi32, #tpu.memory_space<vmem>>
      %dma_start3A_22 = arith.constant 0 : i32
      %dma_start3A_23 = arith.constant 0 : i32
      %dma_start3A_24 = tpu.memref_slice %arg2[%dma_start3A_22, %dma_start3A_23] : memref<50000x128xf32, #tpu.memory_space<hbm>> -> memref<50000x128xf32, #tpu.memory_space<hbm>>
      tpu.enqueue_indirect_dma source(%dma_start3A_24 : memref<50000x128xf32, #tpu.memory_space<hbm>>) target(%arg8 : memref<128x128xf32, #tpu.memory_space<vmem>>) offsets(%dma_start3A_21 : memref<128xi32, #tpu.memory_space<vmem>>) semaphore(%arg13 : memref<!tpu.dma_semaphore, #tpu.memory_space<semaphore_mem>>)
      %dma_wait3A = arith.constant 0 : i32
      %dma_wait3A_25 = arith.constant 0 : i32
      %dma_wait3A_26 = tpu.memref_slice %arg5[%dma_wait3A, %dma_wait3A_25] : memref<25x128xi32, #tpu.memory_space<vmem>> -> memref<1x128xi32, #tpu.memory_space<vmem>>
      %dma_wait3A_27 = tpu.memref_squeeze %dma_wait3A_26 : memref<1x128xi32, #tpu.memory_space<vmem>> -> memref<128xi32, #tpu.memory_space<vmem>>
      %dma_wait3A_28 = arith.constant 0 : i32
      %dma_wait3A_29 = arith.constant 0 : i32
      %dma_wait3A_30 = tpu.memref_slice %arg2[%dma_wait3A_28, %dma_wait3A_29] : memref<50000x128xf32, #tpu.memory_space<hbm>> -> memref<50000x128xf32, #tpu.memory_space<hbm>>
      tpu.wait_indirect_dma semaphore(%arg11 : memref<!tpu.dma_semaphore, #tpu.memory_space<semaphore_mem>>) src(%dma_wait3A_30 : memref<50000x128xf32, #tpu.memory_space<hbm>>) dst(%arg6 : memref<128x128xf32, #tpu.memory_space<vmem>>)
      %add3A_31 = arith.constant 0 : i32
      %add3A_32 = arith.addi %mul3A_4, %add3A_31 : i32
      %mul3A_33 = arith.constant 128 : i32
      %mul3A_34 = arith.muli %add3A_32, %mul3A_33 : i32
      %dma_start3A_35 = arith.constant 0 : i32
      %dma_start3A_36 = tpu.memref_slice %arg4[%mul3A_34, %dma_start3A_35] : memref<80000x128xf32, #tpu.memory_space<hbm>> -> memref<128x128xf32, #tpu.memory_space<hbm>>
      %dma_start3A_37 = arith.constant 0 : i32
      %dma_start3A_38 = tpu.memref_slice %arg4[%mul3A_34, %dma_start3A_37] : memref<80000x128xf32, #tpu.memory_space<hbm>> -> memref<128x128xf32, #tpu.memory_space<hbm>>
      tpu.enqueue_dma source(%arg6 : memref<128x128xf32, #tpu.memory_space<vmem>>) target(%dma_start3A_38 : memref<128x128xf32, #tpu.memory_space<hbm>>) target_semaphore(%arg16 : memref<!tpu.dma_semaphore, #tpu.memory_space<semaphore_mem>>)
      %dma_start3A_39 = arith.constant 3 : i32
      %dma_start3A_40 = arith.constant 0 : i32
      %dma_start3A_41 = tpu.memref_slice %arg5[%dma_start3A_39, %dma_start3A_40] : memref<25x128xi32, #tpu.memory_space<vmem>> -> memref<1x128xi32, #tpu.memory_space<vmem>>
      %dma_start3A_42 = tpu.memref_squeeze %dma_start3A_41 : memref<1x128xi32, #tpu.memory_space<vmem>> -> memref<128xi32, #tpu.memory_space<vmem>>
      %dma_start3A_43 = arith.constant 0 : i32
      %dma_start3A_44 = arith.constant 0 : i32
      %dma_start3A_45 = tpu.memref_slice %arg2[%dma_start3A_43, %dma_start3A_44] : memref<50000x128xf32, #tpu.memory_space<hbm>> -> memref<50000x128xf32, #tpu.memory_space<hbm>>
      tpu.enqueue_indirect_dma source(%dma_start3A_45 : memref<50000x128xf32, #tpu.memory_space<hbm>>) target(%arg9 : memref<128x128xf32, #tpu.memory_space<vmem>>) offsets(%dma_start3A_42 : memref<128xi32, #tpu.memory_space<vmem>>) semaphore(%arg14 : memref<!tpu.dma_semaphore, #tpu.memory_space<semaphore_mem>>)
      %dma_wait3A_46 = arith.constant 1 : i32
      %dma_wait3A_47 = arith.constant 0 : i32
      %dma_wait3A_48 = tpu.memref_slice %arg5[%dma_wait3A_46, %dma_wait3A_47] : memref<25x128xi32, #tpu.memory_space<vmem>> -> memref<1x128xi32, #tpu.memory_space<vmem>>
      %dma_wait3A_49 = tpu.memref_squeeze %dma_wait3A_48 : memref<1x128xi32, #tpu.memory_space<vmem>> -> memref<128xi32, #tpu.memory_space<vmem>>
      %dma_wait3A_50 = arith.constant 0 : i32
      %dma_wait3A_51 = arith.constant 0 : i32
      %dma_wait3A_52 = tpu.memref_slice %arg2[%dma_wait3A_50, %dma_wait3A_51] : memref<50000x128xf32, #tpu.memory_space<hbm>> -> memref<50000x128xf32, #tpu.memory_space<hbm>>
      tpu.wait_indirect_dma semaphore(%arg12 : memref<!tpu.dma_semaphore, #tpu.memory_space<semaphore_mem>>) src(%dma_wait3A_52 : memref<50000x128xf32, #tpu.memory_space<hbm>>) dst(%arg7 : memref<128x128xf32, #tpu.memory_space<vmem>>)
      %add3A_53 = arith.constant 1 : i32
      %add3A_54 = arith.addi %mul3A_4, %add3A_53 : i32
      %mul3A_55 = arith.constant 128 : i32
      %mul3A_56 = arith.muli %add3A_54, %mul3A_55 : i32
      %dma_start3A_57 = arith.constant 0 : i32
      %dma_start3A_58 = tpu.memref_slice %arg4[%mul3A_56, %dma_start3A_57] : memref<80000x128xf32, #tpu.memory_space<hbm>> -> memref<128x128xf32, #tpu.memory_space<hbm>>
      %dma_start3A_59 = arith.constant 0 : i32
      %dma_start3A_60 = tpu.memref_slice %arg4[%mul3A_56, %dma_start3A_59] : memref<80000x128xf32, #tpu.memory_space<hbm>> -> memref<128x128xf32, #tpu.memory_space<hbm>>
      tpu.enqueue_dma source(%arg7 : memref<128x128xf32, #tpu.memory_space<vmem>>) target(%dma_start3A_60 : memref<128x128xf32, #tpu.memory_space<hbm>>) target_semaphore(%arg17 : memref<!tpu.dma_semaphore, #tpu.memory_space<semaphore_mem>>)
      %dma_start3A_61 = arith.constant 4 : i32
      %dma_start3A_62 = arith.constant 0 : i32
      %dma_start3A_63 = tpu.memref_slice %arg5[%dma_start3A_61, %dma_start3A_62] : memref<25x128xi32, #tpu.memory_space<vmem>> -> memref<1x128xi32, #tpu.memory_space<vmem>>
      %dma_start3A_64 = tpu.memref_squeeze %dma_start3A_63 : memref<1x128xi32, #tpu.memory_space<vmem>> -> memref<128xi32, #tpu.memory_space<vmem>>
      %dma_start3A_65 = arith.constant 0 : i32
      %dma_start3A_66 = arith.constant 0 : i32
      %dma_start3A_67 = tpu.memref_slice %arg2[%dma_start3A_65, %dma_start3A_66] : memref<50000x128xf32, #tpu.memory_space<hbm>> -> memref<50000x128xf32, #tpu.memory_space<hbm>>
      tpu.enqueue_indirect_dma source(%dma_start3A_67 : memref<50000x128xf32, #tpu.memory_space<hbm>>) target(%arg10 : memref<128x128xf32, #tpu.memory_space<vmem>>) offsets(%dma_start3A_64 : memref<128xi32, #tpu.memory_space<vmem>>) semaphore(%arg15 : memref<!tpu.dma_semaphore, #tpu.memory_space<semaphore_mem>>)
      %dma_wait3A_68 = arith.constant 2 : i32
      %dma_wait3A_69 = arith.constant 0 : i32
      %dma_wait3A_70 = tpu.memref_slice %arg5[%dma_wait3A_68, %dma_wait3A_69] : memref<25x128xi32, #tpu.memory_space<vmem>> -> memref<1x128xi32, #tpu.memory_space<vmem>>
      %dma_wait3A_71 = tpu.memref_squeeze %dma_wait3A_70 : memref<1x128xi32, #tpu.memory_space<vmem>> -> memref<128xi32, #tpu.memory_space<vmem>>
      %dma_wait3A_72 = arith.constant 0 : i32
      %dma_wait3A_73 = arith.constant 0 : i32
      %dma_wait3A_74 = tpu.memref_slice %arg2[%dma_wait3A_72, %dma_wait3A_73] : memref<50000x128xf32, #tpu.memory_space<hbm>> -> memref<50000x128xf32, #tpu.memory_space<hbm>>
      tpu.wait_indirect_dma semaphore(%arg13 : memref<!tpu.dma_semaphore, #tpu.memory_space<semaphore_mem>>) src(%dma_wait3A_74 : memref<50000x128xf32, #tpu.memory_space<hbm>>) dst(%arg8 : memref<128x128xf32, #tpu.memory_space<vmem>>)
      %add3A_75 = arith.constant 2 : i32
      %add3A_76 = arith.addi %mul3A_4, %add3A_75 : i32
      %mul3A_77 = arith.constant 128 : i32
      %mul3A_78 = arith.muli %add3A_76, %mul3A_77 : i32
      %dma_start3A_79 = arith.constant 0 : i32
      %dma_start3A_80 = tpu.memref_slice %arg4[%mul3A_78, %dma_start3A_79] : memref<80000x128xf32, #tpu.memory_space<hbm>> -> memref<128x128xf32, #tpu.memory_space<hbm>>
      %dma_start3A_81 = arith.constant 0 : i32
      %dma_start3A_82 = tpu.memref_slice %arg4[%mul3A_78, %dma_start3A_81] : memref<80000x128xf32, #tpu.memory_space<hbm>> -> memref<128x128xf32, #tpu.memory_space<hbm>>
      tpu.enqueue_dma source(%arg8 : memref<128x128xf32, #tpu.memory_space<vmem>>) target(%dma_start3A_82 : memref<128x128xf32, #tpu.memory_space<hbm>>) target_semaphore(%arg18 : memref<!tpu.dma_semaphore, #tpu.memory_space<semaphore_mem>>)
      %add3A_83 = arith.constant 0 : i32
      %add3A_84 = arith.addi %mul3A_4, %add3A_83 : i32
      %mul3A_85 = arith.constant 128 : i32
      %mul3A_86 = arith.muli %add3A_84, %mul3A_85 : i32
      %dma_wait3A_87 = arith.constant 0 : i32
      %dma_wait3A_88 = tpu.memref_slice %arg4[%mul3A_86, %dma_wait3A_87] : memref<80000x128xf32, #tpu.memory_space<hbm>> -> memref<128x128xf32, #tpu.memory_space<hbm>>
      %dma_wait3A_89 = arith.constant 0 : i32
      %dma_wait3A_90 = tpu.memref_slice %arg4[%mul3A_86, %dma_wait3A_89] : memref<80000x128xf32, #tpu.memory_space<hbm>> -> memref<128x128xf32, #tpu.memory_space<hbm>>
      tpu.wait_dma2 semaphore(%arg16 : memref<!tpu.dma_semaphore, #tpu.memory_space<semaphore_mem>>) src(%arg6 : memref<128x128xf32, #tpu.memory_space<vmem>>) dst(%dma_wait3A_90 : memref<128x128xf32, #tpu.memory_space<hbm>>)
      %dma_start3A_91 = arith.constant 5 : i32
      %dma_start3A_92 = arith.constant 0 : i32
      %dma_start3A_93 = tpu.memref_slice %arg5[%dma_start3A_91, %dma_start3A_92] : memref<25x128xi32, #tpu.memory_space<vmem>> -> memref<1x128xi32, #tpu.memory_space<vmem>>
      %dma_start3A_94 = tpu.memref_squeeze %dma_start3A_93 : memref<1x128xi32, #tpu.memory_space<vmem>> -> memref<128xi32, #tpu.memory_space<vmem>>
      %dma_start3A_95 = arith.constant 0 : i32
      %dma_start3A_96 = arith.constant 0 : i32
      %dma_start3A_97 = tpu.memref_slice %arg2[%dma_start3A_95, %dma_start3A_96] : memref<50000x128xf32, #tpu.memory_space<hbm>> -> memref<50000x128xf32, #tpu.memory_space<hbm>>
      tpu.enqueue_indirect_dma source(%dma_start3A_97 : memref<50000x128xf32, #tpu.memory_space<hbm>>) target(%arg6 : memref<128x128xf32, #tpu.memory_space<vmem>>) offsets(%dma_start3A_94 : memref<128xi32, #tpu.memory_space<vmem>>) semaphore(%arg11 : memref<!tpu.dma_semaphore, #tpu.memory_space<semaphore_mem>>)
      %dma_wait3A_98 = arith.constant 3 : i32
      %dma_wait3A_99 = arith.constant 0 : i32
      %dma_wait3A_100 = tpu.memref_slice %arg5[%dma_wait3A_98, %dma_wait3A_99] : memref<25x128xi32, #tpu.memory_space<vmem>> -> memref<1x128xi32, #tpu.memory_space<vmem>>
      %dma_wait3A_101 = tpu.memref_squeeze %dma_wait3A_100 : memref<1x128xi32, #tpu.memory_space<vmem>> -> memref<128xi32, #tpu.memory_space<vmem>>
      %dma_wait3A_102 = arith.constant 0 : i32
      %dma_wait3A_103 = arith.constant 0 : i32
      %dma_wait3A_104 = tpu.memref_slice %arg2[%dma_wait3A_102, %dma_wait3A_103] : memref<50000x128xf32, #tpu.memory_space<hbm>> -> memref<50000x128xf32, #tpu.memory_space<hbm>>
      tpu.wait_indirect_dma semaphore(%arg14 : memref<!tpu.dma_semaphore, #tpu.memory_space<semaphore_mem>>) src(%dma_wait3A_104 : memref<50000x128xf32, #tpu.memory_space<hbm>>) dst(%arg9 : memref<128x128xf32, #tpu.memory_space<vmem>>)
      %add3A_105 = arith.constant 3 : i32
      %add3A_106 = arith.addi %mul3A_4, %add3A_105 : i32
      %mul3A_107 = arith.constant 128 : i32
      %mul3A_108 = arith.muli %add3A_106, %mul3A_107 : i32
      %dma_start3A_109 = arith.constant 0 : i32
      %dma_start3A_110 = tpu.memref_slice %arg4[%mul3A_108, %dma_start3A_109] : memref<80000x128xf32, #tpu.memory_space<hbm>> -> memref<128x128xf32, #tpu.memory_space<hbm>>
      %dma_start3A_111 = arith.constant 0 : i32
      %dma_start3A_112 = tpu.memref_slice %arg4[%mul3A_108, %dma_start3A_111] : memref<80000x128xf32, #tpu.memory_space<hbm>> -> memref<128x128xf32, #tpu.memory_space<hbm>>
      tpu.enqueue_dma source(%arg9 : memref<128x128xf32, #tpu.memory_space<vmem>>) target(%dma_start3A_112 : memref<128x128xf32, #tpu.memory_space<hbm>>) target_semaphore(%arg19 : memref<!tpu.dma_semaphore, #tpu.memory_space<semaphore_mem>>)
      %add3A_113 = arith.constant 1 : i32
      %add3A_114 = arith.addi %mul3A_4, %add3A_113 : i32
      %mul3A_115 = arith.constant 128 : i32
      %mul3A_116 = arith.muli %add3A_114, %mul3A_115 : i32
      %dma_wait3A_117 = arith.constant 0 : i32
      %dma_wait3A_118 = tpu.memref_slice %arg4[%mul3A_116, %dma_wait3A_117] : memref<80000x128xf32, #tpu.memory_space<hbm>> -> memref<128x128xf32, #tpu.memory_space<hbm>>
      %dma_wait3A_119 = arith.constant 0 : i32
      %dma_wait3A_120 = tpu.memref_slice %arg4[%mul3A_116, %dma_wait3A_119] : memref<80000x128xf32, #tpu.memory_space<hbm>> -> memref<128x128xf32, #tpu.memory_space<hbm>>
      tpu.wait_dma2 semaphore(%arg17 : memref<!tpu.dma_semaphore, #tpu.memory_space<semaphore_mem>>) src(%arg7 : memref<128x128xf32, #tpu.memory_space<vmem>>) dst(%dma_wait3A_120 : memref<128x128xf32, #tpu.memory_space<hbm>>)
      %dma_start3A_121 = arith.constant 6 : i32
      %dma_start3A_122 = arith.constant 0 : i32
      %dma_start3A_123 = tpu.memref_slice %arg5[%dma_start3A_121, %dma_start3A_122] : memref<25x128xi32, #tpu.memory_space<vmem>> -> memref<1x128xi32, #tpu.memory_space<vmem>>
      %dma_start3A_124 = tpu.memref_squeeze %dma_start3A_123 : memref<1x128xi32, #tpu.memory_space<vmem>> -> memref<128xi32, #tpu.memory_space<vmem>>
      %dma_start3A_125 = arith.constant 0 : i32
      %dma_start3A_126 = arith.constant 0 : i32
      %dma_start3A_127 = tpu.memref_slice %arg2[%dma_start3A_125, %dma_start3A_126] : memref<50000x128xf32, #tpu.memory_space<hbm>> -> memref<50000x128xf32, #tpu.memory_space<hbm>>
      tpu.enqueue_indirect_dma source(%dma_start3A_127 : memref<50000x128xf32, #tpu.memory_space<hbm>>) target(%arg7 : memref<128x128xf32, #tpu.memory_space<vmem>>) offsets(%dma_start3A_124 : memref<128xi32, #tpu.memory_space<vmem>>) semaphore(%arg12 : memref<!tpu.dma_semaphore, #tpu.memory_space<semaphore_mem>>)
      %dma_wait3A_128 = arith.constant 4 : i32
      %dma_wait3A_129 = arith.constant 0 : i32
      %dma_wait3A_130 = tpu.memref_slice %arg5[%dma_wait3A_128, %dma_wait3A_129] : memref<25x128xi32, #tpu.memory_space<vmem>> -> memref<1x128xi32, #tpu.memory_space<vmem>>
      %dma_wait3A_131 = tpu.memref_squeeze %dma_wait3A_130 : memref<1x128xi32, #tpu.memory_space<vmem>> -> memref<128xi32, #tpu.memory_space<vmem>>
      %dma_wait3A_132 = arith.constant 0 : i32
      %dma_wait3A_133 = arith.constant 0 : i32
      %dma_wait3A_134 = tpu.memref_slice %arg2[%dma_wait3A_132, %dma_wait3A_133] : memref<50000x128xf32, #tpu.memory_space<hbm>> -> memref<50000x128xf32, #tpu.memory_space<hbm>>
      tpu.wait_indirect_dma semaphore(%arg15 : memref<!tpu.dma_semaphore, #tpu.memory_space<semaphore_mem>>) src(%dma_wait3A_134 : memref<50000x128xf32, #tpu.memory_space<hbm>>) dst(%arg10 : memref<128x128xf32, #tpu.memory_space<vmem>>)
      %add3A_135 = arith.constant 4 : i32
      %add3A_136 = arith.addi %mul3A_4, %add3A_135 : i32
      %mul3A_137 = arith.constant 128 : i32
      %mul3A_138 = arith.muli %add3A_136, %mul3A_137 : i32
      %dma_start3A_139 = arith.constant 0 : i32
      %dma_start3A_140 = tpu.memref_slice %arg4[%mul3A_138, %dma_start3A_139] : memref<80000x128xf32, #tpu.memory_space<hbm>> -> memref<128x128xf32, #tpu.memory_space<hbm>>
      %dma_start3A_141 = arith.constant 0 : i32
      %dma_start3A_142 = tpu.memref_slice %arg4[%mul3A_138, %dma_start3A_141] : memref<80000x128xf32, #tpu.memory_space<hbm>> -> memref<128x128xf32, #tpu.memory_space<hbm>>
      tpu.enqueue_dma source(%arg10 : memref<128x128xf32, #tpu.memory_space<vmem>>) target(%dma_start3A_142 : memref<128x128xf32, #tpu.memory_space<hbm>>) target_semaphore(%arg20 : memref<!tpu.dma_semaphore, #tpu.memory_space<semaphore_mem>>)
      %add3A_143 = arith.constant 2 : i32
      %add3A_144 = arith.addi %mul3A_4, %add3A_143 : i32
      %mul3A_145 = arith.constant 128 : i32
      %mul3A_146 = arith.muli %add3A_144, %mul3A_145 : i32
      %dma_wait3A_147 = arith.constant 0 : i32
      %dma_wait3A_148 = tpu.memref_slice %arg4[%mul3A_146, %dma_wait3A_147] : memref<80000x128xf32, #tpu.memory_space<hbm>> -> memref<128x128xf32, #tpu.memory_space<hbm>>
      %dma_wait3A_149 = arith.constant 0 : i32
      %dma_wait3A_150 = tpu.memref_slice %arg4[%mul3A_146, %dma_wait3A_149] : memref<80000x128xf32, #tpu.memory_space<hbm>> -> memref<128x128xf32, #tpu.memory_space<hbm>>
      tpu.wait_dma2 semaphore(%arg18 : memref<!tpu.dma_semaphore, #tpu.memory_space<semaphore_mem>>) src(%arg8 : memref<128x128xf32, #tpu.memory_space<vmem>>) dst(%dma_wait3A_150 : memref<128x128xf32, #tpu.memory_space<hbm>>)
      %dma_start3A_151 = arith.constant 7 : i32
      %dma_start3A_152 = arith.constant 0 : i32
      %dma_start3A_153 = tpu.memref_slice %arg5[%dma_start3A_151, %dma_start3A_152] : memref<25x128xi32, #tpu.memory_space<vmem>> -> memref<1x128xi32, #tpu.memory_space<vmem>>
      %dma_start3A_154 = tpu.memref_squeeze %dma_start3A_153 : memref<1x128xi32, #tpu.memory_space<vmem>> -> memref<128xi32, #tpu.memory_space<vmem>>
      %dma_start3A_155 = arith.constant 0 : i32
      %dma_start3A_156 = arith.constant 0 : i32
      %dma_start3A_157 = tpu.memref_slice %arg2[%dma_start3A_155, %dma_start3A_156] : memref<50000x128xf32, #tpu.memory_space<hbm>> -> memref<50000x128xf32, #tpu.memory_space<hbm>>
      tpu.enqueue_indirect_dma source(%dma_start3A_157 : memref<50000x128xf32, #tpu.memory_space<hbm>>) target(%arg8 : memref<128x128xf32, #tpu.memory_space<vmem>>) offsets(%dma_start3A_154 : memref<128xi32, #tpu.memory_space<vmem>>) semaphore(%arg13 : memref<!tpu.dma_semaphore, #tpu.memory_space<semaphore_mem>>)
      %scan3A = arith.constant 0 : i32
      %scan3A_158 = arith.constant 1 : i32
      %scan3A_159 = arith.constant 3 : i32
      %scan3A_160 = arith.addi %scan3A_158, %scan3A_159 : i32
      %scan3A_161 = arith.constant 1 : i32
      scf.for %scan3A_308 = %scan3A_158 to %scan3A_160 step %scan3A_161  : i32 {
        %mul3A_309 = arith.constant 5 : i32
        %mul3A_310 = arith.muli %mul3A_309, %scan3A_308 : i32
        %add3A_311 = arith.constant 0 : i32
        %add3A_312 = arith.addi %mul3A_310, %add3A_311 : i32
        %dma_wait3A_313 = arith.constant 0 : i32
        %dma_wait3A_314 = tpu.memref_slice %arg5[%add3A_312, %dma_wait3A_313] : memref<25x128xi32, #tpu.memory_space<vmem>> -> memref<1x128xi32, #tpu.memory_space<vmem>>
        %dma_wait3A_315 = tpu.memref_squeeze %dma_wait3A_314 : memref<1x128xi32, #tpu.memory_space<vmem>> -> memref<128xi32, #tpu.memory_space<vmem>>
        %dma_wait3A_316 = arith.constant 0 : i32
        %dma_wait3A_317 = arith.constant 0 : i32
        %dma_wait3A_318 = tpu.memref_slice %arg2[%dma_wait3A_316, %dma_wait3A_317] : memref<50000x128xf32, #tpu.memory_space<hbm>> -> memref<50000x128xf32, #tpu.memory_space<hbm>>
        tpu.wait_indirect_dma semaphore(%arg11 : memref<!tpu.dma_semaphore, #tpu.memory_space<semaphore_mem>>) src(%dma_wait3A_318 : memref<50000x128xf32, #tpu.memory_space<hbm>>) dst(%arg6 : memref<128x128xf32, #tpu.memory_space<vmem>>)
        %add3A_319 = arith.addi %mul3A_4, %add3A_312 : i32
        %mul3A_320 = arith.constant 128 : i32
        %mul3A_321 = arith.muli %add3A_319, %mul3A_320 : i32
        %dma_start3A_322 = arith.constant 0 : i32
        %dma_start3A_323 = tpu.memref_slice %arg4[%mul3A_321, %dma_start3A_322] : memref<80000x128xf32, #tpu.memory_space<hbm>> -> memref<128x128xf32, #tpu.memory_space<hbm>>
        %dma_start3A_324 = arith.constant 0 : i32
        %dma_start3A_325 = tpu.memref_slice %arg4[%mul3A_321, %dma_start3A_324] : memref<80000x128xf32, #tpu.memory_space<hbm>> -> memref<128x128xf32, #tpu.memory_space<hbm>>
        tpu.enqueue_dma source(%arg6 : memref<128x128xf32, #tpu.memory_space<vmem>>) target(%dma_start3A_325 : memref<128x128xf32, #tpu.memory_space<hbm>>) target_semaphore(%arg16 : memref<!tpu.dma_semaphore, #tpu.memory_space<semaphore_mem>>)
        %add3A_326 = arith.constant 3 : i32
        %add3A_327 = arith.addi %add3A_312, %add3A_326 : i32
        %sub3A = arith.constant 5 : i32
        %sub3A_328 = arith.subi %add3A_327, %sub3A : i32
        %add3A_329 = arith.addi %mul3A_4, %sub3A_328 : i32
        %mul3A_330 = arith.constant 128 : i32
        %mul3A_331 = arith.muli %add3A_329, %mul3A_330 : i32
        %dma_wait3A_332 = arith.constant 0 : i32
        %dma_wait3A_333 = tpu.memref_slice %arg4[%mul3A_331, %dma_wait3A_332] : memref<80000x128xf32, #tpu.memory_space<hbm>> -> memref<128x128xf32, #tpu.memory_space<hbm>>
        %dma_wait3A_334 = arith.constant 0 : i32
        %dma_wait3A_335 = tpu.memref_slice %arg4[%mul3A_331, %dma_wait3A_334] : memref<80000x128xf32, #tpu.memory_space<hbm>> -> memref<128x128xf32, #tpu.memory_space<hbm>>
        tpu.wait_dma2 semaphore(%arg19 : memref<!tpu.dma_semaphore, #tpu.memory_space<semaphore_mem>>) src(%arg9 : memref<128x128xf32, #tpu.memory_space<vmem>>) dst(%dma_wait3A_335 : memref<128x128xf32, #tpu.memory_space<hbm>>)
        %add3A_336 = arith.constant 3 : i32
        %add3A_337 = arith.addi %add3A_312, %add3A_336 : i32
        %dma_start3A_338 = arith.constant 0 : i32
        %dma_start3A_339 = tpu.memref_slice %arg5[%add3A_337, %dma_start3A_338] : memref<25x128xi32, #tpu.memory_space<vmem>> -> memref<1x128xi32, #tpu.memory_space<vmem>>
        %dma_start3A_340 = tpu.memref_squeeze %dma_start3A_339 : memref<1x128xi32, #tpu.memory_space<vmem>> -> memref<128xi32, #tpu.memory_space<vmem>>
        %dma_start3A_341 = arith.constant 0 : i32
        %dma_start3A_342 = arith.constant 0 : i32
        %dma_start3A_343 = tpu.memref_slice %arg2[%dma_start3A_341, %dma_start3A_342] : memref<50000x128xf32, #tpu.memory_space<hbm>> -> memref<50000x128xf32, #tpu.memory_space<hbm>>
        tpu.enqueue_indirect_dma source(%dma_start3A_343 : memref<50000x128xf32, #tpu.memory_space<hbm>>) target(%arg9 : memref<128x128xf32, #tpu.memory_space<vmem>>) offsets(%dma_start3A_340 : memref<128xi32, #tpu.memory_space<vmem>>) semaphore(%arg14 : memref<!tpu.dma_semaphore, #tpu.memory_space<semaphore_mem>>)
        %mul3A_344 = arith.constant 5 : i32
        %mul3A_345 = arith.muli %mul3A_344, %scan3A_308 : i32
        %add3A_346 = arith.constant 1 : i32
        %add3A_347 = arith.addi %mul3A_345, %add3A_346 : i32
        %dma_wait3A_348 = arith.constant 0 : i32
        %dma_wait3A_349 = tpu.memref_slice %arg5[%add3A_347, %dma_wait3A_348] : memref<25x128xi32, #tpu.memory_space<vmem>> -> memref<1x128xi32, #tpu.memory_space<vmem>>
        %dma_wait3A_350 = tpu.memref_squeeze %dma_wait3A_349 : memref<1x128xi32, #tpu.memory_space<vmem>> -> memref<128xi32, #tpu.memory_space<vmem>>
        %dma_wait3A_351 = arith.constant 0 : i32
        %dma_wait3A_352 = arith.constant 0 : i32
        %dma_wait3A_353 = tpu.memref_slice %arg2[%dma_wait3A_351, %dma_wait3A_352] : memref<50000x128xf32, #tpu.memory_space<hbm>> -> memref<50000x128xf32, #tpu.memory_space<hbm>>
        tpu.wait_indirect_dma semaphore(%arg12 : memref<!tpu.dma_semaphore, #tpu.memory_space<semaphore_mem>>) src(%dma_wait3A_353 : memref<50000x128xf32, #tpu.memory_space<hbm>>) dst(%arg7 : memref<128x128xf32, #tpu.memory_space<vmem>>)
        %add3A_354 = arith.addi %mul3A_4, %add3A_347 : i32
        %mul3A_355 = arith.constant 128 : i32
        %mul3A_356 = arith.muli %add3A_354, %mul3A_355 : i32
        %dma_start3A_357 = arith.constant 0 : i32
        %dma_start3A_358 = tpu.memref_slice %arg4[%mul3A_356, %dma_start3A_357] : memref<80000x128xf32, #tpu.memory_space<hbm>> -> memref<128x128xf32, #tpu.memory_space<hbm>>
        %dma_start3A_359 = arith.constant 0 : i32
        %dma_start3A_360 = tpu.memref_slice %arg4[%mul3A_356, %dma_start3A_359] : memref<80000x128xf32, #tpu.memory_space<hbm>> -> memref<128x128xf32, #tpu.memory_space<hbm>>
        tpu.enqueue_dma source(%arg7 : memref<128x128xf32, #tpu.memory_space<vmem>>) target(%dma_start3A_360 : memref<128x128xf32, #tpu.memory_space<hbm>>) target_semaphore(%arg17 : memref<!tpu.dma_semaphore, #tpu.memory_space<semaphore_mem>>)
        %add3A_361 = arith.constant 3 : i32
        %add3A_362 = arith.addi %add3A_347, %add3A_361 : i32
        %sub3A_363 = arith.constant 5 : i32
        %sub3A_364 = arith.subi %add3A_362, %sub3A_363 : i32
        %add3A_365 = arith.addi %mul3A_4, %sub3A_364 : i32
        %mul3A_366 = arith.constant 128 : i32
        %mul3A_367 = arith.muli %add3A_365, %mul3A_366 : i32
        %dma_wait3A_368 = arith.constant 0 : i32
        %dma_wait3A_369 = tpu.memref_slice %arg4[%mul3A_367, %dma_wait3A_368] : memref<80000x128xf32, #tpu.memory_space<hbm>> -> memref<128x128xf32, #tpu.memory_space<hbm>>
        %dma_wait3A_370 = arith.constant 0 : i32
        %dma_wait3A_371 = tpu.memref_slice %arg4[%mul3A_367, %dma_wait3A_370] : memref<80000x128xf32, #tpu.memory_space<hbm>> -> memref<128x128xf32, #tpu.memory_space<hbm>>
        tpu.wait_dma2 semaphore(%arg20 : memref<!tpu.dma_semaphore, #tpu.memory_space<semaphore_mem>>) src(%arg10 : memref<128x128xf32, #tpu.memory_space<vmem>>) dst(%dma_wait3A_371 : memref<128x128xf32, #tpu.memory_space<hbm>>)
        %add3A_372 = arith.constant 3 : i32
        %add3A_373 = arith.addi %add3A_347, %add3A_372 : i32
        %dma_start3A_374 = arith.constant 0 : i32
        %dma_start3A_375 = tpu.memref_slice %arg5[%add3A_373, %dma_start3A_374] : memref<25x128xi32, #tpu.memory_space<vmem>> -> memref<1x128xi32, #tpu.memory_space<vmem>>
        %dma_start3A_376 = tpu.memref_squeeze %dma_start3A_375 : memref<1x128xi32, #tpu.memory_space<vmem>> -> memref<128xi32, #tpu.memory_space<vmem>>
        %dma_start3A_377 = arith.constant 0 : i32
        %dma_start3A_378 = arith.constant 0 : i32
        %dma_start3A_379 = tpu.memref_slice %arg2[%dma_start3A_377, %dma_start3A_378] : memref<50000x128xf32, #tpu.memory_space<hbm>> -> memref<50000x128xf32, #tpu.memory_space<hbm>>
        tpu.enqueue_indirect_dma source(%dma_start3A_379 : memref<50000x128xf32, #tpu.memory_space<hbm>>) target(%arg10 : memref<128x128xf32, #tpu.memory_space<vmem>>) offsets(%dma_start3A_376 : memref<128xi32, #tpu.memory_space<vmem>>) semaphore(%arg15 : memref<!tpu.dma_semaphore, #tpu.memory_space<semaphore_mem>>)
        %mul3A_380 = arith.constant 5 : i32
        %mul3A_381 = arith.muli %mul3A_380, %scan3A_308 : i32
        %add3A_382 = arith.constant 2 : i32
        %add3A_383 = arith.addi %mul3A_381, %add3A_382 : i32
        %dma_wait3A_384 = arith.constant 0 : i32
        %dma_wait3A_385 = tpu.memref_slice %arg5[%add3A_383, %dma_wait3A_384] : memref<25x128xi32, #tpu.memory_space<vmem>> -> memref<1x128xi32, #tpu.memory_space<vmem>>
        %dma_wait3A_386 = tpu.memref_squeeze %dma_wait3A_385 : memref<1x128xi32, #tpu.memory_space<vmem>> -> memref<128xi32, #tpu.memory_space<vmem>>
        %dma_wait3A_387 = arith.constant 0 : i32
        %dma_wait3A_388 = arith.constant 0 : i32
        %dma_wait3A_389 = tpu.memref_slice %arg2[%dma_wait3A_387, %dma_wait3A_388] : memref<50000x128xf32, #tpu.memory_space<hbm>> -> memref<50000x128xf32, #tpu.memory_space<hbm>>
        tpu.wait_indirect_dma semaphore(%arg13 : memref<!tpu.dma_semaphore, #tpu.memory_space<semaphore_mem>>) src(%dma_wait3A_389 : memref<50000x128xf32, #tpu.memory_space<hbm>>) dst(%arg8 : memref<128x128xf32, #tpu.memory_space<vmem>>)
        %add3A_390 = arith.addi %mul3A_4, %add3A_383 : i32
        %mul3A_391 = arith.constant 128 : i32
        %mul3A_392 = arith.muli %add3A_390, %mul3A_391 : i32
        %dma_start3A_393 = arith.constant 0 : i32
        %dma_start3A_394 = tpu.memref_slice %arg4[%mul3A_392, %dma_start3A_393] : memref<80000x128xf32, #tpu.memory_space<hbm>> -> memref<128x128xf32, #tpu.memory_space<hbm>>
        %dma_start3A_395 = arith.constant 0 : i32
        %dma_start3A_396 = tpu.memref_slice %arg4[%mul3A_392, %dma_start3A_395] : memref<80000x128xf32, #tpu.memory_space<hbm>> -> memref<128x128xf32, #tpu.memory_space<hbm>>
        tpu.enqueue_dma source(%arg8 : memref<128x128xf32, #tpu.memory_space<vmem>>) target(%dma_start3A_396 : memref<128x128xf32, #tpu.memory_space<hbm>>) target_semaphore(%arg18 : memref<!tpu.dma_semaphore, #tpu.memory_space<semaphore_mem>>)
        %add3A_397 = arith.constant 3 : i32
        %add3A_398 = arith.addi %add3A_383, %add3A_397 : i32
        %sub3A_399 = arith.constant 5 : i32
        %sub3A_400 = arith.subi %add3A_398, %sub3A_399 : i32
        %add3A_401 = arith.addi %mul3A_4, %sub3A_400 : i32
        %mul3A_402 = arith.constant 128 : i32
        %mul3A_403 = arith.muli %add3A_401, %mul3A_402 : i32
        %dma_wait3A_404 = arith.constant 0 : i32
        %dma_wait3A_405 = tpu.memref_slice %arg4[%mul3A_403, %dma_wait3A_404] : memref<80000x128xf32, #tpu.memory_space<hbm>> -> memref<128x128xf32, #tpu.memory_space<hbm>>
        %dma_wait3A_406 = arith.constant 0 : i32
        %dma_wait3A_407 = tpu.memref_slice %arg4[%mul3A_403, %dma_wait3A_406] : memref<80000x128xf32, #tpu.memory_space<hbm>> -> memref<128x128xf32, #tpu.memory_space<hbm>>
        tpu.wait_dma2 semaphore(%arg16 : memref<!tpu.dma_semaphore, #tpu.memory_space<semaphore_mem>>) src(%arg6 : memref<128x128xf32, #tpu.memory_space<vmem>>) dst(%dma_wait3A_407 : memref<128x128xf32, #tpu.memory_space<hbm>>)
        %add3A_408 = arith.constant 3 : i32
        %add3A_409 = arith.addi %add3A_383, %add3A_408 : i32
        %dma_start3A_410 = arith.constant 0 : i32
        %dma_start3A_411 = tpu.memref_slice %arg5[%add3A_409, %dma_start3A_410] : memref<25x128xi32, #tpu.memory_space<vmem>> -> memref<1x128xi32, #tpu.memory_space<vmem>>
        %dma_start3A_412 = tpu.memref_squeeze %dma_start3A_411 : memref<1x128xi32, #tpu.memory_space<vmem>> -> memref<128xi32, #tpu.memory_space<vmem>>
        %dma_start3A_413 = arith.constant 0 : i32
        %dma_start3A_414 = arith.constant 0 : i32
        %dma_start3A_415 = tpu.memref_slice %arg2[%dma_start3A_413, %dma_start3A_414] : memref<50000x128xf32, #tpu.memory_space<hbm>> -> memref<50000x128xf32, #tpu.memory_space<hbm>>
        tpu.enqueue_indirect_dma source(%dma_start3A_415 : memref<50000x128xf32, #tpu.memory_space<hbm>>) target(%arg6 : memref<128x128xf32, #tpu.memory_space<vmem>>) offsets(%dma_start3A_412 : memref<128xi32, #tpu.memory_space<vmem>>) semaphore(%arg11 : memref<!tpu.dma_semaphore, #tpu.memory_space<semaphore_mem>>)
        %mul3A_416 = arith.constant 5 : i32
        %mul3A_417 = arith.muli %mul3A_416, %scan3A_308 : i32
        %add3A_418 = arith.constant 3 : i32
        %add3A_419 = arith.addi %mul3A_417, %add3A_418 : i32
        %dma_wait3A_420 = arith.constant 0 : i32
        %dma_wait3A_421 = tpu.memref_slice %arg5[%add3A_419, %dma_wait3A_420] : memref<25x128xi32, #tpu.memory_space<vmem>> -> memref<1x128xi32, #tpu.memory_space<vmem>>
        %dma_wait3A_422 = tpu.memref_squeeze %dma_wait3A_421 : memref<1x128xi32, #tpu.memory_space<vmem>> -> memref<128xi32, #tpu.memory_space<vmem>>
        %dma_wait3A_423 = arith.constant 0 : i32
        %dma_wait3A_424 = arith.constant 0 : i32
        %dma_wait3A_425 = tpu.memref_slice %arg2[%dma_wait3A_423, %dma_wait3A_424] : memref<50000x128xf32, #tpu.memory_space<hbm>> -> memref<50000x128xf32, #tpu.memory_space<hbm>>
        tpu.wait_indirect_dma semaphore(%arg14 : memref<!tpu.dma_semaphore, #tpu.memory_space<semaphore_mem>>) src(%dma_wait3A_425 : memref<50000x128xf32, #tpu.memory_space<hbm>>) dst(%arg9 : memref<128x128xf32, #tpu.memory_space<vmem>>)
        %add3A_426 = arith.addi %mul3A_4, %add3A_419 : i32
        %mul3A_427 = arith.constant 128 : i32
        %mul3A_428 = arith.muli %add3A_426, %mul3A_427 : i32
        %dma_start3A_429 = arith.constant 0 : i32
        %dma_start3A_430 = tpu.memref_slice %arg4[%mul3A_428, %dma_start3A_429] : memref<80000x128xf32, #tpu.memory_space<hbm>> -> memref<128x128xf32, #tpu.memory_space<hbm>>
        %dma_start3A_431 = arith.constant 0 : i32
        %dma_start3A_432 = tpu.memref_slice %arg4[%mul3A_428, %dma_start3A_431] : memref<80000x128xf32, #tpu.memory_space<hbm>> -> memref<128x128xf32, #tpu.memory_space<hbm>>
        tpu.enqueue_dma source(%arg9 : memref<128x128xf32, #tpu.memory_space<vmem>>) target(%dma_start3A_432 : memref<128x128xf32, #tpu.memory_space<hbm>>) target_semaphore(%arg19 : memref<!tpu.dma_semaphore, #tpu.memory_space<semaphore_mem>>)
        %add3A_433 = arith.constant 3 : i32
        %add3A_434 = arith.addi %add3A_419, %add3A_433 : i32
        %sub3A_435 = arith.constant 5 : i32
        %sub3A_436 = arith.subi %add3A_434, %sub3A_435 : i32
        %add3A_437 = arith.addi %mul3A_4, %sub3A_436 : i32
        %mul3A_438 = arith.constant 128 : i32
        %mul3A_439 = arith.muli %add3A_437, %mul3A_438 : i32
        %dma_wait3A_440 = arith.constant 0 : i32
        %dma_wait3A_441 = tpu.memref_slice %arg4[%mul3A_439, %dma_wait3A_440] : memref<80000x128xf32, #tpu.memory_space<hbm>> -> memref<128x128xf32, #tpu.memory_space<hbm>>
        %dma_wait3A_442 = arith.constant 0 : i32
        %dma_wait3A_443 = tpu.memref_slice %arg4[%mul3A_439, %dma_wait3A_442] : memref<80000x128xf32, #tpu.memory_space<hbm>> -> memref<128x128xf32, #tpu.memory_space<hbm>>
        tpu.wait_dma2 semaphore(%arg17 : memref<!tpu.dma_semaphore, #tpu.memory_space<semaphore_mem>>) src(%arg7 : memref<128x128xf32, #tpu.memory_space<vmem>>) dst(%dma_wait3A_443 : memref<128x128xf32, #tpu.memory_space<hbm>>)
        %add3A_444 = arith.constant 3 : i32
        %add3A_445 = arith.addi %add3A_419, %add3A_444 : i32
        %dma_start3A_446 = arith.constant 0 : i32
        %dma_start3A_447 = tpu.memref_slice %arg5[%add3A_445, %dma_start3A_446] : memref<25x128xi32, #tpu.memory_space<vmem>> -> memref<1x128xi32, #tpu.memory_space<vmem>>
        %dma_start3A_448 = tpu.memref_squeeze %dma_start3A_447 : memref<1x128xi32, #tpu.memory_space<vmem>> -> memref<128xi32, #tpu.memory_space<vmem>>
        %dma_start3A_449 = arith.constant 0 : i32
        %dma_start3A_450 = arith.constant 0 : i32
        %dma_start3A_451 = tpu.memref_slice %arg2[%dma_start3A_449, %dma_start3A_450] : memref<50000x128xf32, #tpu.memory_space<hbm>> -> memref<50000x128xf32, #tpu.memory_space<hbm>>
        tpu.enqueue_indirect_dma source(%dma_start3A_451 : memref<50000x128xf32, #tpu.memory_space<hbm>>) target(%arg7 : memref<128x128xf32, #tpu.memory_space<vmem>>) offsets(%dma_start3A_448 : memref<128xi32, #tpu.memory_space<vmem>>) semaphore(%arg12 : memref<!tpu.dma_semaphore, #tpu.memory_space<semaphore_mem>>)
        %mul3A_452 = arith.constant 5 : i32
        %mul3A_453 = arith.muli %mul3A_452, %scan3A_308 : i32
        %add3A_454 = arith.constant 4 : i32
        %add3A_455 = arith.addi %mul3A_453, %add3A_454 : i32
        %dma_wait3A_456 = arith.constant 0 : i32
        %dma_wait3A_457 = tpu.memref_slice %arg5[%add3A_455, %dma_wait3A_456] : memref<25x128xi32, #tpu.memory_space<vmem>> -> memref<1x128xi32, #tpu.memory_space<vmem>>
        %dma_wait3A_458 = tpu.memref_squeeze %dma_wait3A_457 : memref<1x128xi32, #tpu.memory_space<vmem>> -> memref<128xi32, #tpu.memory_space<vmem>>
        %dma_wait3A_459 = arith.constant 0 : i32
        %dma_wait3A_460 = arith.constant 0 : i32
        %dma_wait3A_461 = tpu.memref_slice %arg2[%dma_wait3A_459, %dma_wait3A_460] : memref<50000x128xf32, #tpu.memory_space<hbm>> -> memref<50000x128xf32, #tpu.memory_space<hbm>>
        tpu.wait_indirect_dma semaphore(%arg15 : memref<!tpu.dma_semaphore, #tpu.memory_space<semaphore_mem>>) src(%dma_wait3A_461 : memref<50000x128xf32, #tpu.memory_space<hbm>>) dst(%arg10 : memref<128x128xf32, #tpu.memory_space<vmem>>)
        %add3A_462 = arith.addi %mul3A_4, %add3A_455 : i32
        %mul3A_463 = arith.constant 128 : i32
        %mul3A_464 = arith.muli %add3A_462, %mul3A_463 : i32
        %dma_start3A_465 = arith.constant 0 : i32
        %dma_start3A_466 = tpu.memref_slice %arg4[%mul3A_464, %dma_start3A_465] : memref<80000x128xf32, #tpu.memory_space<hbm>> -> memref<128x128xf32, #tpu.memory_space<hbm>>
        %dma_start3A_467 = arith.constant 0 : i32
        %dma_start3A_468 = tpu.memref_slice %arg4[%mul3A_464, %dma_start3A_467] : memref<80000x128xf32, #tpu.memory_space<hbm>> -> memref<128x128xf32, #tpu.memory_space<hbm>>
        tpu.enqueue_dma source(%arg10 : memref<128x128xf32, #tpu.memory_space<vmem>>) target(%dma_start3A_468 : memref<128x128xf32, #tpu.memory_space<hbm>>) target_semaphore(%arg20 : memref<!tpu.dma_semaphore, #tpu.memory_space<semaphore_mem>>)
        %add3A_469 = arith.constant 3 : i32
        %add3A_470 = arith.addi %add3A_455, %add3A_469 : i32
        %sub3A_471 = arith.constant 5 : i32
        %sub3A_472 = arith.subi %add3A_470, %sub3A_471 : i32
        %add3A_473 = arith.addi %mul3A_4, %sub3A_472 : i32
        %mul3A_474 = arith.constant 128 : i32
        %mul3A_475 = arith.muli %add3A_473, %mul3A_474 : i32
        %dma_wait3A_476 = arith.constant 0 : i32
        %dma_wait3A_477 = tpu.memref_slice %arg4[%mul3A_475, %dma_wait3A_476] : memref<80000x128xf32, #tpu.memory_space<hbm>> -> memref<128x128xf32, #tpu.memory_space<hbm>>
        %dma_wait3A_478 = arith.constant 0 : i32
        %dma_wait3A_479 = tpu.memref_slice %arg4[%mul3A_475, %dma_wait3A_478] : memref<80000x128xf32, #tpu.memory_space<hbm>> -> memref<128x128xf32, #tpu.memory_space<hbm>>
        tpu.wait_dma2 semaphore(%arg18 : memref<!tpu.dma_semaphore, #tpu.memory_space<semaphore_mem>>) src(%arg8 : memref<128x128xf32, #tpu.memory_space<vmem>>) dst(%dma_wait3A_479 : memref<128x128xf32, #tpu.memory_space<hbm>>)
        %add3A_480 = arith.constant 3 : i32
        %add3A_481 = arith.addi %add3A_455, %add3A_480 : i32
        %dma_start3A_482 = arith.constant 0 : i32
        %dma_start3A_483 = tpu.memref_slice %arg5[%add3A_481, %dma_start3A_482] : memref<25x128xi32, #tpu.memory_space<vmem>> -> memref<1x128xi32, #tpu.memory_space<vmem>>
        %dma_start3A_484 = tpu.memref_squeeze %dma_start3A_483 : memref<1x128xi32, #tpu.memory_space<vmem>> -> memref<128xi32, #tpu.memory_space<vmem>>
        %dma_start3A_485 = arith.constant 0 : i32
        %dma_start3A_486 = arith.constant 0 : i32
        %dma_start3A_487 = tpu.memref_slice %arg2[%dma_start3A_485, %dma_start3A_486] : memref<50000x128xf32, #tpu.memory_space<hbm>> -> memref<50000x128xf32, #tpu.memory_space<hbm>>
        tpu.enqueue_indirect_dma source(%dma_start3A_487 : memref<50000x128xf32, #tpu.memory_space<hbm>>) target(%arg8 : memref<128x128xf32, #tpu.memory_space<vmem>>) offsets(%dma_start3A_484 : memref<128xi32, #tpu.memory_space<vmem>>) semaphore(%arg13 : memref<!tpu.dma_semaphore, #tpu.memory_space<semaphore_mem>>)
      }
      %scan3A_162 = arith.constant 3 : i32
      %dma_wait3A_163 = arith.constant 20 : i32
      %dma_wait3A_164 = arith.constant 0 : i32
      %dma_wait3A_165 = tpu.memref_slice %arg5[%dma_wait3A_163, %dma_wait3A_164] : memref<25x128xi32, #tpu.memory_space<vmem>> -> memref<1x128xi32, #tpu.memory_space<vmem>>
      %dma_wait3A_166 = tpu.memref_squeeze %dma_wait3A_165 : memref<1x128xi32, #tpu.memory_space<vmem>> -> memref<128xi32, #tpu.memory_space<vmem>>
      %dma_wait3A_167 = arith.constant 0 : i32
      %dma_wait3A_168 = arith.constant 0 : i32
      %dma_wait3A_169 = tpu.memref_slice %arg2[%dma_wait3A_167, %dma_wait3A_168] : memref<50000x128xf32, #tpu.memory_space<hbm>> -> memref<50000x128xf32, #tpu.memory_space<hbm>>
      tpu.wait_indirect_dma semaphore(%arg11 : memref<!tpu.dma_semaphore, #tpu.memory_space<semaphore_mem>>) src(%dma_wait3A_169 : memref<50000x128xf32, #tpu.memory_space<hbm>>) dst(%arg6 : memref<128x128xf32, #tpu.memory_space<vmem>>)
      %add3A_170 = arith.constant 20 : i32
      %add3A_171 = arith.addi %mul3A_4, %add3A_170 : i32
      %mul3A_172 = arith.constant 128 : i32
      %mul3A_173 = arith.muli %add3A_171, %mul3A_172 : i32
      %dma_start3A_174 = arith.constant 0 : i32
      %dma_start3A_175 = tpu.memref_slice %arg4[%mul3A_173, %dma_start3A_174] : memref<80000x128xf32, #tpu.memory_space<hbm>> -> memref<128x128xf32, #tpu.memory_space<hbm>>
      %dma_start3A_176 = arith.constant 0 : i32
      %dma_start3A_177 = tpu.memref_slice %arg4[%mul3A_173, %dma_start3A_176] : memref<80000x128xf32, #tpu.memory_space<hbm>> -> memref<128x128xf32, #tpu.memory_space<hbm>>
      tpu.enqueue_dma source(%arg6 : memref<128x128xf32, #tpu.memory_space<vmem>>) target(%dma_start3A_177 : memref<128x128xf32, #tpu.memory_space<hbm>>) target_semaphore(%arg16 : memref<!tpu.dma_semaphore, #tpu.memory_space<semaphore_mem>>)
      %add3A_178 = arith.constant 18 : i32
      %add3A_179 = arith.addi %mul3A_4, %add3A_178 : i32
      %mul3A_180 = arith.constant 128 : i32
      %mul3A_181 = arith.muli %add3A_179, %mul3A_180 : i32
      %dma_wait3A_182 = arith.constant 0 : i32
      %dma_wait3A_183 = tpu.memref_slice %arg4[%mul3A_181, %dma_wait3A_182] : memref<80000x128xf32, #tpu.memory_space<hbm>> -> memref<128x128xf32, #tpu.memory_space<hbm>>
      %dma_wait3A_184 = arith.constant 0 : i32
      %dma_wait3A_185 = tpu.memref_slice %arg4[%mul3A_181, %dma_wait3A_184] : memref<80000x128xf32, #tpu.memory_space<hbm>> -> memref<128x128xf32, #tpu.memory_space<hbm>>
      tpu.wait_dma2 semaphore(%arg19 : memref<!tpu.dma_semaphore, #tpu.memory_space<semaphore_mem>>) src(%arg9 : memref<128x128xf32, #tpu.memory_space<vmem>>) dst(%dma_wait3A_185 : memref<128x128xf32, #tpu.memory_space<hbm>>)
      %dma_start3A_186 = arith.constant 23 : i32
      %dma_start3A_187 = arith.constant 0 : i32
      %dma_start3A_188 = tpu.memref_slice %arg5[%dma_start3A_186, %dma_start3A_187] : memref<25x128xi32, #tpu.memory_space<vmem>> -> memref<1x128xi32, #tpu.memory_space<vmem>>
      %dma_start3A_189 = tpu.memref_squeeze %dma_start3A_188 : memref<1x128xi32, #tpu.memory_space<vmem>> -> memref<128xi32, #tpu.memory_space<vmem>>
      %dma_start3A_190 = arith.constant 0 : i32
      %dma_start3A_191 = arith.constant 0 : i32
      %dma_start3A_192 = tpu.memref_slice %arg2[%dma_start3A_190, %dma_start3A_191] : memref<50000x128xf32, #tpu.memory_space<hbm>> -> memref<50000x128xf32, #tpu.memory_space<hbm>>
      tpu.enqueue_indirect_dma source(%dma_start3A_192 : memref<50000x128xf32, #tpu.memory_space<hbm>>) target(%arg9 : memref<128x128xf32, #tpu.memory_space<vmem>>) offsets(%dma_start3A_189 : memref<128xi32, #tpu.memory_space<vmem>>) semaphore(%arg14 : memref<!tpu.dma_semaphore, #tpu.memory_space<semaphore_mem>>)
      %dma_wait3A_193 = arith.constant 21 : i32
      %dma_wait3A_194 = arith.constant 0 : i32
      %dma_wait3A_195 = tpu.memref_slice %arg5[%dma_wait3A_193, %dma_wait3A_194] : memref<25x128xi32, #tpu.memory_space<vmem>> -> memref<1x128xi32, #tpu.memory_space<vmem>>
      %dma_wait3A_196 = tpu.memref_squeeze %dma_wait3A_195 : memref<1x128xi32, #tpu.memory_space<vmem>> -> memref<128xi32, #tpu.memory_space<vmem>>
      %dma_wait3A_197 = arith.constant 0 : i32
      %dma_wait3A_198 = arith.constant 0 : i32
      %dma_wait3A_199 = tpu.memref_slice %arg2[%dma_wait3A_197, %dma_wait3A_198] : memref<50000x128xf32, #tpu.memory_space<hbm>> -> memref<50000x128xf32, #tpu.memory_space<hbm>>
      tpu.wait_indirect_dma semaphore(%arg12 : memref<!tpu.dma_semaphore, #tpu.memory_space<semaphore_mem>>) src(%dma_wait3A_199 : memref<50000x128xf32, #tpu.memory_space<hbm>>) dst(%arg7 : memref<128x128xf32, #tpu.memory_space<vmem>>)
      %add3A_200 = arith.constant 21 : i32
      %add3A_201 = arith.addi %mul3A_4, %add3A_200 : i32
      %mul3A_202 = arith.constant 128 : i32
      %mul3A_203 = arith.muli %add3A_201, %mul3A_202 : i32
      %dma_start3A_204 = arith.constant 0 : i32
      %dma_start3A_205 = tpu.memref_slice %arg4[%mul3A_203, %dma_start3A_204] : memref<80000x128xf32, #tpu.memory_space<hbm>> -> memref<128x128xf32, #tpu.memory_space<hbm>>
      %dma_start3A_206 = arith.constant 0 : i32
      %dma_start3A_207 = tpu.memref_slice %arg4[%mul3A_203, %dma_start3A_206] : memref<80000x128xf32, #tpu.memory_space<hbm>> -> memref<128x128xf32, #tpu.memory_space<hbm>>
      tpu.enqueue_dma source(%arg7 : memref<128x128xf32, #tpu.memory_space<vmem>>) target(%dma_start3A_207 : memref<128x128xf32, #tpu.memory_space<hbm>>) target_semaphore(%arg17 : memref<!tpu.dma_semaphore, #tpu.memory_space<semaphore_mem>>)
      %add3A_208 = arith.constant 19 : i32
      %add3A_209 = arith.addi %mul3A_4, %add3A_208 : i32
      %mul3A_210 = arith.constant 128 : i32
      %mul3A_211 = arith.muli %add3A_209, %mul3A_210 : i32
      %dma_wait3A_212 = arith.constant 0 : i32
      %dma_wait3A_213 = tpu.memref_slice %arg4[%mul3A_211, %dma_wait3A_212] : memref<80000x128xf32, #tpu.memory_space<hbm>> -> memref<128x128xf32, #tpu.memory_space<hbm>>
      %dma_wait3A_214 = arith.constant 0 : i32
      %dma_wait3A_215 = tpu.memref_slice %arg4[%mul3A_211, %dma_wait3A_214] : memref<80000x128xf32, #tpu.memory_space<hbm>> -> memref<128x128xf32, #tpu.memory_space<hbm>>
      tpu.wait_dma2 semaphore(%arg20 : memref<!tpu.dma_semaphore, #tpu.memory_space<semaphore_mem>>) src(%arg10 : memref<128x128xf32, #tpu.memory_space<vmem>>) dst(%dma_wait3A_215 : memref<128x128xf32, #tpu.memory_space<hbm>>)
      %dma_start3A_216 = arith.constant 24 : i32
      %dma_start3A_217 = arith.constant 0 : i32
      %dma_start3A_218 = tpu.memref_slice %arg5[%dma_start3A_216, %dma_start3A_217] : memref<25x128xi32, #tpu.memory_space<vmem>> -> memref<1x128xi32, #tpu.memory_space<vmem>>
      %dma_start3A_219 = tpu.memref_squeeze %dma_start3A_218 : memref<1x128xi32, #tpu.memory_space<vmem>> -> memref<128xi32, #tpu.memory_space<vmem>>
      %dma_start3A_220 = arith.constant 0 : i32
      %dma_start3A_221 = arith.constant 0 : i32
      %dma_start3A_222 = tpu.memref_slice %arg2[%dma_start3A_220, %dma_start3A_221] : memref<50000x128xf32, #tpu.memory_space<hbm>> -> memref<50000x128xf32, #tpu.memory_space<hbm>>
      tpu.enqueue_indirect_dma source(%dma_start3A_222 : memref<50000x128xf32, #tpu.memory_space<hbm>>) target(%arg10 : memref<128x128xf32, #tpu.memory_space<vmem>>) offsets(%dma_start3A_219 : memref<128xi32, #tpu.memory_space<vmem>>) semaphore(%arg15 : memref<!tpu.dma_semaphore, #tpu.memory_space<semaphore_mem>>)
      %dma_wait3A_223 = arith.constant 22 : i32
      %dma_wait3A_224 = arith.constant 0 : i32
      %dma_wait3A_225 = tpu.memref_slice %arg5[%dma_wait3A_223, %dma_wait3A_224] : memref<25x128xi32, #tpu.memory_space<vmem>> -> memref<1x128xi32, #tpu.memory_space<vmem>>
      %dma_wait3A_226 = tpu.memref_squeeze %dma_wait3A_225 : memref<1x128xi32, #tpu.memory_space<vmem>> -> memref<128xi32, #tpu.memory_space<vmem>>
      %dma_wait3A_227 = arith.constant 0 : i32
      %dma_wait3A_228 = arith.constant 0 : i32
      %dma_wait3A_229 = tpu.memref_slice %arg2[%dma_wait3A_227, %dma_wait3A_228] : memref<50000x128xf32, #tpu.memory_space<hbm>> -> memref<50000x128xf32, #tpu.memory_space<hbm>>
      tpu.wait_indirect_dma semaphore(%arg13 : memref<!tpu.dma_semaphore, #tpu.memory_space<semaphore_mem>>) src(%dma_wait3A_229 : memref<50000x128xf32, #tpu.memory_space<hbm>>) dst(%arg8 : memref<128x128xf32, #tpu.memory_space<vmem>>)
      %add3A_230 = arith.constant 22 : i32
      %add3A_231 = arith.addi %mul3A_4, %add3A_230 : i32
      %mul3A_232 = arith.constant 128 : i32
      %mul3A_233 = arith.muli %add3A_231, %mul3A_232 : i32
      %dma_start3A_234 = arith.constant 0 : i32
      %dma_start3A_235 = tpu.memref_slice %arg4[%mul3A_233, %dma_start3A_234] : memref<80000x128xf32, #tpu.memory_space<hbm>> -> memref<128x128xf32, #tpu.memory_space<hbm>>
      %dma_start3A_236 = arith.constant 0 : i32
      %dma_start3A_237 = tpu.memref_slice %arg4[%mul3A_233, %dma_start3A_236] : memref<80000x128xf32, #tpu.memory_space<hbm>> -> memref<128x128xf32, #tpu.memory_space<hbm>>
      tpu.enqueue_dma source(%arg8 : memref<128x128xf32, #tpu.memory_space<vmem>>) target(%dma_start3A_237 : memref<128x128xf32, #tpu.memory_space<hbm>>) target_semaphore(%arg18 : memref<!tpu.dma_semaphore, #tpu.memory_space<semaphore_mem>>)
      %add3A_238 = arith.constant 20 : i32
      %add3A_239 = arith.addi %mul3A_4, %add3A_238 : i32
      %mul3A_240 = arith.constant 128 : i32
      %mul3A_241 = arith.muli %add3A_239, %mul3A_240 : i32
      %dma_wait3A_242 = arith.constant 0 : i32
      %dma_wait3A_243 = tpu.memref_slice %arg4[%mul3A_241, %dma_wait3A_242] : memref<80000x128xf32, #tpu.memory_space<hbm>> -> memref<128x128xf32, #tpu.memory_space<hbm>>
      %dma_wait3A_244 = arith.constant 0 : i32
      %dma_wait3A_245 = tpu.memref_slice %arg4[%mul3A_241, %dma_wait3A_244] : memref<80000x128xf32, #tpu.memory_space<hbm>> -> memref<128x128xf32, #tpu.memory_space<hbm>>
      tpu.wait_dma2 semaphore(%arg16 : memref<!tpu.dma_semaphore, #tpu.memory_space<semaphore_mem>>) src(%arg6 : memref<128x128xf32, #tpu.memory_space<vmem>>) dst(%dma_wait3A_245 : memref<128x128xf32, #tpu.memory_space<hbm>>)
      %dma_wait3A_246 = arith.constant 23 : i32
      %dma_wait3A_247 = arith.constant 0 : i32
      %dma_wait3A_248 = tpu.memref_slice %arg5[%dma_wait3A_246, %dma_wait3A_247] : memref<25x128xi32, #tpu.memory_space<vmem>> -> memref<1x128xi32, #tpu.memory_space<vmem>>
      %dma_wait3A_249 = tpu.memref_squeeze %dma_wait3A_248 : memref<1x128xi32, #tpu.memory_space<vmem>> -> memref<128xi32, #tpu.memory_space<vmem>>
      %dma_wait3A_250 = arith.constant 0 : i32
      %dma_wait3A_251 = arith.constant 0 : i32
      %dma_wait3A_252 = tpu.memref_slice %arg2[%dma_wait3A_250, %dma_wait3A_251] : memref<50000x128xf32, #tpu.memory_space<hbm>> -> memref<50000x128xf32, #tpu.memory_space<hbm>>
      tpu.wait_indirect_dma semaphore(%arg14 : memref<!tpu.dma_semaphore, #tpu.memory_space<semaphore_mem>>) src(%dma_wait3A_252 : memref<50000x128xf32, #tpu.memory_space<hbm>>) dst(%arg9 : memref<128x128xf32, #tpu.memory_space<vmem>>)
      %add3A_253 = arith.constant 23 : i32
      %add3A_254 = arith.addi %mul3A_4, %add3A_253 : i32
      %mul3A_255 = arith.constant 128 : i32
      %mul3A_256 = arith.muli %add3A_254, %mul3A_255 : i32
      %dma_start3A_257 = arith.constant 0 : i32
      %dma_start3A_258 = tpu.memref_slice %arg4[%mul3A_256, %dma_start3A_257] : memref<80000x128xf32, #tpu.memory_space<hbm>> -> memref<128x128xf32, #tpu.memory_space<hbm>>
      %dma_start3A_259 = arith.constant 0 : i32
      %dma_start3A_260 = tpu.memref_slice %arg4[%mul3A_256, %dma_start3A_259] : memref<80000x128xf32, #tpu.memory_space<hbm>> -> memref<128x128xf32, #tpu.memory_space<hbm>>
      tpu.enqueue_dma source(%arg9 : memref<128x128xf32, #tpu.memory_space<vmem>>) target(%dma_start3A_260 : memref<128x128xf32, #tpu.memory_space<hbm>>) target_semaphore(%arg19 : memref<!tpu.dma_semaphore, #tpu.memory_space<semaphore_mem>>)
      %add3A_261 = arith.constant 21 : i32
      %add3A_262 = arith.addi %mul3A_4, %add3A_261 : i32
      %mul3A_263 = arith.constant 128 : i32
      %mul3A_264 = arith.muli %add3A_262, %mul3A_263 : i32
      %dma_wait3A_265 = arith.constant 0 : i32
      %dma_wait3A_266 = tpu.memref_slice %arg4[%mul3A_264, %dma_wait3A_265] : memref<80000x128xf32, #tpu.memory_space<hbm>> -> memref<128x128xf32, #tpu.memory_space<hbm>>
      %dma_wait3A_267 = arith.constant 0 : i32
      %dma_wait3A_268 = tpu.memref_slice %arg4[%mul3A_264, %dma_wait3A_267] : memref<80000x128xf32, #tpu.memory_space<hbm>> -> memref<128x128xf32, #tpu.memory_space<hbm>>
      tpu.wait_dma2 semaphore(%arg17 : memref<!tpu.dma_semaphore, #tpu.memory_space<semaphore_mem>>) src(%arg7 : memref<128x128xf32, #tpu.memory_space<vmem>>) dst(%dma_wait3A_268 : memref<128x128xf32, #tpu.memory_space<hbm>>)
      %dma_wait3A_269 = arith.constant 24 : i32
      %dma_wait3A_270 = arith.constant 0 : i32
      %dma_wait3A_271 = tpu.memref_slice %arg5[%dma_wait3A_269, %dma_wait3A_270] : memref<25x128xi32, #tpu.memory_space<vmem>> -> memref<1x128xi32, #tpu.memory_space<vmem>>
      %dma_wait3A_272 = tpu.memref_squeeze %dma_wait3A_271 : memref<1x128xi32, #tpu.memory_space<vmem>> -> memref<128xi32, #tpu.memory_space<vmem>>
      %dma_wait3A_273 = arith.constant 0 : i32
      %dma_wait3A_274 = arith.constant 0 : i32
      %dma_wait3A_275 = tpu.memref_slice %arg2[%dma_wait3A_273, %dma_wait3A_274] : memref<50000x128xf32, #tpu.memory_space<hbm>> -> memref<50000x128xf32, #tpu.memory_space<hbm>>
      tpu.wait_indirect_dma semaphore(%arg15 : memref<!tpu.dma_semaphore, #tpu.memory_space<semaphore_mem>>) src(%dma_wait3A_275 : memref<50000x128xf32, #tpu.memory_space<hbm>>) dst(%arg10 : memref<128x128xf32, #tpu.memory_space<vmem>>)
      %add3A_276 = arith.constant 24 : i32
      %add3A_277 = arith.addi %mul3A_4, %add3A_276 : i32
      %mul3A_278 = arith.constant 128 : i32
      %mul3A_279 = arith.muli %add3A_277, %mul3A_278 : i32
      %dma_start3A_280 = arith.constant 0 : i32
      %dma_start3A_281 = tpu.memref_slice %arg4[%mul3A_279, %dma_start3A_280] : memref<80000x128xf32, #tpu.memory_space<hbm>> -> memref<128x128xf32, #tpu.memory_space<hbm>>
      %dma_start3A_282 = arith.constant 0 : i32
      %dma_start3A_283 = tpu.memref_slice %arg4[%mul3A_279, %dma_start3A_282] : memref<80000x128xf32, #tpu.memory_space<hbm>> -> memref<128x128xf32, #tpu.memory_space<hbm>>
      tpu.enqueue_dma source(%arg10 : memref<128x128xf32, #tpu.memory_space<vmem>>) target(%dma_start3A_283 : memref<128x128xf32, #tpu.memory_space<hbm>>) target_semaphore(%arg20 : memref<!tpu.dma_semaphore, #tpu.memory_space<semaphore_mem>>)
      %add3A_284 = arith.constant 22 : i32
      %add3A_285 = arith.addi %mul3A_4, %add3A_284 : i32
      %mul3A_286 = arith.constant 128 : i32
      %mul3A_287 = arith.muli %add3A_285, %mul3A_286 : i32
      %dma_wait3A_288 = arith.constant 0 : i32
      %dma_wait3A_289 = tpu.memref_slice %arg4[%mul3A_287, %dma_wait3A_288] : memref<80000x128xf32, #tpu.memory_space<hbm>> -> memref<128x128xf32, #tpu.memory_space<hbm>>
      %dma_wait3A_290 = arith.constant 0 : i32
      %dma_wait3A_291 = tpu.memref_slice %arg4[%mul3A_287, %dma_wait3A_290] : memref<80000x128xf32, #tpu.memory_space<hbm>> -> memref<128x128xf32, #tpu.memory_space<hbm>>
      tpu.wait_dma2 semaphore(%arg18 : memref<!tpu.dma_semaphore, #tpu.memory_space<semaphore_mem>>) src(%arg8 : memref<128x128xf32, #tpu.memory_space<vmem>>) dst(%dma_wait3A_291 : memref<128x128xf32, #tpu.memory_space<hbm>>)
      %add3A_292 = arith.constant 23 : i32
      %add3A_293 = arith.addi %mul3A_4, %add3A_292 : i32
      %mul3A_294 = arith.constant 128 : i32
      %mul3A_295 = arith.muli %add3A_293, %mul3A_294 : i32
      %dma_wait3A_296 = arith.constant 0 : i32
      %dma_wait3A_297 = tpu.memref_slice %arg4[%mul3A_295, %dma_wait3A_296] : memref<80000x128xf32, #tpu.memory_space<hbm>> -> memref<128x128xf32, #tpu.memory_space<hbm>>
      %dma_wait3A_298 = arith.constant 0 : i32
      %dma_wait3A_299 = tpu.memref_slice %arg4[%mul3A_295, %dma_wait3A_298] : memref<80000x128xf32, #tpu.memory_space<hbm>> -> memref<128x128xf32, #tpu.memory_space<hbm>>
      tpu.wait_dma2 semaphore(%arg19 : memref<!tpu.dma_semaphore, #tpu.memory_space<semaphore_mem>>) src(%arg9 : memref<128x128xf32, #tpu.memory_space<vmem>>) dst(%dma_wait3A_299 : memref<128x128xf32, #tpu.memory_space<hbm>>)
      %add3A_300 = arith.constant 24 : i32
      %add3A_301 = arith.addi %mul3A_4, %add3A_300 : i32
      %mul3A_302 = arith.constant 128 : i32
      %mul3A_303 = arith.muli %add3A_301, %mul3A_302 : i32
      %dma_wait3A_304 = arith.constant 0 : i32
      %dma_wait3A_305 = tpu.memref_slice %arg4[%mul3A_303, %dma_wait3A_304] : memref<80000x128xf32, #tpu.memory_space<hbm>> -> memref<128x128xf32, #tpu.memory_space<hbm>>
      %dma_wait3A_306 = arith.constant 0 : i32
      %dma_wait3A_307 = tpu.memref_slice %arg4[%mul3A_303, %dma_wait3A_306] : memref<80000x128xf32, #tpu.memory_space<hbm>> -> memref<128x128xf32, #tpu.memory_space<hbm>>
      tpu.wait_dma2 semaphore(%arg20 : memref<!tpu.dma_semaphore, #tpu.memory_space<semaphore_mem>>) src(%arg10 : memref<128x128xf32, #tpu.memory_space<vmem>>) dst(%dma_wait3A_307 : memref<128x128xf32, #tpu.memory_space<hbm>>)
    } else {
    }
    return
  }
}

#map = affine_map<(d0, d1) -> (0, 0)>
#map1 = affine_map<(d0, d1) -> (0, 0, 0)>
module attributes {stable_mosaic.version = 14 : i64} {
  func.func @_sc_gather_body(%arg0: i32, %arg1: i32, %arg2: memref<50000x128xf32, #tpu.memory_space<hbm>>, %arg3: memref<25x25x128xi32, #tpu.memory_space<hbm>>, %arg4: memref<80000x128xf32, #tpu.memory_space<hbm>>, %arg5: memref<25x128xi32, #tpu.memory_space<vmem>>, %arg6: memref<128x128xf32, #tpu.memory_space<vmem>>, %arg7: memref<128x128xf32, #tpu.memory_space<vmem>>, %arg8: memref<128x128xf32, #tpu.memory_space<vmem>>, %arg9: memref<128x128xf32, #tpu.memory_space<vmem>>, %arg10: memref<128x128xf32, #tpu.memory_space<vmem>>, %arg11: memref<!tpu.dma_semaphore, #tpu.memory_space<semaphore_mem>>, %arg12: memref<!tpu.dma_semaphore, #tpu.memory_space<semaphore_mem>>, %arg13: memref<!tpu.dma_semaphore, #tpu.memory_space<semaphore_mem>>, %arg14: memref<!tpu.dma_semaphore, #tpu.memory_space<semaphore_mem>>, %arg15: memref<!tpu.dma_semaphore, #tpu.memory_space<semaphore_mem>>, %arg16: memref<!tpu.dma_semaphore, #tpu.memory_space<semaphore_mem>>, %arg17: memref<!tpu.dma_semaphore, #tpu.memory_space<semaphore_mem>>, %arg18: memref<!tpu.dma_semaphore, #tpu.memory_space<semaphore_mem>>, %arg19: memref<!tpu.dma_semaphore, #tpu.memory_space<semaphore_mem>>, %arg20: memref<!tpu.dma_semaphore, #tpu.memory_space<semaphore_mem>>) attributes {dimension_semantics = [#tpu.dimension_semantics<core_parallel>, #tpu.dimension_semantics<subcore_parallel>], iteration_bounds = array<i64: 2, 16>, scalar_prefetch = 0 : i64, scratch_operands = 16 : i64, tpu.core_type = #tpu.core_type<sc_vector_subcore>, window_params = [{transform_indices = #map}, {transform_indices = #map1}, {transform_indices = #map}]} {
    %mul3A = arith.constant 16 : i32
    %mul3A_0 = arith.muli %arg0, %mul3A : i32
    %add3A = arith.addi %mul3A_0, %arg1 : i32
    %lt3A = arith.constant 25 : i32
    %lt3A_1 = arith.cmpi slt, %add3A, %lt3A : i32
    %convert_element_type3A = arith.extui %lt3A_1 : i1 to i32
    %cond3A = arith.constant 0 : i32
    %cond3A_2 = arith.cmpi ne, %convert_element_type3A, %cond3A : i32
    scf.if %cond3A_2 {
      %mul3A_3 = arith.constant 25 : i32
      %mul3A_4 = arith.muli %add3A, %mul3A_3 : i32
      "tpu.region"() ({
        %run_scoped3A = tpu.sem_alloc : memref<!tpu.dma_semaphore, #tpu.memory_space<semaphore_mem>>
        %dma_start3A_308 = arith.constant 0 : i32
        %dma_start3A_309 = arith.constant 0 : i32
        %dma_start3A_310 = tpu.memref_slice %arg3[%add3A, %dma_start3A_308, %dma_start3A_309] : memref<25x25x128xi32, #tpu.memory_space<hbm>> -> memref<1x25x128xi32, #tpu.memory_space<hbm>>
        %dma_start3A_311 = tpu.memref_squeeze %dma_start3A_310 : memref<1x25x128xi32, #tpu.memory_space<hbm>> -> memref<25x128xi32, #tpu.memory_space<hbm>>
        %dma_start3A_312 = arith.constant 0 : i32
        %dma_start3A_313 = arith.constant 0 : i32
        %dma_start3A_314 = tpu.memref_slice %arg3[%add3A, %dma_start3A_312, %dma_start3A_313] : memref<25x25x128xi32, #tpu.memory_space<hbm>> -> memref<1x25x128xi32, #tpu.memory_space<hbm>>
        %dma_start3A_315 = tpu.memref_squeeze %dma_start3A_314 : memref<1x25x128xi32, #tpu.memory_space<hbm>> -> memref<25x128xi32, #tpu.memory_space<hbm>>
        tpu.enqueue_dma source(%dma_start3A_315 : memref<25x128xi32, #tpu.memory_space<hbm>>) target(%arg5 : memref<25x128xi32, #tpu.memory_space<vmem>>) target_semaphore(%run_scoped3A : memref<!tpu.dma_semaphore, #tpu.memory_space<semaphore_mem>>)
        %dma_wait3A_316 = arith.constant 0 : i32
        %dma_wait3A_317 = arith.constant 0 : i32
        %dma_wait3A_318 = tpu.memref_slice %arg3[%add3A, %dma_wait3A_316, %dma_wait3A_317] : memref<25x25x128xi32, #tpu.memory_space<hbm>> -> memref<1x25x128xi32, #tpu.memory_space<hbm>>
        %dma_wait3A_319 = tpu.memref_squeeze %dma_wait3A_318 : memref<1x25x128xi32, #tpu.memory_space<hbm>> -> memref<25x128xi32, #tpu.memory_space<hbm>>
        %dma_wait3A_320 = arith.constant 0 : i32
        %dma_wait3A_321 = arith.constant 0 : i32
        %dma_wait3A_322 = tpu.memref_slice %arg3[%add3A, %dma_wait3A_320, %dma_wait3A_321] : memref<25x25x128xi32, #tpu.memory_space<hbm>> -> memref<1x25x128xi32, #tpu.memory_space<hbm>>
        %dma_wait3A_323 = tpu.memref_squeeze %dma_wait3A_322 : memref<1x25x128xi32, #tpu.memory_space<hbm>> -> memref<25x128xi32, #tpu.memory_space<hbm>>
        tpu.wait_dma2 semaphore(%run_scoped3A : memref<!tpu.dma_semaphore, #tpu.memory_space<semaphore_mem>>) src(%dma_wait3A_323 : memref<25x128xi32, #tpu.memory_space<hbm>>) dst(%arg5 : memref<25x128xi32, #tpu.memory_space<vmem>>)
        tpu.yield
      }) : () -> ()
      %dma_start3A = arith.constant 0 : i32
      %dma_start3A_5 = arith.constant 0 : i32
      %dma_start3A_6 = tpu.memref_slice %arg5[%dma_start3A, %dma_start3A_5] : memref<25x128xi32, #tpu.memory_space<vmem>> -> memref<1x128xi32, #tpu.memory_space<vmem>>
      %dma_start3A_7 = tpu.memref_squeeze %dma_start3A_6 : memref<1x128xi32, #tpu.memory_space<vmem>> -> memref<128xi32, #tpu.memory_space<vmem>>
      %dma_start3A_8 = arith.constant 0 : i32
      %dma_start3A_9 = arith.constant 0 : i32
      %dma_start3A_10 = tpu.memref_slice %arg2[%dma_start3A_8, %dma_start3A_9] : memref<50000x128xf32, #tpu.memory_space<hbm>> -> memref<50000x128xf32, #tpu.memory_space<hbm>>
      tpu.enqueue_indirect_dma source(%dma_start3A_10 : memref<50000x128xf32, #tpu.memory_space<hbm>>) target(%arg6 : memref<128x128xf32, #tpu.memory_space<vmem>>) offsets(%dma_start3A_7 : memref<128xi32, #tpu.memory_space<vmem>>) semaphore(%arg11 : memref<!tpu.dma_semaphore, #tpu.memory_space<semaphore_mem>>)
      %dma_start3A_11 = arith.constant 1 : i32
      %dma_start3A_12 = arith.constant 0 : i32
      %dma_start3A_13 = tpu.memref_slice %arg5[%dma_start3A_11, %dma_start3A_12] : memref<25x128xi32, #tpu.memory_space<vmem>> -> memref<1x128xi32, #tpu.memory_space<vmem>>
      %dma_start3A_14 = tpu.memref_squeeze %dma_start3A_13 : memref<1x128xi32, #tpu.memory_space<vmem>> -> memref<128xi32, #tpu.memory_space<vmem>>
      %dma_start3A_15 = arith.constant 0 : i32
      %dma_start3A_16 = arith.constant 0 : i32
      %dma_start3A_17 = tpu.memref_slice %arg2[%dma_start3A_15, %dma_start3A_16] : memref<50000x128xf32, #tpu.memory_space<hbm>> -> memref<50000x128xf32, #tpu.memory_space<hbm>>
      tpu.enqueue_indirect_dma source(%dma_start3A_17 : memref<50000x128xf32, #tpu.memory_space<hbm>>) target(%arg7 : memref<128x128xf32, #tpu.memory_space<vmem>>) offsets(%dma_start3A_14 : memref<128xi32, #tpu.memory_space<vmem>>) semaphore(%arg12 : memref<!tpu.dma_semaphore, #tpu.memory_space<semaphore_mem>>)
      %dma_start3A_18 = arith.constant 2 : i32
      %dma_start3A_19 = arith.constant 0 : i32
      %dma_start3A_20 = tpu.memref_slice %arg5[%dma_start3A_18, %dma_start3A_19] : memref<25x128xi32, #tpu.memory_space<vmem>> -> memref<1x128xi32, #tpu.memory_space<vmem>>
      %dma_start3A_21 = tpu.memref_squeeze %dma_start3A_20 : memref<1x128xi32, #tpu.memory_space<vmem>> -> memref<128xi32, #tpu.memory_space<vmem>>
      %dma_start3A_22 = arith.constant 0 : i32
      %dma_start3A_23 = arith.constant 0 : i32
      %dma_start3A_24 = tpu.memref_slice %arg2[%dma_start3A_22, %dma_start3A_23] : memref<50000x128xf32, #tpu.memory_space<hbm>> -> memref<50000x128xf32, #tpu.memory_space<hbm>>
      tpu.enqueue_indirect_dma source(%dma_start3A_24 : memref<50000x128xf32, #tpu.memory_space<hbm>>) target(%arg8 : memref<128x128xf32, #tpu.memory_space<vmem>>) offsets(%dma_start3A_21 : memref<128xi32, #tpu.memory_space<vmem>>) semaphore(%arg13 : memref<!tpu.dma_semaphore, #tpu.memory_space<semaphore_mem>>)
      %dma_wait3A = arith.constant 0 : i32
      %dma_wait3A_25 = arith.constant 0 : i32
      %dma_wait3A_26 = tpu.memref_slice %arg5[%dma_wait3A, %dma_wait3A_25] : memref<25x128xi32, #tpu.memory_space<vmem>> -> memref<1x128xi32, #tpu.memory_space<vmem>>
      %dma_wait3A_27 = tpu.memref_squeeze %dma_wait3A_26 : memref<1x128xi32, #tpu.memory_space<vmem>> -> memref<128xi32, #tpu.memory_space<vmem>>
      %dma_wait3A_28 = arith.constant 0 : i32
      %dma_wait3A_29 = arith.constant 0 : i32
      %dma_wait3A_30 = tpu.memref_slice %arg2[%dma_wait3A_28, %dma_wait3A_29] : memref<50000x128xf32, #tpu.memory_space<hbm>> -> memref<50000x128xf32, #tpu.memory_space<hbm>>
      tpu.wait_indirect_dma semaphore(%arg11 : memref<!tpu.dma_semaphore, #tpu.memory_space<semaphore_mem>>) src(%dma_wait3A_30 : memref<50000x128xf32, #tpu.memory_space<hbm>>) dst(%arg6 : memref<128x128xf32, #tpu.memory_space<vmem>>)
      %add3A_31 = arith.constant 0 : i32
      %add3A_32 = arith.addi %mul3A_4, %add3A_31 : i32
      %mul3A_33 = arith.constant 128 : i32
      %mul3A_34 = arith.muli %add3A_32, %mul3A_33 : i32
      %dma_start3A_35 = arith.constant 0 : i32
      %dma_start3A_36 = tpu.memref_slice %arg4[%mul3A_34, %dma_start3A_35] : memref<80000x128xf32, #tpu.memory_space<hbm>> -> memref<128x128xf32, #tpu.memory_space<hbm>>
      %dma_start3A_37 = arith.constant 0 : i32
      %dma_start3A_38 = tpu.memref_slice %arg4[%mul3A_34, %dma_start3A_37] : memref<80000x128xf32, #tpu.memory_space<hbm>> -> memref<128x128xf32, #tpu.memory_space<hbm>>
      tpu.enqueue_dma source(%arg6 : memref<128x128xf32, #tpu.memory_space<vmem>>) target(%dma_start3A_38 : memref<128x128xf32, #tpu.memory_space<hbm>>) target_semaphore(%arg16 : memref<!tpu.dma_semaphore, #tpu.memory_space<semaphore_mem>>)
      %dma_start3A_39 = arith.constant 3 : i32
      %dma_start3A_40 = arith.constant 0 : i32
      %dma_start3A_41 = tpu.memref_slice %arg5[%dma_start3A_39, %dma_start3A_40] : memref<25x128xi32, #tpu.memory_space<vmem>> -> memref<1x128xi32, #tpu.memory_space<vmem>>
      %dma_start3A_42 = tpu.memref_squeeze %dma_start3A_41 : memref<1x128xi32, #tpu.memory_space<vmem>> -> memref<128xi32, #tpu.memory_space<vmem>>
      %dma_start3A_43 = arith.constant 0 : i32
      %dma_start3A_44 = arith.constant 0 : i32
      %dma_start3A_45 = tpu.memref_slice %arg2[%dma_start3A_43, %dma_start3A_44] : memref<50000x128xf32, #tpu.memory_space<hbm>> -> memref<50000x128xf32, #tpu.memory_space<hbm>>
      tpu.enqueue_indirect_dma source(%dma_start3A_45 : memref<50000x128xf32, #tpu.memory_space<hbm>>) target(%arg9 : memref<128x128xf32, #tpu.memory_space<vmem>>) offsets(%dma_start3A_42 : memref<128xi32, #tpu.memory_space<vmem>>) semaphore(%arg14 : memref<!tpu.dma_semaphore, #tpu.memory_space<semaphore_mem>>)
      %dma_wait3A_46 = arith.constant 1 : i32
      %dma_wait3A_47 = arith.constant 0 : i32
      %dma_wait3A_48 = tpu.memref_slice %arg5[%dma_wait3A_46, %dma_wait3A_47] : memref<25x128xi32, #tpu.memory_space<vmem>> -> memref<1x128xi32, #tpu.memory_space<vmem>>
      %dma_wait3A_49 = tpu.memref_squeeze %dma_wait3A_48 : memref<1x128xi32, #tpu.memory_space<vmem>> -> memref<128xi32, #tpu.memory_space<vmem>>
      %dma_wait3A_50 = arith.constant 0 : i32
      %dma_wait3A_51 = arith.constant 0 : i32
      %dma_wait3A_52 = tpu.memref_slice %arg2[%dma_wait3A_50, %dma_wait3A_51] : memref<50000x128xf32, #tpu.memory_space<hbm>> -> memref<50000x128xf32, #tpu.memory_space<hbm>>
      tpu.wait_indirect_dma semaphore(%arg12 : memref<!tpu.dma_semaphore, #tpu.memory_space<semaphore_mem>>) src(%dma_wait3A_52 : memref<50000x128xf32, #tpu.memory_space<hbm>>) dst(%arg7 : memref<128x128xf32, #tpu.memory_space<vmem>>)
      %add3A_53 = arith.constant 1 : i32
      %add3A_54 = arith.addi %mul3A_4, %add3A_53 : i32
      %mul3A_55 = arith.constant 128 : i32
      %mul3A_56 = arith.muli %add3A_54, %mul3A_55 : i32
      %dma_start3A_57 = arith.constant 0 : i32
      %dma_start3A_58 = tpu.memref_slice %arg4[%mul3A_56, %dma_start3A_57] : memref<80000x128xf32, #tpu.memory_space<hbm>> -> memref<128x128xf32, #tpu.memory_space<hbm>>
      %dma_start3A_59 = arith.constant 0 : i32
      %dma_start3A_60 = tpu.memref_slice %arg4[%mul3A_56, %dma_start3A_59] : memref<80000x128xf32, #tpu.memory_space<hbm>> -> memref<128x128xf32, #tpu.memory_space<hbm>>
      tpu.enqueue_dma source(%arg7 : memref<128x128xf32, #tpu.memory_space<vmem>>) target(%dma_start3A_60 : memref<128x128xf32, #tpu.memory_space<hbm>>) target_semaphore(%arg17 : memref<!tpu.dma_semaphore, #tpu.memory_space<semaphore_mem>>)
      %dma_start3A_61 = arith.constant 4 : i32
      %dma_start3A_62 = arith.constant 0 : i32
      %dma_start3A_63 = tpu.memref_slice %arg5[%dma_start3A_61, %dma_start3A_62] : memref<25x128xi32, #tpu.memory_space<vmem>> -> memref<1x128xi32, #tpu.memory_space<vmem>>
      %dma_start3A_64 = tpu.memref_squeeze %dma_start3A_63 : memref<1x128xi32, #tpu.memory_space<vmem>> -> memref<128xi32, #tpu.memory_space<vmem>>
      %dma_start3A_65 = arith.constant 0 : i32
      %dma_start3A_66 = arith.constant 0 : i32
      %dma_start3A_67 = tpu.memref_slice %arg2[%dma_start3A_65, %dma_start3A_66] : memref<50000x128xf32, #tpu.memory_space<hbm>> -> memref<50000x128xf32, #tpu.memory_space<hbm>>
      tpu.enqueue_indirect_dma source(%dma_start3A_67 : memref<50000x128xf32, #tpu.memory_space<hbm>>) target(%arg10 : memref<128x128xf32, #tpu.memory_space<vmem>>) offsets(%dma_start3A_64 : memref<128xi32, #tpu.memory_space<vmem>>) semaphore(%arg15 : memref<!tpu.dma_semaphore, #tpu.memory_space<semaphore_mem>>)
      %dma_wait3A_68 = arith.constant 2 : i32
      %dma_wait3A_69 = arith.constant 0 : i32
      %dma_wait3A_70 = tpu.memref_slice %arg5[%dma_wait3A_68, %dma_wait3A_69] : memref<25x128xi32, #tpu.memory_space<vmem>> -> memref<1x128xi32, #tpu.memory_space<vmem>>
      %dma_wait3A_71 = tpu.memref_squeeze %dma_wait3A_70 : memref<1x128xi32, #tpu.memory_space<vmem>> -> memref<128xi32, #tpu.memory_space<vmem>>
      %dma_wait3A_72 = arith.constant 0 : i32
      %dma_wait3A_73 = arith.constant 0 : i32
      %dma_wait3A_74 = tpu.memref_slice %arg2[%dma_wait3A_72, %dma_wait3A_73] : memref<50000x128xf32, #tpu.memory_space<hbm>> -> memref<50000x128xf32, #tpu.memory_space<hbm>>
      tpu.wait_indirect_dma semaphore(%arg13 : memref<!tpu.dma_semaphore, #tpu.memory_space<semaphore_mem>>) src(%dma_wait3A_74 : memref<50000x128xf32, #tpu.memory_space<hbm>>) dst(%arg8 : memref<128x128xf32, #tpu.memory_space<vmem>>)
      %add3A_75 = arith.constant 2 : i32
      %add3A_76 = arith.addi %mul3A_4, %add3A_75 : i32
      %mul3A_77 = arith.constant 128 : i32
      %mul3A_78 = arith.muli %add3A_76, %mul3A_77 : i32
      %dma_start3A_79 = arith.constant 0 : i32
      %dma_start3A_80 = tpu.memref_slice %arg4[%mul3A_78, %dma_start3A_79] : memref<80000x128xf32, #tpu.memory_space<hbm>> -> memref<128x128xf32, #tpu.memory_space<hbm>>
      %dma_start3A_81 = arith.constant 0 : i32
      %dma_start3A_82 = tpu.memref_slice %arg4[%mul3A_78, %dma_start3A_81] : memref<80000x128xf32, #tpu.memory_space<hbm>> -> memref<128x128xf32, #tpu.memory_space<hbm>>
      tpu.enqueue_dma source(%arg8 : memref<128x128xf32, #tpu.memory_space<vmem>>) target(%dma_start3A_82 : memref<128x128xf32, #tpu.memory_space<hbm>>) target_semaphore(%arg18 : memref<!tpu.dma_semaphore, #tpu.memory_space<semaphore_mem>>)
      %add3A_83 = arith.constant 0 : i32
      %add3A_84 = arith.addi %mul3A_4, %add3A_83 : i32
      %mul3A_85 = arith.constant 128 : i32
      %mul3A_86 = arith.muli %add3A_84, %mul3A_85 : i32
      %dma_wait3A_87 = arith.constant 0 : i32
      %dma_wait3A_88 = tpu.memref_slice %arg4[%mul3A_86, %dma_wait3A_87] : memref<80000x128xf32, #tpu.memory_space<hbm>> -> memref<128x128xf32, #tpu.memory_space<hbm>>
      %dma_wait3A_89 = arith.constant 0 : i32
      %dma_wait3A_90 = tpu.memref_slice %arg4[%mul3A_86, %dma_wait3A_89] : memref<80000x128xf32, #tpu.memory_space<hbm>> -> memref<128x128xf32, #tpu.memory_space<hbm>>
      tpu.wait_dma2 semaphore(%arg16 : memref<!tpu.dma_semaphore, #tpu.memory_space<semaphore_mem>>) src(%arg6 : memref<128x128xf32, #tpu.memory_space<vmem>>) dst(%dma_wait3A_90 : memref<128x128xf32, #tpu.memory_space<hbm>>)
      %dma_start3A_91 = arith.constant 5 : i32
      %dma_start3A_92 = arith.constant 0 : i32
      %dma_start3A_93 = tpu.memref_slice %arg5[%dma_start3A_91, %dma_start3A_92] : memref<25x128xi32, #tpu.memory_space<vmem>> -> memref<1x128xi32, #tpu.memory_space<vmem>>
      %dma_start3A_94 = tpu.memref_squeeze %dma_start3A_93 : memref<1x128xi32, #tpu.memory_space<vmem>> -> memref<128xi32, #tpu.memory_space<vmem>>
      %dma_start3A_95 = arith.constant 0 : i32
      %dma_start3A_96 = arith.constant 0 : i32
      %dma_start3A_97 = tpu.memref_slice %arg2[%dma_start3A_95, %dma_start3A_96] : memref<50000x128xf32, #tpu.memory_space<hbm>> -> memref<50000x128xf32, #tpu.memory_space<hbm>>
      tpu.enqueue_indirect_dma source(%dma_start3A_97 : memref<50000x128xf32, #tpu.memory_space<hbm>>) target(%arg6 : memref<128x128xf32, #tpu.memory_space<vmem>>) offsets(%dma_start3A_94 : memref<128xi32, #tpu.memory_space<vmem>>) semaphore(%arg11 : memref<!tpu.dma_semaphore, #tpu.memory_space<semaphore_mem>>)
      %dma_wait3A_98 = arith.constant 3 : i32
      %dma_wait3A_99 = arith.constant 0 : i32
      %dma_wait3A_100 = tpu.memref_slice %arg5[%dma_wait3A_98, %dma_wait3A_99] : memref<25x128xi32, #tpu.memory_space<vmem>> -> memref<1x128xi32, #tpu.memory_space<vmem>>
      %dma_wait3A_101 = tpu.memref_squeeze %dma_wait3A_100 : memref<1x128xi32, #tpu.memory_space<vmem>> -> memref<128xi32, #tpu.memory_space<vmem>>
      %dma_wait3A_102 = arith.constant 0 : i32
      %dma_wait3A_103 = arith.constant 0 : i32
      %dma_wait3A_104 = tpu.memref_slice %arg2[%dma_wait3A_102, %dma_wait3A_103] : memref<50000x128xf32, #tpu.memory_space<hbm>> -> memref<50000x128xf32, #tpu.memory_space<hbm>>
      tpu.wait_indirect_dma semaphore(%arg14 : memref<!tpu.dma_semaphore, #tpu.memory_space<semaphore_mem>>) src(%dma_wait3A_104 : memref<50000x128xf32, #tpu.memory_space<hbm>>) dst(%arg9 : memref<128x128xf32, #tpu.memory_space<vmem>>)
      %add3A_105 = arith.constant 3 : i32
      %add3A_106 = arith.addi %mul3A_4, %add3A_105 : i32
      %mul3A_107 = arith.constant 128 : i32
      %mul3A_108 = arith.muli %add3A_106, %mul3A_107 : i32
      %dma_start3A_109 = arith.constant 0 : i32
      %dma_start3A_110 = tpu.memref_slice %arg4[%mul3A_108, %dma_start3A_109] : memref<80000x128xf32, #tpu.memory_space<hbm>> -> memref<128x128xf32, #tpu.memory_space<hbm>>
      %dma_start3A_111 = arith.constant 0 : i32
      %dma_start3A_112 = tpu.memref_slice %arg4[%mul3A_108, %dma_start3A_111] : memref<80000x128xf32, #tpu.memory_space<hbm>> -> memref<128x128xf32, #tpu.memory_space<hbm>>
      tpu.enqueue_dma source(%arg9 : memref<128x128xf32, #tpu.memory_space<vmem>>) target(%dma_start3A_112 : memref<128x128xf32, #tpu.memory_space<hbm>>) target_semaphore(%arg19 : memref<!tpu.dma_semaphore, #tpu.memory_space<semaphore_mem>>)
      %add3A_113 = arith.constant 1 : i32
      %add3A_114 = arith.addi %mul3A_4, %add3A_113 : i32
      %mul3A_115 = arith.constant 128 : i32
      %mul3A_116 = arith.muli %add3A_114, %mul3A_115 : i32
      %dma_wait3A_117 = arith.constant 0 : i32
      %dma_wait3A_118 = tpu.memref_slice %arg4[%mul3A_116, %dma_wait3A_117] : memref<80000x128xf32, #tpu.memory_space<hbm>> -> memref<128x128xf32, #tpu.memory_space<hbm>>
      %dma_wait3A_119 = arith.constant 0 : i32
      %dma_wait3A_120 = tpu.memref_slice %arg4[%mul3A_116, %dma_wait3A_119] : memref<80000x128xf32, #tpu.memory_space<hbm>> -> memref<128x128xf32, #tpu.memory_space<hbm>>
      tpu.wait_dma2 semaphore(%arg17 : memref<!tpu.dma_semaphore, #tpu.memory_space<semaphore_mem>>) src(%arg7 : memref<128x128xf32, #tpu.memory_space<vmem>>) dst(%dma_wait3A_120 : memref<128x128xf32, #tpu.memory_space<hbm>>)
      %dma_start3A_121 = arith.constant 6 : i32
      %dma_start3A_122 = arith.constant 0 : i32
      %dma_start3A_123 = tpu.memref_slice %arg5[%dma_start3A_121, %dma_start3A_122] : memref<25x128xi32, #tpu.memory_space<vmem>> -> memref<1x128xi32, #tpu.memory_space<vmem>>
      %dma_start3A_124 = tpu.memref_squeeze %dma_start3A_123 : memref<1x128xi32, #tpu.memory_space<vmem>> -> memref<128xi32, #tpu.memory_space<vmem>>
      %dma_start3A_125 = arith.constant 0 : i32
      %dma_start3A_126 = arith.constant 0 : i32
      %dma_start3A_127 = tpu.memref_slice %arg2[%dma_start3A_125, %dma_start3A_126] : memref<50000x128xf32, #tpu.memory_space<hbm>> -> memref<50000x128xf32, #tpu.memory_space<hbm>>
      tpu.enqueue_indirect_dma source(%dma_start3A_127 : memref<50000x128xf32, #tpu.memory_space<hbm>>) target(%arg7 : memref<128x128xf32, #tpu.memory_space<vmem>>) offsets(%dma_start3A_124 : memref<128xi32, #tpu.memory_space<vmem>>) semaphore(%arg12 : memref<!tpu.dma_semaphore, #tpu.memory_space<semaphore_mem>>)
      %dma_wait3A_128 = arith.constant 4 : i32
      %dma_wait3A_129 = arith.constant 0 : i32
      %dma_wait3A_130 = tpu.memref_slice %arg5[%dma_wait3A_128, %dma_wait3A_129] : memref<25x128xi32, #tpu.memory_space<vmem>> -> memref<1x128xi32, #tpu.memory_space<vmem>>
      %dma_wait3A_131 = tpu.memref_squeeze %dma_wait3A_130 : memref<1x128xi32, #tpu.memory_space<vmem>> -> memref<128xi32, #tpu.memory_space<vmem>>
      %dma_wait3A_132 = arith.constant 0 : i32
      %dma_wait3A_133 = arith.constant 0 : i32
      %dma_wait3A_134 = tpu.memref_slice %arg2[%dma_wait3A_132, %dma_wait3A_133] : memref<50000x128xf32, #tpu.memory_space<hbm>> -> memref<50000x128xf32, #tpu.memory_space<hbm>>
      tpu.wait_indirect_dma semaphore(%arg15 : memref<!tpu.dma_semaphore, #tpu.memory_space<semaphore_mem>>) src(%dma_wait3A_134 : memref<50000x128xf32, #tpu.memory_space<hbm>>) dst(%arg10 : memref<128x128xf32, #tpu.memory_space<vmem>>)
      %add3A_135 = arith.constant 4 : i32
      %add3A_136 = arith.addi %mul3A_4, %add3A_135 : i32
      %mul3A_137 = arith.constant 128 : i32
      %mul3A_138 = arith.muli %add3A_136, %mul3A_137 : i32
      %dma_start3A_139 = arith.constant 0 : i32
      %dma_start3A_140 = tpu.memref_slice %arg4[%mul3A_138, %dma_start3A_139] : memref<80000x128xf32, #tpu.memory_space<hbm>> -> memref<128x128xf32, #tpu.memory_space<hbm>>
      %dma_start3A_141 = arith.constant 0 : i32
      %dma_start3A_142 = tpu.memref_slice %arg4[%mul3A_138, %dma_start3A_141] : memref<80000x128xf32, #tpu.memory_space<hbm>> -> memref<128x128xf32, #tpu.memory_space<hbm>>
      tpu.enqueue_dma source(%arg10 : memref<128x128xf32, #tpu.memory_space<vmem>>) target(%dma_start3A_142 : memref<128x128xf32, #tpu.memory_space<hbm>>) target_semaphore(%arg20 : memref<!tpu.dma_semaphore, #tpu.memory_space<semaphore_mem>>)
      %add3A_143 = arith.constant 2 : i32
      %add3A_144 = arith.addi %mul3A_4, %add3A_143 : i32
      %mul3A_145 = arith.constant 128 : i32
      %mul3A_146 = arith.muli %add3A_144, %mul3A_145 : i32
      %dma_wait3A_147 = arith.constant 0 : i32
      %dma_wait3A_148 = tpu.memref_slice %arg4[%mul3A_146, %dma_wait3A_147] : memref<80000x128xf32, #tpu.memory_space<hbm>> -> memref<128x128xf32, #tpu.memory_space<hbm>>
      %dma_wait3A_149 = arith.constant 0 : i32
      %dma_wait3A_150 = tpu.memref_slice %arg4[%mul3A_146, %dma_wait3A_149] : memref<80000x128xf32, #tpu.memory_space<hbm>> -> memref<128x128xf32, #tpu.memory_space<hbm>>
      tpu.wait_dma2 semaphore(%arg18 : memref<!tpu.dma_semaphore, #tpu.memory_space<semaphore_mem>>) src(%arg8 : memref<128x128xf32, #tpu.memory_space<vmem>>) dst(%dma_wait3A_150 : memref<128x128xf32, #tpu.memory_space<hbm>>)
      %dma_start3A_151 = arith.constant 7 : i32
      %dma_start3A_152 = arith.constant 0 : i32
      %dma_start3A_153 = tpu.memref_slice %arg5[%dma_start3A_151, %dma_start3A_152] : memref<25x128xi32, #tpu.memory_space<vmem>> -> memref<1x128xi32, #tpu.memory_space<vmem>>
      %dma_start3A_154 = tpu.memref_squeeze %dma_start3A_153 : memref<1x128xi32, #tpu.memory_space<vmem>> -> memref<128xi32, #tpu.memory_space<vmem>>
      %dma_start3A_155 = arith.constant 0 : i32
      %dma_start3A_156 = arith.constant 0 : i32
      %dma_start3A_157 = tpu.memref_slice %arg2[%dma_start3A_155, %dma_start3A_156] : memref<50000x128xf32, #tpu.memory_space<hbm>> -> memref<50000x128xf32, #tpu.memory_space<hbm>>
      tpu.enqueue_indirect_dma source(%dma_start3A_157 : memref<50000x128xf32, #tpu.memory_space<hbm>>) target(%arg8 : memref<128x128xf32, #tpu.memory_space<vmem>>) offsets(%dma_start3A_154 : memref<128xi32, #tpu.memory_space<vmem>>) semaphore(%arg13 : memref<!tpu.dma_semaphore, #tpu.memory_space<semaphore_mem>>)
      %scan3A = arith.constant 0 : i32
      %scan3A_158 = arith.constant 1 : i32
      %scan3A_159 = arith.constant 3 : i32
      %scan3A_160 = arith.addi %scan3A_158, %scan3A_159 : i32
      %scan3A_161 = arith.constant 1 : i32
      scf.for %scan3A_308 = %scan3A_158 to %scan3A_160 step %scan3A_161  : i32 {
        %mul3A_309 = arith.constant 5 : i32
        %mul3A_310 = arith.muli %mul3A_309, %scan3A_308 : i32
        %add3A_311 = arith.constant 0 : i32
        %add3A_312 = arith.addi %mul3A_310, %add3A_311 : i32
        %dma_wait3A_313 = arith.constant 0 : i32
        %dma_wait3A_314 = tpu.memref_slice %arg5[%add3A_312, %dma_wait3A_313] : memref<25x128xi32, #tpu.memory_space<vmem>> -> memref<1x128xi32, #tpu.memory_space<vmem>>
        %dma_wait3A_315 = tpu.memref_squeeze %dma_wait3A_314 : memref<1x128xi32, #tpu.memory_space<vmem>> -> memref<128xi32, #tpu.memory_space<vmem>>
        %dma_wait3A_316 = arith.constant 0 : i32
        %dma_wait3A_317 = arith.constant 0 : i32
        %dma_wait3A_318 = tpu.memref_slice %arg2[%dma_wait3A_316, %dma_wait3A_317] : memref<50000x128xf32, #tpu.memory_space<hbm>> -> memref<50000x128xf32, #tpu.memory_space<hbm>>
        tpu.wait_indirect_dma semaphore(%arg11 : memref<!tpu.dma_semaphore, #tpu.memory_space<semaphore_mem>>) src(%dma_wait3A_318 : memref<50000x128xf32, #tpu.memory_space<hbm>>) dst(%arg6 : memref<128x128xf32, #tpu.memory_space<vmem>>)
        %add3A_319 = arith.addi %mul3A_4, %add3A_312 : i32
        %mul3A_320 = arith.constant 128 : i32
        %mul3A_321 = arith.muli %add3A_319, %mul3A_320 : i32
        %dma_start3A_322 = arith.constant 0 : i32
        %dma_start3A_323 = tpu.memref_slice %arg4[%mul3A_321, %dma_start3A_322] : memref<80000x128xf32, #tpu.memory_space<hbm>> -> memref<128x128xf32, #tpu.memory_space<hbm>>
        %dma_start3A_324 = arith.constant 0 : i32
        %dma_start3A_325 = tpu.memref_slice %arg4[%mul3A_321, %dma_start3A_324] : memref<80000x128xf32, #tpu.memory_space<hbm>> -> memref<128x128xf32, #tpu.memory_space<hbm>>
        tpu.enqueue_dma source(%arg6 : memref<128x128xf32, #tpu.memory_space<vmem>>) target(%dma_start3A_325 : memref<128x128xf32, #tpu.memory_space<hbm>>) target_semaphore(%arg16 : memref<!tpu.dma_semaphore, #tpu.memory_space<semaphore_mem>>)
        %add3A_326 = arith.constant 3 : i32
        %add3A_327 = arith.addi %add3A_312, %add3A_326 : i32
        %sub3A = arith.constant 5 : i32
        %sub3A_328 = arith.subi %add3A_327, %sub3A : i32
        %add3A_329 = arith.addi %mul3A_4, %sub3A_328 : i32
        %mul3A_330 = arith.constant 128 : i32
        %mul3A_331 = arith.muli %add3A_329, %mul3A_330 : i32
        %dma_wait3A_332 = arith.constant 0 : i32
        %dma_wait3A_333 = tpu.memref_slice %arg4[%mul3A_331, %dma_wait3A_332] : memref<80000x128xf32, #tpu.memory_space<hbm>> -> memref<128x128xf32, #tpu.memory_space<hbm>>
        %dma_wait3A_334 = arith.constant 0 : i32
        %dma_wait3A_335 = tpu.memref_slice %arg4[%mul3A_331, %dma_wait3A_334] : memref<80000x128xf32, #tpu.memory_space<hbm>> -> memref<128x128xf32, #tpu.memory_space<hbm>>
        tpu.wait_dma2 semaphore(%arg19 : memref<!tpu.dma_semaphore, #tpu.memory_space<semaphore_mem>>) src(%arg9 : memref<128x128xf32, #tpu.memory_space<vmem>>) dst(%dma_wait3A_335 : memref<128x128xf32, #tpu.memory_space<hbm>>)
        %add3A_336 = arith.constant 3 : i32
        %add3A_337 = arith.addi %add3A_312, %add3A_336 : i32
        %dma_start3A_338 = arith.constant 0 : i32
        %dma_start3A_339 = tpu.memref_slice %arg5[%add3A_337, %dma_start3A_338] : memref<25x128xi32, #tpu.memory_space<vmem>> -> memref<1x128xi32, #tpu.memory_space<vmem>>
        %dma_start3A_340 = tpu.memref_squeeze %dma_start3A_339 : memref<1x128xi32, #tpu.memory_space<vmem>> -> memref<128xi32, #tpu.memory_space<vmem>>
        %dma_start3A_341 = arith.constant 0 : i32
        %dma_start3A_342 = arith.constant 0 : i32
        %dma_start3A_343 = tpu.memref_slice %arg2[%dma_start3A_341, %dma_start3A_342] : memref<50000x128xf32, #tpu.memory_space<hbm>> -> memref<50000x128xf32, #tpu.memory_space<hbm>>
        tpu.enqueue_indirect_dma source(%dma_start3A_343 : memref<50000x128xf32, #tpu.memory_space<hbm>>) target(%arg9 : memref<128x128xf32, #tpu.memory_space<vmem>>) offsets(%dma_start3A_340 : memref<128xi32, #tpu.memory_space<vmem>>) semaphore(%arg14 : memref<!tpu.dma_semaphore, #tpu.memory_space<semaphore_mem>>)
        %mul3A_344 = arith.constant 5 : i32
        %mul3A_345 = arith.muli %mul3A_344, %scan3A_308 : i32
        %add3A_346 = arith.constant 1 : i32
        %add3A_347 = arith.addi %mul3A_345, %add3A_346 : i32
        %dma_wait3A_348 = arith.constant 0 : i32
        %dma_wait3A_349 = tpu.memref_slice %arg5[%add3A_347, %dma_wait3A_348] : memref<25x128xi32, #tpu.memory_space<vmem>> -> memref<1x128xi32, #tpu.memory_space<vmem>>
        %dma_wait3A_350 = tpu.memref_squeeze %dma_wait3A_349 : memref<1x128xi32, #tpu.memory_space<vmem>> -> memref<128xi32, #tpu.memory_space<vmem>>
        %dma_wait3A_351 = arith.constant 0 : i32
        %dma_wait3A_352 = arith.constant 0 : i32
        %dma_wait3A_353 = tpu.memref_slice %arg2[%dma_wait3A_351, %dma_wait3A_352] : memref<50000x128xf32, #tpu.memory_space<hbm>> -> memref<50000x128xf32, #tpu.memory_space<hbm>>
        tpu.wait_indirect_dma semaphore(%arg12 : memref<!tpu.dma_semaphore, #tpu.memory_space<semaphore_mem>>) src(%dma_wait3A_353 : memref<50000x128xf32, #tpu.memory_space<hbm>>) dst(%arg7 : memref<128x128xf32, #tpu.memory_space<vmem>>)
        %add3A_354 = arith.addi %mul3A_4, %add3A_347 : i32
        %mul3A_355 = arith.constant 128 : i32
        %mul3A_356 = arith.muli %add3A_354, %mul3A_355 : i32
        %dma_start3A_357 = arith.constant 0 : i32
        %dma_start3A_358 = tpu.memref_slice %arg4[%mul3A_356, %dma_start3A_357] : memref<80000x128xf32, #tpu.memory_space<hbm>> -> memref<128x128xf32, #tpu.memory_space<hbm>>
        %dma_start3A_359 = arith.constant 0 : i32
        %dma_start3A_360 = tpu.memref_slice %arg4[%mul3A_356, %dma_start3A_359] : memref<80000x128xf32, #tpu.memory_space<hbm>> -> memref<128x128xf32, #tpu.memory_space<hbm>>
        tpu.enqueue_dma source(%arg7 : memref<128x128xf32, #tpu.memory_space<vmem>>) target(%dma_start3A_360 : memref<128x128xf32, #tpu.memory_space<hbm>>) target_semaphore(%arg17 : memref<!tpu.dma_semaphore, #tpu.memory_space<semaphore_mem>>)
        %add3A_361 = arith.constant 3 : i32
        %add3A_362 = arith.addi %add3A_347, %add3A_361 : i32
        %sub3A_363 = arith.constant 5 : i32
        %sub3A_364 = arith.subi %add3A_362, %sub3A_363 : i32
        %add3A_365 = arith.addi %mul3A_4, %sub3A_364 : i32
        %mul3A_366 = arith.constant 128 : i32
        %mul3A_367 = arith.muli %add3A_365, %mul3A_366 : i32
        %dma_wait3A_368 = arith.constant 0 : i32
        %dma_wait3A_369 = tpu.memref_slice %arg4[%mul3A_367, %dma_wait3A_368] : memref<80000x128xf32, #tpu.memory_space<hbm>> -> memref<128x128xf32, #tpu.memory_space<hbm>>
        %dma_wait3A_370 = arith.constant 0 : i32
        %dma_wait3A_371 = tpu.memref_slice %arg4[%mul3A_367, %dma_wait3A_370] : memref<80000x128xf32, #tpu.memory_space<hbm>> -> memref<128x128xf32, #tpu.memory_space<hbm>>
        tpu.wait_dma2 semaphore(%arg20 : memref<!tpu.dma_semaphore, #tpu.memory_space<semaphore_mem>>) src(%arg10 : memref<128x128xf32, #tpu.memory_space<vmem>>) dst(%dma_wait3A_371 : memref<128x128xf32, #tpu.memory_space<hbm>>)
        %add3A_372 = arith.constant 3 : i32
        %add3A_373 = arith.addi %add3A_347, %add3A_372 : i32
        %dma_start3A_374 = arith.constant 0 : i32
        %dma_start3A_375 = tpu.memref_slice %arg5[%add3A_373, %dma_start3A_374] : memref<25x128xi32, #tpu.memory_space<vmem>> -> memref<1x128xi32, #tpu.memory_space<vmem>>
        %dma_start3A_376 = tpu.memref_squeeze %dma_start3A_375 : memref<1x128xi32, #tpu.memory_space<vmem>> -> memref<128xi32, #tpu.memory_space<vmem>>
        %dma_start3A_377 = arith.constant 0 : i32
        %dma_start3A_378 = arith.constant 0 : i32
        %dma_start3A_379 = tpu.memref_slice %arg2[%dma_start3A_377, %dma_start3A_378] : memref<50000x128xf32, #tpu.memory_space<hbm>> -> memref<50000x128xf32, #tpu.memory_space<hbm>>
        tpu.enqueue_indirect_dma source(%dma_start3A_379 : memref<50000x128xf32, #tpu.memory_space<hbm>>) target(%arg10 : memref<128x128xf32, #tpu.memory_space<vmem>>) offsets(%dma_start3A_376 : memref<128xi32, #tpu.memory_space<vmem>>) semaphore(%arg15 : memref<!tpu.dma_semaphore, #tpu.memory_space<semaphore_mem>>)
        %mul3A_380 = arith.constant 5 : i32
        %mul3A_381 = arith.muli %mul3A_380, %scan3A_308 : i32
        %add3A_382 = arith.constant 2 : i32
        %add3A_383 = arith.addi %mul3A_381, %add3A_382 : i32
        %dma_wait3A_384 = arith.constant 0 : i32
        %dma_wait3A_385 = tpu.memref_slice %arg5[%add3A_383, %dma_wait3A_384] : memref<25x128xi32, #tpu.memory_space<vmem>> -> memref<1x128xi32, #tpu.memory_space<vmem>>
        %dma_wait3A_386 = tpu.memref_squeeze %dma_wait3A_385 : memref<1x128xi32, #tpu.memory_space<vmem>> -> memref<128xi32, #tpu.memory_space<vmem>>
        %dma_wait3A_387 = arith.constant 0 : i32
        %dma_wait3A_388 = arith.constant 0 : i32
        %dma_wait3A_389 = tpu.memref_slice %arg2[%dma_wait3A_387, %dma_wait3A_388] : memref<50000x128xf32, #tpu.memory_space<hbm>> -> memref<50000x128xf32, #tpu.memory_space<hbm>>
        tpu.wait_indirect_dma semaphore(%arg13 : memref<!tpu.dma_semaphore, #tpu.memory_space<semaphore_mem>>) src(%dma_wait3A_389 : memref<50000x128xf32, #tpu.memory_space<hbm>>) dst(%arg8 : memref<128x128xf32, #tpu.memory_space<vmem>>)
        %add3A_390 = arith.addi %mul3A_4, %add3A_383 : i32
        %mul3A_391 = arith.constant 128 : i32
        %mul3A_392 = arith.muli %add3A_390, %mul3A_391 : i32
        %dma_start3A_393 = arith.constant 0 : i32
        %dma_start3A_394 = tpu.memref_slice %arg4[%mul3A_392, %dma_start3A_393] : memref<80000x128xf32, #tpu.memory_space<hbm>> -> memref<128x128xf32, #tpu.memory_space<hbm>>
        %dma_start3A_395 = arith.constant 0 : i32
        %dma_start3A_396 = tpu.memref_slice %arg4[%mul3A_392, %dma_start3A_395] : memref<80000x128xf32, #tpu.memory_space<hbm>> -> memref<128x128xf32, #tpu.memory_space<hbm>>
        tpu.enqueue_dma source(%arg8 : memref<128x128xf32, #tpu.memory_space<vmem>>) target(%dma_start3A_396 : memref<128x128xf32, #tpu.memory_space<hbm>>) target_semaphore(%arg18 : memref<!tpu.dma_semaphore, #tpu.memory_space<semaphore_mem>>)
        %add3A_397 = arith.constant 3 : i32
        %add3A_398 = arith.addi %add3A_383, %add3A_397 : i32
        %sub3A_399 = arith.constant 5 : i32
        %sub3A_400 = arith.subi %add3A_398, %sub3A_399 : i32
        %add3A_401 = arith.addi %mul3A_4, %sub3A_400 : i32
        %mul3A_402 = arith.constant 128 : i32
        %mul3A_403 = arith.muli %add3A_401, %mul3A_402 : i32
        %dma_wait3A_404 = arith.constant 0 : i32
        %dma_wait3A_405 = tpu.memref_slice %arg4[%mul3A_403, %dma_wait3A_404] : memref<80000x128xf32, #tpu.memory_space<hbm>> -> memref<128x128xf32, #tpu.memory_space<hbm>>
        %dma_wait3A_406 = arith.constant 0 : i32
        %dma_wait3A_407 = tpu.memref_slice %arg4[%mul3A_403, %dma_wait3A_406] : memref<80000x128xf32, #tpu.memory_space<hbm>> -> memref<128x128xf32, #tpu.memory_space<hbm>>
        tpu.wait_dma2 semaphore(%arg16 : memref<!tpu.dma_semaphore, #tpu.memory_space<semaphore_mem>>) src(%arg6 : memref<128x128xf32, #tpu.memory_space<vmem>>) dst(%dma_wait3A_407 : memref<128x128xf32, #tpu.memory_space<hbm>>)
        %add3A_408 = arith.constant 3 : i32
        %add3A_409 = arith.addi %add3A_383, %add3A_408 : i32
        %dma_start3A_410 = arith.constant 0 : i32
        %dma_start3A_411 = tpu.memref_slice %arg5[%add3A_409, %dma_start3A_410] : memref<25x128xi32, #tpu.memory_space<vmem>> -> memref<1x128xi32, #tpu.memory_space<vmem>>
        %dma_start3A_412 = tpu.memref_squeeze %dma_start3A_411 : memref<1x128xi32, #tpu.memory_space<vmem>> -> memref<128xi32, #tpu.memory_space<vmem>>
        %dma_start3A_413 = arith.constant 0 : i32
        %dma_start3A_414 = arith.constant 0 : i32
        %dma_start3A_415 = tpu.memref_slice %arg2[%dma_start3A_413, %dma_start3A_414] : memref<50000x128xf32, #tpu.memory_space<hbm>> -> memref<50000x128xf32, #tpu.memory_space<hbm>>
        tpu.enqueue_indirect_dma source(%dma_start3A_415 : memref<50000x128xf32, #tpu.memory_space<hbm>>) target(%arg6 : memref<128x128xf32, #tpu.memory_space<vmem>>) offsets(%dma_start3A_412 : memref<128xi32, #tpu.memory_space<vmem>>) semaphore(%arg11 : memref<!tpu.dma_semaphore, #tpu.memory_space<semaphore_mem>>)
        %mul3A_416 = arith.constant 5 : i32
        %mul3A_417 = arith.muli %mul3A_416, %scan3A_308 : i32
        %add3A_418 = arith.constant 3 : i32
        %add3A_419 = arith.addi %mul3A_417, %add3A_418 : i32
        %dma_wait3A_420 = arith.constant 0 : i32
        %dma_wait3A_421 = tpu.memref_slice %arg5[%add3A_419, %dma_wait3A_420] : memref<25x128xi32, #tpu.memory_space<vmem>> -> memref<1x128xi32, #tpu.memory_space<vmem>>
        %dma_wait3A_422 = tpu.memref_squeeze %dma_wait3A_421 : memref<1x128xi32, #tpu.memory_space<vmem>> -> memref<128xi32, #tpu.memory_space<vmem>>
        %dma_wait3A_423 = arith.constant 0 : i32
        %dma_wait3A_424 = arith.constant 0 : i32
        %dma_wait3A_425 = tpu.memref_slice %arg2[%dma_wait3A_423, %dma_wait3A_424] : memref<50000x128xf32, #tpu.memory_space<hbm>> -> memref<50000x128xf32, #tpu.memory_space<hbm>>
        tpu.wait_indirect_dma semaphore(%arg14 : memref<!tpu.dma_semaphore, #tpu.memory_space<semaphore_mem>>) src(%dma_wait3A_425 : memref<50000x128xf32, #tpu.memory_space<hbm>>) dst(%arg9 : memref<128x128xf32, #tpu.memory_space<vmem>>)
        %add3A_426 = arith.addi %mul3A_4, %add3A_419 : i32
        %mul3A_427 = arith.constant 128 : i32
        %mul3A_428 = arith.muli %add3A_426, %mul3A_427 : i32
        %dma_start3A_429 = arith.constant 0 : i32
        %dma_start3A_430 = tpu.memref_slice %arg4[%mul3A_428, %dma_start3A_429] : memref<80000x128xf32, #tpu.memory_space<hbm>> -> memref<128x128xf32, #tpu.memory_space<hbm>>
        %dma_start3A_431 = arith.constant 0 : i32
        %dma_start3A_432 = tpu.memref_slice %arg4[%mul3A_428, %dma_start3A_431] : memref<80000x128xf32, #tpu.memory_space<hbm>> -> memref<128x128xf32, #tpu.memory_space<hbm>>
        tpu.enqueue_dma source(%arg9 : memref<128x128xf32, #tpu.memory_space<vmem>>) target(%dma_start3A_432 : memref<128x128xf32, #tpu.memory_space<hbm>>) target_semaphore(%arg19 : memref<!tpu.dma_semaphore, #tpu.memory_space<semaphore_mem>>)
        %add3A_433 = arith.constant 3 : i32
        %add3A_434 = arith.addi %add3A_419, %add3A_433 : i32
        %sub3A_435 = arith.constant 5 : i32
        %sub3A_436 = arith.subi %add3A_434, %sub3A_435 : i32
        %add3A_437 = arith.addi %mul3A_4, %sub3A_436 : i32
        %mul3A_438 = arith.constant 128 : i32
        %mul3A_439 = arith.muli %add3A_437, %mul3A_438 : i32
        %dma_wait3A_440 = arith.constant 0 : i32
        %dma_wait3A_441 = tpu.memref_slice %arg4[%mul3A_439, %dma_wait3A_440] : memref<80000x128xf32, #tpu.memory_space<hbm>> -> memref<128x128xf32, #tpu.memory_space<hbm>>
        %dma_wait3A_442 = arith.constant 0 : i32
        %dma_wait3A_443 = tpu.memref_slice %arg4[%mul3A_439, %dma_wait3A_442] : memref<80000x128xf32, #tpu.memory_space<hbm>> -> memref<128x128xf32, #tpu.memory_space<hbm>>
        tpu.wait_dma2 semaphore(%arg17 : memref<!tpu.dma_semaphore, #tpu.memory_space<semaphore_mem>>) src(%arg7 : memref<128x128xf32, #tpu.memory_space<vmem>>) dst(%dma_wait3A_443 : memref<128x128xf32, #tpu.memory_space<hbm>>)
        %add3A_444 = arith.constant 3 : i32
        %add3A_445 = arith.addi %add3A_419, %add3A_444 : i32
        %dma_start3A_446 = arith.constant 0 : i32
        %dma_start3A_447 = tpu.memref_slice %arg5[%add3A_445, %dma_start3A_446] : memref<25x128xi32, #tpu.memory_space<vmem>> -> memref<1x128xi32, #tpu.memory_space<vmem>>
        %dma_start3A_448 = tpu.memref_squeeze %dma_start3A_447 : memref<1x128xi32, #tpu.memory_space<vmem>> -> memref<128xi32, #tpu.memory_space<vmem>>
        %dma_start3A_449 = arith.constant 0 : i32
        %dma_start3A_450 = arith.constant 0 : i32
        %dma_start3A_451 = tpu.memref_slice %arg2[%dma_start3A_449, %dma_start3A_450] : memref<50000x128xf32, #tpu.memory_space<hbm>> -> memref<50000x128xf32, #tpu.memory_space<hbm>>
        tpu.enqueue_indirect_dma source(%dma_start3A_451 : memref<50000x128xf32, #tpu.memory_space<hbm>>) target(%arg7 : memref<128x128xf32, #tpu.memory_space<vmem>>) offsets(%dma_start3A_448 : memref<128xi32, #tpu.memory_space<vmem>>) semaphore(%arg12 : memref<!tpu.dma_semaphore, #tpu.memory_space<semaphore_mem>>)
        %mul3A_452 = arith.constant 5 : i32
        %mul3A_453 = arith.muli %mul3A_452, %scan3A_308 : i32
        %add3A_454 = arith.constant 4 : i32
        %add3A_455 = arith.addi %mul3A_453, %add3A_454 : i32
        %dma_wait3A_456 = arith.constant 0 : i32
        %dma_wait3A_457 = tpu.memref_slice %arg5[%add3A_455, %dma_wait3A_456] : memref<25x128xi32, #tpu.memory_space<vmem>> -> memref<1x128xi32, #tpu.memory_space<vmem>>
        %dma_wait3A_458 = tpu.memref_squeeze %dma_wait3A_457 : memref<1x128xi32, #tpu.memory_space<vmem>> -> memref<128xi32, #tpu.memory_space<vmem>>
        %dma_wait3A_459 = arith.constant 0 : i32
        %dma_wait3A_460 = arith.constant 0 : i32
        %dma_wait3A_461 = tpu.memref_slice %arg2[%dma_wait3A_459, %dma_wait3A_460] : memref<50000x128xf32, #tpu.memory_space<hbm>> -> memref<50000x128xf32, #tpu.memory_space<hbm>>
        tpu.wait_indirect_dma semaphore(%arg15 : memref<!tpu.dma_semaphore, #tpu.memory_space<semaphore_mem>>) src(%dma_wait3A_461 : memref<50000x128xf32, #tpu.memory_space<hbm>>) dst(%arg10 : memref<128x128xf32, #tpu.memory_space<vmem>>)
        %add3A_462 = arith.addi %mul3A_4, %add3A_455 : i32
        %mul3A_463 = arith.constant 128 : i32
        %mul3A_464 = arith.muli %add3A_462, %mul3A_463 : i32
        %dma_start3A_465 = arith.constant 0 : i32
        %dma_start3A_466 = tpu.memref_slice %arg4[%mul3A_464, %dma_start3A_465] : memref<80000x128xf32, #tpu.memory_space<hbm>> -> memref<128x128xf32, #tpu.memory_space<hbm>>
        %dma_start3A_467 = arith.constant 0 : i32
        %dma_start3A_468 = tpu.memref_slice %arg4[%mul3A_464, %dma_start3A_467] : memref<80000x128xf32, #tpu.memory_space<hbm>> -> memref<128x128xf32, #tpu.memory_space<hbm>>
        tpu.enqueue_dma source(%arg10 : memref<128x128xf32, #tpu.memory_space<vmem>>) target(%dma_start3A_468 : memref<128x128xf32, #tpu.memory_space<hbm>>) target_semaphore(%arg20 : memref<!tpu.dma_semaphore, #tpu.memory_space<semaphore_mem>>)
        %add3A_469 = arith.constant 3 : i32
        %add3A_470 = arith.addi %add3A_455, %add3A_469 : i32
        %sub3A_471 = arith.constant 5 : i32
        %sub3A_472 = arith.subi %add3A_470, %sub3A_471 : i32
        %add3A_473 = arith.addi %mul3A_4, %sub3A_472 : i32
        %mul3A_474 = arith.constant 128 : i32
        %mul3A_475 = arith.muli %add3A_473, %mul3A_474 : i32
        %dma_wait3A_476 = arith.constant 0 : i32
        %dma_wait3A_477 = tpu.memref_slice %arg4[%mul3A_475, %dma_wait3A_476] : memref<80000x128xf32, #tpu.memory_space<hbm>> -> memref<128x128xf32, #tpu.memory_space<hbm>>
        %dma_wait3A_478 = arith.constant 0 : i32
        %dma_wait3A_479 = tpu.memref_slice %arg4[%mul3A_475, %dma_wait3A_478] : memref<80000x128xf32, #tpu.memory_space<hbm>> -> memref<128x128xf32, #tpu.memory_space<hbm>>
        tpu.wait_dma2 semaphore(%arg18 : memref<!tpu.dma_semaphore, #tpu.memory_space<semaphore_mem>>) src(%arg8 : memref<128x128xf32, #tpu.memory_space<vmem>>) dst(%dma_wait3A_479 : memref<128x128xf32, #tpu.memory_space<hbm>>)
        %add3A_480 = arith.constant 3 : i32
        %add3A_481 = arith.addi %add3A_455, %add3A_480 : i32
        %dma_start3A_482 = arith.constant 0 : i32
        %dma_start3A_483 = tpu.memref_slice %arg5[%add3A_481, %dma_start3A_482] : memref<25x128xi32, #tpu.memory_space<vmem>> -> memref<1x128xi32, #tpu.memory_space<vmem>>
        %dma_start3A_484 = tpu.memref_squeeze %dma_start3A_483 : memref<1x128xi32, #tpu.memory_space<vmem>> -> memref<128xi32, #tpu.memory_space<vmem>>
        %dma_start3A_485 = arith.constant 0 : i32
        %dma_start3A_486 = arith.constant 0 : i32
        %dma_start3A_487 = tpu.memref_slice %arg2[%dma_start3A_485, %dma_start3A_486] : memref<50000x128xf32, #tpu.memory_space<hbm>> -> memref<50000x128xf32, #tpu.memory_space<hbm>>
        tpu.enqueue_indirect_dma source(%dma_start3A_487 : memref<50000x128xf32, #tpu.memory_space<hbm>>) target(%arg8 : memref<128x128xf32, #tpu.memory_space<vmem>>) offsets(%dma_start3A_484 : memref<128xi32, #tpu.memory_space<vmem>>) semaphore(%arg13 : memref<!tpu.dma_semaphore, #tpu.memory_space<semaphore_mem>>)
      }
      %scan3A_162 = arith.constant 3 : i32
      %dma_wait3A_163 = arith.constant 20 : i32
      %dma_wait3A_164 = arith.constant 0 : i32
      %dma_wait3A_165 = tpu.memref_slice %arg5[%dma_wait3A_163, %dma_wait3A_164] : memref<25x128xi32, #tpu.memory_space<vmem>> -> memref<1x128xi32, #tpu.memory_space<vmem>>
      %dma_wait3A_166 = tpu.memref_squeeze %dma_wait3A_165 : memref<1x128xi32, #tpu.memory_space<vmem>> -> memref<128xi32, #tpu.memory_space<vmem>>
      %dma_wait3A_167 = arith.constant 0 : i32
      %dma_wait3A_168 = arith.constant 0 : i32
      %dma_wait3A_169 = tpu.memref_slice %arg2[%dma_wait3A_167, %dma_wait3A_168] : memref<50000x128xf32, #tpu.memory_space<hbm>> -> memref<50000x128xf32, #tpu.memory_space<hbm>>
      tpu.wait_indirect_dma semaphore(%arg11 : memref<!tpu.dma_semaphore, #tpu.memory_space<semaphore_mem>>) src(%dma_wait3A_169 : memref<50000x128xf32, #tpu.memory_space<hbm>>) dst(%arg6 : memref<128x128xf32, #tpu.memory_space<vmem>>)
      %add3A_170 = arith.constant 20 : i32
      %add3A_171 = arith.addi %mul3A_4, %add3A_170 : i32
      %mul3A_172 = arith.constant 128 : i32
      %mul3A_173 = arith.muli %add3A_171, %mul3A_172 : i32
      %dma_start3A_174 = arith.constant 0 : i32
      %dma_start3A_175 = tpu.memref_slice %arg4[%mul3A_173, %dma_start3A_174] : memref<80000x128xf32, #tpu.memory_space<hbm>> -> memref<128x128xf32, #tpu.memory_space<hbm>>
      %dma_start3A_176 = arith.constant 0 : i32
      %dma_start3A_177 = tpu.memref_slice %arg4[%mul3A_173, %dma_start3A_176] : memref<80000x128xf32, #tpu.memory_space<hbm>> -> memref<128x128xf32, #tpu.memory_space<hbm>>
      tpu.enqueue_dma source(%arg6 : memref<128x128xf32, #tpu.memory_space<vmem>>) target(%dma_start3A_177 : memref<128x128xf32, #tpu.memory_space<hbm>>) target_semaphore(%arg16 : memref<!tpu.dma_semaphore, #tpu.memory_space<semaphore_mem>>)
      %add3A_178 = arith.constant 18 : i32
      %add3A_179 = arith.addi %mul3A_4, %add3A_178 : i32
      %mul3A_180 = arith.constant 128 : i32
      %mul3A_181 = arith.muli %add3A_179, %mul3A_180 : i32
      %dma_wait3A_182 = arith.constant 0 : i32
      %dma_wait3A_183 = tpu.memref_slice %arg4[%mul3A_181, %dma_wait3A_182] : memref<80000x128xf32, #tpu.memory_space<hbm>> -> memref<128x128xf32, #tpu.memory_space<hbm>>
      %dma_wait3A_184 = arith.constant 0 : i32
      %dma_wait3A_185 = tpu.memref_slice %arg4[%mul3A_181, %dma_wait3A_184] : memref<80000x128xf32, #tpu.memory_space<hbm>> -> memref<128x128xf32, #tpu.memory_space<hbm>>
      tpu.wait_dma2 semaphore(%arg19 : memref<!tpu.dma_semaphore, #tpu.memory_space<semaphore_mem>>) src(%arg9 : memref<128x128xf32, #tpu.memory_space<vmem>>) dst(%dma_wait3A_185 : memref<128x128xf32, #tpu.memory_space<hbm>>)
      %dma_start3A_186 = arith.constant 23 : i32
      %dma_start3A_187 = arith.constant 0 : i32
      %dma_start3A_188 = tpu.memref_slice %arg5[%dma_start3A_186, %dma_start3A_187] : memref<25x128xi32, #tpu.memory_space<vmem>> -> memref<1x128xi32, #tpu.memory_space<vmem>>
      %dma_start3A_189 = tpu.memref_squeeze %dma_start3A_188 : memref<1x128xi32, #tpu.memory_space<vmem>> -> memref<128xi32, #tpu.memory_space<vmem>>
      %dma_start3A_190 = arith.constant 0 : i32
      %dma_start3A_191 = arith.constant 0 : i32
      %dma_start3A_192 = tpu.memref_slice %arg2[%dma_start3A_190, %dma_start3A_191] : memref<50000x128xf32, #tpu.memory_space<hbm>> -> memref<50000x128xf32, #tpu.memory_space<hbm>>
      tpu.enqueue_indirect_dma source(%dma_start3A_192 : memref<50000x128xf32, #tpu.memory_space<hbm>>) target(%arg9 : memref<128x128xf32, #tpu.memory_space<vmem>>) offsets(%dma_start3A_189 : memref<128xi32, #tpu.memory_space<vmem>>) semaphore(%arg14 : memref<!tpu.dma_semaphore, #tpu.memory_space<semaphore_mem>>)
      %dma_wait3A_193 = arith.constant 21 : i32
      %dma_wait3A_194 = arith.constant 0 : i32
      %dma_wait3A_195 = tpu.memref_slice %arg5[%dma_wait3A_193, %dma_wait3A_194] : memref<25x128xi32, #tpu.memory_space<vmem>> -> memref<1x128xi32, #tpu.memory_space<vmem>>
      %dma_wait3A_196 = tpu.memref_squeeze %dma_wait3A_195 : memref<1x128xi32, #tpu.memory_space<vmem>> -> memref<128xi32, #tpu.memory_space<vmem>>
      %dma_wait3A_197 = arith.constant 0 : i32
      %dma_wait3A_198 = arith.constant 0 : i32
      %dma_wait3A_199 = tpu.memref_slice %arg2[%dma_wait3A_197, %dma_wait3A_198] : memref<50000x128xf32, #tpu.memory_space<hbm>> -> memref<50000x128xf32, #tpu.memory_space<hbm>>
      tpu.wait_indirect_dma semaphore(%arg12 : memref<!tpu.dma_semaphore, #tpu.memory_space<semaphore_mem>>) src(%dma_wait3A_199 : memref<50000x128xf32, #tpu.memory_space<hbm>>) dst(%arg7 : memref<128x128xf32, #tpu.memory_space<vmem>>)
      %add3A_200 = arith.constant 21 : i32
      %add3A_201 = arith.addi %mul3A_4, %add3A_200 : i32
      %mul3A_202 = arith.constant 128 : i32
      %mul3A_203 = arith.muli %add3A_201, %mul3A_202 : i32
      %dma_start3A_204 = arith.constant 0 : i32
      %dma_start3A_205 = tpu.memref_slice %arg4[%mul3A_203, %dma_start3A_204] : memref<80000x128xf32, #tpu.memory_space<hbm>> -> memref<128x128xf32, #tpu.memory_space<hbm>>
      %dma_start3A_206 = arith.constant 0 : i32
      %dma_start3A_207 = tpu.memref_slice %arg4[%mul3A_203, %dma_start3A_206] : memref<80000x128xf32, #tpu.memory_space<hbm>> -> memref<128x128xf32, #tpu.memory_space<hbm>>
      tpu.enqueue_dma source(%arg7 : memref<128x128xf32, #tpu.memory_space<vmem>>) target(%dma_start3A_207 : memref<128x128xf32, #tpu.memory_space<hbm>>) target_semaphore(%arg17 : memref<!tpu.dma_semaphore, #tpu.memory_space<semaphore_mem>>)
      %add3A_208 = arith.constant 19 : i32
      %add3A_209 = arith.addi %mul3A_4, %add3A_208 : i32
      %mul3A_210 = arith.constant 128 : i32
      %mul3A_211 = arith.muli %add3A_209, %mul3A_210 : i32
      %dma_wait3A_212 = arith.constant 0 : i32
      %dma_wait3A_213 = tpu.memref_slice %arg4[%mul3A_211, %dma_wait3A_212] : memref<80000x128xf32, #tpu.memory_space<hbm>> -> memref<128x128xf32, #tpu.memory_space<hbm>>
      %dma_wait3A_214 = arith.constant 0 : i32
      %dma_wait3A_215 = tpu.memref_slice %arg4[%mul3A_211, %dma_wait3A_214] : memref<80000x128xf32, #tpu.memory_space<hbm>> -> memref<128x128xf32, #tpu.memory_space<hbm>>
      tpu.wait_dma2 semaphore(%arg20 : memref<!tpu.dma_semaphore, #tpu.memory_space<semaphore_mem>>) src(%arg10 : memref<128x128xf32, #tpu.memory_space<vmem>>) dst(%dma_wait3A_215 : memref<128x128xf32, #tpu.memory_space<hbm>>)
      %dma_start3A_216 = arith.constant 24 : i32
      %dma_start3A_217 = arith.constant 0 : i32
      %dma_start3A_218 = tpu.memref_slice %arg5[%dma_start3A_216, %dma_start3A_217] : memref<25x128xi32, #tpu.memory_space<vmem>> -> memref<1x128xi32, #tpu.memory_space<vmem>>
      %dma_start3A_219 = tpu.memref_squeeze %dma_start3A_218 : memref<1x128xi32, #tpu.memory_space<vmem>> -> memref<128xi32, #tpu.memory_space<vmem>>
      %dma_start3A_220 = arith.constant 0 : i32
      %dma_start3A_221 = arith.constant 0 : i32
      %dma_start3A_222 = tpu.memref_slice %arg2[%dma_start3A_220, %dma_start3A_221] : memref<50000x128xf32, #tpu.memory_space<hbm>> -> memref<50000x128xf32, #tpu.memory_space<hbm>>
      tpu.enqueue_indirect_dma source(%dma_start3A_222 : memref<50000x128xf32, #tpu.memory_space<hbm>>) target(%arg10 : memref<128x128xf32, #tpu.memory_space<vmem>>) offsets(%dma_start3A_219 : memref<128xi32, #tpu.memory_space<vmem>>) semaphore(%arg15 : memref<!tpu.dma_semaphore, #tpu.memory_space<semaphore_mem>>)
      %dma_wait3A_223 = arith.constant 22 : i32
      %dma_wait3A_224 = arith.constant 0 : i32
      %dma_wait3A_225 = tpu.memref_slice %arg5[%dma_wait3A_223, %dma_wait3A_224] : memref<25x128xi32, #tpu.memory_space<vmem>> -> memref<1x128xi32, #tpu.memory_space<vmem>>
      %dma_wait3A_226 = tpu.memref_squeeze %dma_wait3A_225 : memref<1x128xi32, #tpu.memory_space<vmem>> -> memref<128xi32, #tpu.memory_space<vmem>>
      %dma_wait3A_227 = arith.constant 0 : i32
      %dma_wait3A_228 = arith.constant 0 : i32
      %dma_wait3A_229 = tpu.memref_slice %arg2[%dma_wait3A_227, %dma_wait3A_228] : memref<50000x128xf32, #tpu.memory_space<hbm>> -> memref<50000x128xf32, #tpu.memory_space<hbm>>
      tpu.wait_indirect_dma semaphore(%arg13 : memref<!tpu.dma_semaphore, #tpu.memory_space<semaphore_mem>>) src(%dma_wait3A_229 : memref<50000x128xf32, #tpu.memory_space<hbm>>) dst(%arg8 : memref<128x128xf32, #tpu.memory_space<vmem>>)
      %add3A_230 = arith.constant 22 : i32
      %add3A_231 = arith.addi %mul3A_4, %add3A_230 : i32
      %mul3A_232 = arith.constant 128 : i32
      %mul3A_233 = arith.muli %add3A_231, %mul3A_232 : i32
      %dma_start3A_234 = arith.constant 0 : i32
      %dma_start3A_235 = tpu.memref_slice %arg4[%mul3A_233, %dma_start3A_234] : memref<80000x128xf32, #tpu.memory_space<hbm>> -> memref<128x128xf32, #tpu.memory_space<hbm>>
      %dma_start3A_236 = arith.constant 0 : i32
      %dma_start3A_237 = tpu.memref_slice %arg4[%mul3A_233, %dma_start3A_236] : memref<80000x128xf32, #tpu.memory_space<hbm>> -> memref<128x128xf32, #tpu.memory_space<hbm>>
      tpu.enqueue_dma source(%arg8 : memref<128x128xf32, #tpu.memory_space<vmem>>) target(%dma_start3A_237 : memref<128x128xf32, #tpu.memory_space<hbm>>) target_semaphore(%arg18 : memref<!tpu.dma_semaphore, #tpu.memory_space<semaphore_mem>>)
      %add3A_238 = arith.constant 20 : i32
      %add3A_239 = arith.addi %mul3A_4, %add3A_238 : i32
      %mul3A_240 = arith.constant 128 : i32
      %mul3A_241 = arith.muli %add3A_239, %mul3A_240 : i32
      %dma_wait3A_242 = arith.constant 0 : i32
      %dma_wait3A_243 = tpu.memref_slice %arg4[%mul3A_241, %dma_wait3A_242] : memref<80000x128xf32, #tpu.memory_space<hbm>> -> memref<128x128xf32, #tpu.memory_space<hbm>>
      %dma_wait3A_244 = arith.constant 0 : i32
      %dma_wait3A_245 = tpu.memref_slice %arg4[%mul3A_241, %dma_wait3A_244] : memref<80000x128xf32, #tpu.memory_space<hbm>> -> memref<128x128xf32, #tpu.memory_space<hbm>>
      tpu.wait_dma2 semaphore(%arg16 : memref<!tpu.dma_semaphore, #tpu.memory_space<semaphore_mem>>) src(%arg6 : memref<128x128xf32, #tpu.memory_space<vmem>>) dst(%dma_wait3A_245 : memref<128x128xf32, #tpu.memory_space<hbm>>)
      %dma_wait3A_246 = arith.constant 23 : i32
      %dma_wait3A_247 = arith.constant 0 : i32
      %dma_wait3A_248 = tpu.memref_slice %arg5[%dma_wait3A_246, %dma_wait3A_247] : memref<25x128xi32, #tpu.memory_space<vmem>> -> memref<1x128xi32, #tpu.memory_space<vmem>>
      %dma_wait3A_249 = tpu.memref_squeeze %dma_wait3A_248 : memref<1x128xi32, #tpu.memory_space<vmem>> -> memref<128xi32, #tpu.memory_space<vmem>>
      %dma_wait3A_250 = arith.constant 0 : i32
      %dma_wait3A_251 = arith.constant 0 : i32
      %dma_wait3A_252 = tpu.memref_slice %arg2[%dma_wait3A_250, %dma_wait3A_251] : memref<50000x128xf32, #tpu.memory_space<hbm>> -> memref<50000x128xf32, #tpu.memory_space<hbm>>
      tpu.wait_indirect_dma semaphore(%arg14 : memref<!tpu.dma_semaphore, #tpu.memory_space<semaphore_mem>>) src(%dma_wait3A_252 : memref<50000x128xf32, #tpu.memory_space<hbm>>) dst(%arg9 : memref<128x128xf32, #tpu.memory_space<vmem>>)
      %add3A_253 = arith.constant 23 : i32
      %add3A_254 = arith.addi %mul3A_4, %add3A_253 : i32
      %mul3A_255 = arith.constant 128 : i32
      %mul3A_256 = arith.muli %add3A_254, %mul3A_255 : i32
      %dma_start3A_257 = arith.constant 0 : i32
      %dma_start3A_258 = tpu.memref_slice %arg4[%mul3A_256, %dma_start3A_257] : memref<80000x128xf32, #tpu.memory_space<hbm>> -> memref<128x128xf32, #tpu.memory_space<hbm>>
      %dma_start3A_259 = arith.constant 0 : i32
      %dma_start3A_260 = tpu.memref_slice %arg4[%mul3A_256, %dma_start3A_259] : memref<80000x128xf32, #tpu.memory_space<hbm>> -> memref<128x128xf32, #tpu.memory_space<hbm>>
      tpu.enqueue_dma source(%arg9 : memref<128x128xf32, #tpu.memory_space<vmem>>) target(%dma_start3A_260 : memref<128x128xf32, #tpu.memory_space<hbm>>) target_semaphore(%arg19 : memref<!tpu.dma_semaphore, #tpu.memory_space<semaphore_mem>>)
      %add3A_261 = arith.constant 21 : i32
      %add3A_262 = arith.addi %mul3A_4, %add3A_261 : i32
      %mul3A_263 = arith.constant 128 : i32
      %mul3A_264 = arith.muli %add3A_262, %mul3A_263 : i32
      %dma_wait3A_265 = arith.constant 0 : i32
      %dma_wait3A_266 = tpu.memref_slice %arg4[%mul3A_264, %dma_wait3A_265] : memref<80000x128xf32, #tpu.memory_space<hbm>> -> memref<128x128xf32, #tpu.memory_space<hbm>>
      %dma_wait3A_267 = arith.constant 0 : i32
      %dma_wait3A_268 = tpu.memref_slice %arg4[%mul3A_264, %dma_wait3A_267] : memref<80000x128xf32, #tpu.memory_space<hbm>> -> memref<128x128xf32, #tpu.memory_space<hbm>>
      tpu.wait_dma2 semaphore(%arg17 : memref<!tpu.dma_semaphore, #tpu.memory_space<semaphore_mem>>) src(%arg7 : memref<128x128xf32, #tpu.memory_space<vmem>>) dst(%dma_wait3A_268 : memref<128x128xf32, #tpu.memory_space<hbm>>)
      %dma_wait3A_269 = arith.constant 24 : i32
      %dma_wait3A_270 = arith.constant 0 : i32
      %dma_wait3A_271 = tpu.memref_slice %arg5[%dma_wait3A_269, %dma_wait3A_270] : memref<25x128xi32, #tpu.memory_space<vmem>> -> memref<1x128xi32, #tpu.memory_space<vmem>>
      %dma_wait3A_272 = tpu.memref_squeeze %dma_wait3A_271 : memref<1x128xi32, #tpu.memory_space<vmem>> -> memref<128xi32, #tpu.memory_space<vmem>>
      %dma_wait3A_273 = arith.constant 0 : i32
      %dma_wait3A_274 = arith.constant 0 : i32
      %dma_wait3A_275 = tpu.memref_slice %arg2[%dma_wait3A_273, %dma_wait3A_274] : memref<50000x128xf32, #tpu.memory_space<hbm>> -> memref<50000x128xf32, #tpu.memory_space<hbm>>
      tpu.wait_indirect_dma semaphore(%arg15 : memref<!tpu.dma_semaphore, #tpu.memory_space<semaphore_mem>>) src(%dma_wait3A_275 : memref<50000x128xf32, #tpu.memory_space<hbm>>) dst(%arg10 : memref<128x128xf32, #tpu.memory_space<vmem>>)
      %add3A_276 = arith.constant 24 : i32
      %add3A_277 = arith.addi %mul3A_4, %add3A_276 : i32
      %mul3A_278 = arith.constant 128 : i32
      %mul3A_279 = arith.muli %add3A_277, %mul3A_278 : i32
      %dma_start3A_280 = arith.constant 0 : i32
      %dma_start3A_281 = tpu.memref_slice %arg4[%mul3A_279, %dma_start3A_280] : memref<80000x128xf32, #tpu.memory_space<hbm>> -> memref<128x128xf32, #tpu.memory_space<hbm>>
      %dma_start3A_282 = arith.constant 0 : i32
      %dma_start3A_283 = tpu.memref_slice %arg4[%mul3A_279, %dma_start3A_282] : memref<80000x128xf32, #tpu.memory_space<hbm>> -> memref<128x128xf32, #tpu.memory_space<hbm>>
      tpu.enqueue_dma source(%arg10 : memref<128x128xf32, #tpu.memory_space<vmem>>) target(%dma_start3A_283 : memref<128x128xf32, #tpu.memory_space<hbm>>) target_semaphore(%arg20 : memref<!tpu.dma_semaphore, #tpu.memory_space<semaphore_mem>>)
      %add3A_284 = arith.constant 22 : i32
      %add3A_285 = arith.addi %mul3A_4, %add3A_284 : i32
      %mul3A_286 = arith.constant 128 : i32
      %mul3A_287 = arith.muli %add3A_285, %mul3A_286 : i32
      %dma_wait3A_288 = arith.constant 0 : i32
      %dma_wait3A_289 = tpu.memref_slice %arg4[%mul3A_287, %dma_wait3A_288] : memref<80000x128xf32, #tpu.memory_space<hbm>> -> memref<128x128xf32, #tpu.memory_space<hbm>>
      %dma_wait3A_290 = arith.constant 0 : i32
      %dma_wait3A_291 = tpu.memref_slice %arg4[%mul3A_287, %dma_wait3A_290] : memref<80000x128xf32, #tpu.memory_space<hbm>> -> memref<128x128xf32, #tpu.memory_space<hbm>>
      tpu.wait_dma2 semaphore(%arg18 : memref<!tpu.dma_semaphore, #tpu.memory_space<semaphore_mem>>) src(%arg8 : memref<128x128xf32, #tpu.memory_space<vmem>>) dst(%dma_wait3A_291 : memref<128x128xf32, #tpu.memory_space<hbm>>)
      %add3A_292 = arith.constant 23 : i32
      %add3A_293 = arith.addi %mul3A_4, %add3A_292 : i32
      %mul3A_294 = arith.constant 128 : i32
      %mul3A_295 = arith.muli %add3A_293, %mul3A_294 : i32
      %dma_wait3A_296 = arith.constant 0 : i32
      %dma_wait3A_297 = tpu.memref_slice %arg4[%mul3A_295, %dma_wait3A_296] : memref<80000x128xf32, #tpu.memory_space<hbm>> -> memref<128x128xf32, #tpu.memory_space<hbm>>
      %dma_wait3A_298 = arith.constant 0 : i32
      %dma_wait3A_299 = tpu.memref_slice %arg4[%mul3A_295, %dma_wait3A_298] : memref<80000x128xf32, #tpu.memory_space<hbm>> -> memref<128x128xf32, #tpu.memory_space<hbm>>
      tpu.wait_dma2 semaphore(%arg19 : memref<!tpu.dma_semaphore, #tpu.memory_space<semaphore_mem>>) src(%arg9 : memref<128x128xf32, #tpu.memory_space<vmem>>) dst(%dma_wait3A_299 : memref<128x128xf32, #tpu.memory_space<hbm>>)
      %add3A_300 = arith.constant 24 : i32
      %add3A_301 = arith.addi %mul3A_4, %add3A_300 : i32
      %mul3A_302 = arith.constant 128 : i32
      %mul3A_303 = arith.muli %add3A_301, %mul3A_302 : i32
      %dma_wait3A_304 = arith.constant 0 : i32
      %dma_wait3A_305 = tpu.memref_slice %arg4[%mul3A_303, %dma_wait3A_304] : memref<80000x128xf32, #tpu.memory_space<hbm>> -> memref<128x128xf32, #tpu.memory_space<hbm>>
      %dma_wait3A_306 = arith.constant 0 : i32
      %dma_wait3A_307 = tpu.memref_slice %arg4[%mul3A_303, %dma_wait3A_306] : memref<80000x128xf32, #tpu.memory_space<hbm>> -> memref<128x128xf32, #tpu.memory_space<hbm>>
      tpu.wait_dma2 semaphore(%arg20 : memref<!tpu.dma_semaphore, #tpu.memory_space<semaphore_mem>>) src(%arg10 : memref<128x128xf32, #tpu.memory_space<vmem>>) dst(%dma_wait3A_307 : memref<128x128xf32, #tpu.memory_space<hbm>>)
    } else {
    }
    return
  }
}

#map = affine_map<(d0, d1) -> (0, 0)>
#map1 = affine_map<(d0, d1) -> (0, 0, 0)>
module attributes {stable_mosaic.version = 14 : i64} {
  func.func @_sc_gather_body(%arg0: i32, %arg1: i32, %arg2: memref<50000x128xf32, #tpu.memory_space<hbm>>, %arg3: memref<25x25x128xi32, #tpu.memory_space<hbm>>, %arg4: memref<80000x128xf32, #tpu.memory_space<hbm>>, %arg5: memref<25x128xi32, #tpu.memory_space<vmem>>, %arg6: memref<128x128xf32, #tpu.memory_space<vmem>>, %arg7: memref<128x128xf32, #tpu.memory_space<vmem>>, %arg8: memref<128x128xf32, #tpu.memory_space<vmem>>, %arg9: memref<128x128xf32, #tpu.memory_space<vmem>>, %arg10: memref<128x128xf32, #tpu.memory_space<vmem>>, %arg11: memref<!tpu.dma_semaphore, #tpu.memory_space<semaphore_mem>>, %arg12: memref<!tpu.dma_semaphore, #tpu.memory_space<semaphore_mem>>, %arg13: memref<!tpu.dma_semaphore, #tpu.memory_space<semaphore_mem>>, %arg14: memref<!tpu.dma_semaphore, #tpu.memory_space<semaphore_mem>>, %arg15: memref<!tpu.dma_semaphore, #tpu.memory_space<semaphore_mem>>, %arg16: memref<!tpu.dma_semaphore, #tpu.memory_space<semaphore_mem>>, %arg17: memref<!tpu.dma_semaphore, #tpu.memory_space<semaphore_mem>>, %arg18: memref<!tpu.dma_semaphore, #tpu.memory_space<semaphore_mem>>, %arg19: memref<!tpu.dma_semaphore, #tpu.memory_space<semaphore_mem>>, %arg20: memref<!tpu.dma_semaphore, #tpu.memory_space<semaphore_mem>>) attributes {dimension_semantics = [#tpu.dimension_semantics<core_parallel>, #tpu.dimension_semantics<subcore_parallel>], iteration_bounds = array<i64: 2, 16>, scalar_prefetch = 0 : i64, scratch_operands = 16 : i64, tpu.core_type = #tpu.core_type<sc_vector_subcore>, window_params = [{transform_indices = #map}, {transform_indices = #map1}, {transform_indices = #map}]} {
    %mul3A = arith.constant 16 : i32
    %mul3A_0 = arith.muli %arg0, %mul3A : i32
    %add3A = arith.addi %mul3A_0, %arg1 : i32
    %lt3A = arith.constant 25 : i32
    %lt3A_1 = arith.cmpi slt, %add3A, %lt3A : i32
    %convert_element_type3A = arith.extui %lt3A_1 : i1 to i32
    %cond3A = arith.constant 0 : i32
    %cond3A_2 = arith.cmpi ne, %convert_element_type3A, %cond3A : i32
    scf.if %cond3A_2 {
      %mul3A_3 = arith.constant 25 : i32
      %mul3A_4 = arith.muli %add3A, %mul3A_3 : i32
      "tpu.region"() ({
        %run_scoped3A = tpu.sem_alloc : memref<!tpu.dma_semaphore, #tpu.memory_space<semaphore_mem>>
        %dma_start3A_308 = arith.constant 0 : i32
        %dma_start3A_309 = arith.constant 0 : i32
        %dma_start3A_310 = tpu.memref_slice %arg3[%add3A, %dma_start3A_308, %dma_start3A_309] : memref<25x25x128xi32, #tpu.memory_space<hbm>> -> memref<1x25x128xi32, #tpu.memory_space<hbm>>
        %dma_start3A_311 = tpu.memref_squeeze %dma_start3A_310 : memref<1x25x128xi32, #tpu.memory_space<hbm>> -> memref<25x128xi32, #tpu.memory_space<hbm>>
        %dma_start3A_312 = arith.constant 0 : i32
        %dma_start3A_313 = arith.constant 0 : i32
        %dma_start3A_314 = tpu.memref_slice %arg3[%add3A, %dma_start3A_312, %dma_start3A_313] : memref<25x25x128xi32, #tpu.memory_space<hbm>> -> memref<1x25x128xi32, #tpu.memory_space<hbm>>
        %dma_start3A_315 = tpu.memref_squeeze %dma_start3A_314 : memref<1x25x128xi32, #tpu.memory_space<hbm>> -> memref<25x128xi32, #tpu.memory_space<hbm>>
        tpu.enqueue_dma source(%dma_start3A_315 : memref<25x128xi32, #tpu.memory_space<hbm>>) target(%arg5 : memref<25x128xi32, #tpu.memory_space<vmem>>) target_semaphore(%run_scoped3A : memref<!tpu.dma_semaphore, #tpu.memory_space<semaphore_mem>>)
        %dma_wait3A_316 = arith.constant 0 : i32
        %dma_wait3A_317 = arith.constant 0 : i32
        %dma_wait3A_318 = tpu.memref_slice %arg3[%add3A, %dma_wait3A_316, %dma_wait3A_317] : memref<25x25x128xi32, #tpu.memory_space<hbm>> -> memref<1x25x128xi32, #tpu.memory_space<hbm>>
        %dma_wait3A_319 = tpu.memref_squeeze %dma_wait3A_318 : memref<1x25x128xi32, #tpu.memory_space<hbm>> -> memref<25x128xi32, #tpu.memory_space<hbm>>
        %dma_wait3A_320 = arith.constant 0 : i32
        %dma_wait3A_321 = arith.constant 0 : i32
        %dma_wait3A_322 = tpu.memref_slice %arg3[%add3A, %dma_wait3A_320, %dma_wait3A_321] : memref<25x25x128xi32, #tpu.memory_space<hbm>> -> memref<1x25x128xi32, #tpu.memory_space<hbm>>
        %dma_wait3A_323 = tpu.memref_squeeze %dma_wait3A_322 : memref<1x25x128xi32, #tpu.memory_space<hbm>> -> memref<25x128xi32, #tpu.memory_space<hbm>>
        tpu.wait_dma2 semaphore(%run_scoped3A : memref<!tpu.dma_semaphore, #tpu.memory_space<semaphore_mem>>) src(%dma_wait3A_323 : memref<25x128xi32, #tpu.memory_space<hbm>>) dst(%arg5 : memref<25x128xi32, #tpu.memory_space<vmem>>)
        tpu.yield
      }) : () -> ()
      %dma_start3A = arith.constant 0 : i32
      %dma_start3A_5 = arith.constant 0 : i32
      %dma_start3A_6 = tpu.memref_slice %arg5[%dma_start3A, %dma_start3A_5] : memref<25x128xi32, #tpu.memory_space<vmem>> -> memref<1x128xi32, #tpu.memory_space<vmem>>
      %dma_start3A_7 = tpu.memref_squeeze %dma_start3A_6 : memref<1x128xi32, #tpu.memory_space<vmem>> -> memref<128xi32, #tpu.memory_space<vmem>>
      %dma_start3A_8 = arith.constant 0 : i32
      %dma_start3A_9 = arith.constant 0 : i32
      %dma_start3A_10 = tpu.memref_slice %arg2[%dma_start3A_8, %dma_start3A_9] : memref<50000x128xf32, #tpu.memory_space<hbm>> -> memref<50000x128xf32, #tpu.memory_space<hbm>>
      tpu.enqueue_indirect_dma source(%dma_start3A_10 : memref<50000x128xf32, #tpu.memory_space<hbm>>) target(%arg6 : memref<128x128xf32, #tpu.memory_space<vmem>>) offsets(%dma_start3A_7 : memref<128xi32, #tpu.memory_space<vmem>>) semaphore(%arg11 : memref<!tpu.dma_semaphore, #tpu.memory_space<semaphore_mem>>)
      %dma_start3A_11 = arith.constant 1 : i32
      %dma_start3A_12 = arith.constant 0 : i32
      %dma_start3A_13 = tpu.memref_slice %arg5[%dma_start3A_11, %dma_start3A_12] : memref<25x128xi32, #tpu.memory_space<vmem>> -> memref<1x128xi32, #tpu.memory_space<vmem>>
      %dma_start3A_14 = tpu.memref_squeeze %dma_start3A_13 : memref<1x128xi32, #tpu.memory_space<vmem>> -> memref<128xi32, #tpu.memory_space<vmem>>
      %dma_start3A_15 = arith.constant 0 : i32
      %dma_start3A_16 = arith.constant 0 : i32
      %dma_start3A_17 = tpu.memref_slice %arg2[%dma_start3A_15, %dma_start3A_16] : memref<50000x128xf32, #tpu.memory_space<hbm>> -> memref<50000x128xf32, #tpu.memory_space<hbm>>
      tpu.enqueue_indirect_dma source(%dma_start3A_17 : memref<50000x128xf32, #tpu.memory_space<hbm>>) target(%arg7 : memref<128x128xf32, #tpu.memory_space<vmem>>) offsets(%dma_start3A_14 : memref<128xi32, #tpu.memory_space<vmem>>) semaphore(%arg12 : memref<!tpu.dma_semaphore, #tpu.memory_space<semaphore_mem>>)
      %dma_start3A_18 = arith.constant 2 : i32
      %dma_start3A_19 = arith.constant 0 : i32
      %dma_start3A_20 = tpu.memref_slice %arg5[%dma_start3A_18, %dma_start3A_19] : memref<25x128xi32, #tpu.memory_space<vmem>> -> memref<1x128xi32, #tpu.memory_space<vmem>>
      %dma_start3A_21 = tpu.memref_squeeze %dma_start3A_20 : memref<1x128xi32, #tpu.memory_space<vmem>> -> memref<128xi32, #tpu.memory_space<vmem>>
      %dma_start3A_22 = arith.constant 0 : i32
      %dma_start3A_23 = arith.constant 0 : i32
      %dma_start3A_24 = tpu.memref_slice %arg2[%dma_start3A_22, %dma_start3A_23] : memref<50000x128xf32, #tpu.memory_space<hbm>> -> memref<50000x128xf32, #tpu.memory_space<hbm>>
      tpu.enqueue_indirect_dma source(%dma_start3A_24 : memref<50000x128xf32, #tpu.memory_space<hbm>>) target(%arg8 : memref<128x128xf32, #tpu.memory_space<vmem>>) offsets(%dma_start3A_21 : memref<128xi32, #tpu.memory_space<vmem>>) semaphore(%arg13 : memref<!tpu.dma_semaphore, #tpu.memory_space<semaphore_mem>>)
      %dma_wait3A = arith.constant 0 : i32
      %dma_wait3A_25 = arith.constant 0 : i32
      %dma_wait3A_26 = tpu.memref_slice %arg5[%dma_wait3A, %dma_wait3A_25] : memref<25x128xi32, #tpu.memory_space<vmem>> -> memref<1x128xi32, #tpu.memory_space<vmem>>
      %dma_wait3A_27 = tpu.memref_squeeze %dma_wait3A_26 : memref<1x128xi32, #tpu.memory_space<vmem>> -> memref<128xi32, #tpu.memory_space<vmem>>
      %dma_wait3A_28 = arith.constant 0 : i32
      %dma_wait3A_29 = arith.constant 0 : i32
      %dma_wait3A_30 = tpu.memref_slice %arg2[%dma_wait3A_28, %dma_wait3A_29] : memref<50000x128xf32, #tpu.memory_space<hbm>> -> memref<50000x128xf32, #tpu.memory_space<hbm>>
      tpu.wait_indirect_dma semaphore(%arg11 : memref<!tpu.dma_semaphore, #tpu.memory_space<semaphore_mem>>) src(%dma_wait3A_30 : memref<50000x128xf32, #tpu.memory_space<hbm>>) dst(%arg6 : memref<128x128xf32, #tpu.memory_space<vmem>>)
      %add3A_31 = arith.constant 0 : i32
      %add3A_32 = arith.addi %mul3A_4, %add3A_31 : i32
      %mul3A_33 = arith.constant 128 : i32
      %mul3A_34 = arith.muli %add3A_32, %mul3A_33 : i32
      %dma_start3A_35 = arith.constant 0 : i32
      %dma_start3A_36 = tpu.memref_slice %arg4[%mul3A_34, %dma_start3A_35] : memref<80000x128xf32, #tpu.memory_space<hbm>> -> memref<128x128xf32, #tpu.memory_space<hbm>>
      %dma_start3A_37 = arith.constant 0 : i32
      %dma_start3A_38 = tpu.memref_slice %arg4[%mul3A_34, %dma_start3A_37] : memref<80000x128xf32, #tpu.memory_space<hbm>> -> memref<128x128xf32, #tpu.memory_space<hbm>>
      tpu.enqueue_dma source(%arg6 : memref<128x128xf32, #tpu.memory_space<vmem>>) target(%dma_start3A_38 : memref<128x128xf32, #tpu.memory_space<hbm>>) target_semaphore(%arg16 : memref<!tpu.dma_semaphore, #tpu.memory_space<semaphore_mem>>)
      %dma_start3A_39 = arith.constant 3 : i32
      %dma_start3A_40 = arith.constant 0 : i32
      %dma_start3A_41 = tpu.memref_slice %arg5[%dma_start3A_39, %dma_start3A_40] : memref<25x128xi32, #tpu.memory_space<vmem>> -> memref<1x128xi32, #tpu.memory_space<vmem>>
      %dma_start3A_42 = tpu.memref_squeeze %dma_start3A_41 : memref<1x128xi32, #tpu.memory_space<vmem>> -> memref<128xi32, #tpu.memory_space<vmem>>
      %dma_start3A_43 = arith.constant 0 : i32
      %dma_start3A_44 = arith.constant 0 : i32
      %dma_start3A_45 = tpu.memref_slice %arg2[%dma_start3A_43, %dma_start3A_44] : memref<50000x128xf32, #tpu.memory_space<hbm>> -> memref<50000x128xf32, #tpu.memory_space<hbm>>
      tpu.enqueue_indirect_dma source(%dma_start3A_45 : memref<50000x128xf32, #tpu.memory_space<hbm>>) target(%arg9 : memref<128x128xf32, #tpu.memory_space<vmem>>) offsets(%dma_start3A_42 : memref<128xi32, #tpu.memory_space<vmem>>) semaphore(%arg14 : memref<!tpu.dma_semaphore, #tpu.memory_space<semaphore_mem>>)
      %dma_wait3A_46 = arith.constant 1 : i32
      %dma_wait3A_47 = arith.constant 0 : i32
      %dma_wait3A_48 = tpu.memref_slice %arg5[%dma_wait3A_46, %dma_wait3A_47] : memref<25x128xi32, #tpu.memory_space<vmem>> -> memref<1x128xi32, #tpu.memory_space<vmem>>
      %dma_wait3A_49 = tpu.memref_squeeze %dma_wait3A_48 : memref<1x128xi32, #tpu.memory_space<vmem>> -> memref<128xi32, #tpu.memory_space<vmem>>
      %dma_wait3A_50 = arith.constant 0 : i32
      %dma_wait3A_51 = arith.constant 0 : i32
      %dma_wait3A_52 = tpu.memref_slice %arg2[%dma_wait3A_50, %dma_wait3A_51] : memref<50000x128xf32, #tpu.memory_space<hbm>> -> memref<50000x128xf32, #tpu.memory_space<hbm>>
      tpu.wait_indirect_dma semaphore(%arg12 : memref<!tpu.dma_semaphore, #tpu.memory_space<semaphore_mem>>) src(%dma_wait3A_52 : memref<50000x128xf32, #tpu.memory_space<hbm>>) dst(%arg7 : memref<128x128xf32, #tpu.memory_space<vmem>>)
      %add3A_53 = arith.constant 1 : i32
      %add3A_54 = arith.addi %mul3A_4, %add3A_53 : i32
      %mul3A_55 = arith.constant 128 : i32
      %mul3A_56 = arith.muli %add3A_54, %mul3A_55 : i32
      %dma_start3A_57 = arith.constant 0 : i32
      %dma_start3A_58 = tpu.memref_slice %arg4[%mul3A_56, %dma_start3A_57] : memref<80000x128xf32, #tpu.memory_space<hbm>> -> memref<128x128xf32, #tpu.memory_space<hbm>>
      %dma_start3A_59 = arith.constant 0 : i32
      %dma_start3A_60 = tpu.memref_slice %arg4[%mul3A_56, %dma_start3A_59] : memref<80000x128xf32, #tpu.memory_space<hbm>> -> memref<128x128xf32, #tpu.memory_space<hbm>>
      tpu.enqueue_dma source(%arg7 : memref<128x128xf32, #tpu.memory_space<vmem>>) target(%dma_start3A_60 : memref<128x128xf32, #tpu.memory_space<hbm>>) target_semaphore(%arg17 : memref<!tpu.dma_semaphore, #tpu.memory_space<semaphore_mem>>)
      %dma_start3A_61 = arith.constant 4 : i32
      %dma_start3A_62 = arith.constant 0 : i32
      %dma_start3A_63 = tpu.memref_slice %arg5[%dma_start3A_61, %dma_start3A_62] : memref<25x128xi32, #tpu.memory_space<vmem>> -> memref<1x128xi32, #tpu.memory_space<vmem>>
      %dma_start3A_64 = tpu.memref_squeeze %dma_start3A_63 : memref<1x128xi32, #tpu.memory_space<vmem>> -> memref<128xi32, #tpu.memory_space<vmem>>
      %dma_start3A_65 = arith.constant 0 : i32
      %dma_start3A_66 = arith.constant 0 : i32
      %dma_start3A_67 = tpu.memref_slice %arg2[%dma_start3A_65, %dma_start3A_66] : memref<50000x128xf32, #tpu.memory_space<hbm>> -> memref<50000x128xf32, #tpu.memory_space<hbm>>
      tpu.enqueue_indirect_dma source(%dma_start3A_67 : memref<50000x128xf32, #tpu.memory_space<hbm>>) target(%arg10 : memref<128x128xf32, #tpu.memory_space<vmem>>) offsets(%dma_start3A_64 : memref<128xi32, #tpu.memory_space<vmem>>) semaphore(%arg15 : memref<!tpu.dma_semaphore, #tpu.memory_space<semaphore_mem>>)
      %dma_wait3A_68 = arith.constant 2 : i32
      %dma_wait3A_69 = arith.constant 0 : i32
      %dma_wait3A_70 = tpu.memref_slice %arg5[%dma_wait3A_68, %dma_wait3A_69] : memref<25x128xi32, #tpu.memory_space<vmem>> -> memref<1x128xi32, #tpu.memory_space<vmem>>
      %dma_wait3A_71 = tpu.memref_squeeze %dma_wait3A_70 : memref<1x128xi32, #tpu.memory_space<vmem>> -> memref<128xi32, #tpu.memory_space<vmem>>
      %dma_wait3A_72 = arith.constant 0 : i32
      %dma_wait3A_73 = arith.constant 0 : i32
      %dma_wait3A_74 = tpu.memref_slice %arg2[%dma_wait3A_72, %dma_wait3A_73] : memref<50000x128xf32, #tpu.memory_space<hbm>> -> memref<50000x128xf32, #tpu.memory_space<hbm>>
      tpu.wait_indirect_dma semaphore(%arg13 : memref<!tpu.dma_semaphore, #tpu.memory_space<semaphore_mem>>) src(%dma_wait3A_74 : memref<50000x128xf32, #tpu.memory_space<hbm>>) dst(%arg8 : memref<128x128xf32, #tpu.memory_space<vmem>>)
      %add3A_75 = arith.constant 2 : i32
      %add3A_76 = arith.addi %mul3A_4, %add3A_75 : i32
      %mul3A_77 = arith.constant 128 : i32
      %mul3A_78 = arith.muli %add3A_76, %mul3A_77 : i32
      %dma_start3A_79 = arith.constant 0 : i32
      %dma_start3A_80 = tpu.memref_slice %arg4[%mul3A_78, %dma_start3A_79] : memref<80000x128xf32, #tpu.memory_space<hbm>> -> memref<128x128xf32, #tpu.memory_space<hbm>>
      %dma_start3A_81 = arith.constant 0 : i32
      %dma_start3A_82 = tpu.memref_slice %arg4[%mul3A_78, %dma_start3A_81] : memref<80000x128xf32, #tpu.memory_space<hbm>> -> memref<128x128xf32, #tpu.memory_space<hbm>>
      tpu.enqueue_dma source(%arg8 : memref<128x128xf32, #tpu.memory_space<vmem>>) target(%dma_start3A_82 : memref<128x128xf32, #tpu.memory_space<hbm>>) target_semaphore(%arg18 : memref<!tpu.dma_semaphore, #tpu.memory_space<semaphore_mem>>)
      %add3A_83 = arith.constant 0 : i32
      %add3A_84 = arith.addi %mul3A_4, %add3A_83 : i32
      %mul3A_85 = arith.constant 128 : i32
      %mul3A_86 = arith.muli %add3A_84, %mul3A_85 : i32
      %dma_wait3A_87 = arith.constant 0 : i32
      %dma_wait3A_88 = tpu.memref_slice %arg4[%mul3A_86, %dma_wait3A_87] : memref<80000x128xf32, #tpu.memory_space<hbm>> -> memref<128x128xf32, #tpu.memory_space<hbm>>
      %dma_wait3A_89 = arith.constant 0 : i32
      %dma_wait3A_90 = tpu.memref_slice %arg4[%mul3A_86, %dma_wait3A_89] : memref<80000x128xf32, #tpu.memory_space<hbm>> -> memref<128x128xf32, #tpu.memory_space<hbm>>
      tpu.wait_dma2 semaphore(%arg16 : memref<!tpu.dma_semaphore, #tpu.memory_space<semaphore_mem>>) src(%arg6 : memref<128x128xf32, #tpu.memory_space<vmem>>) dst(%dma_wait3A_90 : memref<128x128xf32, #tpu.memory_space<hbm>>)
      %dma_start3A_91 = arith.constant 5 : i32
      %dma_start3A_92 = arith.constant 0 : i32
      %dma_start3A_93 = tpu.memref_slice %arg5[%dma_start3A_91, %dma_start3A_92] : memref<25x128xi32, #tpu.memory_space<vmem>> -> memref<1x128xi32, #tpu.memory_space<vmem>>
      %dma_start3A_94 = tpu.memref_squeeze %dma_start3A_93 : memref<1x128xi32, #tpu.memory_space<vmem>> -> memref<128xi32, #tpu.memory_space<vmem>>
      %dma_start3A_95 = arith.constant 0 : i32
      %dma_start3A_96 = arith.constant 0 : i32
      %dma_start3A_97 = tpu.memref_slice %arg2[%dma_start3A_95, %dma_start3A_96] : memref<50000x128xf32, #tpu.memory_space<hbm>> -> memref<50000x128xf32, #tpu.memory_space<hbm>>
      tpu.enqueue_indirect_dma source(%dma_start3A_97 : memref<50000x128xf32, #tpu.memory_space<hbm>>) target(%arg6 : memref<128x128xf32, #tpu.memory_space<vmem>>) offsets(%dma_start3A_94 : memref<128xi32, #tpu.memory_space<vmem>>) semaphore(%arg11 : memref<!tpu.dma_semaphore, #tpu.memory_space<semaphore_mem>>)
      %dma_wait3A_98 = arith.constant 3 : i32
      %dma_wait3A_99 = arith.constant 0 : i32
      %dma_wait3A_100 = tpu.memref_slice %arg5[%dma_wait3A_98, %dma_wait3A_99] : memref<25x128xi32, #tpu.memory_space<vmem>> -> memref<1x128xi32, #tpu.memory_space<vmem>>
      %dma_wait3A_101 = tpu.memref_squeeze %dma_wait3A_100 : memref<1x128xi32, #tpu.memory_space<vmem>> -> memref<128xi32, #tpu.memory_space<vmem>>
      %dma_wait3A_102 = arith.constant 0 : i32
      %dma_wait3A_103 = arith.constant 0 : i32
      %dma_wait3A_104 = tpu.memref_slice %arg2[%dma_wait3A_102, %dma_wait3A_103] : memref<50000x128xf32, #tpu.memory_space<hbm>> -> memref<50000x128xf32, #tpu.memory_space<hbm>>
      tpu.wait_indirect_dma semaphore(%arg14 : memref<!tpu.dma_semaphore, #tpu.memory_space<semaphore_mem>>) src(%dma_wait3A_104 : memref<50000x128xf32, #tpu.memory_space<hbm>>) dst(%arg9 : memref<128x128xf32, #tpu.memory_space<vmem>>)
      %add3A_105 = arith.constant 3 : i32
      %add3A_106 = arith.addi %mul3A_4, %add3A_105 : i32
      %mul3A_107 = arith.constant 128 : i32
      %mul3A_108 = arith.muli %add3A_106, %mul3A_107 : i32
      %dma_start3A_109 = arith.constant 0 : i32
      %dma_start3A_110 = tpu.memref_slice %arg4[%mul3A_108, %dma_start3A_109] : memref<80000x128xf32, #tpu.memory_space<hbm>> -> memref<128x128xf32, #tpu.memory_space<hbm>>
      %dma_start3A_111 = arith.constant 0 : i32
      %dma_start3A_112 = tpu.memref_slice %arg4[%mul3A_108, %dma_start3A_111] : memref<80000x128xf32, #tpu.memory_space<hbm>> -> memref<128x128xf32, #tpu.memory_space<hbm>>
      tpu.enqueue_dma source(%arg9 : memref<128x128xf32, #tpu.memory_space<vmem>>) target(%dma_start3A_112 : memref<128x128xf32, #tpu.memory_space<hbm>>) target_semaphore(%arg19 : memref<!tpu.dma_semaphore, #tpu.memory_space<semaphore_mem>>)
      %add3A_113 = arith.constant 1 : i32
      %add3A_114 = arith.addi %mul3A_4, %add3A_113 : i32
      %mul3A_115 = arith.constant 128 : i32
      %mul3A_116 = arith.muli %add3A_114, %mul3A_115 : i32
      %dma_wait3A_117 = arith.constant 0 : i32
      %dma_wait3A_118 = tpu.memref_slice %arg4[%mul3A_116, %dma_wait3A_117] : memref<80000x128xf32, #tpu.memory_space<hbm>> -> memref<128x128xf32, #tpu.memory_space<hbm>>
      %dma_wait3A_119 = arith.constant 0 : i32
      %dma_wait3A_120 = tpu.memref_slice %arg4[%mul3A_116, %dma_wait3A_119] : memref<80000x128xf32, #tpu.memory_space<hbm>> -> memref<128x128xf32, #tpu.memory_space<hbm>>
      tpu.wait_dma2 semaphore(%arg17 : memref<!tpu.dma_semaphore, #tpu.memory_space<semaphore_mem>>) src(%arg7 : memref<128x128xf32, #tpu.memory_space<vmem>>) dst(%dma_wait3A_120 : memref<128x128xf32, #tpu.memory_space<hbm>>)
      %dma_start3A_121 = arith.constant 6 : i32
      %dma_start3A_122 = arith.constant 0 : i32
      %dma_start3A_123 = tpu.memref_slice %arg5[%dma_start3A_121, %dma_start3A_122] : memref<25x128xi32, #tpu.memory_space<vmem>> -> memref<1x128xi32, #tpu.memory_space<vmem>>
      %dma_start3A_124 = tpu.memref_squeeze %dma_start3A_123 : memref<1x128xi32, #tpu.memory_space<vmem>> -> memref<128xi32, #tpu.memory_space<vmem>>
      %dma_start3A_125 = arith.constant 0 : i32
      %dma_start3A_126 = arith.constant 0 : i32
      %dma_start3A_127 = tpu.memref_slice %arg2[%dma_start3A_125, %dma_start3A_126] : memref<50000x128xf32, #tpu.memory_space<hbm>> -> memref<50000x128xf32, #tpu.memory_space<hbm>>
      tpu.enqueue_indirect_dma source(%dma_start3A_127 : memref<50000x128xf32, #tpu.memory_space<hbm>>) target(%arg7 : memref<128x128xf32, #tpu.memory_space<vmem>>) offsets(%dma_start3A_124 : memref<128xi32, #tpu.memory_space<vmem>>) semaphore(%arg12 : memref<!tpu.dma_semaphore, #tpu.memory_space<semaphore_mem>>)
      %dma_wait3A_128 = arith.constant 4 : i32
      %dma_wait3A_129 = arith.constant 0 : i32
      %dma_wait3A_130 = tpu.memref_slice %arg5[%dma_wait3A_128, %dma_wait3A_129] : memref<25x128xi32, #tpu.memory_space<vmem>> -> memref<1x128xi32, #tpu.memory_space<vmem>>
      %dma_wait3A_131 = tpu.memref_squeeze %dma_wait3A_130 : memref<1x128xi32, #tpu.memory_space<vmem>> -> memref<128xi32, #tpu.memory_space<vmem>>
      %dma_wait3A_132 = arith.constant 0 : i32
      %dma_wait3A_133 = arith.constant 0 : i32
      %dma_wait3A_134 = tpu.memref_slice %arg2[%dma_wait3A_132, %dma_wait3A_133] : memref<50000x128xf32, #tpu.memory_space<hbm>> -> memref<50000x128xf32, #tpu.memory_space<hbm>>
      tpu.wait_indirect_dma semaphore(%arg15 : memref<!tpu.dma_semaphore, #tpu.memory_space<semaphore_mem>>) src(%dma_wait3A_134 : memref<50000x128xf32, #tpu.memory_space<hbm>>) dst(%arg10 : memref<128x128xf32, #tpu.memory_space<vmem>>)
      %add3A_135 = arith.constant 4 : i32
      %add3A_136 = arith.addi %mul3A_4, %add3A_135 : i32
      %mul3A_137 = arith.constant 128 : i32
      %mul3A_138 = arith.muli %add3A_136, %mul3A_137 : i32
      %dma_start3A_139 = arith.constant 0 : i32
      %dma_start3A_140 = tpu.memref_slice %arg4[%mul3A_138, %dma_start3A_139] : memref<80000x128xf32, #tpu.memory_space<hbm>> -> memref<128x128xf32, #tpu.memory_space<hbm>>
      %dma_start3A_141 = arith.constant 0 : i32
      %dma_start3A_142 = tpu.memref_slice %arg4[%mul3A_138, %dma_start3A_141] : memref<80000x128xf32, #tpu.memory_space<hbm>> -> memref<128x128xf32, #tpu.memory_space<hbm>>
      tpu.enqueue_dma source(%arg10 : memref<128x128xf32, #tpu.memory_space<vmem>>) target(%dma_start3A_142 : memref<128x128xf32, #tpu.memory_space<hbm>>) target_semaphore(%arg20 : memref<!tpu.dma_semaphore, #tpu.memory_space<semaphore_mem>>)
      %add3A_143 = arith.constant 2 : i32
      %add3A_144 = arith.addi %mul3A_4, %add3A_143 : i32
      %mul3A_145 = arith.constant 128 : i32
      %mul3A_146 = arith.muli %add3A_144, %mul3A_145 : i32
      %dma_wait3A_147 = arith.constant 0 : i32
      %dma_wait3A_148 = tpu.memref_slice %arg4[%mul3A_146, %dma_wait3A_147] : memref<80000x128xf32, #tpu.memory_space<hbm>> -> memref<128x128xf32, #tpu.memory_space<hbm>>
      %dma_wait3A_149 = arith.constant 0 : i32
      %dma_wait3A_150 = tpu.memref_slice %arg4[%mul3A_146, %dma_wait3A_149] : memref<80000x128xf32, #tpu.memory_space<hbm>> -> memref<128x128xf32, #tpu.memory_space<hbm>>
      tpu.wait_dma2 semaphore(%arg18 : memref<!tpu.dma_semaphore, #tpu.memory_space<semaphore_mem>>) src(%arg8 : memref<128x128xf32, #tpu.memory_space<vmem>>) dst(%dma_wait3A_150 : memref<128x128xf32, #tpu.memory_space<hbm>>)
      %dma_start3A_151 = arith.constant 7 : i32
      %dma_start3A_152 = arith.constant 0 : i32
      %dma_start3A_153 = tpu.memref_slice %arg5[%dma_start3A_151, %dma_start3A_152] : memref<25x128xi32, #tpu.memory_space<vmem>> -> memref<1x128xi32, #tpu.memory_space<vmem>>
      %dma_start3A_154 = tpu.memref_squeeze %dma_start3A_153 : memref<1x128xi32, #tpu.memory_space<vmem>> -> memref<128xi32, #tpu.memory_space<vmem>>
      %dma_start3A_155 = arith.constant 0 : i32
      %dma_start3A_156 = arith.constant 0 : i32
      %dma_start3A_157 = tpu.memref_slice %arg2[%dma_start3A_155, %dma_start3A_156] : memref<50000x128xf32, #tpu.memory_space<hbm>> -> memref<50000x128xf32, #tpu.memory_space<hbm>>
      tpu.enqueue_indirect_dma source(%dma_start3A_157 : memref<50000x128xf32, #tpu.memory_space<hbm>>) target(%arg8 : memref<128x128xf32, #tpu.memory_space<vmem>>) offsets(%dma_start3A_154 : memref<128xi32, #tpu.memory_space<vmem>>) semaphore(%arg13 : memref<!tpu.dma_semaphore, #tpu.memory_space<semaphore_mem>>)
      %scan3A = arith.constant 0 : i32
      %scan3A_158 = arith.constant 1 : i32
      %scan3A_159 = arith.constant 3 : i32
      %scan3A_160 = arith.addi %scan3A_158, %scan3A_159 : i32
      %scan3A_161 = arith.constant 1 : i32
      scf.for %scan3A_308 = %scan3A_158 to %scan3A_160 step %scan3A_161  : i32 {
        %mul3A_309 = arith.constant 5 : i32
        %mul3A_310 = arith.muli %mul3A_309, %scan3A_308 : i32
        %add3A_311 = arith.constant 0 : i32
        %add3A_312 = arith.addi %mul3A_310, %add3A_311 : i32
        %dma_wait3A_313 = arith.constant 0 : i32
        %dma_wait3A_314 = tpu.memref_slice %arg5[%add3A_312, %dma_wait3A_313] : memref<25x128xi32, #tpu.memory_space<vmem>> -> memref<1x128xi32, #tpu.memory_space<vmem>>
        %dma_wait3A_315 = tpu.memref_squeeze %dma_wait3A_314 : memref<1x128xi32, #tpu.memory_space<vmem>> -> memref<128xi32, #tpu.memory_space<vmem>>
        %dma_wait3A_316 = arith.constant 0 : i32
        %dma_wait3A_317 = arith.constant 0 : i32
        %dma_wait3A_318 = tpu.memref_slice %arg2[%dma_wait3A_316, %dma_wait3A_317] : memref<50000x128xf32, #tpu.memory_space<hbm>> -> memref<50000x128xf32, #tpu.memory_space<hbm>>
        tpu.wait_indirect_dma semaphore(%arg11 : memref<!tpu.dma_semaphore, #tpu.memory_space<semaphore_mem>>) src(%dma_wait3A_318 : memref<50000x128xf32, #tpu.memory_space<hbm>>) dst(%arg6 : memref<128x128xf32, #tpu.memory_space<vmem>>)
        %add3A_319 = arith.addi %mul3A_4, %add3A_312 : i32
        %mul3A_320 = arith.constant 128 : i32
        %mul3A_321 = arith.muli %add3A_319, %mul3A_320 : i32
        %dma_start3A_322 = arith.constant 0 : i32
        %dma_start3A_323 = tpu.memref_slice %arg4[%mul3A_321, %dma_start3A_322] : memref<80000x128xf32, #tpu.memory_space<hbm>> -> memref<128x128xf32, #tpu.memory_space<hbm>>
        %dma_start3A_324 = arith.constant 0 : i32
        %dma_start3A_325 = tpu.memref_slice %arg4[%mul3A_321, %dma_start3A_324] : memref<80000x128xf32, #tpu.memory_space<hbm>> -> memref<128x128xf32, #tpu.memory_space<hbm>>
        tpu.enqueue_dma source(%arg6 : memref<128x128xf32, #tpu.memory_space<vmem>>) target(%dma_start3A_325 : memref<128x128xf32, #tpu.memory_space<hbm>>) target_semaphore(%arg16 : memref<!tpu.dma_semaphore, #tpu.memory_space<semaphore_mem>>)
        %add3A_326 = arith.constant 3 : i32
        %add3A_327 = arith.addi %add3A_312, %add3A_326 : i32
        %sub3A = arith.constant 5 : i32
        %sub3A_328 = arith.subi %add3A_327, %sub3A : i32
        %add3A_329 = arith.addi %mul3A_4, %sub3A_328 : i32
        %mul3A_330 = arith.constant 128 : i32
        %mul3A_331 = arith.muli %add3A_329, %mul3A_330 : i32
        %dma_wait3A_332 = arith.constant 0 : i32
        %dma_wait3A_333 = tpu.memref_slice %arg4[%mul3A_331, %dma_wait3A_332] : memref<80000x128xf32, #tpu.memory_space<hbm>> -> memref<128x128xf32, #tpu.memory_space<hbm>>
        %dma_wait3A_334 = arith.constant 0 : i32
        %dma_wait3A_335 = tpu.memref_slice %arg4[%mul3A_331, %dma_wait3A_334] : memref<80000x128xf32, #tpu.memory_space<hbm>> -> memref<128x128xf32, #tpu.memory_space<hbm>>
        tpu.wait_dma2 semaphore(%arg19 : memref<!tpu.dma_semaphore, #tpu.memory_space<semaphore_mem>>) src(%arg9 : memref<128x128xf32, #tpu.memory_space<vmem>>) dst(%dma_wait3A_335 : memref<128x128xf32, #tpu.memory_space<hbm>>)
        %add3A_336 = arith.constant 3 : i32
        %add3A_337 = arith.addi %add3A_312, %add3A_336 : i32
        %dma_start3A_338 = arith.constant 0 : i32
        %dma_start3A_339 = tpu.memref_slice %arg5[%add3A_337, %dma_start3A_338] : memref<25x128xi32, #tpu.memory_space<vmem>> -> memref<1x128xi32, #tpu.memory_space<vmem>>
        %dma_start3A_340 = tpu.memref_squeeze %dma_start3A_339 : memref<1x128xi32, #tpu.memory_space<vmem>> -> memref<128xi32, #tpu.memory_space<vmem>>
        %dma_start3A_341 = arith.constant 0 : i32
        %dma_start3A_342 = arith.constant 0 : i32
        %dma_start3A_343 = tpu.memref_slice %arg2[%dma_start3A_341, %dma_start3A_342] : memref<50000x128xf32, #tpu.memory_space<hbm>> -> memref<50000x128xf32, #tpu.memory_space<hbm>>
        tpu.enqueue_indirect_dma source(%dma_start3A_343 : memref<50000x128xf32, #tpu.memory_space<hbm>>) target(%arg9 : memref<128x128xf32, #tpu.memory_space<vmem>>) offsets(%dma_start3A_340 : memref<128xi32, #tpu.memory_space<vmem>>) semaphore(%arg14 : memref<!tpu.dma_semaphore, #tpu.memory_space<semaphore_mem>>)
        %mul3A_344 = arith.constant 5 : i32
        %mul3A_345 = arith.muli %mul3A_344, %scan3A_308 : i32
        %add3A_346 = arith.constant 1 : i32
        %add3A_347 = arith.addi %mul3A_345, %add3A_346 : i32
        %dma_wait3A_348 = arith.constant 0 : i32
        %dma_wait3A_349 = tpu.memref_slice %arg5[%add3A_347, %dma_wait3A_348] : memref<25x128xi32, #tpu.memory_space<vmem>> -> memref<1x128xi32, #tpu.memory_space<vmem>>
        %dma_wait3A_350 = tpu.memref_squeeze %dma_wait3A_349 : memref<1x128xi32, #tpu.memory_space<vmem>> -> memref<128xi32, #tpu.memory_space<vmem>>
        %dma_wait3A_351 = arith.constant 0 : i32
        %dma_wait3A_352 = arith.constant 0 : i32
        %dma_wait3A_353 = tpu.memref_slice %arg2[%dma_wait3A_351, %dma_wait3A_352] : memref<50000x128xf32, #tpu.memory_space<hbm>> -> memref<50000x128xf32, #tpu.memory_space<hbm>>
        tpu.wait_indirect_dma semaphore(%arg12 : memref<!tpu.dma_semaphore, #tpu.memory_space<semaphore_mem>>) src(%dma_wait3A_353 : memref<50000x128xf32, #tpu.memory_space<hbm>>) dst(%arg7 : memref<128x128xf32, #tpu.memory_space<vmem>>)
        %add3A_354 = arith.addi %mul3A_4, %add3A_347 : i32
        %mul3A_355 = arith.constant 128 : i32
        %mul3A_356 = arith.muli %add3A_354, %mul3A_355 : i32
        %dma_start3A_357 = arith.constant 0 : i32
        %dma_start3A_358 = tpu.memref_slice %arg4[%mul3A_356, %dma_start3A_357] : memref<80000x128xf32, #tpu.memory_space<hbm>> -> memref<128x128xf32, #tpu.memory_space<hbm>>
        %dma_start3A_359 = arith.constant 0 : i32
        %dma_start3A_360 = tpu.memref_slice %arg4[%mul3A_356, %dma_start3A_359] : memref<80000x128xf32, #tpu.memory_space<hbm>> -> memref<128x128xf32, #tpu.memory_space<hbm>>
        tpu.enqueue_dma source(%arg7 : memref<128x128xf32, #tpu.memory_space<vmem>>) target(%dma_start3A_360 : memref<128x128xf32, #tpu.memory_space<hbm>>) target_semaphore(%arg17 : memref<!tpu.dma_semaphore, #tpu.memory_space<semaphore_mem>>)
        %add3A_361 = arith.constant 3 : i32
        %add3A_362 = arith.addi %add3A_347, %add3A_361 : i32
        %sub3A_363 = arith.constant 5 : i32
        %sub3A_364 = arith.subi %add3A_362, %sub3A_363 : i32
        %add3A_365 = arith.addi %mul3A_4, %sub3A_364 : i32
        %mul3A_366 = arith.constant 128 : i32
        %mul3A_367 = arith.muli %add3A_365, %mul3A_366 : i32
        %dma_wait3A_368 = arith.constant 0 : i32
        %dma_wait3A_369 = tpu.memref_slice %arg4[%mul3A_367, %dma_wait3A_368] : memref<80000x128xf32, #tpu.memory_space<hbm>> -> memref<128x128xf32, #tpu.memory_space<hbm>>
        %dma_wait3A_370 = arith.constant 0 : i32
        %dma_wait3A_371 = tpu.memref_slice %arg4[%mul3A_367, %dma_wait3A_370] : memref<80000x128xf32, #tpu.memory_space<hbm>> -> memref<128x128xf32, #tpu.memory_space<hbm>>
        tpu.wait_dma2 semaphore(%arg20 : memref<!tpu.dma_semaphore, #tpu.memory_space<semaphore_mem>>) src(%arg10 : memref<128x128xf32, #tpu.memory_space<vmem>>) dst(%dma_wait3A_371 : memref<128x128xf32, #tpu.memory_space<hbm>>)
        %add3A_372 = arith.constant 3 : i32
        %add3A_373 = arith.addi %add3A_347, %add3A_372 : i32
        %dma_start3A_374 = arith.constant 0 : i32
        %dma_start3A_375 = tpu.memref_slice %arg5[%add3A_373, %dma_start3A_374] : memref<25x128xi32, #tpu.memory_space<vmem>> -> memref<1x128xi32, #tpu.memory_space<vmem>>
        %dma_start3A_376 = tpu.memref_squeeze %dma_start3A_375 : memref<1x128xi32, #tpu.memory_space<vmem>> -> memref<128xi32, #tpu.memory_space<vmem>>
        %dma_start3A_377 = arith.constant 0 : i32
        %dma_start3A_378 = arith.constant 0 : i32
        %dma_start3A_379 = tpu.memref_slice %arg2[%dma_start3A_377, %dma_start3A_378] : memref<50000x128xf32, #tpu.memory_space<hbm>> -> memref<50000x128xf32, #tpu.memory_space<hbm>>
        tpu.enqueue_indirect_dma source(%dma_start3A_379 : memref<50000x128xf32, #tpu.memory_space<hbm>>) target(%arg10 : memref<128x128xf32, #tpu.memory_space<vmem>>) offsets(%dma_start3A_376 : memref<128xi32, #tpu.memory_space<vmem>>) semaphore(%arg15 : memref<!tpu.dma_semaphore, #tpu.memory_space<semaphore_mem>>)
        %mul3A_380 = arith.constant 5 : i32
        %mul3A_381 = arith.muli %mul3A_380, %scan3A_308 : i32
        %add3A_382 = arith.constant 2 : i32
        %add3A_383 = arith.addi %mul3A_381, %add3A_382 : i32
        %dma_wait3A_384 = arith.constant 0 : i32
        %dma_wait3A_385 = tpu.memref_slice %arg5[%add3A_383, %dma_wait3A_384] : memref<25x128xi32, #tpu.memory_space<vmem>> -> memref<1x128xi32, #tpu.memory_space<vmem>>
        %dma_wait3A_386 = tpu.memref_squeeze %dma_wait3A_385 : memref<1x128xi32, #tpu.memory_space<vmem>> -> memref<128xi32, #tpu.memory_space<vmem>>
        %dma_wait3A_387 = arith.constant 0 : i32
        %dma_wait3A_388 = arith.constant 0 : i32
        %dma_wait3A_389 = tpu.memref_slice %arg2[%dma_wait3A_387, %dma_wait3A_388] : memref<50000x128xf32, #tpu.memory_space<hbm>> -> memref<50000x128xf32, #tpu.memory_space<hbm>>
        tpu.wait_indirect_dma semaphore(%arg13 : memref<!tpu.dma_semaphore, #tpu.memory_space<semaphore_mem>>) src(%dma_wait3A_389 : memref<50000x128xf32, #tpu.memory_space<hbm>>) dst(%arg8 : memref<128x128xf32, #tpu.memory_space<vmem>>)
        %add3A_390 = arith.addi %mul3A_4, %add3A_383 : i32
        %mul3A_391 = arith.constant 128 : i32
        %mul3A_392 = arith.muli %add3A_390, %mul3A_391 : i32
        %dma_start3A_393 = arith.constant 0 : i32
        %dma_start3A_394 = tpu.memref_slice %arg4[%mul3A_392, %dma_start3A_393] : memref<80000x128xf32, #tpu.memory_space<hbm>> -> memref<128x128xf32, #tpu.memory_space<hbm>>
        %dma_start3A_395 = arith.constant 0 : i32
        %dma_start3A_396 = tpu.memref_slice %arg4[%mul3A_392, %dma_start3A_395] : memref<80000x128xf32, #tpu.memory_space<hbm>> -> memref<128x128xf32, #tpu.memory_space<hbm>>
        tpu.enqueue_dma source(%arg8 : memref<128x128xf32, #tpu.memory_space<vmem>>) target(%dma_start3A_396 : memref<128x128xf32, #tpu.memory_space<hbm>>) target_semaphore(%arg18 : memref<!tpu.dma_semaphore, #tpu.memory_space<semaphore_mem>>)
        %add3A_397 = arith.constant 3 : i32
        %add3A_398 = arith.addi %add3A_383, %add3A_397 : i32
        %sub3A_399 = arith.constant 5 : i32
        %sub3A_400 = arith.subi %add3A_398, %sub3A_399 : i32
        %add3A_401 = arith.addi %mul3A_4, %sub3A_400 : i32
        %mul3A_402 = arith.constant 128 : i32
        %mul3A_403 = arith.muli %add3A_401, %mul3A_402 : i32
        %dma_wait3A_404 = arith.constant 0 : i32
        %dma_wait3A_405 = tpu.memref_slice %arg4[%mul3A_403, %dma_wait3A_404] : memref<80000x128xf32, #tpu.memory_space<hbm>> -> memref<128x128xf32, #tpu.memory_space<hbm>>
        %dma_wait3A_406 = arith.constant 0 : i32
        %dma_wait3A_407 = tpu.memref_slice %arg4[%mul3A_403, %dma_wait3A_406] : memref<80000x128xf32, #tpu.memory_space<hbm>> -> memref<128x128xf32, #tpu.memory_space<hbm>>
        tpu.wait_dma2 semaphore(%arg16 : memref<!tpu.dma_semaphore, #tpu.memory_space<semaphore_mem>>) src(%arg6 : memref<128x128xf32, #tpu.memory_space<vmem>>) dst(%dma_wait3A_407 : memref<128x128xf32, #tpu.memory_space<hbm>>)
        %add3A_408 = arith.constant 3 : i32
        %add3A_409 = arith.addi %add3A_383, %add3A_408 : i32
        %dma_start3A_410 = arith.constant 0 : i32
        %dma_start3A_411 = tpu.memref_slice %arg5[%add3A_409, %dma_start3A_410] : memref<25x128xi32, #tpu.memory_space<vmem>> -> memref<1x128xi32, #tpu.memory_space<vmem>>
        %dma_start3A_412 = tpu.memref_squeeze %dma_start3A_411 : memref<1x128xi32, #tpu.memory_space<vmem>> -> memref<128xi32, #tpu.memory_space<vmem>>
        %dma_start3A_413 = arith.constant 0 : i32
        %dma_start3A_414 = arith.constant 0 : i32
        %dma_start3A_415 = tpu.memref_slice %arg2[%dma_start3A_413, %dma_start3A_414] : memref<50000x128xf32, #tpu.memory_space<hbm>> -> memref<50000x128xf32, #tpu.memory_space<hbm>>
        tpu.enqueue_indirect_dma source(%dma_start3A_415 : memref<50000x128xf32, #tpu.memory_space<hbm>>) target(%arg6 : memref<128x128xf32, #tpu.memory_space<vmem>>) offsets(%dma_start3A_412 : memref<128xi32, #tpu.memory_space<vmem>>) semaphore(%arg11 : memref<!tpu.dma_semaphore, #tpu.memory_space<semaphore_mem>>)
        %mul3A_416 = arith.constant 5 : i32
        %mul3A_417 = arith.muli %mul3A_416, %scan3A_308 : i32
        %add3A_418 = arith.constant 3 : i32
        %add3A_419 = arith.addi %mul3A_417, %add3A_418 : i32
        %dma_wait3A_420 = arith.constant 0 : i32
        %dma_wait3A_421 = tpu.memref_slice %arg5[%add3A_419, %dma_wait3A_420] : memref<25x128xi32, #tpu.memory_space<vmem>> -> memref<1x128xi32, #tpu.memory_space<vmem>>
        %dma_wait3A_422 = tpu.memref_squeeze %dma_wait3A_421 : memref<1x128xi32, #tpu.memory_space<vmem>> -> memref<128xi32, #tpu.memory_space<vmem>>
        %dma_wait3A_423 = arith.constant 0 : i32
        %dma_wait3A_424 = arith.constant 0 : i32
        %dma_wait3A_425 = tpu.memref_slice %arg2[%dma_wait3A_423, %dma_wait3A_424] : memref<50000x128xf32, #tpu.memory_space<hbm>> -> memref<50000x128xf32, #tpu.memory_space<hbm>>
        tpu.wait_indirect_dma semaphore(%arg14 : memref<!tpu.dma_semaphore, #tpu.memory_space<semaphore_mem>>) src(%dma_wait3A_425 : memref<50000x128xf32, #tpu.memory_space<hbm>>) dst(%arg9 : memref<128x128xf32, #tpu.memory_space<vmem>>)
        %add3A_426 = arith.addi %mul3A_4, %add3A_419 : i32
        %mul3A_427 = arith.constant 128 : i32
        %mul3A_428 = arith.muli %add3A_426, %mul3A_427 : i32
        %dma_start3A_429 = arith.constant 0 : i32
        %dma_start3A_430 = tpu.memref_slice %arg4[%mul3A_428, %dma_start3A_429] : memref<80000x128xf32, #tpu.memory_space<hbm>> -> memref<128x128xf32, #tpu.memory_space<hbm>>
        %dma_start3A_431 = arith.constant 0 : i32
        %dma_start3A_432 = tpu.memref_slice %arg4[%mul3A_428, %dma_start3A_431] : memref<80000x128xf32, #tpu.memory_space<hbm>> -> memref<128x128xf32, #tpu.memory_space<hbm>>
        tpu.enqueue_dma source(%arg9 : memref<128x128xf32, #tpu.memory_space<vmem>>) target(%dma_start3A_432 : memref<128x128xf32, #tpu.memory_space<hbm>>) target_semaphore(%arg19 : memref<!tpu.dma_semaphore, #tpu.memory_space<semaphore_mem>>)
        %add3A_433 = arith.constant 3 : i32
        %add3A_434 = arith.addi %add3A_419, %add3A_433 : i32
        %sub3A_435 = arith.constant 5 : i32
        %sub3A_436 = arith.subi %add3A_434, %sub3A_435 : i32
        %add3A_437 = arith.addi %mul3A_4, %sub3A_436 : i32
        %mul3A_438 = arith.constant 128 : i32
        %mul3A_439 = arith.muli %add3A_437, %mul3A_438 : i32
        %dma_wait3A_440 = arith.constant 0 : i32
        %dma_wait3A_441 = tpu.memref_slice %arg4[%mul3A_439, %dma_wait3A_440] : memref<80000x128xf32, #tpu.memory_space<hbm>> -> memref<128x128xf32, #tpu.memory_space<hbm>>
        %dma_wait3A_442 = arith.constant 0 : i32
        %dma_wait3A_443 = tpu.memref_slice %arg4[%mul3A_439, %dma_wait3A_442] : memref<80000x128xf32, #tpu.memory_space<hbm>> -> memref<128x128xf32, #tpu.memory_space<hbm>>
        tpu.wait_dma2 semaphore(%arg17 : memref<!tpu.dma_semaphore, #tpu.memory_space<semaphore_mem>>) src(%arg7 : memref<128x128xf32, #tpu.memory_space<vmem>>) dst(%dma_wait3A_443 : memref<128x128xf32, #tpu.memory_space<hbm>>)
        %add3A_444 = arith.constant 3 : i32
        %add3A_445 = arith.addi %add3A_419, %add3A_444 : i32
        %dma_start3A_446 = arith.constant 0 : i32
        %dma_start3A_447 = tpu.memref_slice %arg5[%add3A_445, %dma_start3A_446] : memref<25x128xi32, #tpu.memory_space<vmem>> -> memref<1x128xi32, #tpu.memory_space<vmem>>
        %dma_start3A_448 = tpu.memref_squeeze %dma_start3A_447 : memref<1x128xi32, #tpu.memory_space<vmem>> -> memref<128xi32, #tpu.memory_space<vmem>>
        %dma_start3A_449 = arith.constant 0 : i32
        %dma_start3A_450 = arith.constant 0 : i32
        %dma_start3A_451 = tpu.memref_slice %arg2[%dma_start3A_449, %dma_start3A_450] : memref<50000x128xf32, #tpu.memory_space<hbm>> -> memref<50000x128xf32, #tpu.memory_space<hbm>>
        tpu.enqueue_indirect_dma source(%dma_start3A_451 : memref<50000x128xf32, #tpu.memory_space<hbm>>) target(%arg7 : memref<128x128xf32, #tpu.memory_space<vmem>>) offsets(%dma_start3A_448 : memref<128xi32, #tpu.memory_space<vmem>>) semaphore(%arg12 : memref<!tpu.dma_semaphore, #tpu.memory_space<semaphore_mem>>)
        %mul3A_452 = arith.constant 5 : i32
        %mul3A_453 = arith.muli %mul3A_452, %scan3A_308 : i32
        %add3A_454 = arith.constant 4 : i32
        %add3A_455 = arith.addi %mul3A_453, %add3A_454 : i32
        %dma_wait3A_456 = arith.constant 0 : i32
        %dma_wait3A_457 = tpu.memref_slice %arg5[%add3A_455, %dma_wait3A_456] : memref<25x128xi32, #tpu.memory_space<vmem>> -> memref<1x128xi32, #tpu.memory_space<vmem>>
        %dma_wait3A_458 = tpu.memref_squeeze %dma_wait3A_457 : memref<1x128xi32, #tpu.memory_space<vmem>> -> memref<128xi32, #tpu.memory_space<vmem>>
        %dma_wait3A_459 = arith.constant 0 : i32
        %dma_wait3A_460 = arith.constant 0 : i32
        %dma_wait3A_461 = tpu.memref_slice %arg2[%dma_wait3A_459, %dma_wait3A_460] : memref<50000x128xf32, #tpu.memory_space<hbm>> -> memref<50000x128xf32, #tpu.memory_space<hbm>>
        tpu.wait_indirect_dma semaphore(%arg15 : memref<!tpu.dma_semaphore, #tpu.memory_space<semaphore_mem>>) src(%dma_wait3A_461 : memref<50000x128xf32, #tpu.memory_space<hbm>>) dst(%arg10 : memref<128x128xf32, #tpu.memory_space<vmem>>)
        %add3A_462 = arith.addi %mul3A_4, %add3A_455 : i32
        %mul3A_463 = arith.constant 128 : i32
        %mul3A_464 = arith.muli %add3A_462, %mul3A_463 : i32
        %dma_start3A_465 = arith.constant 0 : i32
        %dma_start3A_466 = tpu.memref_slice %arg4[%mul3A_464, %dma_start3A_465] : memref<80000x128xf32, #tpu.memory_space<hbm>> -> memref<128x128xf32, #tpu.memory_space<hbm>>
        %dma_start3A_467 = arith.constant 0 : i32
        %dma_start3A_468 = tpu.memref_slice %arg4[%mul3A_464, %dma_start3A_467] : memref<80000x128xf32, #tpu.memory_space<hbm>> -> memref<128x128xf32, #tpu.memory_space<hbm>>
        tpu.enqueue_dma source(%arg10 : memref<128x128xf32, #tpu.memory_space<vmem>>) target(%dma_start3A_468 : memref<128x128xf32, #tpu.memory_space<hbm>>) target_semaphore(%arg20 : memref<!tpu.dma_semaphore, #tpu.memory_space<semaphore_mem>>)
        %add3A_469 = arith.constant 3 : i32
        %add3A_470 = arith.addi %add3A_455, %add3A_469 : i32
        %sub3A_471 = arith.constant 5 : i32
        %sub3A_472 = arith.subi %add3A_470, %sub3A_471 : i32
        %add3A_473 = arith.addi %mul3A_4, %sub3A_472 : i32
        %mul3A_474 = arith.constant 128 : i32
        %mul3A_475 = arith.muli %add3A_473, %mul3A_474 : i32
        %dma_wait3A_476 = arith.constant 0 : i32
        %dma_wait3A_477 = tpu.memref_slice %arg4[%mul3A_475, %dma_wait3A_476] : memref<80000x128xf32, #tpu.memory_space<hbm>> -> memref<128x128xf32, #tpu.memory_space<hbm>>
        %dma_wait3A_478 = arith.constant 0 : i32
        %dma_wait3A_479 = tpu.memref_slice %arg4[%mul3A_475, %dma_wait3A_478] : memref<80000x128xf32, #tpu.memory_space<hbm>> -> memref<128x128xf32, #tpu.memory_space<hbm>>
        tpu.wait_dma2 semaphore(%arg18 : memref<!tpu.dma_semaphore, #tpu.memory_space<semaphore_mem>>) src(%arg8 : memref<128x128xf32, #tpu.memory_space<vmem>>) dst(%dma_wait3A_479 : memref<128x128xf32, #tpu.memory_space<hbm>>)
        %add3A_480 = arith.constant 3 : i32
        %add3A_481 = arith.addi %add3A_455, %add3A_480 : i32
        %dma_start3A_482 = arith.constant 0 : i32
        %dma_start3A_483 = tpu.memref_slice %arg5[%add3A_481, %dma_start3A_482] : memref<25x128xi32, #tpu.memory_space<vmem>> -> memref<1x128xi32, #tpu.memory_space<vmem>>
        %dma_start3A_484 = tpu.memref_squeeze %dma_start3A_483 : memref<1x128xi32, #tpu.memory_space<vmem>> -> memref<128xi32, #tpu.memory_space<vmem>>
        %dma_start3A_485 = arith.constant 0 : i32
        %dma_start3A_486 = arith.constant 0 : i32
        %dma_start3A_487 = tpu.memref_slice %arg2[%dma_start3A_485, %dma_start3A_486] : memref<50000x128xf32, #tpu.memory_space<hbm>> -> memref<50000x128xf32, #tpu.memory_space<hbm>>
        tpu.enqueue_indirect_dma source(%dma_start3A_487 : memref<50000x128xf32, #tpu.memory_space<hbm>>) target(%arg8 : memref<128x128xf32, #tpu.memory_space<vmem>>) offsets(%dma_start3A_484 : memref<128xi32, #tpu.memory_space<vmem>>) semaphore(%arg13 : memref<!tpu.dma_semaphore, #tpu.memory_space<semaphore_mem>>)
      }
      %scan3A_162 = arith.constant 3 : i32
      %dma_wait3A_163 = arith.constant 20 : i32
      %dma_wait3A_164 = arith.constant 0 : i32
      %dma_wait3A_165 = tpu.memref_slice %arg5[%dma_wait3A_163, %dma_wait3A_164] : memref<25x128xi32, #tpu.memory_space<vmem>> -> memref<1x128xi32, #tpu.memory_space<vmem>>
      %dma_wait3A_166 = tpu.memref_squeeze %dma_wait3A_165 : memref<1x128xi32, #tpu.memory_space<vmem>> -> memref<128xi32, #tpu.memory_space<vmem>>
      %dma_wait3A_167 = arith.constant 0 : i32
      %dma_wait3A_168 = arith.constant 0 : i32
      %dma_wait3A_169 = tpu.memref_slice %arg2[%dma_wait3A_167, %dma_wait3A_168] : memref<50000x128xf32, #tpu.memory_space<hbm>> -> memref<50000x128xf32, #tpu.memory_space<hbm>>
      tpu.wait_indirect_dma semaphore(%arg11 : memref<!tpu.dma_semaphore, #tpu.memory_space<semaphore_mem>>) src(%dma_wait3A_169 : memref<50000x128xf32, #tpu.memory_space<hbm>>) dst(%arg6 : memref<128x128xf32, #tpu.memory_space<vmem>>)
      %add3A_170 = arith.constant 20 : i32
      %add3A_171 = arith.addi %mul3A_4, %add3A_170 : i32
      %mul3A_172 = arith.constant 128 : i32
      %mul3A_173 = arith.muli %add3A_171, %mul3A_172 : i32
      %dma_start3A_174 = arith.constant 0 : i32
      %dma_start3A_175 = tpu.memref_slice %arg4[%mul3A_173, %dma_start3A_174] : memref<80000x128xf32, #tpu.memory_space<hbm>> -> memref<128x128xf32, #tpu.memory_space<hbm>>
      %dma_start3A_176 = arith.constant 0 : i32
      %dma_start3A_177 = tpu.memref_slice %arg4[%mul3A_173, %dma_start3A_176] : memref<80000x128xf32, #tpu.memory_space<hbm>> -> memref<128x128xf32, #tpu.memory_space<hbm>>
      tpu.enqueue_dma source(%arg6 : memref<128x128xf32, #tpu.memory_space<vmem>>) target(%dma_start3A_177 : memref<128x128xf32, #tpu.memory_space<hbm>>) target_semaphore(%arg16 : memref<!tpu.dma_semaphore, #tpu.memory_space<semaphore_mem>>)
      %add3A_178 = arith.constant 18 : i32
      %add3A_179 = arith.addi %mul3A_4, %add3A_178 : i32
      %mul3A_180 = arith.constant 128 : i32
      %mul3A_181 = arith.muli %add3A_179, %mul3A_180 : i32
      %dma_wait3A_182 = arith.constant 0 : i32
      %dma_wait3A_183 = tpu.memref_slice %arg4[%mul3A_181, %dma_wait3A_182] : memref<80000x128xf32, #tpu.memory_space<hbm>> -> memref<128x128xf32, #tpu.memory_space<hbm>>
      %dma_wait3A_184 = arith.constant 0 : i32
      %dma_wait3A_185 = tpu.memref_slice %arg4[%mul3A_181, %dma_wait3A_184] : memref<80000x128xf32, #tpu.memory_space<hbm>> -> memref<128x128xf32, #tpu.memory_space<hbm>>
      tpu.wait_dma2 semaphore(%arg19 : memref<!tpu.dma_semaphore, #tpu.memory_space<semaphore_mem>>) src(%arg9 : memref<128x128xf32, #tpu.memory_space<vmem>>) dst(%dma_wait3A_185 : memref<128x128xf32, #tpu.memory_space<hbm>>)
      %dma_start3A_186 = arith.constant 23 : i32
      %dma_start3A_187 = arith.constant 0 : i32
      %dma_start3A_188 = tpu.memref_slice %arg5[%dma_start3A_186, %dma_start3A_187] : memref<25x128xi32, #tpu.memory_space<vmem>> -> memref<1x128xi32, #tpu.memory_space<vmem>>
      %dma_start3A_189 = tpu.memref_squeeze %dma_start3A_188 : memref<1x128xi32, #tpu.memory_space<vmem>> -> memref<128xi32, #tpu.memory_space<vmem>>
      %dma_start3A_190 = arith.constant 0 : i32
      %dma_start3A_191 = arith.constant 0 : i32
      %dma_start3A_192 = tpu.memref_slice %arg2[%dma_start3A_190, %dma_start3A_191] : memref<50000x128xf32, #tpu.memory_space<hbm>> -> memref<50000x128xf32, #tpu.memory_space<hbm>>
      tpu.enqueue_indirect_dma source(%dma_start3A_192 : memref<50000x128xf32, #tpu.memory_space<hbm>>) target(%arg9 : memref<128x128xf32, #tpu.memory_space<vmem>>) offsets(%dma_start3A_189 : memref<128xi32, #tpu.memory_space<vmem>>) semaphore(%arg14 : memref<!tpu.dma_semaphore, #tpu.memory_space<semaphore_mem>>)
      %dma_wait3A_193 = arith.constant 21 : i32
      %dma_wait3A_194 = arith.constant 0 : i32
      %dma_wait3A_195 = tpu.memref_slice %arg5[%dma_wait3A_193, %dma_wait3A_194] : memref<25x128xi32, #tpu.memory_space<vmem>> -> memref<1x128xi32, #tpu.memory_space<vmem>>
      %dma_wait3A_196 = tpu.memref_squeeze %dma_wait3A_195 : memref<1x128xi32, #tpu.memory_space<vmem>> -> memref<128xi32, #tpu.memory_space<vmem>>
      %dma_wait3A_197 = arith.constant 0 : i32
      %dma_wait3A_198 = arith.constant 0 : i32
      %dma_wait3A_199 = tpu.memref_slice %arg2[%dma_wait3A_197, %dma_wait3A_198] : memref<50000x128xf32, #tpu.memory_space<hbm>> -> memref<50000x128xf32, #tpu.memory_space<hbm>>
      tpu.wait_indirect_dma semaphore(%arg12 : memref<!tpu.dma_semaphore, #tpu.memory_space<semaphore_mem>>) src(%dma_wait3A_199 : memref<50000x128xf32, #tpu.memory_space<hbm>>) dst(%arg7 : memref<128x128xf32, #tpu.memory_space<vmem>>)
      %add3A_200 = arith.constant 21 : i32
      %add3A_201 = arith.addi %mul3A_4, %add3A_200 : i32
      %mul3A_202 = arith.constant 128 : i32
      %mul3A_203 = arith.muli %add3A_201, %mul3A_202 : i32
      %dma_start3A_204 = arith.constant 0 : i32
      %dma_start3A_205 = tpu.memref_slice %arg4[%mul3A_203, %dma_start3A_204] : memref<80000x128xf32, #tpu.memory_space<hbm>> -> memref<128x128xf32, #tpu.memory_space<hbm>>
      %dma_start3A_206 = arith.constant 0 : i32
      %dma_start3A_207 = tpu.memref_slice %arg4[%mul3A_203, %dma_start3A_206] : memref<80000x128xf32, #tpu.memory_space<hbm>> -> memref<128x128xf32, #tpu.memory_space<hbm>>
      tpu.enqueue_dma source(%arg7 : memref<128x128xf32, #tpu.memory_space<vmem>>) target(%dma_start3A_207 : memref<128x128xf32, #tpu.memory_space<hbm>>) target_semaphore(%arg17 : memref<!tpu.dma_semaphore, #tpu.memory_space<semaphore_mem>>)
      %add3A_208 = arith.constant 19 : i32
      %add3A_209 = arith.addi %mul3A_4, %add3A_208 : i32
      %mul3A_210 = arith.constant 128 : i32
      %mul3A_211 = arith.muli %add3A_209, %mul3A_210 : i32
      %dma_wait3A_212 = arith.constant 0 : i32
      %dma_wait3A_213 = tpu.memref_slice %arg4[%mul3A_211, %dma_wait3A_212] : memref<80000x128xf32, #tpu.memory_space<hbm>> -> memref<128x128xf32, #tpu.memory_space<hbm>>
      %dma_wait3A_214 = arith.constant 0 : i32
      %dma_wait3A_215 = tpu.memref_slice %arg4[%mul3A_211, %dma_wait3A_214] : memref<80000x128xf32, #tpu.memory_space<hbm>> -> memref<128x128xf32, #tpu.memory_space<hbm>>
      tpu.wait_dma2 semaphore(%arg20 : memref<!tpu.dma_semaphore, #tpu.memory_space<semaphore_mem>>) src(%arg10 : memref<128x128xf32, #tpu.memory_space<vmem>>) dst(%dma_wait3A_215 : memref<128x128xf32, #tpu.memory_space<hbm>>)
      %dma_start3A_216 = arith.constant 24 : i32
      %dma_start3A_217 = arith.constant 0 : i32
      %dma_start3A_218 = tpu.memref_slice %arg5[%dma_start3A_216, %dma_start3A_217] : memref<25x128xi32, #tpu.memory_space<vmem>> -> memref<1x128xi32, #tpu.memory_space<vmem>>
      %dma_start3A_219 = tpu.memref_squeeze %dma_start3A_218 : memref<1x128xi32, #tpu.memory_space<vmem>> -> memref<128xi32, #tpu.memory_space<vmem>>
      %dma_start3A_220 = arith.constant 0 : i32
      %dma_start3A_221 = arith.constant 0 : i32
      %dma_start3A_222 = tpu.memref_slice %arg2[%dma_start3A_220, %dma_start3A_221] : memref<50000x128xf32, #tpu.memory_space<hbm>> -> memref<50000x128xf32, #tpu.memory_space<hbm>>
      tpu.enqueue_indirect_dma source(%dma_start3A_222 : memref<50000x128xf32, #tpu.memory_space<hbm>>) target(%arg10 : memref<128x128xf32, #tpu.memory_space<vmem>>) offsets(%dma_start3A_219 : memref<128xi32, #tpu.memory_space<vmem>>) semaphore(%arg15 : memref<!tpu.dma_semaphore, #tpu.memory_space<semaphore_mem>>)
      %dma_wait3A_223 = arith.constant 22 : i32
      %dma_wait3A_224 = arith.constant 0 : i32
      %dma_wait3A_225 = tpu.memref_slice %arg5[%dma_wait3A_223, %dma_wait3A_224] : memref<25x128xi32, #tpu.memory_space<vmem>> -> memref<1x128xi32, #tpu.memory_space<vmem>>
      %dma_wait3A_226 = tpu.memref_squeeze %dma_wait3A_225 : memref<1x128xi32, #tpu.memory_space<vmem>> -> memref<128xi32, #tpu.memory_space<vmem>>
      %dma_wait3A_227 = arith.constant 0 : i32
      %dma_wait3A_228 = arith.constant 0 : i32
      %dma_wait3A_229 = tpu.memref_slice %arg2[%dma_wait3A_227, %dma_wait3A_228] : memref<50000x128xf32, #tpu.memory_space<hbm>> -> memref<50000x128xf32, #tpu.memory_space<hbm>>
      tpu.wait_indirect_dma semaphore(%arg13 : memref<!tpu.dma_semaphore, #tpu.memory_space<semaphore_mem>>) src(%dma_wait3A_229 : memref<50000x128xf32, #tpu.memory_space<hbm>>) dst(%arg8 : memref<128x128xf32, #tpu.memory_space<vmem>>)
      %add3A_230 = arith.constant 22 : i32
      %add3A_231 = arith.addi %mul3A_4, %add3A_230 : i32
      %mul3A_232 = arith.constant 128 : i32
      %mul3A_233 = arith.muli %add3A_231, %mul3A_232 : i32
      %dma_start3A_234 = arith.constant 0 : i32
      %dma_start3A_235 = tpu.memref_slice %arg4[%mul3A_233, %dma_start3A_234] : memref<80000x128xf32, #tpu.memory_space<hbm>> -> memref<128x128xf32, #tpu.memory_space<hbm>>
      %dma_start3A_236 = arith.constant 0 : i32
      %dma_start3A_237 = tpu.memref_slice %arg4[%mul3A_233, %dma_start3A_236] : memref<80000x128xf32, #tpu.memory_space<hbm>> -> memref<128x128xf32, #tpu.memory_space<hbm>>
      tpu.enqueue_dma source(%arg8 : memref<128x128xf32, #tpu.memory_space<vmem>>) target(%dma_start3A_237 : memref<128x128xf32, #tpu.memory_space<hbm>>) target_semaphore(%arg18 : memref<!tpu.dma_semaphore, #tpu.memory_space<semaphore_mem>>)
      %add3A_238 = arith.constant 20 : i32
      %add3A_239 = arith.addi %mul3A_4, %add3A_238 : i32
      %mul3A_240 = arith.constant 128 : i32
      %mul3A_241 = arith.muli %add3A_239, %mul3A_240 : i32
      %dma_wait3A_242 = arith.constant 0 : i32
      %dma_wait3A_243 = tpu.memref_slice %arg4[%mul3A_241, %dma_wait3A_242] : memref<80000x128xf32, #tpu.memory_space<hbm>> -> memref<128x128xf32, #tpu.memory_space<hbm>>
      %dma_wait3A_244 = arith.constant 0 : i32
      %dma_wait3A_245 = tpu.memref_slice %arg4[%mul3A_241, %dma_wait3A_244] : memref<80000x128xf32, #tpu.memory_space<hbm>> -> memref<128x128xf32, #tpu.memory_space<hbm>>
      tpu.wait_dma2 semaphore(%arg16 : memref<!tpu.dma_semaphore, #tpu.memory_space<semaphore_mem>>) src(%arg6 : memref<128x128xf32, #tpu.memory_space<vmem>>) dst(%dma_wait3A_245 : memref<128x128xf32, #tpu.memory_space<hbm>>)
      %dma_wait3A_246 = arith.constant 23 : i32
      %dma_wait3A_247 = arith.constant 0 : i32
      %dma_wait3A_248 = tpu.memref_slice %arg5[%dma_wait3A_246, %dma_wait3A_247] : memref<25x128xi32, #tpu.memory_space<vmem>> -> memref<1x128xi32, #tpu.memory_space<vmem>>
      %dma_wait3A_249 = tpu.memref_squeeze %dma_wait3A_248 : memref<1x128xi32, #tpu.memory_space<vmem>> -> memref<128xi32, #tpu.memory_space<vmem>>
      %dma_wait3A_250 = arith.constant 0 : i32
      %dma_wait3A_251 = arith.constant 0 : i32
      %dma_wait3A_252 = tpu.memref_slice %arg2[%dma_wait3A_250, %dma_wait3A_251] : memref<50000x128xf32, #tpu.memory_space<hbm>> -> memref<50000x128xf32, #tpu.memory_space<hbm>>
      tpu.wait_indirect_dma semaphore(%arg14 : memref<!tpu.dma_semaphore, #tpu.memory_space<semaphore_mem>>) src(%dma_wait3A_252 : memref<50000x128xf32, #tpu.memory_space<hbm>>) dst(%arg9 : memref<128x128xf32, #tpu.memory_space<vmem>>)
      %add3A_253 = arith.constant 23 : i32
      %add3A_254 = arith.addi %mul3A_4, %add3A_253 : i32
      %mul3A_255 = arith.constant 128 : i32
      %mul3A_256 = arith.muli %add3A_254, %mul3A_255 : i32
      %dma_start3A_257 = arith.constant 0 : i32
      %dma_start3A_258 = tpu.memref_slice %arg4[%mul3A_256, %dma_start3A_257] : memref<80000x128xf32, #tpu.memory_space<hbm>> -> memref<128x128xf32, #tpu.memory_space<hbm>>
      %dma_start3A_259 = arith.constant 0 : i32
      %dma_start3A_260 = tpu.memref_slice %arg4[%mul3A_256, %dma_start3A_259] : memref<80000x128xf32, #tpu.memory_space<hbm>> -> memref<128x128xf32, #tpu.memory_space<hbm>>
      tpu.enqueue_dma source(%arg9 : memref<128x128xf32, #tpu.memory_space<vmem>>) target(%dma_start3A_260 : memref<128x128xf32, #tpu.memory_space<hbm>>) target_semaphore(%arg19 : memref<!tpu.dma_semaphore, #tpu.memory_space<semaphore_mem>>)
      %add3A_261 = arith.constant 21 : i32
      %add3A_262 = arith.addi %mul3A_4, %add3A_261 : i32
      %mul3A_263 = arith.constant 128 : i32
      %mul3A_264 = arith.muli %add3A_262, %mul3A_263 : i32
      %dma_wait3A_265 = arith.constant 0 : i32
      %dma_wait3A_266 = tpu.memref_slice %arg4[%mul3A_264, %dma_wait3A_265] : memref<80000x128xf32, #tpu.memory_space<hbm>> -> memref<128x128xf32, #tpu.memory_space<hbm>>
      %dma_wait3A_267 = arith.constant 0 : i32
      %dma_wait3A_268 = tpu.memref_slice %arg4[%mul3A_264, %dma_wait3A_267] : memref<80000x128xf32, #tpu.memory_space<hbm>> -> memref<128x128xf32, #tpu.memory_space<hbm>>
      tpu.wait_dma2 semaphore(%arg17 : memref<!tpu.dma_semaphore, #tpu.memory_space<semaphore_mem>>) src(%arg7 : memref<128x128xf32, #tpu.memory_space<vmem>>) dst(%dma_wait3A_268 : memref<128x128xf32, #tpu.memory_space<hbm>>)
      %dma_wait3A_269 = arith.constant 24 : i32
      %dma_wait3A_270 = arith.constant 0 : i32
      %dma_wait3A_271 = tpu.memref_slice %arg5[%dma_wait3A_269, %dma_wait3A_270] : memref<25x128xi32, #tpu.memory_space<vmem>> -> memref<1x128xi32, #tpu.memory_space<vmem>>
      %dma_wait3A_272 = tpu.memref_squeeze %dma_wait3A_271 : memref<1x128xi32, #tpu.memory_space<vmem>> -> memref<128xi32, #tpu.memory_space<vmem>>
      %dma_wait3A_273 = arith.constant 0 : i32
      %dma_wait3A_274 = arith.constant 0 : i32
      %dma_wait3A_275 = tpu.memref_slice %arg2[%dma_wait3A_273, %dma_wait3A_274] : memref<50000x128xf32, #tpu.memory_space<hbm>> -> memref<50000x128xf32, #tpu.memory_space<hbm>>
      tpu.wait_indirect_dma semaphore(%arg15 : memref<!tpu.dma_semaphore, #tpu.memory_space<semaphore_mem>>) src(%dma_wait3A_275 : memref<50000x128xf32, #tpu.memory_space<hbm>>) dst(%arg10 : memref<128x128xf32, #tpu.memory_space<vmem>>)
      %add3A_276 = arith.constant 24 : i32
      %add3A_277 = arith.addi %mul3A_4, %add3A_276 : i32
      %mul3A_278 = arith.constant 128 : i32
      %mul3A_279 = arith.muli %add3A_277, %mul3A_278 : i32
      %dma_start3A_280 = arith.constant 0 : i32
      %dma_start3A_281 = tpu.memref_slice %arg4[%mul3A_279, %dma_start3A_280] : memref<80000x128xf32, #tpu.memory_space<hbm>> -> memref<128x128xf32, #tpu.memory_space<hbm>>
      %dma_start3A_282 = arith.constant 0 : i32
      %dma_start3A_283 = tpu.memref_slice %arg4[%mul3A_279, %dma_start3A_282] : memref<80000x128xf32, #tpu.memory_space<hbm>> -> memref<128x128xf32, #tpu.memory_space<hbm>>
      tpu.enqueue_dma source(%arg10 : memref<128x128xf32, #tpu.memory_space<vmem>>) target(%dma_start3A_283 : memref<128x128xf32, #tpu.memory_space<hbm>>) target_semaphore(%arg20 : memref<!tpu.dma_semaphore, #tpu.memory_space<semaphore_mem>>)
      %add3A_284 = arith.constant 22 : i32
      %add3A_285 = arith.addi %mul3A_4, %add3A_284 : i32
      %mul3A_286 = arith.constant 128 : i32
      %mul3A_287 = arith.muli %add3A_285, %mul3A_286 : i32
      %dma_wait3A_288 = arith.constant 0 : i32
      %dma_wait3A_289 = tpu.memref_slice %arg4[%mul3A_287, %dma_wait3A_288] : memref<80000x128xf32, #tpu.memory_space<hbm>> -> memref<128x128xf32, #tpu.memory_space<hbm>>
      %dma_wait3A_290 = arith.constant 0 : i32
      %dma_wait3A_291 = tpu.memref_slice %arg4[%mul3A_287, %dma_wait3A_290] : memref<80000x128xf32, #tpu.memory_space<hbm>> -> memref<128x128xf32, #tpu.memory_space<hbm>>
      tpu.wait_dma2 semaphore(%arg18 : memref<!tpu.dma_semaphore, #tpu.memory_space<semaphore_mem>>) src(%arg8 : memref<128x128xf32, #tpu.memory_space<vmem>>) dst(%dma_wait3A_291 : memref<128x128xf32, #tpu.memory_space<hbm>>)
      %add3A_292 = arith.constant 23 : i32
      %add3A_293 = arith.addi %mul3A_4, %add3A_292 : i32
      %mul3A_294 = arith.constant 128 : i32
      %mul3A_295 = arith.muli %add3A_293, %mul3A_294 : i32
      %dma_wait3A_296 = arith.constant 0 : i32
      %dma_wait3A_297 = tpu.memref_slice %arg4[%mul3A_295, %dma_wait3A_296] : memref<80000x128xf32, #tpu.memory_space<hbm>> -> memref<128x128xf32, #tpu.memory_space<hbm>>
      %dma_wait3A_298 = arith.constant 0 : i32
      %dma_wait3A_299 = tpu.memref_slice %arg4[%mul3A_295, %dma_wait3A_298] : memref<80000x128xf32, #tpu.memory_space<hbm>> -> memref<128x128xf32, #tpu.memory_space<hbm>>
      tpu.wait_dma2 semaphore(%arg19 : memref<!tpu.dma_semaphore, #tpu.memory_space<semaphore_mem>>) src(%arg9 : memref<128x128xf32, #tpu.memory_space<vmem>>) dst(%dma_wait3A_299 : memref<128x128xf32, #tpu.memory_space<hbm>>)
      %add3A_300 = arith.constant 24 : i32
      %add3A_301 = arith.addi %mul3A_4, %add3A_300 : i32
      %mul3A_302 = arith.constant 128 : i32
      %mul3A_303 = arith.muli %add3A_301, %mul3A_302 : i32
      %dma_wait3A_304 = arith.constant 0 : i32
      %dma_wait3A_305 = tpu.memref_slice %arg4[%mul3A_303, %dma_wait3A_304] : memref<80000x128xf32, #tpu.memory_space<hbm>> -> memref<128x128xf32, #tpu.memory_space<hbm>>
      %dma_wait3A_306 = arith.constant 0 : i32
      %dma_wait3A_307 = tpu.memref_slice %arg4[%mul3A_303, %dma_wait3A_306] : memref<80000x128xf32, #tpu.memory_space<hbm>> -> memref<128x128xf32, #tpu.memory_space<hbm>>
      tpu.wait_dma2 semaphore(%arg20 : memref<!tpu.dma_semaphore, #tpu.memory_space<semaphore_mem>>) src(%arg10 : memref<128x128xf32, #tpu.memory_space<vmem>>) dst(%dma_wait3A_307 : memref<128x128xf32, #tpu.memory_space<hbm>>)
    } else {
    }
    return
  }
}

#map = affine_map<(d0, d1) -> (0, 0)>
#map1 = affine_map<(d0, d1) -> (0, 0, 0)>
module attributes {stable_mosaic.version = 14 : i64} {
  func.func @_sc_gather_body(%arg0: i32, %arg1: i32, %arg2: memref<50000x128xf32, #tpu.memory_space<hbm>>, %arg3: memref<25x25x128xi32, #tpu.memory_space<hbm>>, %arg4: memref<80000x128xf32, #tpu.memory_space<hbm>>, %arg5: memref<25x128xi32, #tpu.memory_space<vmem>>, %arg6: memref<128x128xf32, #tpu.memory_space<vmem>>, %arg7: memref<128x128xf32, #tpu.memory_space<vmem>>, %arg8: memref<128x128xf32, #tpu.memory_space<vmem>>, %arg9: memref<128x128xf32, #tpu.memory_space<vmem>>, %arg10: memref<128x128xf32, #tpu.memory_space<vmem>>, %arg11: memref<!tpu.dma_semaphore, #tpu.memory_space<semaphore_mem>>, %arg12: memref<!tpu.dma_semaphore, #tpu.memory_space<semaphore_mem>>, %arg13: memref<!tpu.dma_semaphore, #tpu.memory_space<semaphore_mem>>, %arg14: memref<!tpu.dma_semaphore, #tpu.memory_space<semaphore_mem>>, %arg15: memref<!tpu.dma_semaphore, #tpu.memory_space<semaphore_mem>>, %arg16: memref<!tpu.dma_semaphore, #tpu.memory_space<semaphore_mem>>, %arg17: memref<!tpu.dma_semaphore, #tpu.memory_space<semaphore_mem>>, %arg18: memref<!tpu.dma_semaphore, #tpu.memory_space<semaphore_mem>>, %arg19: memref<!tpu.dma_semaphore, #tpu.memory_space<semaphore_mem>>, %arg20: memref<!tpu.dma_semaphore, #tpu.memory_space<semaphore_mem>>) attributes {dimension_semantics = [#tpu.dimension_semantics<core_parallel>, #tpu.dimension_semantics<subcore_parallel>], iteration_bounds = array<i64: 2, 16>, scalar_prefetch = 0 : i64, scratch_operands = 16 : i64, tpu.core_type = #tpu.core_type<sc_vector_subcore>, window_params = [{transform_indices = #map}, {transform_indices = #map1}, {transform_indices = #map}]} {
    %mul3A = arith.constant 16 : i32
    %mul3A_0 = arith.muli %arg0, %mul3A : i32
    %add3A = arith.addi %mul3A_0, %arg1 : i32
    %lt3A = arith.constant 25 : i32
    %lt3A_1 = arith.cmpi slt, %add3A, %lt3A : i32
    %convert_element_type3A = arith.extui %lt3A_1 : i1 to i32
    %cond3A = arith.constant 0 : i32
    %cond3A_2 = arith.cmpi ne, %convert_element_type3A, %cond3A : i32
    scf.if %cond3A_2 {
      %mul3A_3 = arith.constant 25 : i32
      %mul3A_4 = arith.muli %add3A, %mul3A_3 : i32
      "tpu.region"() ({
        %run_scoped3A = tpu.sem_alloc : memref<!tpu.dma_semaphore, #tpu.memory_space<semaphore_mem>>
        %dma_start3A_308 = arith.constant 0 : i32
        %dma_start3A_309 = arith.constant 0 : i32
        %dma_start3A_310 = tpu.memref_slice %arg3[%add3A, %dma_start3A_308, %dma_start3A_309] : memref<25x25x128xi32, #tpu.memory_space<hbm>> -> memref<1x25x128xi32, #tpu.memory_space<hbm>>
        %dma_start3A_311 = tpu.memref_squeeze %dma_start3A_310 : memref<1x25x128xi32, #tpu.memory_space<hbm>> -> memref<25x128xi32, #tpu.memory_space<hbm>>
        %dma_start3A_312 = arith.constant 0 : i32
        %dma_start3A_313 = arith.constant 0 : i32
        %dma_start3A_314 = tpu.memref_slice %arg3[%add3A, %dma_start3A_312, %dma_start3A_313] : memref<25x25x128xi32, #tpu.memory_space<hbm>> -> memref<1x25x128xi32, #tpu.memory_space<hbm>>
        %dma_start3A_315 = tpu.memref_squeeze %dma_start3A_314 : memref<1x25x128xi32, #tpu.memory_space<hbm>> -> memref<25x128xi32, #tpu.memory_space<hbm>>
        tpu.enqueue_dma source(%dma_start3A_315 : memref<25x128xi32, #tpu.memory_space<hbm>>) target(%arg5 : memref<25x128xi32, #tpu.memory_space<vmem>>) target_semaphore(%run_scoped3A : memref<!tpu.dma_semaphore, #tpu.memory_space<semaphore_mem>>)
        %dma_wait3A_316 = arith.constant 0 : i32
        %dma_wait3A_317 = arith.constant 0 : i32
        %dma_wait3A_318 = tpu.memref_slice %arg3[%add3A, %dma_wait3A_316, %dma_wait3A_317] : memref<25x25x128xi32, #tpu.memory_space<hbm>> -> memref<1x25x128xi32, #tpu.memory_space<hbm>>
        %dma_wait3A_319 = tpu.memref_squeeze %dma_wait3A_318 : memref<1x25x128xi32, #tpu.memory_space<hbm>> -> memref<25x128xi32, #tpu.memory_space<hbm>>
        %dma_wait3A_320 = arith.constant 0 : i32
        %dma_wait3A_321 = arith.constant 0 : i32
        %dma_wait3A_322 = tpu.memref_slice %arg3[%add3A, %dma_wait3A_320, %dma_wait3A_321] : memref<25x25x128xi32, #tpu.memory_space<hbm>> -> memref<1x25x128xi32, #tpu.memory_space<hbm>>
        %dma_wait3A_323 = tpu.memref_squeeze %dma_wait3A_322 : memref<1x25x128xi32, #tpu.memory_space<hbm>> -> memref<25x128xi32, #tpu.memory_space<hbm>>
        tpu.wait_dma2 semaphore(%run_scoped3A : memref<!tpu.dma_semaphore, #tpu.memory_space<semaphore_mem>>) src(%dma_wait3A_323 : memref<25x128xi32, #tpu.memory_space<hbm>>) dst(%arg5 : memref<25x128xi32, #tpu.memory_space<vmem>>)
        tpu.yield
      }) : () -> ()
      %dma_start3A = arith.constant 0 : i32
      %dma_start3A_5 = arith.constant 0 : i32
      %dma_start3A_6 = tpu.memref_slice %arg5[%dma_start3A, %dma_start3A_5] : memref<25x128xi32, #tpu.memory_space<vmem>> -> memref<1x128xi32, #tpu.memory_space<vmem>>
      %dma_start3A_7 = tpu.memref_squeeze %dma_start3A_6 : memref<1x128xi32, #tpu.memory_space<vmem>> -> memref<128xi32, #tpu.memory_space<vmem>>
      %dma_start3A_8 = arith.constant 0 : i32
      %dma_start3A_9 = arith.constant 0 : i32
      %dma_start3A_10 = tpu.memref_slice %arg2[%dma_start3A_8, %dma_start3A_9] : memref<50000x128xf32, #tpu.memory_space<hbm>> -> memref<50000x128xf32, #tpu.memory_space<hbm>>
      tpu.enqueue_indirect_dma source(%dma_start3A_10 : memref<50000x128xf32, #tpu.memory_space<hbm>>) target(%arg6 : memref<128x128xf32, #tpu.memory_space<vmem>>) offsets(%dma_start3A_7 : memref<128xi32, #tpu.memory_space<vmem>>) semaphore(%arg11 : memref<!tpu.dma_semaphore, #tpu.memory_space<semaphore_mem>>)
      %dma_start3A_11 = arith.constant 1 : i32
      %dma_start3A_12 = arith.constant 0 : i32
      %dma_start3A_13 = tpu.memref_slice %arg5[%dma_start3A_11, %dma_start3A_12] : memref<25x128xi32, #tpu.memory_space<vmem>> -> memref<1x128xi32, #tpu.memory_space<vmem>>
      %dma_start3A_14 = tpu.memref_squeeze %dma_start3A_13 : memref<1x128xi32, #tpu.memory_space<vmem>> -> memref<128xi32, #tpu.memory_space<vmem>>
      %dma_start3A_15 = arith.constant 0 : i32
      %dma_start3A_16 = arith.constant 0 : i32
      %dma_start3A_17 = tpu.memref_slice %arg2[%dma_start3A_15, %dma_start3A_16] : memref<50000x128xf32, #tpu.memory_space<hbm>> -> memref<50000x128xf32, #tpu.memory_space<hbm>>
      tpu.enqueue_indirect_dma source(%dma_start3A_17 : memref<50000x128xf32, #tpu.memory_space<hbm>>) target(%arg7 : memref<128x128xf32, #tpu.memory_space<vmem>>) offsets(%dma_start3A_14 : memref<128xi32, #tpu.memory_space<vmem>>) semaphore(%arg12 : memref<!tpu.dma_semaphore, #tpu.memory_space<semaphore_mem>>)
      %dma_start3A_18 = arith.constant 2 : i32
      %dma_start3A_19 = arith.constant 0 : i32
      %dma_start3A_20 = tpu.memref_slice %arg5[%dma_start3A_18, %dma_start3A_19] : memref<25x128xi32, #tpu.memory_space<vmem>> -> memref<1x128xi32, #tpu.memory_space<vmem>>
      %dma_start3A_21 = tpu.memref_squeeze %dma_start3A_20 : memref<1x128xi32, #tpu.memory_space<vmem>> -> memref<128xi32, #tpu.memory_space<vmem>>
      %dma_start3A_22 = arith.constant 0 : i32
      %dma_start3A_23 = arith.constant 0 : i32
      %dma_start3A_24 = tpu.memref_slice %arg2[%dma_start3A_22, %dma_start3A_23] : memref<50000x128xf32, #tpu.memory_space<hbm>> -> memref<50000x128xf32, #tpu.memory_space<hbm>>
      tpu.enqueue_indirect_dma source(%dma_start3A_24 : memref<50000x128xf32, #tpu.memory_space<hbm>>) target(%arg8 : memref<128x128xf32, #tpu.memory_space<vmem>>) offsets(%dma_start3A_21 : memref<128xi32, #tpu.memory_space<vmem>>) semaphore(%arg13 : memref<!tpu.dma_semaphore, #tpu.memory_space<semaphore_mem>>)
      %dma_wait3A = arith.constant 0 : i32
      %dma_wait3A_25 = arith.constant 0 : i32
      %dma_wait3A_26 = tpu.memref_slice %arg5[%dma_wait3A, %dma_wait3A_25] : memref<25x128xi32, #tpu.memory_space<vmem>> -> memref<1x128xi32, #tpu.memory_space<vmem>>
      %dma_wait3A_27 = tpu.memref_squeeze %dma_wait3A_26 : memref<1x128xi32, #tpu.memory_space<vmem>> -> memref<128xi32, #tpu.memory_space<vmem>>
      %dma_wait3A_28 = arith.constant 0 : i32
      %dma_wait3A_29 = arith.constant 0 : i32
      %dma_wait3A_30 = tpu.memref_slice %arg2[%dma_wait3A_28, %dma_wait3A_29] : memref<50000x128xf32, #tpu.memory_space<hbm>> -> memref<50000x128xf32, #tpu.memory_space<hbm>>
      tpu.wait_indirect_dma semaphore(%arg11 : memref<!tpu.dma_semaphore, #tpu.memory_space<semaphore_mem>>) src(%dma_wait3A_30 : memref<50000x128xf32, #tpu.memory_space<hbm>>) dst(%arg6 : memref<128x128xf32, #tpu.memory_space<vmem>>)
      %add3A_31 = arith.constant 0 : i32
      %add3A_32 = arith.addi %mul3A_4, %add3A_31 : i32
      %mul3A_33 = arith.constant 128 : i32
      %mul3A_34 = arith.muli %add3A_32, %mul3A_33 : i32
      %dma_start3A_35 = arith.constant 0 : i32
      %dma_start3A_36 = tpu.memref_slice %arg4[%mul3A_34, %dma_start3A_35] : memref<80000x128xf32, #tpu.memory_space<hbm>> -> memref<128x128xf32, #tpu.memory_space<hbm>>
      %dma_start3A_37 = arith.constant 0 : i32
      %dma_start3A_38 = tpu.memref_slice %arg4[%mul3A_34, %dma_start3A_37] : memref<80000x128xf32, #tpu.memory_space<hbm>> -> memref<128x128xf32, #tpu.memory_space<hbm>>
      tpu.enqueue_dma source(%arg6 : memref<128x128xf32, #tpu.memory_space<vmem>>) target(%dma_start3A_38 : memref<128x128xf32, #tpu.memory_space<hbm>>) target_semaphore(%arg16 : memref<!tpu.dma_semaphore, #tpu.memory_space<semaphore_mem>>)
      %dma_start3A_39 = arith.constant 3 : i32
      %dma_start3A_40 = arith.constant 0 : i32
      %dma_start3A_41 = tpu.memref_slice %arg5[%dma_start3A_39, %dma_start3A_40] : memref<25x128xi32, #tpu.memory_space<vmem>> -> memref<1x128xi32, #tpu.memory_space<vmem>>
      %dma_start3A_42 = tpu.memref_squeeze %dma_start3A_41 : memref<1x128xi32, #tpu.memory_space<vmem>> -> memref<128xi32, #tpu.memory_space<vmem>>
      %dma_start3A_43 = arith.constant 0 : i32
      %dma_start3A_44 = arith.constant 0 : i32
      %dma_start3A_45 = tpu.memref_slice %arg2[%dma_start3A_43, %dma_start3A_44] : memref<50000x128xf32, #tpu.memory_space<hbm>> -> memref<50000x128xf32, #tpu.memory_space<hbm>>
      tpu.enqueue_indirect_dma source(%dma_start3A_45 : memref<50000x128xf32, #tpu.memory_space<hbm>>) target(%arg9 : memref<128x128xf32, #tpu.memory_space<vmem>>) offsets(%dma_start3A_42 : memref<128xi32, #tpu.memory_space<vmem>>) semaphore(%arg14 : memref<!tpu.dma_semaphore, #tpu.memory_space<semaphore_mem>>)
      %dma_wait3A_46 = arith.constant 1 : i32
      %dma_wait3A_47 = arith.constant 0 : i32
      %dma_wait3A_48 = tpu.memref_slice %arg5[%dma_wait3A_46, %dma_wait3A_47] : memref<25x128xi32, #tpu.memory_space<vmem>> -> memref<1x128xi32, #tpu.memory_space<vmem>>
      %dma_wait3A_49 = tpu.memref_squeeze %dma_wait3A_48 : memref<1x128xi32, #tpu.memory_space<vmem>> -> memref<128xi32, #tpu.memory_space<vmem>>
      %dma_wait3A_50 = arith.constant 0 : i32
      %dma_wait3A_51 = arith.constant 0 : i32
      %dma_wait3A_52 = tpu.memref_slice %arg2[%dma_wait3A_50, %dma_wait3A_51] : memref<50000x128xf32, #tpu.memory_space<hbm>> -> memref<50000x128xf32, #tpu.memory_space<hbm>>
      tpu.wait_indirect_dma semaphore(%arg12 : memref<!tpu.dma_semaphore, #tpu.memory_space<semaphore_mem>>) src(%dma_wait3A_52 : memref<50000x128xf32, #tpu.memory_space<hbm>>) dst(%arg7 : memref<128x128xf32, #tpu.memory_space<vmem>>)
      %add3A_53 = arith.constant 1 : i32
      %add3A_54 = arith.addi %mul3A_4, %add3A_53 : i32
      %mul3A_55 = arith.constant 128 : i32
      %mul3A_56 = arith.muli %add3A_54, %mul3A_55 : i32
      %dma_start3A_57 = arith.constant 0 : i32
      %dma_start3A_58 = tpu.memref_slice %arg4[%mul3A_56, %dma_start3A_57] : memref<80000x128xf32, #tpu.memory_space<hbm>> -> memref<128x128xf32, #tpu.memory_space<hbm>>
      %dma_start3A_59 = arith.constant 0 : i32
      %dma_start3A_60 = tpu.memref_slice %arg4[%mul3A_56, %dma_start3A_59] : memref<80000x128xf32, #tpu.memory_space<hbm>> -> memref<128x128xf32, #tpu.memory_space<hbm>>
      tpu.enqueue_dma source(%arg7 : memref<128x128xf32, #tpu.memory_space<vmem>>) target(%dma_start3A_60 : memref<128x128xf32, #tpu.memory_space<hbm>>) target_semaphore(%arg17 : memref<!tpu.dma_semaphore, #tpu.memory_space<semaphore_mem>>)
      %dma_start3A_61 = arith.constant 4 : i32
      %dma_start3A_62 = arith.constant 0 : i32
      %dma_start3A_63 = tpu.memref_slice %arg5[%dma_start3A_61, %dma_start3A_62] : memref<25x128xi32, #tpu.memory_space<vmem>> -> memref<1x128xi32, #tpu.memory_space<vmem>>
      %dma_start3A_64 = tpu.memref_squeeze %dma_start3A_63 : memref<1x128xi32, #tpu.memory_space<vmem>> -> memref<128xi32, #tpu.memory_space<vmem>>
      %dma_start3A_65 = arith.constant 0 : i32
      %dma_start3A_66 = arith.constant 0 : i32
      %dma_start3A_67 = tpu.memref_slice %arg2[%dma_start3A_65, %dma_start3A_66] : memref<50000x128xf32, #tpu.memory_space<hbm>> -> memref<50000x128xf32, #tpu.memory_space<hbm>>
      tpu.enqueue_indirect_dma source(%dma_start3A_67 : memref<50000x128xf32, #tpu.memory_space<hbm>>) target(%arg10 : memref<128x128xf32, #tpu.memory_space<vmem>>) offsets(%dma_start3A_64 : memref<128xi32, #tpu.memory_space<vmem>>) semaphore(%arg15 : memref<!tpu.dma_semaphore, #tpu.memory_space<semaphore_mem>>)
      %dma_wait3A_68 = arith.constant 2 : i32
      %dma_wait3A_69 = arith.constant 0 : i32
      %dma_wait3A_70 = tpu.memref_slice %arg5[%dma_wait3A_68, %dma_wait3A_69] : memref<25x128xi32, #tpu.memory_space<vmem>> -> memref<1x128xi32, #tpu.memory_space<vmem>>
      %dma_wait3A_71 = tpu.memref_squeeze %dma_wait3A_70 : memref<1x128xi32, #tpu.memory_space<vmem>> -> memref<128xi32, #tpu.memory_space<vmem>>
      %dma_wait3A_72 = arith.constant 0 : i32
      %dma_wait3A_73 = arith.constant 0 : i32
      %dma_wait3A_74 = tpu.memref_slice %arg2[%dma_wait3A_72, %dma_wait3A_73] : memref<50000x128xf32, #tpu.memory_space<hbm>> -> memref<50000x128xf32, #tpu.memory_space<hbm>>
      tpu.wait_indirect_dma semaphore(%arg13 : memref<!tpu.dma_semaphore, #tpu.memory_space<semaphore_mem>>) src(%dma_wait3A_74 : memref<50000x128xf32, #tpu.memory_space<hbm>>) dst(%arg8 : memref<128x128xf32, #tpu.memory_space<vmem>>)
      %add3A_75 = arith.constant 2 : i32
      %add3A_76 = arith.addi %mul3A_4, %add3A_75 : i32
      %mul3A_77 = arith.constant 128 : i32
      %mul3A_78 = arith.muli %add3A_76, %mul3A_77 : i32
      %dma_start3A_79 = arith.constant 0 : i32
      %dma_start3A_80 = tpu.memref_slice %arg4[%mul3A_78, %dma_start3A_79] : memref<80000x128xf32, #tpu.memory_space<hbm>> -> memref<128x128xf32, #tpu.memory_space<hbm>>
      %dma_start3A_81 = arith.constant 0 : i32
      %dma_start3A_82 = tpu.memref_slice %arg4[%mul3A_78, %dma_start3A_81] : memref<80000x128xf32, #tpu.memory_space<hbm>> -> memref<128x128xf32, #tpu.memory_space<hbm>>
      tpu.enqueue_dma source(%arg8 : memref<128x128xf32, #tpu.memory_space<vmem>>) target(%dma_start3A_82 : memref<128x128xf32, #tpu.memory_space<hbm>>) target_semaphore(%arg18 : memref<!tpu.dma_semaphore, #tpu.memory_space<semaphore_mem>>)
      %add3A_83 = arith.constant 0 : i32
      %add3A_84 = arith.addi %mul3A_4, %add3A_83 : i32
      %mul3A_85 = arith.constant 128 : i32
      %mul3A_86 = arith.muli %add3A_84, %mul3A_85 : i32
      %dma_wait3A_87 = arith.constant 0 : i32
      %dma_wait3A_88 = tpu.memref_slice %arg4[%mul3A_86, %dma_wait3A_87] : memref<80000x128xf32, #tpu.memory_space<hbm>> -> memref<128x128xf32, #tpu.memory_space<hbm>>
      %dma_wait3A_89 = arith.constant 0 : i32
      %dma_wait3A_90 = tpu.memref_slice %arg4[%mul3A_86, %dma_wait3A_89] : memref<80000x128xf32, #tpu.memory_space<hbm>> -> memref<128x128xf32, #tpu.memory_space<hbm>>
      tpu.wait_dma2 semaphore(%arg16 : memref<!tpu.dma_semaphore, #tpu.memory_space<semaphore_mem>>) src(%arg6 : memref<128x128xf32, #tpu.memory_space<vmem>>) dst(%dma_wait3A_90 : memref<128x128xf32, #tpu.memory_space<hbm>>)
      %dma_start3A_91 = arith.constant 5 : i32
      %dma_start3A_92 = arith.constant 0 : i32
      %dma_start3A_93 = tpu.memref_slice %arg5[%dma_start3A_91, %dma_start3A_92] : memref<25x128xi32, #tpu.memory_space<vmem>> -> memref<1x128xi32, #tpu.memory_space<vmem>>
      %dma_start3A_94 = tpu.memref_squeeze %dma_start3A_93 : memref<1x128xi32, #tpu.memory_space<vmem>> -> memref<128xi32, #tpu.memory_space<vmem>>
      %dma_start3A_95 = arith.constant 0 : i32
      %dma_start3A_96 = arith.constant 0 : i32
      %dma_start3A_97 = tpu.memref_slice %arg2[%dma_start3A_95, %dma_start3A_96] : memref<50000x128xf32, #tpu.memory_space<hbm>> -> memref<50000x128xf32, #tpu.memory_space<hbm>>
      tpu.enqueue_indirect_dma source(%dma_start3A_97 : memref<50000x128xf32, #tpu.memory_space<hbm>>) target(%arg6 : memref<128x128xf32, #tpu.memory_space<vmem>>) offsets(%dma_start3A_94 : memref<128xi32, #tpu.memory_space<vmem>>) semaphore(%arg11 : memref<!tpu.dma_semaphore, #tpu.memory_space<semaphore_mem>>)
      %dma_wait3A_98 = arith.constant 3 : i32
      %dma_wait3A_99 = arith.constant 0 : i32
      %dma_wait3A_100 = tpu.memref_slice %arg5[%dma_wait3A_98, %dma_wait3A_99] : memref<25x128xi32, #tpu.memory_space<vmem>> -> memref<1x128xi32, #tpu.memory_space<vmem>>
      %dma_wait3A_101 = tpu.memref_squeeze %dma_wait3A_100 : memref<1x128xi32, #tpu.memory_space<vmem>> -> memref<128xi32, #tpu.memory_space<vmem>>
      %dma_wait3A_102 = arith.constant 0 : i32
      %dma_wait3A_103 = arith.constant 0 : i32
      %dma_wait3A_104 = tpu.memref_slice %arg2[%dma_wait3A_102, %dma_wait3A_103] : memref<50000x128xf32, #tpu.memory_space<hbm>> -> memref<50000x128xf32, #tpu.memory_space<hbm>>
      tpu.wait_indirect_dma semaphore(%arg14 : memref<!tpu.dma_semaphore, #tpu.memory_space<semaphore_mem>>) src(%dma_wait3A_104 : memref<50000x128xf32, #tpu.memory_space<hbm>>) dst(%arg9 : memref<128x128xf32, #tpu.memory_space<vmem>>)
      %add3A_105 = arith.constant 3 : i32
      %add3A_106 = arith.addi %mul3A_4, %add3A_105 : i32
      %mul3A_107 = arith.constant 128 : i32
      %mul3A_108 = arith.muli %add3A_106, %mul3A_107 : i32
      %dma_start3A_109 = arith.constant 0 : i32
      %dma_start3A_110 = tpu.memref_slice %arg4[%mul3A_108, %dma_start3A_109] : memref<80000x128xf32, #tpu.memory_space<hbm>> -> memref<128x128xf32, #tpu.memory_space<hbm>>
      %dma_start3A_111 = arith.constant 0 : i32
      %dma_start3A_112 = tpu.memref_slice %arg4[%mul3A_108, %dma_start3A_111] : memref<80000x128xf32, #tpu.memory_space<hbm>> -> memref<128x128xf32, #tpu.memory_space<hbm>>
      tpu.enqueue_dma source(%arg9 : memref<128x128xf32, #tpu.memory_space<vmem>>) target(%dma_start3A_112 : memref<128x128xf32, #tpu.memory_space<hbm>>) target_semaphore(%arg19 : memref<!tpu.dma_semaphore, #tpu.memory_space<semaphore_mem>>)
      %add3A_113 = arith.constant 1 : i32
      %add3A_114 = arith.addi %mul3A_4, %add3A_113 : i32
      %mul3A_115 = arith.constant 128 : i32
      %mul3A_116 = arith.muli %add3A_114, %mul3A_115 : i32
      %dma_wait3A_117 = arith.constant 0 : i32
      %dma_wait3A_118 = tpu.memref_slice %arg4[%mul3A_116, %dma_wait3A_117] : memref<80000x128xf32, #tpu.memory_space<hbm>> -> memref<128x128xf32, #tpu.memory_space<hbm>>
      %dma_wait3A_119 = arith.constant 0 : i32
      %dma_wait3A_120 = tpu.memref_slice %arg4[%mul3A_116, %dma_wait3A_119] : memref<80000x128xf32, #tpu.memory_space<hbm>> -> memref<128x128xf32, #tpu.memory_space<hbm>>
      tpu.wait_dma2 semaphore(%arg17 : memref<!tpu.dma_semaphore, #tpu.memory_space<semaphore_mem>>) src(%arg7 : memref<128x128xf32, #tpu.memory_space<vmem>>) dst(%dma_wait3A_120 : memref<128x128xf32, #tpu.memory_space<hbm>>)
      %dma_start3A_121 = arith.constant 6 : i32
      %dma_start3A_122 = arith.constant 0 : i32
      %dma_start3A_123 = tpu.memref_slice %arg5[%dma_start3A_121, %dma_start3A_122] : memref<25x128xi32, #tpu.memory_space<vmem>> -> memref<1x128xi32, #tpu.memory_space<vmem>>
      %dma_start3A_124 = tpu.memref_squeeze %dma_start3A_123 : memref<1x128xi32, #tpu.memory_space<vmem>> -> memref<128xi32, #tpu.memory_space<vmem>>
      %dma_start3A_125 = arith.constant 0 : i32
      %dma_start3A_126 = arith.constant 0 : i32
      %dma_start3A_127 = tpu.memref_slice %arg2[%dma_start3A_125, %dma_start3A_126] : memref<50000x128xf32, #tpu.memory_space<hbm>> -> memref<50000x128xf32, #tpu.memory_space<hbm>>
      tpu.enqueue_indirect_dma source(%dma_start3A_127 : memref<50000x128xf32, #tpu.memory_space<hbm>>) target(%arg7 : memref<128x128xf32, #tpu.memory_space<vmem>>) offsets(%dma_start3A_124 : memref<128xi32, #tpu.memory_space<vmem>>) semaphore(%arg12 : memref<!tpu.dma_semaphore, #tpu.memory_space<semaphore_mem>>)
      %dma_wait3A_128 = arith.constant 4 : i32
      %dma_wait3A_129 = arith.constant 0 : i32
      %dma_wait3A_130 = tpu.memref_slice %arg5[%dma_wait3A_128, %dma_wait3A_129] : memref<25x128xi32, #tpu.memory_space<vmem>> -> memref<1x128xi32, #tpu.memory_space<vmem>>
      %dma_wait3A_131 = tpu.memref_squeeze %dma_wait3A_130 : memref<1x128xi32, #tpu.memory_space<vmem>> -> memref<128xi32, #tpu.memory_space<vmem>>
      %dma_wait3A_132 = arith.constant 0 : i32
      %dma_wait3A_133 = arith.constant 0 : i32
      %dma_wait3A_134 = tpu.memref_slice %arg2[%dma_wait3A_132, %dma_wait3A_133] : memref<50000x128xf32, #tpu.memory_space<hbm>> -> memref<50000x128xf32, #tpu.memory_space<hbm>>
      tpu.wait_indirect_dma semaphore(%arg15 : memref<!tpu.dma_semaphore, #tpu.memory_space<semaphore_mem>>) src(%dma_wait3A_134 : memref<50000x128xf32, #tpu.memory_space<hbm>>) dst(%arg10 : memref<128x128xf32, #tpu.memory_space<vmem>>)
      %add3A_135 = arith.constant 4 : i32
      %add3A_136 = arith.addi %mul3A_4, %add3A_135 : i32
      %mul3A_137 = arith.constant 128 : i32
      %mul3A_138 = arith.muli %add3A_136, %mul3A_137 : i32
      %dma_start3A_139 = arith.constant 0 : i32
      %dma_start3A_140 = tpu.memref_slice %arg4[%mul3A_138, %dma_start3A_139] : memref<80000x128xf32, #tpu.memory_space<hbm>> -> memref<128x128xf32, #tpu.memory_space<hbm>>
      %dma_start3A_141 = arith.constant 0 : i32
      %dma_start3A_142 = tpu.memref_slice %arg4[%mul3A_138, %dma_start3A_141] : memref<80000x128xf32, #tpu.memory_space<hbm>> -> memref<128x128xf32, #tpu.memory_space<hbm>>
      tpu.enqueue_dma source(%arg10 : memref<128x128xf32, #tpu.memory_space<vmem>>) target(%dma_start3A_142 : memref<128x128xf32, #tpu.memory_space<hbm>>) target_semaphore(%arg20 : memref<!tpu.dma_semaphore, #tpu.memory_space<semaphore_mem>>)
      %add3A_143 = arith.constant 2 : i32
      %add3A_144 = arith.addi %mul3A_4, %add3A_143 : i32
      %mul3A_145 = arith.constant 128 : i32
      %mul3A_146 = arith.muli %add3A_144, %mul3A_145 : i32
      %dma_wait3A_147 = arith.constant 0 : i32
      %dma_wait3A_148 = tpu.memref_slice %arg4[%mul3A_146, %dma_wait3A_147] : memref<80000x128xf32, #tpu.memory_space<hbm>> -> memref<128x128xf32, #tpu.memory_space<hbm>>
      %dma_wait3A_149 = arith.constant 0 : i32
      %dma_wait3A_150 = tpu.memref_slice %arg4[%mul3A_146, %dma_wait3A_149] : memref<80000x128xf32, #tpu.memory_space<hbm>> -> memref<128x128xf32, #tpu.memory_space<hbm>>
      tpu.wait_dma2 semaphore(%arg18 : memref<!tpu.dma_semaphore, #tpu.memory_space<semaphore_mem>>) src(%arg8 : memref<128x128xf32, #tpu.memory_space<vmem>>) dst(%dma_wait3A_150 : memref<128x128xf32, #tpu.memory_space<hbm>>)
      %dma_start3A_151 = arith.constant 7 : i32
      %dma_start3A_152 = arith.constant 0 : i32
      %dma_start3A_153 = tpu.memref_slice %arg5[%dma_start3A_151, %dma_start3A_152] : memref<25x128xi32, #tpu.memory_space<vmem>> -> memref<1x128xi32, #tpu.memory_space<vmem>>
      %dma_start3A_154 = tpu.memref_squeeze %dma_start3A_153 : memref<1x128xi32, #tpu.memory_space<vmem>> -> memref<128xi32, #tpu.memory_space<vmem>>
      %dma_start3A_155 = arith.constant 0 : i32
      %dma_start3A_156 = arith.constant 0 : i32
      %dma_start3A_157 = tpu.memref_slice %arg2[%dma_start3A_155, %dma_start3A_156] : memref<50000x128xf32, #tpu.memory_space<hbm>> -> memref<50000x128xf32, #tpu.memory_space<hbm>>
      tpu.enqueue_indirect_dma source(%dma_start3A_157 : memref<50000x128xf32, #tpu.memory_space<hbm>>) target(%arg8 : memref<128x128xf32, #tpu.memory_space<vmem>>) offsets(%dma_start3A_154 : memref<128xi32, #tpu.memory_space<vmem>>) semaphore(%arg13 : memref<!tpu.dma_semaphore, #tpu.memory_space<semaphore_mem>>)
      %scan3A = arith.constant 0 : i32
      %scan3A_158 = arith.constant 1 : i32
      %scan3A_159 = arith.constant 3 : i32
      %scan3A_160 = arith.addi %scan3A_158, %scan3A_159 : i32
      %scan3A_161 = arith.constant 1 : i32
      scf.for %scan3A_308 = %scan3A_158 to %scan3A_160 step %scan3A_161  : i32 {
        %mul3A_309 = arith.constant 5 : i32
        %mul3A_310 = arith.muli %mul3A_309, %scan3A_308 : i32
        %add3A_311 = arith.constant 0 : i32
        %add3A_312 = arith.addi %mul3A_310, %add3A_311 : i32
        %dma_wait3A_313 = arith.constant 0 : i32
        %dma_wait3A_314 = tpu.memref_slice %arg5[%add3A_312, %dma_wait3A_313] : memref<25x128xi32, #tpu.memory_space<vmem>> -> memref<1x128xi32, #tpu.memory_space<vmem>>
        %dma_wait3A_315 = tpu.memref_squeeze %dma_wait3A_314 : memref<1x128xi32, #tpu.memory_space<vmem>> -> memref<128xi32, #tpu.memory_space<vmem>>
        %dma_wait3A_316 = arith.constant 0 : i32
        %dma_wait3A_317 = arith.constant 0 : i32
        %dma_wait3A_318 = tpu.memref_slice %arg2[%dma_wait3A_316, %dma_wait3A_317] : memref<50000x128xf32, #tpu.memory_space<hbm>> -> memref<50000x128xf32, #tpu.memory_space<hbm>>
        tpu.wait_indirect_dma semaphore(%arg11 : memref<!tpu.dma_semaphore, #tpu.memory_space<semaphore_mem>>) src(%dma_wait3A_318 : memref<50000x128xf32, #tpu.memory_space<hbm>>) dst(%arg6 : memref<128x128xf32, #tpu.memory_space<vmem>>)
        %add3A_319 = arith.addi %mul3A_4, %add3A_312 : i32
        %mul3A_320 = arith.constant 128 : i32
        %mul3A_321 = arith.muli %add3A_319, %mul3A_320 : i32
        %dma_start3A_322 = arith.constant 0 : i32
        %dma_start3A_323 = tpu.memref_slice %arg4[%mul3A_321, %dma_start3A_322] : memref<80000x128xf32, #tpu.memory_space<hbm>> -> memref<128x128xf32, #tpu.memory_space<hbm>>
        %dma_start3A_324 = arith.constant 0 : i32
        %dma_start3A_325 = tpu.memref_slice %arg4[%mul3A_321, %dma_start3A_324] : memref<80000x128xf32, #tpu.memory_space<hbm>> -> memref<128x128xf32, #tpu.memory_space<hbm>>
        tpu.enqueue_dma source(%arg6 : memref<128x128xf32, #tpu.memory_space<vmem>>) target(%dma_start3A_325 : memref<128x128xf32, #tpu.memory_space<hbm>>) target_semaphore(%arg16 : memref<!tpu.dma_semaphore, #tpu.memory_space<semaphore_mem>>)
        %add3A_326 = arith.constant 3 : i32
        %add3A_327 = arith.addi %add3A_312, %add3A_326 : i32
        %sub3A = arith.constant 5 : i32
        %sub3A_328 = arith.subi %add3A_327, %sub3A : i32
        %add3A_329 = arith.addi %mul3A_4, %sub3A_328 : i32
        %mul3A_330 = arith.constant 128 : i32
        %mul3A_331 = arith.muli %add3A_329, %mul3A_330 : i32
        %dma_wait3A_332 = arith.constant 0 : i32
        %dma_wait3A_333 = tpu.memref_slice %arg4[%mul3A_331, %dma_wait3A_332] : memref<80000x128xf32, #tpu.memory_space<hbm>> -> memref<128x128xf32, #tpu.memory_space<hbm>>
        %dma_wait3A_334 = arith.constant 0 : i32
        %dma_wait3A_335 = tpu.memref_slice %arg4[%mul3A_331, %dma_wait3A_334] : memref<80000x128xf32, #tpu.memory_space<hbm>> -> memref<128x128xf32, #tpu.memory_space<hbm>>
        tpu.wait_dma2 semaphore(%arg19 : memref<!tpu.dma_semaphore, #tpu.memory_space<semaphore_mem>>) src(%arg9 : memref<128x128xf32, #tpu.memory_space<vmem>>) dst(%dma_wait3A_335 : memref<128x128xf32, #tpu.memory_space<hbm>>)
        %add3A_336 = arith.constant 3 : i32
        %add3A_337 = arith.addi %add3A_312, %add3A_336 : i32
        %dma_start3A_338 = arith.constant 0 : i32
        %dma_start3A_339 = tpu.memref_slice %arg5[%add3A_337, %dma_start3A_338] : memref<25x128xi32, #tpu.memory_space<vmem>> -> memref<1x128xi32, #tpu.memory_space<vmem>>
        %dma_start3A_340 = tpu.memref_squeeze %dma_start3A_339 : memref<1x128xi32, #tpu.memory_space<vmem>> -> memref<128xi32, #tpu.memory_space<vmem>>
        %dma_start3A_341 = arith.constant 0 : i32
        %dma_start3A_342 = arith.constant 0 : i32
        %dma_start3A_343 = tpu.memref_slice %arg2[%dma_start3A_341, %dma_start3A_342] : memref<50000x128xf32, #tpu.memory_space<hbm>> -> memref<50000x128xf32, #tpu.memory_space<hbm>>
        tpu.enqueue_indirect_dma source(%dma_start3A_343 : memref<50000x128xf32, #tpu.memory_space<hbm>>) target(%arg9 : memref<128x128xf32, #tpu.memory_space<vmem>>) offsets(%dma_start3A_340 : memref<128xi32, #tpu.memory_space<vmem>>) semaphore(%arg14 : memref<!tpu.dma_semaphore, #tpu.memory_space<semaphore_mem>>)
        %mul3A_344 = arith.constant 5 : i32
        %mul3A_345 = arith.muli %mul3A_344, %scan3A_308 : i32
        %add3A_346 = arith.constant 1 : i32
        %add3A_347 = arith.addi %mul3A_345, %add3A_346 : i32
        %dma_wait3A_348 = arith.constant 0 : i32
        %dma_wait3A_349 = tpu.memref_slice %arg5[%add3A_347, %dma_wait3A_348] : memref<25x128xi32, #tpu.memory_space<vmem>> -> memref<1x128xi32, #tpu.memory_space<vmem>>
        %dma_wait3A_350 = tpu.memref_squeeze %dma_wait3A_349 : memref<1x128xi32, #tpu.memory_space<vmem>> -> memref<128xi32, #tpu.memory_space<vmem>>
        %dma_wait3A_351 = arith.constant 0 : i32
        %dma_wait3A_352 = arith.constant 0 : i32
        %dma_wait3A_353 = tpu.memref_slice %arg2[%dma_wait3A_351, %dma_wait3A_352] : memref<50000x128xf32, #tpu.memory_space<hbm>> -> memref<50000x128xf32, #tpu.memory_space<hbm>>
        tpu.wait_indirect_dma semaphore(%arg12 : memref<!tpu.dma_semaphore, #tpu.memory_space<semaphore_mem>>) src(%dma_wait3A_353 : memref<50000x128xf32, #tpu.memory_space<hbm>>) dst(%arg7 : memref<128x128xf32, #tpu.memory_space<vmem>>)
        %add3A_354 = arith.addi %mul3A_4, %add3A_347 : i32
        %mul3A_355 = arith.constant 128 : i32
        %mul3A_356 = arith.muli %add3A_354, %mul3A_355 : i32
        %dma_start3A_357 = arith.constant 0 : i32
        %dma_start3A_358 = tpu.memref_slice %arg4[%mul3A_356, %dma_start3A_357] : memref<80000x128xf32, #tpu.memory_space<hbm>> -> memref<128x128xf32, #tpu.memory_space<hbm>>
        %dma_start3A_359 = arith.constant 0 : i32
        %dma_start3A_360 = tpu.memref_slice %arg4[%mul3A_356, %dma_start3A_359] : memref<80000x128xf32, #tpu.memory_space<hbm>> -> memref<128x128xf32, #tpu.memory_space<hbm>>
        tpu.enqueue_dma source(%arg7 : memref<128x128xf32, #tpu.memory_space<vmem>>) target(%dma_start3A_360 : memref<128x128xf32, #tpu.memory_space<hbm>>) target_semaphore(%arg17 : memref<!tpu.dma_semaphore, #tpu.memory_space<semaphore_mem>>)
        %add3A_361 = arith.constant 3 : i32
        %add3A_362 = arith.addi %add3A_347, %add3A_361 : i32
        %sub3A_363 = arith.constant 5 : i32
        %sub3A_364 = arith.subi %add3A_362, %sub3A_363 : i32
        %add3A_365 = arith.addi %mul3A_4, %sub3A_364 : i32
        %mul3A_366 = arith.constant 128 : i32
        %mul3A_367 = arith.muli %add3A_365, %mul3A_366 : i32
        %dma_wait3A_368 = arith.constant 0 : i32
        %dma_wait3A_369 = tpu.memref_slice %arg4[%mul3A_367, %dma_wait3A_368] : memref<80000x128xf32, #tpu.memory_space<hbm>> -> memref<128x128xf32, #tpu.memory_space<hbm>>
        %dma_wait3A_370 = arith.constant 0 : i32
        %dma_wait3A_371 = tpu.memref_slice %arg4[%mul3A_367, %dma_wait3A_370] : memref<80000x128xf32, #tpu.memory_space<hbm>> -> memref<128x128xf32, #tpu.memory_space<hbm>>
        tpu.wait_dma2 semaphore(%arg20 : memref<!tpu.dma_semaphore, #tpu.memory_space<semaphore_mem>>) src(%arg10 : memref<128x128xf32, #tpu.memory_space<vmem>>) dst(%dma_wait3A_371 : memref<128x128xf32, #tpu.memory_space<hbm>>)
        %add3A_372 = arith.constant 3 : i32
        %add3A_373 = arith.addi %add3A_347, %add3A_372 : i32
        %dma_start3A_374 = arith.constant 0 : i32
        %dma_start3A_375 = tpu.memref_slice %arg5[%add3A_373, %dma_start3A_374] : memref<25x128xi32, #tpu.memory_space<vmem>> -> memref<1x128xi32, #tpu.memory_space<vmem>>
        %dma_start3A_376 = tpu.memref_squeeze %dma_start3A_375 : memref<1x128xi32, #tpu.memory_space<vmem>> -> memref<128xi32, #tpu.memory_space<vmem>>
        %dma_start3A_377 = arith.constant 0 : i32
        %dma_start3A_378 = arith.constant 0 : i32
        %dma_start3A_379 = tpu.memref_slice %arg2[%dma_start3A_377, %dma_start3A_378] : memref<50000x128xf32, #tpu.memory_space<hbm>> -> memref<50000x128xf32, #tpu.memory_space<hbm>>
        tpu.enqueue_indirect_dma source(%dma_start3A_379 : memref<50000x128xf32, #tpu.memory_space<hbm>>) target(%arg10 : memref<128x128xf32, #tpu.memory_space<vmem>>) offsets(%dma_start3A_376 : memref<128xi32, #tpu.memory_space<vmem>>) semaphore(%arg15 : memref<!tpu.dma_semaphore, #tpu.memory_space<semaphore_mem>>)
        %mul3A_380 = arith.constant 5 : i32
        %mul3A_381 = arith.muli %mul3A_380, %scan3A_308 : i32
        %add3A_382 = arith.constant 2 : i32
        %add3A_383 = arith.addi %mul3A_381, %add3A_382 : i32
        %dma_wait3A_384 = arith.constant 0 : i32
        %dma_wait3A_385 = tpu.memref_slice %arg5[%add3A_383, %dma_wait3A_384] : memref<25x128xi32, #tpu.memory_space<vmem>> -> memref<1x128xi32, #tpu.memory_space<vmem>>
        %dma_wait3A_386 = tpu.memref_squeeze %dma_wait3A_385 : memref<1x128xi32, #tpu.memory_space<vmem>> -> memref<128xi32, #tpu.memory_space<vmem>>
        %dma_wait3A_387 = arith.constant 0 : i32
        %dma_wait3A_388 = arith.constant 0 : i32
        %dma_wait3A_389 = tpu.memref_slice %arg2[%dma_wait3A_387, %dma_wait3A_388] : memref<50000x128xf32, #tpu.memory_space<hbm>> -> memref<50000x128xf32, #tpu.memory_space<hbm>>
        tpu.wait_indirect_dma semaphore(%arg13 : memref<!tpu.dma_semaphore, #tpu.memory_space<semaphore_mem>>) src(%dma_wait3A_389 : memref<50000x128xf32, #tpu.memory_space<hbm>>) dst(%arg8 : memref<128x128xf32, #tpu.memory_space<vmem>>)
        %add3A_390 = arith.addi %mul3A_4, %add3A_383 : i32
        %mul3A_391 = arith.constant 128 : i32
        %mul3A_392 = arith.muli %add3A_390, %mul3A_391 : i32
        %dma_start3A_393 = arith.constant 0 : i32
        %dma_start3A_394 = tpu.memref_slice %arg4[%mul3A_392, %dma_start3A_393] : memref<80000x128xf32, #tpu.memory_space<hbm>> -> memref<128x128xf32, #tpu.memory_space<hbm>>
        %dma_start3A_395 = arith.constant 0 : i32
        %dma_start3A_396 = tpu.memref_slice %arg4[%mul3A_392, %dma_start3A_395] : memref<80000x128xf32, #tpu.memory_space<hbm>> -> memref<128x128xf32, #tpu.memory_space<hbm>>
        tpu.enqueue_dma source(%arg8 : memref<128x128xf32, #tpu.memory_space<vmem>>) target(%dma_start3A_396 : memref<128x128xf32, #tpu.memory_space<hbm>>) target_semaphore(%arg18 : memref<!tpu.dma_semaphore, #tpu.memory_space<semaphore_mem>>)
        %add3A_397 = arith.constant 3 : i32
        %add3A_398 = arith.addi %add3A_383, %add3A_397 : i32
        %sub3A_399 = arith.constant 5 : i32
        %sub3A_400 = arith.subi %add3A_398, %sub3A_399 : i32
        %add3A_401 = arith.addi %mul3A_4, %sub3A_400 : i32
        %mul3A_402 = arith.constant 128 : i32
        %mul3A_403 = arith.muli %add3A_401, %mul3A_402 : i32
        %dma_wait3A_404 = arith.constant 0 : i32
        %dma_wait3A_405 = tpu.memref_slice %arg4[%mul3A_403, %dma_wait3A_404] : memref<80000x128xf32, #tpu.memory_space<hbm>> -> memref<128x128xf32, #tpu.memory_space<hbm>>
        %dma_wait3A_406 = arith.constant 0 : i32
        %dma_wait3A_407 = tpu.memref_slice %arg4[%mul3A_403, %dma_wait3A_406] : memref<80000x128xf32, #tpu.memory_space<hbm>> -> memref<128x128xf32, #tpu.memory_space<hbm>>
        tpu.wait_dma2 semaphore(%arg16 : memref<!tpu.dma_semaphore, #tpu.memory_space<semaphore_mem>>) src(%arg6 : memref<128x128xf32, #tpu.memory_space<vmem>>) dst(%dma_wait3A_407 : memref<128x128xf32, #tpu.memory_space<hbm>>)
        %add3A_408 = arith.constant 3 : i32
        %add3A_409 = arith.addi %add3A_383, %add3A_408 : i32
        %dma_start3A_410 = arith.constant 0 : i32
        %dma_start3A_411 = tpu.memref_slice %arg5[%add3A_409, %dma_start3A_410] : memref<25x128xi32, #tpu.memory_space<vmem>> -> memref<1x128xi32, #tpu.memory_space<vmem>>
        %dma_start3A_412 = tpu.memref_squeeze %dma_start3A_411 : memref<1x128xi32, #tpu.memory_space<vmem>> -> memref<128xi32, #tpu.memory_space<vmem>>
        %dma_start3A_413 = arith.constant 0 : i32
        %dma_start3A_414 = arith.constant 0 : i32
        %dma_start3A_415 = tpu.memref_slice %arg2[%dma_start3A_413, %dma_start3A_414] : memref<50000x128xf32, #tpu.memory_space<hbm>> -> memref<50000x128xf32, #tpu.memory_space<hbm>>
        tpu.enqueue_indirect_dma source(%dma_start3A_415 : memref<50000x128xf32, #tpu.memory_space<hbm>>) target(%arg6 : memref<128x128xf32, #tpu.memory_space<vmem>>) offsets(%dma_start3A_412 : memref<128xi32, #tpu.memory_space<vmem>>) semaphore(%arg11 : memref<!tpu.dma_semaphore, #tpu.memory_space<semaphore_mem>>)
        %mul3A_416 = arith.constant 5 : i32
        %mul3A_417 = arith.muli %mul3A_416, %scan3A_308 : i32
        %add3A_418 = arith.constant 3 : i32
        %add3A_419 = arith.addi %mul3A_417, %add3A_418 : i32
        %dma_wait3A_420 = arith.constant 0 : i32
        %dma_wait3A_421 = tpu.memref_slice %arg5[%add3A_419, %dma_wait3A_420] : memref<25x128xi32, #tpu.memory_space<vmem>> -> memref<1x128xi32, #tpu.memory_space<vmem>>
        %dma_wait3A_422 = tpu.memref_squeeze %dma_wait3A_421 : memref<1x128xi32, #tpu.memory_space<vmem>> -> memref<128xi32, #tpu.memory_space<vmem>>
        %dma_wait3A_423 = arith.constant 0 : i32
        %dma_wait3A_424 = arith.constant 0 : i32
        %dma_wait3A_425 = tpu.memref_slice %arg2[%dma_wait3A_423, %dma_wait3A_424] : memref<50000x128xf32, #tpu.memory_space<hbm>> -> memref<50000x128xf32, #tpu.memory_space<hbm>>
        tpu.wait_indirect_dma semaphore(%arg14 : memref<!tpu.dma_semaphore, #tpu.memory_space<semaphore_mem>>) src(%dma_wait3A_425 : memref<50000x128xf32, #tpu.memory_space<hbm>>) dst(%arg9 : memref<128x128xf32, #tpu.memory_space<vmem>>)
        %add3A_426 = arith.addi %mul3A_4, %add3A_419 : i32
        %mul3A_427 = arith.constant 128 : i32
        %mul3A_428 = arith.muli %add3A_426, %mul3A_427 : i32
        %dma_start3A_429 = arith.constant 0 : i32
        %dma_start3A_430 = tpu.memref_slice %arg4[%mul3A_428, %dma_start3A_429] : memref<80000x128xf32, #tpu.memory_space<hbm>> -> memref<128x128xf32, #tpu.memory_space<hbm>>
        %dma_start3A_431 = arith.constant 0 : i32
        %dma_start3A_432 = tpu.memref_slice %arg4[%mul3A_428, %dma_start3A_431] : memref<80000x128xf32, #tpu.memory_space<hbm>> -> memref<128x128xf32, #tpu.memory_space<hbm>>
        tpu.enqueue_dma source(%arg9 : memref<128x128xf32, #tpu.memory_space<vmem>>) target(%dma_start3A_432 : memref<128x128xf32, #tpu.memory_space<hbm>>) target_semaphore(%arg19 : memref<!tpu.dma_semaphore, #tpu.memory_space<semaphore_mem>>)
        %add3A_433 = arith.constant 3 : i32
        %add3A_434 = arith.addi %add3A_419, %add3A_433 : i32
        %sub3A_435 = arith.constant 5 : i32
        %sub3A_436 = arith.subi %add3A_434, %sub3A_435 : i32
        %add3A_437 = arith.addi %mul3A_4, %sub3A_436 : i32
        %mul3A_438 = arith.constant 128 : i32
        %mul3A_439 = arith.muli %add3A_437, %mul3A_438 : i32
        %dma_wait3A_440 = arith.constant 0 : i32
        %dma_wait3A_441 = tpu.memref_slice %arg4[%mul3A_439, %dma_wait3A_440] : memref<80000x128xf32, #tpu.memory_space<hbm>> -> memref<128x128xf32, #tpu.memory_space<hbm>>
        %dma_wait3A_442 = arith.constant 0 : i32
        %dma_wait3A_443 = tpu.memref_slice %arg4[%mul3A_439, %dma_wait3A_442] : memref<80000x128xf32, #tpu.memory_space<hbm>> -> memref<128x128xf32, #tpu.memory_space<hbm>>
        tpu.wait_dma2 semaphore(%arg17 : memref<!tpu.dma_semaphore, #tpu.memory_space<semaphore_mem>>) src(%arg7 : memref<128x128xf32, #tpu.memory_space<vmem>>) dst(%dma_wait3A_443 : memref<128x128xf32, #tpu.memory_space<hbm>>)
        %add3A_444 = arith.constant 3 : i32
        %add3A_445 = arith.addi %add3A_419, %add3A_444 : i32
        %dma_start3A_446 = arith.constant 0 : i32
        %dma_start3A_447 = tpu.memref_slice %arg5[%add3A_445, %dma_start3A_446] : memref<25x128xi32, #tpu.memory_space<vmem>> -> memref<1x128xi32, #tpu.memory_space<vmem>>
        %dma_start3A_448 = tpu.memref_squeeze %dma_start3A_447 : memref<1x128xi32, #tpu.memory_space<vmem>> -> memref<128xi32, #tpu.memory_space<vmem>>
        %dma_start3A_449 = arith.constant 0 : i32
        %dma_start3A_450 = arith.constant 0 : i32
        %dma_start3A_451 = tpu.memref_slice %arg2[%dma_start3A_449, %dma_start3A_450] : memref<50000x128xf32, #tpu.memory_space<hbm>> -> memref<50000x128xf32, #tpu.memory_space<hbm>>
        tpu.enqueue_indirect_dma source(%dma_start3A_451 : memref<50000x128xf32, #tpu.memory_space<hbm>>) target(%arg7 : memref<128x128xf32, #tpu.memory_space<vmem>>) offsets(%dma_start3A_448 : memref<128xi32, #tpu.memory_space<vmem>>) semaphore(%arg12 : memref<!tpu.dma_semaphore, #tpu.memory_space<semaphore_mem>>)
        %mul3A_452 = arith.constant 5 : i32
        %mul3A_453 = arith.muli %mul3A_452, %scan3A_308 : i32
        %add3A_454 = arith.constant 4 : i32
        %add3A_455 = arith.addi %mul3A_453, %add3A_454 : i32
        %dma_wait3A_456 = arith.constant 0 : i32
        %dma_wait3A_457 = tpu.memref_slice %arg5[%add3A_455, %dma_wait3A_456] : memref<25x128xi32, #tpu.memory_space<vmem>> -> memref<1x128xi32, #tpu.memory_space<vmem>>
        %dma_wait3A_458 = tpu.memref_squeeze %dma_wait3A_457 : memref<1x128xi32, #tpu.memory_space<vmem>> -> memref<128xi32, #tpu.memory_space<vmem>>
        %dma_wait3A_459 = arith.constant 0 : i32
        %dma_wait3A_460 = arith.constant 0 : i32
        %dma_wait3A_461 = tpu.memref_slice %arg2[%dma_wait3A_459, %dma_wait3A_460] : memref<50000x128xf32, #tpu.memory_space<hbm>> -> memref<50000x128xf32, #tpu.memory_space<hbm>>
        tpu.wait_indirect_dma semaphore(%arg15 : memref<!tpu.dma_semaphore, #tpu.memory_space<semaphore_mem>>) src(%dma_wait3A_461 : memref<50000x128xf32, #tpu.memory_space<hbm>>) dst(%arg10 : memref<128x128xf32, #tpu.memory_space<vmem>>)
        %add3A_462 = arith.addi %mul3A_4, %add3A_455 : i32
        %mul3A_463 = arith.constant 128 : i32
        %mul3A_464 = arith.muli %add3A_462, %mul3A_463 : i32
        %dma_start3A_465 = arith.constant 0 : i32
        %dma_start3A_466 = tpu.memref_slice %arg4[%mul3A_464, %dma_start3A_465] : memref<80000x128xf32, #tpu.memory_space<hbm>> -> memref<128x128xf32, #tpu.memory_space<hbm>>
        %dma_start3A_467 = arith.constant 0 : i32
        %dma_start3A_468 = tpu.memref_slice %arg4[%mul3A_464, %dma_start3A_467] : memref<80000x128xf32, #tpu.memory_space<hbm>> -> memref<128x128xf32, #tpu.memory_space<hbm>>
        tpu.enqueue_dma source(%arg10 : memref<128x128xf32, #tpu.memory_space<vmem>>) target(%dma_start3A_468 : memref<128x128xf32, #tpu.memory_space<hbm>>) target_semaphore(%arg20 : memref<!tpu.dma_semaphore, #tpu.memory_space<semaphore_mem>>)
        %add3A_469 = arith.constant 3 : i32
        %add3A_470 = arith.addi %add3A_455, %add3A_469 : i32
        %sub3A_471 = arith.constant 5 : i32
        %sub3A_472 = arith.subi %add3A_470, %sub3A_471 : i32
        %add3A_473 = arith.addi %mul3A_4, %sub3A_472 : i32
        %mul3A_474 = arith.constant 128 : i32
        %mul3A_475 = arith.muli %add3A_473, %mul3A_474 : i32
        %dma_wait3A_476 = arith.constant 0 : i32
        %dma_wait3A_477 = tpu.memref_slice %arg4[%mul3A_475, %dma_wait3A_476] : memref<80000x128xf32, #tpu.memory_space<hbm>> -> memref<128x128xf32, #tpu.memory_space<hbm>>
        %dma_wait3A_478 = arith.constant 0 : i32
        %dma_wait3A_479 = tpu.memref_slice %arg4[%mul3A_475, %dma_wait3A_478] : memref<80000x128xf32, #tpu.memory_space<hbm>> -> memref<128x128xf32, #tpu.memory_space<hbm>>
        tpu.wait_dma2 semaphore(%arg18 : memref<!tpu.dma_semaphore, #tpu.memory_space<semaphore_mem>>) src(%arg8 : memref<128x128xf32, #tpu.memory_space<vmem>>) dst(%dma_wait3A_479 : memref<128x128xf32, #tpu.memory_space<hbm>>)
        %add3A_480 = arith.constant 3 : i32
        %add3A_481 = arith.addi %add3A_455, %add3A_480 : i32
        %dma_start3A_482 = arith.constant 0 : i32
        %dma_start3A_483 = tpu.memref_slice %arg5[%add3A_481, %dma_start3A_482] : memref<25x128xi32, #tpu.memory_space<vmem>> -> memref<1x128xi32, #tpu.memory_space<vmem>>
        %dma_start3A_484 = tpu.memref_squeeze %dma_start3A_483 : memref<1x128xi32, #tpu.memory_space<vmem>> -> memref<128xi32, #tpu.memory_space<vmem>>
        %dma_start3A_485 = arith.constant 0 : i32
        %dma_start3A_486 = arith.constant 0 : i32
        %dma_start3A_487 = tpu.memref_slice %arg2[%dma_start3A_485, %dma_start3A_486] : memref<50000x128xf32, #tpu.memory_space<hbm>> -> memref<50000x128xf32, #tpu.memory_space<hbm>>
        tpu.enqueue_indirect_dma source(%dma_start3A_487 : memref<50000x128xf32, #tpu.memory_space<hbm>>) target(%arg8 : memref<128x128xf32, #tpu.memory_space<vmem>>) offsets(%dma_start3A_484 : memref<128xi32, #tpu.memory_space<vmem>>) semaphore(%arg13 : memref<!tpu.dma_semaphore, #tpu.memory_space<semaphore_mem>>)
      }
      %scan3A_162 = arith.constant 3 : i32
      %dma_wait3A_163 = arith.constant 20 : i32
      %dma_wait3A_164 = arith.constant 0 : i32
      %dma_wait3A_165 = tpu.memref_slice %arg5[%dma_wait3A_163, %dma_wait3A_164] : memref<25x128xi32, #tpu.memory_space<vmem>> -> memref<1x128xi32, #tpu.memory_space<vmem>>
      %dma_wait3A_166 = tpu.memref_squeeze %dma_wait3A_165 : memref<1x128xi32, #tpu.memory_space<vmem>> -> memref<128xi32, #tpu.memory_space<vmem>>
      %dma_wait3A_167 = arith.constant 0 : i32
      %dma_wait3A_168 = arith.constant 0 : i32
      %dma_wait3A_169 = tpu.memref_slice %arg2[%dma_wait3A_167, %dma_wait3A_168] : memref<50000x128xf32, #tpu.memory_space<hbm>> -> memref<50000x128xf32, #tpu.memory_space<hbm>>
      tpu.wait_indirect_dma semaphore(%arg11 : memref<!tpu.dma_semaphore, #tpu.memory_space<semaphore_mem>>) src(%dma_wait3A_169 : memref<50000x128xf32, #tpu.memory_space<hbm>>) dst(%arg6 : memref<128x128xf32, #tpu.memory_space<vmem>>)
      %add3A_170 = arith.constant 20 : i32
      %add3A_171 = arith.addi %mul3A_4, %add3A_170 : i32
      %mul3A_172 = arith.constant 128 : i32
      %mul3A_173 = arith.muli %add3A_171, %mul3A_172 : i32
      %dma_start3A_174 = arith.constant 0 : i32
      %dma_start3A_175 = tpu.memref_slice %arg4[%mul3A_173, %dma_start3A_174] : memref<80000x128xf32, #tpu.memory_space<hbm>> -> memref<128x128xf32, #tpu.memory_space<hbm>>
      %dma_start3A_176 = arith.constant 0 : i32
      %dma_start3A_177 = tpu.memref_slice %arg4[%mul3A_173, %dma_start3A_176] : memref<80000x128xf32, #tpu.memory_space<hbm>> -> memref<128x128xf32, #tpu.memory_space<hbm>>
      tpu.enqueue_dma source(%arg6 : memref<128x128xf32, #tpu.memory_space<vmem>>) target(%dma_start3A_177 : memref<128x128xf32, #tpu.memory_space<hbm>>) target_semaphore(%arg16 : memref<!tpu.dma_semaphore, #tpu.memory_space<semaphore_mem>>)
      %add3A_178 = arith.constant 18 : i32
      %add3A_179 = arith.addi %mul3A_4, %add3A_178 : i32
      %mul3A_180 = arith.constant 128 : i32
      %mul3A_181 = arith.muli %add3A_179, %mul3A_180 : i32
      %dma_wait3A_182 = arith.constant 0 : i32
      %dma_wait3A_183 = tpu.memref_slice %arg4[%mul3A_181, %dma_wait3A_182] : memref<80000x128xf32, #tpu.memory_space<hbm>> -> memref<128x128xf32, #tpu.memory_space<hbm>>
      %dma_wait3A_184 = arith.constant 0 : i32
      %dma_wait3A_185 = tpu.memref_slice %arg4[%mul3A_181, %dma_wait3A_184] : memref<80000x128xf32, #tpu.memory_space<hbm>> -> memref<128x128xf32, #tpu.memory_space<hbm>>
      tpu.wait_dma2 semaphore(%arg19 : memref<!tpu.dma_semaphore, #tpu.memory_space<semaphore_mem>>) src(%arg9 : memref<128x128xf32, #tpu.memory_space<vmem>>) dst(%dma_wait3A_185 : memref<128x128xf32, #tpu.memory_space<hbm>>)
      %dma_start3A_186 = arith.constant 23 : i32
      %dma_start3A_187 = arith.constant 0 : i32
      %dma_start3A_188 = tpu.memref_slice %arg5[%dma_start3A_186, %dma_start3A_187] : memref<25x128xi32, #tpu.memory_space<vmem>> -> memref<1x128xi32, #tpu.memory_space<vmem>>
      %dma_start3A_189 = tpu.memref_squeeze %dma_start3A_188 : memref<1x128xi32, #tpu.memory_space<vmem>> -> memref<128xi32, #tpu.memory_space<vmem>>
      %dma_start3A_190 = arith.constant 0 : i32
      %dma_start3A_191 = arith.constant 0 : i32
      %dma_start3A_192 = tpu.memref_slice %arg2[%dma_start3A_190, %dma_start3A_191] : memref<50000x128xf32, #tpu.memory_space<hbm>> -> memref<50000x128xf32, #tpu.memory_space<hbm>>
      tpu.enqueue_indirect_dma source(%dma_start3A_192 : memref<50000x128xf32, #tpu.memory_space<hbm>>) target(%arg9 : memref<128x128xf32, #tpu.memory_space<vmem>>) offsets(%dma_start3A_189 : memref<128xi32, #tpu.memory_space<vmem>>) semaphore(%arg14 : memref<!tpu.dma_semaphore, #tpu.memory_space<semaphore_mem>>)
      %dma_wait3A_193 = arith.constant 21 : i32
      %dma_wait3A_194 = arith.constant 0 : i32
      %dma_wait3A_195 = tpu.memref_slice %arg5[%dma_wait3A_193, %dma_wait3A_194] : memref<25x128xi32, #tpu.memory_space<vmem>> -> memref<1x128xi32, #tpu.memory_space<vmem>>
      %dma_wait3A_196 = tpu.memref_squeeze %dma_wait3A_195 : memref<1x128xi32, #tpu.memory_space<vmem>> -> memref<128xi32, #tpu.memory_space<vmem>>
      %dma_wait3A_197 = arith.constant 0 : i32
      %dma_wait3A_198 = arith.constant 0 : i32
      %dma_wait3A_199 = tpu.memref_slice %arg2[%dma_wait3A_197, %dma_wait3A_198] : memref<50000x128xf32, #tpu.memory_space<hbm>> -> memref<50000x128xf32, #tpu.memory_space<hbm>>
      tpu.wait_indirect_dma semaphore(%arg12 : memref<!tpu.dma_semaphore, #tpu.memory_space<semaphore_mem>>) src(%dma_wait3A_199 : memref<50000x128xf32, #tpu.memory_space<hbm>>) dst(%arg7 : memref<128x128xf32, #tpu.memory_space<vmem>>)
      %add3A_200 = arith.constant 21 : i32
      %add3A_201 = arith.addi %mul3A_4, %add3A_200 : i32
      %mul3A_202 = arith.constant 128 : i32
      %mul3A_203 = arith.muli %add3A_201, %mul3A_202 : i32
      %dma_start3A_204 = arith.constant 0 : i32
      %dma_start3A_205 = tpu.memref_slice %arg4[%mul3A_203, %dma_start3A_204] : memref<80000x128xf32, #tpu.memory_space<hbm>> -> memref<128x128xf32, #tpu.memory_space<hbm>>
      %dma_start3A_206 = arith.constant 0 : i32
      %dma_start3A_207 = tpu.memref_slice %arg4[%mul3A_203, %dma_start3A_206] : memref<80000x128xf32, #tpu.memory_space<hbm>> -> memref<128x128xf32, #tpu.memory_space<hbm>>
      tpu.enqueue_dma source(%arg7 : memref<128x128xf32, #tpu.memory_space<vmem>>) target(%dma_start3A_207 : memref<128x128xf32, #tpu.memory_space<hbm>>) target_semaphore(%arg17 : memref<!tpu.dma_semaphore, #tpu.memory_space<semaphore_mem>>)
      %add3A_208 = arith.constant 19 : i32
      %add3A_209 = arith.addi %mul3A_4, %add3A_208 : i32
      %mul3A_210 = arith.constant 128 : i32
      %mul3A_211 = arith.muli %add3A_209, %mul3A_210 : i32
      %dma_wait3A_212 = arith.constant 0 : i32
      %dma_wait3A_213 = tpu.memref_slice %arg4[%mul3A_211, %dma_wait3A_212] : memref<80000x128xf32, #tpu.memory_space<hbm>> -> memref<128x128xf32, #tpu.memory_space<hbm>>
      %dma_wait3A_214 = arith.constant 0 : i32
      %dma_wait3A_215 = tpu.memref_slice %arg4[%mul3A_211, %dma_wait3A_214] : memref<80000x128xf32, #tpu.memory_space<hbm>> -> memref<128x128xf32, #tpu.memory_space<hbm>>
      tpu.wait_dma2 semaphore(%arg20 : memref<!tpu.dma_semaphore, #tpu.memory_space<semaphore_mem>>) src(%arg10 : memref<128x128xf32, #tpu.memory_space<vmem>>) dst(%dma_wait3A_215 : memref<128x128xf32, #tpu.memory_space<hbm>>)
      %dma_start3A_216 = arith.constant 24 : i32
      %dma_start3A_217 = arith.constant 0 : i32
      %dma_start3A_218 = tpu.memref_slice %arg5[%dma_start3A_216, %dma_start3A_217] : memref<25x128xi32, #tpu.memory_space<vmem>> -> memref<1x128xi32, #tpu.memory_space<vmem>>
      %dma_start3A_219 = tpu.memref_squeeze %dma_start3A_218 : memref<1x128xi32, #tpu.memory_space<vmem>> -> memref<128xi32, #tpu.memory_space<vmem>>
      %dma_start3A_220 = arith.constant 0 : i32
      %dma_start3A_221 = arith.constant 0 : i32
      %dma_start3A_222 = tpu.memref_slice %arg2[%dma_start3A_220, %dma_start3A_221] : memref<50000x128xf32, #tpu.memory_space<hbm>> -> memref<50000x128xf32, #tpu.memory_space<hbm>>
      tpu.enqueue_indirect_dma source(%dma_start3A_222 : memref<50000x128xf32, #tpu.memory_space<hbm>>) target(%arg10 : memref<128x128xf32, #tpu.memory_space<vmem>>) offsets(%dma_start3A_219 : memref<128xi32, #tpu.memory_space<vmem>>) semaphore(%arg15 : memref<!tpu.dma_semaphore, #tpu.memory_space<semaphore_mem>>)
      %dma_wait3A_223 = arith.constant 22 : i32
      %dma_wait3A_224 = arith.constant 0 : i32
      %dma_wait3A_225 = tpu.memref_slice %arg5[%dma_wait3A_223, %dma_wait3A_224] : memref<25x128xi32, #tpu.memory_space<vmem>> -> memref<1x128xi32, #tpu.memory_space<vmem>>
      %dma_wait3A_226 = tpu.memref_squeeze %dma_wait3A_225 : memref<1x128xi32, #tpu.memory_space<vmem>> -> memref<128xi32, #tpu.memory_space<vmem>>
      %dma_wait3A_227 = arith.constant 0 : i32
      %dma_wait3A_228 = arith.constant 0 : i32
      %dma_wait3A_229 = tpu.memref_slice %arg2[%dma_wait3A_227, %dma_wait3A_228] : memref<50000x128xf32, #tpu.memory_space<hbm>> -> memref<50000x128xf32, #tpu.memory_space<hbm>>
      tpu.wait_indirect_dma semaphore(%arg13 : memref<!tpu.dma_semaphore, #tpu.memory_space<semaphore_mem>>) src(%dma_wait3A_229 : memref<50000x128xf32, #tpu.memory_space<hbm>>) dst(%arg8 : memref<128x128xf32, #tpu.memory_space<vmem>>)
      %add3A_230 = arith.constant 22 : i32
      %add3A_231 = arith.addi %mul3A_4, %add3A_230 : i32
      %mul3A_232 = arith.constant 128 : i32
      %mul3A_233 = arith.muli %add3A_231, %mul3A_232 : i32
      %dma_start3A_234 = arith.constant 0 : i32
      %dma_start3A_235 = tpu.memref_slice %arg4[%mul3A_233, %dma_start3A_234] : memref<80000x128xf32, #tpu.memory_space<hbm>> -> memref<128x128xf32, #tpu.memory_space<hbm>>
      %dma_start3A_236 = arith.constant 0 : i32
      %dma_start3A_237 = tpu.memref_slice %arg4[%mul3A_233, %dma_start3A_236] : memref<80000x128xf32, #tpu.memory_space<hbm>> -> memref<128x128xf32, #tpu.memory_space<hbm>>
      tpu.enqueue_dma source(%arg8 : memref<128x128xf32, #tpu.memory_space<vmem>>) target(%dma_start3A_237 : memref<128x128xf32, #tpu.memory_space<hbm>>) target_semaphore(%arg18 : memref<!tpu.dma_semaphore, #tpu.memory_space<semaphore_mem>>)
      %add3A_238 = arith.constant 20 : i32
      %add3A_239 = arith.addi %mul3A_4, %add3A_238 : i32
      %mul3A_240 = arith.constant 128 : i32
      %mul3A_241 = arith.muli %add3A_239, %mul3A_240 : i32
      %dma_wait3A_242 = arith.constant 0 : i32
      %dma_wait3A_243 = tpu.memref_slice %arg4[%mul3A_241, %dma_wait3A_242] : memref<80000x128xf32, #tpu.memory_space<hbm>> -> memref<128x128xf32, #tpu.memory_space<hbm>>
      %dma_wait3A_244 = arith.constant 0 : i32
      %dma_wait3A_245 = tpu.memref_slice %arg4[%mul3A_241, %dma_wait3A_244] : memref<80000x128xf32, #tpu.memory_space<hbm>> -> memref<128x128xf32, #tpu.memory_space<hbm>>
      tpu.wait_dma2 semaphore(%arg16 : memref<!tpu.dma_semaphore, #tpu.memory_space<semaphore_mem>>) src(%arg6 : memref<128x128xf32, #tpu.memory_space<vmem>>) dst(%dma_wait3A_245 : memref<128x128xf32, #tpu.memory_space<hbm>>)
      %dma_wait3A_246 = arith.constant 23 : i32
      %dma_wait3A_247 = arith.constant 0 : i32
      %dma_wait3A_248 = tpu.memref_slice %arg5[%dma_wait3A_246, %dma_wait3A_247] : memref<25x128xi32, #tpu.memory_space<vmem>> -> memref<1x128xi32, #tpu.memory_space<vmem>>
      %dma_wait3A_249 = tpu.memref_squeeze %dma_wait3A_248 : memref<1x128xi32, #tpu.memory_space<vmem>> -> memref<128xi32, #tpu.memory_space<vmem>>
      %dma_wait3A_250 = arith.constant 0 : i32
      %dma_wait3A_251 = arith.constant 0 : i32
      %dma_wait3A_252 = tpu.memref_slice %arg2[%dma_wait3A_250, %dma_wait3A_251] : memref<50000x128xf32, #tpu.memory_space<hbm>> -> memref<50000x128xf32, #tpu.memory_space<hbm>>
      tpu.wait_indirect_dma semaphore(%arg14 : memref<!tpu.dma_semaphore, #tpu.memory_space<semaphore_mem>>) src(%dma_wait3A_252 : memref<50000x128xf32, #tpu.memory_space<hbm>>) dst(%arg9 : memref<128x128xf32, #tpu.memory_space<vmem>>)
      %add3A_253 = arith.constant 23 : i32
      %add3A_254 = arith.addi %mul3A_4, %add3A_253 : i32
      %mul3A_255 = arith.constant 128 : i32
      %mul3A_256 = arith.muli %add3A_254, %mul3A_255 : i32
      %dma_start3A_257 = arith.constant 0 : i32
      %dma_start3A_258 = tpu.memref_slice %arg4[%mul3A_256, %dma_start3A_257] : memref<80000x128xf32, #tpu.memory_space<hbm>> -> memref<128x128xf32, #tpu.memory_space<hbm>>
      %dma_start3A_259 = arith.constant 0 : i32
      %dma_start3A_260 = tpu.memref_slice %arg4[%mul3A_256, %dma_start3A_259] : memref<80000x128xf32, #tpu.memory_space<hbm>> -> memref<128x128xf32, #tpu.memory_space<hbm>>
      tpu.enqueue_dma source(%arg9 : memref<128x128xf32, #tpu.memory_space<vmem>>) target(%dma_start3A_260 : memref<128x128xf32, #tpu.memory_space<hbm>>) target_semaphore(%arg19 : memref<!tpu.dma_semaphore, #tpu.memory_space<semaphore_mem>>)
      %add3A_261 = arith.constant 21 : i32
      %add3A_262 = arith.addi %mul3A_4, %add3A_261 : i32
      %mul3A_263 = arith.constant 128 : i32
      %mul3A_264 = arith.muli %add3A_262, %mul3A_263 : i32
      %dma_wait3A_265 = arith.constant 0 : i32
      %dma_wait3A_266 = tpu.memref_slice %arg4[%mul3A_264, %dma_wait3A_265] : memref<80000x128xf32, #tpu.memory_space<hbm>> -> memref<128x128xf32, #tpu.memory_space<hbm>>
      %dma_wait3A_267 = arith.constant 0 : i32
      %dma_wait3A_268 = tpu.memref_slice %arg4[%mul3A_264, %dma_wait3A_267] : memref<80000x128xf32, #tpu.memory_space<hbm>> -> memref<128x128xf32, #tpu.memory_space<hbm>>
      tpu.wait_dma2 semaphore(%arg17 : memref<!tpu.dma_semaphore, #tpu.memory_space<semaphore_mem>>) src(%arg7 : memref<128x128xf32, #tpu.memory_space<vmem>>) dst(%dma_wait3A_268 : memref<128x128xf32, #tpu.memory_space<hbm>>)
      %dma_wait3A_269 = arith.constant 24 : i32
      %dma_wait3A_270 = arith.constant 0 : i32
      %dma_wait3A_271 = tpu.memref_slice %arg5[%dma_wait3A_269, %dma_wait3A_270] : memref<25x128xi32, #tpu.memory_space<vmem>> -> memref<1x128xi32, #tpu.memory_space<vmem>>
      %dma_wait3A_272 = tpu.memref_squeeze %dma_wait3A_271 : memref<1x128xi32, #tpu.memory_space<vmem>> -> memref<128xi32, #tpu.memory_space<vmem>>
      %dma_wait3A_273 = arith.constant 0 : i32
      %dma_wait3A_274 = arith.constant 0 : i32
      %dma_wait3A_275 = tpu.memref_slice %arg2[%dma_wait3A_273, %dma_wait3A_274] : memref<50000x128xf32, #tpu.memory_space<hbm>> -> memref<50000x128xf32, #tpu.memory_space<hbm>>
      tpu.wait_indirect_dma semaphore(%arg15 : memref<!tpu.dma_semaphore, #tpu.memory_space<semaphore_mem>>) src(%dma_wait3A_275 : memref<50000x128xf32, #tpu.memory_space<hbm>>) dst(%arg10 : memref<128x128xf32, #tpu.memory_space<vmem>>)
      %add3A_276 = arith.constant 24 : i32
      %add3A_277 = arith.addi %mul3A_4, %add3A_276 : i32
      %mul3A_278 = arith.constant 128 : i32
      %mul3A_279 = arith.muli %add3A_277, %mul3A_278 : i32
      %dma_start3A_280 = arith.constant 0 : i32
      %dma_start3A_281 = tpu.memref_slice %arg4[%mul3A_279, %dma_start3A_280] : memref<80000x128xf32, #tpu.memory_space<hbm>> -> memref<128x128xf32, #tpu.memory_space<hbm>>
      %dma_start3A_282 = arith.constant 0 : i32
      %dma_start3A_283 = tpu.memref_slice %arg4[%mul3A_279, %dma_start3A_282] : memref<80000x128xf32, #tpu.memory_space<hbm>> -> memref<128x128xf32, #tpu.memory_space<hbm>>
      tpu.enqueue_dma source(%arg10 : memref<128x128xf32, #tpu.memory_space<vmem>>) target(%dma_start3A_283 : memref<128x128xf32, #tpu.memory_space<hbm>>) target_semaphore(%arg20 : memref<!tpu.dma_semaphore, #tpu.memory_space<semaphore_mem>>)
      %add3A_284 = arith.constant 22 : i32
      %add3A_285 = arith.addi %mul3A_4, %add3A_284 : i32
      %mul3A_286 = arith.constant 128 : i32
      %mul3A_287 = arith.muli %add3A_285, %mul3A_286 : i32
      %dma_wait3A_288 = arith.constant 0 : i32
      %dma_wait3A_289 = tpu.memref_slice %arg4[%mul3A_287, %dma_wait3A_288] : memref<80000x128xf32, #tpu.memory_space<hbm>> -> memref<128x128xf32, #tpu.memory_space<hbm>>
      %dma_wait3A_290 = arith.constant 0 : i32
      %dma_wait3A_291 = tpu.memref_slice %arg4[%mul3A_287, %dma_wait3A_290] : memref<80000x128xf32, #tpu.memory_space<hbm>> -> memref<128x128xf32, #tpu.memory_space<hbm>>
      tpu.wait_dma2 semaphore(%arg18 : memref<!tpu.dma_semaphore, #tpu.memory_space<semaphore_mem>>) src(%arg8 : memref<128x128xf32, #tpu.memory_space<vmem>>) dst(%dma_wait3A_291 : memref<128x128xf32, #tpu.memory_space<hbm>>)
      %add3A_292 = arith.constant 23 : i32
      %add3A_293 = arith.addi %mul3A_4, %add3A_292 : i32
      %mul3A_294 = arith.constant 128 : i32
      %mul3A_295 = arith.muli %add3A_293, %mul3A_294 : i32
      %dma_wait3A_296 = arith.constant 0 : i32
      %dma_wait3A_297 = tpu.memref_slice %arg4[%mul3A_295, %dma_wait3A_296] : memref<80000x128xf32, #tpu.memory_space<hbm>> -> memref<128x128xf32, #tpu.memory_space<hbm>>
      %dma_wait3A_298 = arith.constant 0 : i32
      %dma_wait3A_299 = tpu.memref_slice %arg4[%mul3A_295, %dma_wait3A_298] : memref<80000x128xf32, #tpu.memory_space<hbm>> -> memref<128x128xf32, #tpu.memory_space<hbm>>
      tpu.wait_dma2 semaphore(%arg19 : memref<!tpu.dma_semaphore, #tpu.memory_space<semaphore_mem>>) src(%arg9 : memref<128x128xf32, #tpu.memory_space<vmem>>) dst(%dma_wait3A_299 : memref<128x128xf32, #tpu.memory_space<hbm>>)
      %add3A_300 = arith.constant 24 : i32
      %add3A_301 = arith.addi %mul3A_4, %add3A_300 : i32
      %mul3A_302 = arith.constant 128 : i32
      %mul3A_303 = arith.muli %add3A_301, %mul3A_302 : i32
      %dma_wait3A_304 = arith.constant 0 : i32
      %dma_wait3A_305 = tpu.memref_slice %arg4[%mul3A_303, %dma_wait3A_304] : memref<80000x128xf32, #tpu.memory_space<hbm>> -> memref<128x128xf32, #tpu.memory_space<hbm>>
      %dma_wait3A_306 = arith.constant 0 : i32
      %dma_wait3A_307 = tpu.memref_slice %arg4[%mul3A_303, %dma_wait3A_306] : memref<80000x128xf32, #tpu.memory_space<hbm>> -> memref<128x128xf32, #tpu.memory_space<hbm>>
      tpu.wait_dma2 semaphore(%arg20 : memref<!tpu.dma_semaphore, #tpu.memory_space<semaphore_mem>>) src(%arg10 : memref<128x128xf32, #tpu.memory_space<vmem>>) dst(%dma_wait3A_307 : memref<128x128xf32, #tpu.memory_space<hbm>>)
    } else {
    }
    return
  }
}

#map = affine_map<(d0, d1) -> (0, 0)>
#map1 = affine_map<(d0, d1) -> (0, 0, 0)>
module attributes {stable_mosaic.version = 14 : i64} {
  func.func @_sc_gather_body(%arg0: i32, %arg1: i32, %arg2: memref<50000x128xf32, #tpu.memory_space<hbm>>, %arg3: memref<25x25x128xi32, #tpu.memory_space<hbm>>, %arg4: memref<80000x128xf32, #tpu.memory_space<hbm>>, %arg5: memref<25x128xi32, #tpu.memory_space<vmem>>, %arg6: memref<128x128xf32, #tpu.memory_space<vmem>>, %arg7: memref<128x128xf32, #tpu.memory_space<vmem>>, %arg8: memref<128x128xf32, #tpu.memory_space<vmem>>, %arg9: memref<128x128xf32, #tpu.memory_space<vmem>>, %arg10: memref<128x128xf32, #tpu.memory_space<vmem>>, %arg11: memref<!tpu.dma_semaphore, #tpu.memory_space<semaphore_mem>>, %arg12: memref<!tpu.dma_semaphore, #tpu.memory_space<semaphore_mem>>, %arg13: memref<!tpu.dma_semaphore, #tpu.memory_space<semaphore_mem>>, %arg14: memref<!tpu.dma_semaphore, #tpu.memory_space<semaphore_mem>>, %arg15: memref<!tpu.dma_semaphore, #tpu.memory_space<semaphore_mem>>, %arg16: memref<!tpu.dma_semaphore, #tpu.memory_space<semaphore_mem>>, %arg17: memref<!tpu.dma_semaphore, #tpu.memory_space<semaphore_mem>>, %arg18: memref<!tpu.dma_semaphore, #tpu.memory_space<semaphore_mem>>, %arg19: memref<!tpu.dma_semaphore, #tpu.memory_space<semaphore_mem>>, %arg20: memref<!tpu.dma_semaphore, #tpu.memory_space<semaphore_mem>>) attributes {dimension_semantics = [#tpu.dimension_semantics<core_parallel>, #tpu.dimension_semantics<subcore_parallel>], iteration_bounds = array<i64: 2, 16>, scalar_prefetch = 0 : i64, scratch_operands = 16 : i64, tpu.core_type = #tpu.core_type<sc_vector_subcore>, window_params = [{transform_indices = #map}, {transform_indices = #map1}, {transform_indices = #map}]} {
    %mul3A = arith.constant 16 : i32
    %mul3A_0 = arith.muli %arg0, %mul3A : i32
    %add3A = arith.addi %mul3A_0, %arg1 : i32
    %lt3A = arith.constant 25 : i32
    %lt3A_1 = arith.cmpi slt, %add3A, %lt3A : i32
    %convert_element_type3A = arith.extui %lt3A_1 : i1 to i32
    %cond3A = arith.constant 0 : i32
    %cond3A_2 = arith.cmpi ne, %convert_element_type3A, %cond3A : i32
    scf.if %cond3A_2 {
      %mul3A_3 = arith.constant 25 : i32
      %mul3A_4 = arith.muli %add3A, %mul3A_3 : i32
      "tpu.region"() ({
        %run_scoped3A = tpu.sem_alloc : memref<!tpu.dma_semaphore, #tpu.memory_space<semaphore_mem>>
        %dma_start3A_308 = arith.constant 0 : i32
        %dma_start3A_309 = arith.constant 0 : i32
        %dma_start3A_310 = tpu.memref_slice %arg3[%add3A, %dma_start3A_308, %dma_start3A_309] : memref<25x25x128xi32, #tpu.memory_space<hbm>> -> memref<1x25x128xi32, #tpu.memory_space<hbm>>
        %dma_start3A_311 = tpu.memref_squeeze %dma_start3A_310 : memref<1x25x128xi32, #tpu.memory_space<hbm>> -> memref<25x128xi32, #tpu.memory_space<hbm>>
        %dma_start3A_312 = arith.constant 0 : i32
        %dma_start3A_313 = arith.constant 0 : i32
        %dma_start3A_314 = tpu.memref_slice %arg3[%add3A, %dma_start3A_312, %dma_start3A_313] : memref<25x25x128xi32, #tpu.memory_space<hbm>> -> memref<1x25x128xi32, #tpu.memory_space<hbm>>
        %dma_start3A_315 = tpu.memref_squeeze %dma_start3A_314 : memref<1x25x128xi32, #tpu.memory_space<hbm>> -> memref<25x128xi32, #tpu.memory_space<hbm>>
        tpu.enqueue_dma source(%dma_start3A_315 : memref<25x128xi32, #tpu.memory_space<hbm>>) target(%arg5 : memref<25x128xi32, #tpu.memory_space<vmem>>) target_semaphore(%run_scoped3A : memref<!tpu.dma_semaphore, #tpu.memory_space<semaphore_mem>>)
        %dma_wait3A_316 = arith.constant 0 : i32
        %dma_wait3A_317 = arith.constant 0 : i32
        %dma_wait3A_318 = tpu.memref_slice %arg3[%add3A, %dma_wait3A_316, %dma_wait3A_317] : memref<25x25x128xi32, #tpu.memory_space<hbm>> -> memref<1x25x128xi32, #tpu.memory_space<hbm>>
        %dma_wait3A_319 = tpu.memref_squeeze %dma_wait3A_318 : memref<1x25x128xi32, #tpu.memory_space<hbm>> -> memref<25x128xi32, #tpu.memory_space<hbm>>
        %dma_wait3A_320 = arith.constant 0 : i32
        %dma_wait3A_321 = arith.constant 0 : i32
        %dma_wait3A_322 = tpu.memref_slice %arg3[%add3A, %dma_wait3A_320, %dma_wait3A_321] : memref<25x25x128xi32, #tpu.memory_space<hbm>> -> memref<1x25x128xi32, #tpu.memory_space<hbm>>
        %dma_wait3A_323 = tpu.memref_squeeze %dma_wait3A_322 : memref<1x25x128xi32, #tpu.memory_space<hbm>> -> memref<25x128xi32, #tpu.memory_space<hbm>>
        tpu.wait_dma2 semaphore(%run_scoped3A : memref<!tpu.dma_semaphore, #tpu.memory_space<semaphore_mem>>) src(%dma_wait3A_323 : memref<25x128xi32, #tpu.memory_space<hbm>>) dst(%arg5 : memref<25x128xi32, #tpu.memory_space<vmem>>)
        tpu.yield
      }) : () -> ()
      %dma_start3A = arith.constant 0 : i32
      %dma_start3A_5 = arith.constant 0 : i32
      %dma_start3A_6 = tpu.memref_slice %arg5[%dma_start3A, %dma_start3A_5] : memref<25x128xi32, #tpu.memory_space<vmem>> -> memref<1x128xi32, #tpu.memory_space<vmem>>
      %dma_start3A_7 = tpu.memref_squeeze %dma_start3A_6 : memref<1x128xi32, #tpu.memory_space<vmem>> -> memref<128xi32, #tpu.memory_space<vmem>>
      %dma_start3A_8 = arith.constant 0 : i32
      %dma_start3A_9 = arith.constant 0 : i32
      %dma_start3A_10 = tpu.memref_slice %arg2[%dma_start3A_8, %dma_start3A_9] : memref<50000x128xf32, #tpu.memory_space<hbm>> -> memref<50000x128xf32, #tpu.memory_space<hbm>>
      tpu.enqueue_indirect_dma source(%dma_start3A_10 : memref<50000x128xf32, #tpu.memory_space<hbm>>) target(%arg6 : memref<128x128xf32, #tpu.memory_space<vmem>>) offsets(%dma_start3A_7 : memref<128xi32, #tpu.memory_space<vmem>>) semaphore(%arg11 : memref<!tpu.dma_semaphore, #tpu.memory_space<semaphore_mem>>)
      %dma_start3A_11 = arith.constant 1 : i32
      %dma_start3A_12 = arith.constant 0 : i32
      %dma_start3A_13 = tpu.memref_slice %arg5[%dma_start3A_11, %dma_start3A_12] : memref<25x128xi32, #tpu.memory_space<vmem>> -> memref<1x128xi32, #tpu.memory_space<vmem>>
      %dma_start3A_14 = tpu.memref_squeeze %dma_start3A_13 : memref<1x128xi32, #tpu.memory_space<vmem>> -> memref<128xi32, #tpu.memory_space<vmem>>
      %dma_start3A_15 = arith.constant 0 : i32
      %dma_start3A_16 = arith.constant 0 : i32
      %dma_start3A_17 = tpu.memref_slice %arg2[%dma_start3A_15, %dma_start3A_16] : memref<50000x128xf32, #tpu.memory_space<hbm>> -> memref<50000x128xf32, #tpu.memory_space<hbm>>
      tpu.enqueue_indirect_dma source(%dma_start3A_17 : memref<50000x128xf32, #tpu.memory_space<hbm>>) target(%arg7 : memref<128x128xf32, #tpu.memory_space<vmem>>) offsets(%dma_start3A_14 : memref<128xi32, #tpu.memory_space<vmem>>) semaphore(%arg12 : memref<!tpu.dma_semaphore, #tpu.memory_space<semaphore_mem>>)
      %dma_start3A_18 = arith.constant 2 : i32
      %dma_start3A_19 = arith.constant 0 : i32
      %dma_start3A_20 = tpu.memref_slice %arg5[%dma_start3A_18, %dma_start3A_19] : memref<25x128xi32, #tpu.memory_space<vmem>> -> memref<1x128xi32, #tpu.memory_space<vmem>>
      %dma_start3A_21 = tpu.memref_squeeze %dma_start3A_20 : memref<1x128xi32, #tpu.memory_space<vmem>> -> memref<128xi32, #tpu.memory_space<vmem>>
      %dma_start3A_22 = arith.constant 0 : i32
      %dma_start3A_23 = arith.constant 0 : i32
      %dma_start3A_24 = tpu.memref_slice %arg2[%dma_start3A_22, %dma_start3A_23] : memref<50000x128xf32, #tpu.memory_space<hbm>> -> memref<50000x128xf32, #tpu.memory_space<hbm>>
      tpu.enqueue_indirect_dma source(%dma_start3A_24 : memref<50000x128xf32, #tpu.memory_space<hbm>>) target(%arg8 : memref<128x128xf32, #tpu.memory_space<vmem>>) offsets(%dma_start3A_21 : memref<128xi32, #tpu.memory_space<vmem>>) semaphore(%arg13 : memref<!tpu.dma_semaphore, #tpu.memory_space<semaphore_mem>>)
      %dma_wait3A = arith.constant 0 : i32
      %dma_wait3A_25 = arith.constant 0 : i32
      %dma_wait3A_26 = tpu.memref_slice %arg5[%dma_wait3A, %dma_wait3A_25] : memref<25x128xi32, #tpu.memory_space<vmem>> -> memref<1x128xi32, #tpu.memory_space<vmem>>
      %dma_wait3A_27 = tpu.memref_squeeze %dma_wait3A_26 : memref<1x128xi32, #tpu.memory_space<vmem>> -> memref<128xi32, #tpu.memory_space<vmem>>
      %dma_wait3A_28 = arith.constant 0 : i32
      %dma_wait3A_29 = arith.constant 0 : i32
      %dma_wait3A_30 = tpu.memref_slice %arg2[%dma_wait3A_28, %dma_wait3A_29] : memref<50000x128xf32, #tpu.memory_space<hbm>> -> memref<50000x128xf32, #tpu.memory_space<hbm>>
      tpu.wait_indirect_dma semaphore(%arg11 : memref<!tpu.dma_semaphore, #tpu.memory_space<semaphore_mem>>) src(%dma_wait3A_30 : memref<50000x128xf32, #tpu.memory_space<hbm>>) dst(%arg6 : memref<128x128xf32, #tpu.memory_space<vmem>>)
      %add3A_31 = arith.constant 0 : i32
      %add3A_32 = arith.addi %mul3A_4, %add3A_31 : i32
      %mul3A_33 = arith.constant 128 : i32
      %mul3A_34 = arith.muli %add3A_32, %mul3A_33 : i32
      %dma_start3A_35 = arith.constant 0 : i32
      %dma_start3A_36 = tpu.memref_slice %arg4[%mul3A_34, %dma_start3A_35] : memref<80000x128xf32, #tpu.memory_space<hbm>> -> memref<128x128xf32, #tpu.memory_space<hbm>>
      %dma_start3A_37 = arith.constant 0 : i32
      %dma_start3A_38 = tpu.memref_slice %arg4[%mul3A_34, %dma_start3A_37] : memref<80000x128xf32, #tpu.memory_space<hbm>> -> memref<128x128xf32, #tpu.memory_space<hbm>>
      tpu.enqueue_dma source(%arg6 : memref<128x128xf32, #tpu.memory_space<vmem>>) target(%dma_start3A_38 : memref<128x128xf32, #tpu.memory_space<hbm>>) target_semaphore(%arg16 : memref<!tpu.dma_semaphore, #tpu.memory_space<semaphore_mem>>)
      %dma_start3A_39 = arith.constant 3 : i32
      %dma_start3A_40 = arith.constant 0 : i32
      %dma_start3A_41 = tpu.memref_slice %arg5[%dma_start3A_39, %dma_start3A_40] : memref<25x128xi32, #tpu.memory_space<vmem>> -> memref<1x128xi32, #tpu.memory_space<vmem>>
      %dma_start3A_42 = tpu.memref_squeeze %dma_start3A_41 : memref<1x128xi32, #tpu.memory_space<vmem>> -> memref<128xi32, #tpu.memory_space<vmem>>
      %dma_start3A_43 = arith.constant 0 : i32
      %dma_start3A_44 = arith.constant 0 : i32
      %dma_start3A_45 = tpu.memref_slice %arg2[%dma_start3A_43, %dma_start3A_44] : memref<50000x128xf32, #tpu.memory_space<hbm>> -> memref<50000x128xf32, #tpu.memory_space<hbm>>
      tpu.enqueue_indirect_dma source(%dma_start3A_45 : memref<50000x128xf32, #tpu.memory_space<hbm>>) target(%arg9 : memref<128x128xf32, #tpu.memory_space<vmem>>) offsets(%dma_start3A_42 : memref<128xi32, #tpu.memory_space<vmem>>) semaphore(%arg14 : memref<!tpu.dma_semaphore, #tpu.memory_space<semaphore_mem>>)
      %dma_wait3A_46 = arith.constant 1 : i32
      %dma_wait3A_47 = arith.constant 0 : i32
      %dma_wait3A_48 = tpu.memref_slice %arg5[%dma_wait3A_46, %dma_wait3A_47] : memref<25x128xi32, #tpu.memory_space<vmem>> -> memref<1x128xi32, #tpu.memory_space<vmem>>
      %dma_wait3A_49 = tpu.memref_squeeze %dma_wait3A_48 : memref<1x128xi32, #tpu.memory_space<vmem>> -> memref<128xi32, #tpu.memory_space<vmem>>
      %dma_wait3A_50 = arith.constant 0 : i32
      %dma_wait3A_51 = arith.constant 0 : i32
      %dma_wait3A_52 = tpu.memref_slice %arg2[%dma_wait3A_50, %dma_wait3A_51] : memref<50000x128xf32, #tpu.memory_space<hbm>> -> memref<50000x128xf32, #tpu.memory_space<hbm>>
      tpu.wait_indirect_dma semaphore(%arg12 : memref<!tpu.dma_semaphore, #tpu.memory_space<semaphore_mem>>) src(%dma_wait3A_52 : memref<50000x128xf32, #tpu.memory_space<hbm>>) dst(%arg7 : memref<128x128xf32, #tpu.memory_space<vmem>>)
      %add3A_53 = arith.constant 1 : i32
      %add3A_54 = arith.addi %mul3A_4, %add3A_53 : i32
      %mul3A_55 = arith.constant 128 : i32
      %mul3A_56 = arith.muli %add3A_54, %mul3A_55 : i32
      %dma_start3A_57 = arith.constant 0 : i32
      %dma_start3A_58 = tpu.memref_slice %arg4[%mul3A_56, %dma_start3A_57] : memref<80000x128xf32, #tpu.memory_space<hbm>> -> memref<128x128xf32, #tpu.memory_space<hbm>>
      %dma_start3A_59 = arith.constant 0 : i32
      %dma_start3A_60 = tpu.memref_slice %arg4[%mul3A_56, %dma_start3A_59] : memref<80000x128xf32, #tpu.memory_space<hbm>> -> memref<128x128xf32, #tpu.memory_space<hbm>>
      tpu.enqueue_dma source(%arg7 : memref<128x128xf32, #tpu.memory_space<vmem>>) target(%dma_start3A_60 : memref<128x128xf32, #tpu.memory_space<hbm>>) target_semaphore(%arg17 : memref<!tpu.dma_semaphore, #tpu.memory_space<semaphore_mem>>)
      %dma_start3A_61 = arith.constant 4 : i32
      %dma_start3A_62 = arith.constant 0 : i32
      %dma_start3A_63 = tpu.memref_slice %arg5[%dma_start3A_61, %dma_start3A_62] : memref<25x128xi32, #tpu.memory_space<vmem>> -> memref<1x128xi32, #tpu.memory_space<vmem>>
      %dma_start3A_64 = tpu.memref_squeeze %dma_start3A_63 : memref<1x128xi32, #tpu.memory_space<vmem>> -> memref<128xi32, #tpu.memory_space<vmem>>
      %dma_start3A_65 = arith.constant 0 : i32
      %dma_start3A_66 = arith.constant 0 : i32
      %dma_start3A_67 = tpu.memref_slice %arg2[%dma_start3A_65, %dma_start3A_66] : memref<50000x128xf32, #tpu.memory_space<hbm>> -> memref<50000x128xf32, #tpu.memory_space<hbm>>
      tpu.enqueue_indirect_dma source(%dma_start3A_67 : memref<50000x128xf32, #tpu.memory_space<hbm>>) target(%arg10 : memref<128x128xf32, #tpu.memory_space<vmem>>) offsets(%dma_start3A_64 : memref<128xi32, #tpu.memory_space<vmem>>) semaphore(%arg15 : memref<!tpu.dma_semaphore, #tpu.memory_space<semaphore_mem>>)
      %dma_wait3A_68 = arith.constant 2 : i32
      %dma_wait3A_69 = arith.constant 0 : i32
      %dma_wait3A_70 = tpu.memref_slice %arg5[%dma_wait3A_68, %dma_wait3A_69] : memref<25x128xi32, #tpu.memory_space<vmem>> -> memref<1x128xi32, #tpu.memory_space<vmem>>
      %dma_wait3A_71 = tpu.memref_squeeze %dma_wait3A_70 : memref<1x128xi32, #tpu.memory_space<vmem>> -> memref<128xi32, #tpu.memory_space<vmem>>
      %dma_wait3A_72 = arith.constant 0 : i32
      %dma_wait3A_73 = arith.constant 0 : i32
      %dma_wait3A_74 = tpu.memref_slice %arg2[%dma_wait3A_72, %dma_wait3A_73] : memref<50000x128xf32, #tpu.memory_space<hbm>> -> memref<50000x128xf32, #tpu.memory_space<hbm>>
      tpu.wait_indirect_dma semaphore(%arg13 : memref<!tpu.dma_semaphore, #tpu.memory_space<semaphore_mem>>) src(%dma_wait3A_74 : memref<50000x128xf32, #tpu.memory_space<hbm>>) dst(%arg8 : memref<128x128xf32, #tpu.memory_space<vmem>>)
      %add3A_75 = arith.constant 2 : i32
      %add3A_76 = arith.addi %mul3A_4, %add3A_75 : i32
      %mul3A_77 = arith.constant 128 : i32
      %mul3A_78 = arith.muli %add3A_76, %mul3A_77 : i32
      %dma_start3A_79 = arith.constant 0 : i32
      %dma_start3A_80 = tpu.memref_slice %arg4[%mul3A_78, %dma_start3A_79] : memref<80000x128xf32, #tpu.memory_space<hbm>> -> memref<128x128xf32, #tpu.memory_space<hbm>>
      %dma_start3A_81 = arith.constant 0 : i32
      %dma_start3A_82 = tpu.memref_slice %arg4[%mul3A_78, %dma_start3A_81] : memref<80000x128xf32, #tpu.memory_space<hbm>> -> memref<128x128xf32, #tpu.memory_space<hbm>>
      tpu.enqueue_dma source(%arg8 : memref<128x128xf32, #tpu.memory_space<vmem>>) target(%dma_start3A_82 : memref<128x128xf32, #tpu.memory_space<hbm>>) target_semaphore(%arg18 : memref<!tpu.dma_semaphore, #tpu.memory_space<semaphore_mem>>)
      %add3A_83 = arith.constant 0 : i32
      %add3A_84 = arith.addi %mul3A_4, %add3A_83 : i32
      %mul3A_85 = arith.constant 128 : i32
      %mul3A_86 = arith.muli %add3A_84, %mul3A_85 : i32
      %dma_wait3A_87 = arith.constant 0 : i32
      %dma_wait3A_88 = tpu.memref_slice %arg4[%mul3A_86, %dma_wait3A_87] : memref<80000x128xf32, #tpu.memory_space<hbm>> -> memref<128x128xf32, #tpu.memory_space<hbm>>
      %dma_wait3A_89 = arith.constant 0 : i32
      %dma_wait3A_90 = tpu.memref_slice %arg4[%mul3A_86, %dma_wait3A_89] : memref<80000x128xf32, #tpu.memory_space<hbm>> -> memref<128x128xf32, #tpu.memory_space<hbm>>
      tpu.wait_dma2 semaphore(%arg16 : memref<!tpu.dma_semaphore, #tpu.memory_space<semaphore_mem>>) src(%arg6 : memref<128x128xf32, #tpu.memory_space<vmem>>) dst(%dma_wait3A_90 : memref<128x128xf32, #tpu.memory_space<hbm>>)
      %dma_start3A_91 = arith.constant 5 : i32
      %dma_start3A_92 = arith.constant 0 : i32
      %dma_start3A_93 = tpu.memref_slice %arg5[%dma_start3A_91, %dma_start3A_92] : memref<25x128xi32, #tpu.memory_space<vmem>> -> memref<1x128xi32, #tpu.memory_space<vmem>>
      %dma_start3A_94 = tpu.memref_squeeze %dma_start3A_93 : memref<1x128xi32, #tpu.memory_space<vmem>> -> memref<128xi32, #tpu.memory_space<vmem>>
      %dma_start3A_95 = arith.constant 0 : i32
      %dma_start3A_96 = arith.constant 0 : i32
      %dma_start3A_97 = tpu.memref_slice %arg2[%dma_start3A_95, %dma_start3A_96] : memref<50000x128xf32, #tpu.memory_space<hbm>> -> memref<50000x128xf32, #tpu.memory_space<hbm>>
      tpu.enqueue_indirect_dma source(%dma_start3A_97 : memref<50000x128xf32, #tpu.memory_space<hbm>>) target(%arg6 : memref<128x128xf32, #tpu.memory_space<vmem>>) offsets(%dma_start3A_94 : memref<128xi32, #tpu.memory_space<vmem>>) semaphore(%arg11 : memref<!tpu.dma_semaphore, #tpu.memory_space<semaphore_mem>>)
      %dma_wait3A_98 = arith.constant 3 : i32
      %dma_wait3A_99 = arith.constant 0 : i32
      %dma_wait3A_100 = tpu.memref_slice %arg5[%dma_wait3A_98, %dma_wait3A_99] : memref<25x128xi32, #tpu.memory_space<vmem>> -> memref<1x128xi32, #tpu.memory_space<vmem>>
      %dma_wait3A_101 = tpu.memref_squeeze %dma_wait3A_100 : memref<1x128xi32, #tpu.memory_space<vmem>> -> memref<128xi32, #tpu.memory_space<vmem>>
      %dma_wait3A_102 = arith.constant 0 : i32
      %dma_wait3A_103 = arith.constant 0 : i32
      %dma_wait3A_104 = tpu.memref_slice %arg2[%dma_wait3A_102, %dma_wait3A_103] : memref<50000x128xf32, #tpu.memory_space<hbm>> -> memref<50000x128xf32, #tpu.memory_space<hbm>>
      tpu.wait_indirect_dma semaphore(%arg14 : memref<!tpu.dma_semaphore, #tpu.memory_space<semaphore_mem>>) src(%dma_wait3A_104 : memref<50000x128xf32, #tpu.memory_space<hbm>>) dst(%arg9 : memref<128x128xf32, #tpu.memory_space<vmem>>)
      %add3A_105 = arith.constant 3 : i32
      %add3A_106 = arith.addi %mul3A_4, %add3A_105 : i32
      %mul3A_107 = arith.constant 128 : i32
      %mul3A_108 = arith.muli %add3A_106, %mul3A_107 : i32
      %dma_start3A_109 = arith.constant 0 : i32
      %dma_start3A_110 = tpu.memref_slice %arg4[%mul3A_108, %dma_start3A_109] : memref<80000x128xf32, #tpu.memory_space<hbm>> -> memref<128x128xf32, #tpu.memory_space<hbm>>
      %dma_start3A_111 = arith.constant 0 : i32
      %dma_start3A_112 = tpu.memref_slice %arg4[%mul3A_108, %dma_start3A_111] : memref<80000x128xf32, #tpu.memory_space<hbm>> -> memref<128x128xf32, #tpu.memory_space<hbm>>
      tpu.enqueue_dma source(%arg9 : memref<128x128xf32, #tpu.memory_space<vmem>>) target(%dma_start3A_112 : memref<128x128xf32, #tpu.memory_space<hbm>>) target_semaphore(%arg19 : memref<!tpu.dma_semaphore, #tpu.memory_space<semaphore_mem>>)
      %add3A_113 = arith.constant 1 : i32
      %add3A_114 = arith.addi %mul3A_4, %add3A_113 : i32
      %mul3A_115 = arith.constant 128 : i32
      %mul3A_116 = arith.muli %add3A_114, %mul3A_115 : i32
      %dma_wait3A_117 = arith.constant 0 : i32
      %dma_wait3A_118 = tpu.memref_slice %arg4[%mul3A_116, %dma_wait3A_117] : memref<80000x128xf32, #tpu.memory_space<hbm>> -> memref<128x128xf32, #tpu.memory_space<hbm>>
      %dma_wait3A_119 = arith.constant 0 : i32
      %dma_wait3A_120 = tpu.memref_slice %arg4[%mul3A_116, %dma_wait3A_119] : memref<80000x128xf32, #tpu.memory_space<hbm>> -> memref<128x128xf32, #tpu.memory_space<hbm>>
      tpu.wait_dma2 semaphore(%arg17 : memref<!tpu.dma_semaphore, #tpu.memory_space<semaphore_mem>>) src(%arg7 : memref<128x128xf32, #tpu.memory_space<vmem>>) dst(%dma_wait3A_120 : memref<128x128xf32, #tpu.memory_space<hbm>>)
      %dma_start3A_121 = arith.constant 6 : i32
      %dma_start3A_122 = arith.constant 0 : i32
      %dma_start3A_123 = tpu.memref_slice %arg5[%dma_start3A_121, %dma_start3A_122] : memref<25x128xi32, #tpu.memory_space<vmem>> -> memref<1x128xi32, #tpu.memory_space<vmem>>
      %dma_start3A_124 = tpu.memref_squeeze %dma_start3A_123 : memref<1x128xi32, #tpu.memory_space<vmem>> -> memref<128xi32, #tpu.memory_space<vmem>>
      %dma_start3A_125 = arith.constant 0 : i32
      %dma_start3A_126 = arith.constant 0 : i32
      %dma_start3A_127 = tpu.memref_slice %arg2[%dma_start3A_125, %dma_start3A_126] : memref<50000x128xf32, #tpu.memory_space<hbm>> -> memref<50000x128xf32, #tpu.memory_space<hbm>>
      tpu.enqueue_indirect_dma source(%dma_start3A_127 : memref<50000x128xf32, #tpu.memory_space<hbm>>) target(%arg7 : memref<128x128xf32, #tpu.memory_space<vmem>>) offsets(%dma_start3A_124 : memref<128xi32, #tpu.memory_space<vmem>>) semaphore(%arg12 : memref<!tpu.dma_semaphore, #tpu.memory_space<semaphore_mem>>)
      %dma_wait3A_128 = arith.constant 4 : i32
      %dma_wait3A_129 = arith.constant 0 : i32
      %dma_wait3A_130 = tpu.memref_slice %arg5[%dma_wait3A_128, %dma_wait3A_129] : memref<25x128xi32, #tpu.memory_space<vmem>> -> memref<1x128xi32, #tpu.memory_space<vmem>>
      %dma_wait3A_131 = tpu.memref_squeeze %dma_wait3A_130 : memref<1x128xi32, #tpu.memory_space<vmem>> -> memref<128xi32, #tpu.memory_space<vmem>>
      %dma_wait3A_132 = arith.constant 0 : i32
      %dma_wait3A_133 = arith.constant 0 : i32
      %dma_wait3A_134 = tpu.memref_slice %arg2[%dma_wait3A_132, %dma_wait3A_133] : memref<50000x128xf32, #tpu.memory_space<hbm>> -> memref<50000x128xf32, #tpu.memory_space<hbm>>
      tpu.wait_indirect_dma semaphore(%arg15 : memref<!tpu.dma_semaphore, #tpu.memory_space<semaphore_mem>>) src(%dma_wait3A_134 : memref<50000x128xf32, #tpu.memory_space<hbm>>) dst(%arg10 : memref<128x128xf32, #tpu.memory_space<vmem>>)
      %add3A_135 = arith.constant 4 : i32
      %add3A_136 = arith.addi %mul3A_4, %add3A_135 : i32
      %mul3A_137 = arith.constant 128 : i32
      %mul3A_138 = arith.muli %add3A_136, %mul3A_137 : i32
      %dma_start3A_139 = arith.constant 0 : i32
      %dma_start3A_140 = tpu.memref_slice %arg4[%mul3A_138, %dma_start3A_139] : memref<80000x128xf32, #tpu.memory_space<hbm>> -> memref<128x128xf32, #tpu.memory_space<hbm>>
      %dma_start3A_141 = arith.constant 0 : i32
      %dma_start3A_142 = tpu.memref_slice %arg4[%mul3A_138, %dma_start3A_141] : memref<80000x128xf32, #tpu.memory_space<hbm>> -> memref<128x128xf32, #tpu.memory_space<hbm>>
      tpu.enqueue_dma source(%arg10 : memref<128x128xf32, #tpu.memory_space<vmem>>) target(%dma_start3A_142 : memref<128x128xf32, #tpu.memory_space<hbm>>) target_semaphore(%arg20 : memref<!tpu.dma_semaphore, #tpu.memory_space<semaphore_mem>>)
      %add3A_143 = arith.constant 2 : i32
      %add3A_144 = arith.addi %mul3A_4, %add3A_143 : i32
      %mul3A_145 = arith.constant 128 : i32
      %mul3A_146 = arith.muli %add3A_144, %mul3A_145 : i32
      %dma_wait3A_147 = arith.constant 0 : i32
      %dma_wait3A_148 = tpu.memref_slice %arg4[%mul3A_146, %dma_wait3A_147] : memref<80000x128xf32, #tpu.memory_space<hbm>> -> memref<128x128xf32, #tpu.memory_space<hbm>>
      %dma_wait3A_149 = arith.constant 0 : i32
      %dma_wait3A_150 = tpu.memref_slice %arg4[%mul3A_146, %dma_wait3A_149] : memref<80000x128xf32, #tpu.memory_space<hbm>> -> memref<128x128xf32, #tpu.memory_space<hbm>>
      tpu.wait_dma2 semaphore(%arg18 : memref<!tpu.dma_semaphore, #tpu.memory_space<semaphore_mem>>) src(%arg8 : memref<128x128xf32, #tpu.memory_space<vmem>>) dst(%dma_wait3A_150 : memref<128x128xf32, #tpu.memory_space<hbm>>)
      %dma_start3A_151 = arith.constant 7 : i32
      %dma_start3A_152 = arith.constant 0 : i32
      %dma_start3A_153 = tpu.memref_slice %arg5[%dma_start3A_151, %dma_start3A_152] : memref<25x128xi32, #tpu.memory_space<vmem>> -> memref<1x128xi32, #tpu.memory_space<vmem>>
      %dma_start3A_154 = tpu.memref_squeeze %dma_start3A_153 : memref<1x128xi32, #tpu.memory_space<vmem>> -> memref<128xi32, #tpu.memory_space<vmem>>
      %dma_start3A_155 = arith.constant 0 : i32
      %dma_start3A_156 = arith.constant 0 : i32
      %dma_start3A_157 = tpu.memref_slice %arg2[%dma_start3A_155, %dma_start3A_156] : memref<50000x128xf32, #tpu.memory_space<hbm>> -> memref<50000x128xf32, #tpu.memory_space<hbm>>
      tpu.enqueue_indirect_dma source(%dma_start3A_157 : memref<50000x128xf32, #tpu.memory_space<hbm>>) target(%arg8 : memref<128x128xf32, #tpu.memory_space<vmem>>) offsets(%dma_start3A_154 : memref<128xi32, #tpu.memory_space<vmem>>) semaphore(%arg13 : memref<!tpu.dma_semaphore, #tpu.memory_space<semaphore_mem>>)
      %scan3A = arith.constant 0 : i32
      %scan3A_158 = arith.constant 1 : i32
      %scan3A_159 = arith.constant 3 : i32
      %scan3A_160 = arith.addi %scan3A_158, %scan3A_159 : i32
      %scan3A_161 = arith.constant 1 : i32
      scf.for %scan3A_308 = %scan3A_158 to %scan3A_160 step %scan3A_161  : i32 {
        %mul3A_309 = arith.constant 5 : i32
        %mul3A_310 = arith.muli %mul3A_309, %scan3A_308 : i32
        %add3A_311 = arith.constant 0 : i32
        %add3A_312 = arith.addi %mul3A_310, %add3A_311 : i32
        %dma_wait3A_313 = arith.constant 0 : i32
        %dma_wait3A_314 = tpu.memref_slice %arg5[%add3A_312, %dma_wait3A_313] : memref<25x128xi32, #tpu.memory_space<vmem>> -> memref<1x128xi32, #tpu.memory_space<vmem>>
        %dma_wait3A_315 = tpu.memref_squeeze %dma_wait3A_314 : memref<1x128xi32, #tpu.memory_space<vmem>> -> memref<128xi32, #tpu.memory_space<vmem>>
        %dma_wait3A_316 = arith.constant 0 : i32
        %dma_wait3A_317 = arith.constant 0 : i32
        %dma_wait3A_318 = tpu.memref_slice %arg2[%dma_wait3A_316, %dma_wait3A_317] : memref<50000x128xf32, #tpu.memory_space<hbm>> -> memref<50000x128xf32, #tpu.memory_space<hbm>>
        tpu.wait_indirect_dma semaphore(%arg11 : memref<!tpu.dma_semaphore, #tpu.memory_space<semaphore_mem>>) src(%dma_wait3A_318 : memref<50000x128xf32, #tpu.memory_space<hbm>>) dst(%arg6 : memref<128x128xf32, #tpu.memory_space<vmem>>)
        %add3A_319 = arith.addi %mul3A_4, %add3A_312 : i32
        %mul3A_320 = arith.constant 128 : i32
        %mul3A_321 = arith.muli %add3A_319, %mul3A_320 : i32
        %dma_start3A_322 = arith.constant 0 : i32
        %dma_start3A_323 = tpu.memref_slice %arg4[%mul3A_321, %dma_start3A_322] : memref<80000x128xf32, #tpu.memory_space<hbm>> -> memref<128x128xf32, #tpu.memory_space<hbm>>
        %dma_start3A_324 = arith.constant 0 : i32
        %dma_start3A_325 = tpu.memref_slice %arg4[%mul3A_321, %dma_start3A_324] : memref<80000x128xf32, #tpu.memory_space<hbm>> -> memref<128x128xf32, #tpu.memory_space<hbm>>
        tpu.enqueue_dma source(%arg6 : memref<128x128xf32, #tpu.memory_space<vmem>>) target(%dma_start3A_325 : memref<128x128xf32, #tpu.memory_space<hbm>>) target_semaphore(%arg16 : memref<!tpu.dma_semaphore, #tpu.memory_space<semaphore_mem>>)
        %add3A_326 = arith.constant 3 : i32
        %add3A_327 = arith.addi %add3A_312, %add3A_326 : i32
        %sub3A = arith.constant 5 : i32
        %sub3A_328 = arith.subi %add3A_327, %sub3A : i32
        %add3A_329 = arith.addi %mul3A_4, %sub3A_328 : i32
        %mul3A_330 = arith.constant 128 : i32
        %mul3A_331 = arith.muli %add3A_329, %mul3A_330 : i32
        %dma_wait3A_332 = arith.constant 0 : i32
        %dma_wait3A_333 = tpu.memref_slice %arg4[%mul3A_331, %dma_wait3A_332] : memref<80000x128xf32, #tpu.memory_space<hbm>> -> memref<128x128xf32, #tpu.memory_space<hbm>>
        %dma_wait3A_334 = arith.constant 0 : i32
        %dma_wait3A_335 = tpu.memref_slice %arg4[%mul3A_331, %dma_wait3A_334] : memref<80000x128xf32, #tpu.memory_space<hbm>> -> memref<128x128xf32, #tpu.memory_space<hbm>>
        tpu.wait_dma2 semaphore(%arg19 : memref<!tpu.dma_semaphore, #tpu.memory_space<semaphore_mem>>) src(%arg9 : memref<128x128xf32, #tpu.memory_space<vmem>>) dst(%dma_wait3A_335 : memref<128x128xf32, #tpu.memory_space<hbm>>)
        %add3A_336 = arith.constant 3 : i32
        %add3A_337 = arith.addi %add3A_312, %add3A_336 : i32
        %dma_start3A_338 = arith.constant 0 : i32
        %dma_start3A_339 = tpu.memref_slice %arg5[%add3A_337, %dma_start3A_338] : memref<25x128xi32, #tpu.memory_space<vmem>> -> memref<1x128xi32, #tpu.memory_space<vmem>>
        %dma_start3A_340 = tpu.memref_squeeze %dma_start3A_339 : memref<1x128xi32, #tpu.memory_space<vmem>> -> memref<128xi32, #tpu.memory_space<vmem>>
        %dma_start3A_341 = arith.constant 0 : i32
        %dma_start3A_342 = arith.constant 0 : i32
        %dma_start3A_343 = tpu.memref_slice %arg2[%dma_start3A_341, %dma_start3A_342] : memref<50000x128xf32, #tpu.memory_space<hbm>> -> memref<50000x128xf32, #tpu.memory_space<hbm>>
        tpu.enqueue_indirect_dma source(%dma_start3A_343 : memref<50000x128xf32, #tpu.memory_space<hbm>>) target(%arg9 : memref<128x128xf32, #tpu.memory_space<vmem>>) offsets(%dma_start3A_340 : memref<128xi32, #tpu.memory_space<vmem>>) semaphore(%arg14 : memref<!tpu.dma_semaphore, #tpu.memory_space<semaphore_mem>>)
        %mul3A_344 = arith.constant 5 : i32
        %mul3A_345 = arith.muli %mul3A_344, %scan3A_308 : i32
        %add3A_346 = arith.constant 1 : i32
        %add3A_347 = arith.addi %mul3A_345, %add3A_346 : i32
        %dma_wait3A_348 = arith.constant 0 : i32
        %dma_wait3A_349 = tpu.memref_slice %arg5[%add3A_347, %dma_wait3A_348] : memref<25x128xi32, #tpu.memory_space<vmem>> -> memref<1x128xi32, #tpu.memory_space<vmem>>
        %dma_wait3A_350 = tpu.memref_squeeze %dma_wait3A_349 : memref<1x128xi32, #tpu.memory_space<vmem>> -> memref<128xi32, #tpu.memory_space<vmem>>
        %dma_wait3A_351 = arith.constant 0 : i32
        %dma_wait3A_352 = arith.constant 0 : i32
        %dma_wait3A_353 = tpu.memref_slice %arg2[%dma_wait3A_351, %dma_wait3A_352] : memref<50000x128xf32, #tpu.memory_space<hbm>> -> memref<50000x128xf32, #tpu.memory_space<hbm>>
        tpu.wait_indirect_dma semaphore(%arg12 : memref<!tpu.dma_semaphore, #tpu.memory_space<semaphore_mem>>) src(%dma_wait3A_353 : memref<50000x128xf32, #tpu.memory_space<hbm>>) dst(%arg7 : memref<128x128xf32, #tpu.memory_space<vmem>>)
        %add3A_354 = arith.addi %mul3A_4, %add3A_347 : i32
        %mul3A_355 = arith.constant 128 : i32
        %mul3A_356 = arith.muli %add3A_354, %mul3A_355 : i32
        %dma_start3A_357 = arith.constant 0 : i32
        %dma_start3A_358 = tpu.memref_slice %arg4[%mul3A_356, %dma_start3A_357] : memref<80000x128xf32, #tpu.memory_space<hbm>> -> memref<128x128xf32, #tpu.memory_space<hbm>>
        %dma_start3A_359 = arith.constant 0 : i32
        %dma_start3A_360 = tpu.memref_slice %arg4[%mul3A_356, %dma_start3A_359] : memref<80000x128xf32, #tpu.memory_space<hbm>> -> memref<128x128xf32, #tpu.memory_space<hbm>>
        tpu.enqueue_dma source(%arg7 : memref<128x128xf32, #tpu.memory_space<vmem>>) target(%dma_start3A_360 : memref<128x128xf32, #tpu.memory_space<hbm>>) target_semaphore(%arg17 : memref<!tpu.dma_semaphore, #tpu.memory_space<semaphore_mem>>)
        %add3A_361 = arith.constant 3 : i32
        %add3A_362 = arith.addi %add3A_347, %add3A_361 : i32
        %sub3A_363 = arith.constant 5 : i32
        %sub3A_364 = arith.subi %add3A_362, %sub3A_363 : i32
        %add3A_365 = arith.addi %mul3A_4, %sub3A_364 : i32
        %mul3A_366 = arith.constant 128 : i32
        %mul3A_367 = arith.muli %add3A_365, %mul3A_366 : i32
        %dma_wait3A_368 = arith.constant 0 : i32
        %dma_wait3A_369 = tpu.memref_slice %arg4[%mul3A_367, %dma_wait3A_368] : memref<80000x128xf32, #tpu.memory_space<hbm>> -> memref<128x128xf32, #tpu.memory_space<hbm>>
        %dma_wait3A_370 = arith.constant 0 : i32
        %dma_wait3A_371 = tpu.memref_slice %arg4[%mul3A_367, %dma_wait3A_370] : memref<80000x128xf32, #tpu.memory_space<hbm>> -> memref<128x128xf32, #tpu.memory_space<hbm>>
        tpu.wait_dma2 semaphore(%arg20 : memref<!tpu.dma_semaphore, #tpu.memory_space<semaphore_mem>>) src(%arg10 : memref<128x128xf32, #tpu.memory_space<vmem>>) dst(%dma_wait3A_371 : memref<128x128xf32, #tpu.memory_space<hbm>>)
        %add3A_372 = arith.constant 3 : i32
        %add3A_373 = arith.addi %add3A_347, %add3A_372 : i32
        %dma_start3A_374 = arith.constant 0 : i32
        %dma_start3A_375 = tpu.memref_slice %arg5[%add3A_373, %dma_start3A_374] : memref<25x128xi32, #tpu.memory_space<vmem>> -> memref<1x128xi32, #tpu.memory_space<vmem>>
        %dma_start3A_376 = tpu.memref_squeeze %dma_start3A_375 : memref<1x128xi32, #tpu.memory_space<vmem>> -> memref<128xi32, #tpu.memory_space<vmem>>
        %dma_start3A_377 = arith.constant 0 : i32
        %dma_start3A_378 = arith.constant 0 : i32
        %dma_start3A_379 = tpu.memref_slice %arg2[%dma_start3A_377, %dma_start3A_378] : memref<50000x128xf32, #tpu.memory_space<hbm>> -> memref<50000x128xf32, #tpu.memory_space<hbm>>
        tpu.enqueue_indirect_dma source(%dma_start3A_379 : memref<50000x128xf32, #tpu.memory_space<hbm>>) target(%arg10 : memref<128x128xf32, #tpu.memory_space<vmem>>) offsets(%dma_start3A_376 : memref<128xi32, #tpu.memory_space<vmem>>) semaphore(%arg15 : memref<!tpu.dma_semaphore, #tpu.memory_space<semaphore_mem>>)
        %mul3A_380 = arith.constant 5 : i32
        %mul3A_381 = arith.muli %mul3A_380, %scan3A_308 : i32
        %add3A_382 = arith.constant 2 : i32
        %add3A_383 = arith.addi %mul3A_381, %add3A_382 : i32
        %dma_wait3A_384 = arith.constant 0 : i32
        %dma_wait3A_385 = tpu.memref_slice %arg5[%add3A_383, %dma_wait3A_384] : memref<25x128xi32, #tpu.memory_space<vmem>> -> memref<1x128xi32, #tpu.memory_space<vmem>>
        %dma_wait3A_386 = tpu.memref_squeeze %dma_wait3A_385 : memref<1x128xi32, #tpu.memory_space<vmem>> -> memref<128xi32, #tpu.memory_space<vmem>>
        %dma_wait3A_387 = arith.constant 0 : i32
        %dma_wait3A_388 = arith.constant 0 : i32
        %dma_wait3A_389 = tpu.memref_slice %arg2[%dma_wait3A_387, %dma_wait3A_388] : memref<50000x128xf32, #tpu.memory_space<hbm>> -> memref<50000x128xf32, #tpu.memory_space<hbm>>
        tpu.wait_indirect_dma semaphore(%arg13 : memref<!tpu.dma_semaphore, #tpu.memory_space<semaphore_mem>>) src(%dma_wait3A_389 : memref<50000x128xf32, #tpu.memory_space<hbm>>) dst(%arg8 : memref<128x128xf32, #tpu.memory_space<vmem>>)
        %add3A_390 = arith.addi %mul3A_4, %add3A_383 : i32
        %mul3A_391 = arith.constant 128 : i32
        %mul3A_392 = arith.muli %add3A_390, %mul3A_391 : i32
        %dma_start3A_393 = arith.constant 0 : i32
        %dma_start3A_394 = tpu.memref_slice %arg4[%mul3A_392, %dma_start3A_393] : memref<80000x128xf32, #tpu.memory_space<hbm>> -> memref<128x128xf32, #tpu.memory_space<hbm>>
        %dma_start3A_395 = arith.constant 0 : i32
        %dma_start3A_396 = tpu.memref_slice %arg4[%mul3A_392, %dma_start3A_395] : memref<80000x128xf32, #tpu.memory_space<hbm>> -> memref<128x128xf32, #tpu.memory_space<hbm>>
        tpu.enqueue_dma source(%arg8 : memref<128x128xf32, #tpu.memory_space<vmem>>) target(%dma_start3A_396 : memref<128x128xf32, #tpu.memory_space<hbm>>) target_semaphore(%arg18 : memref<!tpu.dma_semaphore, #tpu.memory_space<semaphore_mem>>)
        %add3A_397 = arith.constant 3 : i32
        %add3A_398 = arith.addi %add3A_383, %add3A_397 : i32
        %sub3A_399 = arith.constant 5 : i32
        %sub3A_400 = arith.subi %add3A_398, %sub3A_399 : i32
        %add3A_401 = arith.addi %mul3A_4, %sub3A_400 : i32
        %mul3A_402 = arith.constant 128 : i32
        %mul3A_403 = arith.muli %add3A_401, %mul3A_402 : i32
        %dma_wait3A_404 = arith.constant 0 : i32
        %dma_wait3A_405 = tpu.memref_slice %arg4[%mul3A_403, %dma_wait3A_404] : memref<80000x128xf32, #tpu.memory_space<hbm>> -> memref<128x128xf32, #tpu.memory_space<hbm>>
        %dma_wait3A_406 = arith.constant 0 : i32
        %dma_wait3A_407 = tpu.memref_slice %arg4[%mul3A_403, %dma_wait3A_406] : memref<80000x128xf32, #tpu.memory_space<hbm>> -> memref<128x128xf32, #tpu.memory_space<hbm>>
        tpu.wait_dma2 semaphore(%arg16 : memref<!tpu.dma_semaphore, #tpu.memory_space<semaphore_mem>>) src(%arg6 : memref<128x128xf32, #tpu.memory_space<vmem>>) dst(%dma_wait3A_407 : memref<128x128xf32, #tpu.memory_space<hbm>>)
        %add3A_408 = arith.constant 3 : i32
        %add3A_409 = arith.addi %add3A_383, %add3A_408 : i32
        %dma_start3A_410 = arith.constant 0 : i32
        %dma_start3A_411 = tpu.memref_slice %arg5[%add3A_409, %dma_start3A_410] : memref<25x128xi32, #tpu.memory_space<vmem>> -> memref<1x128xi32, #tpu.memory_space<vmem>>
        %dma_start3A_412 = tpu.memref_squeeze %dma_start3A_411 : memref<1x128xi32, #tpu.memory_space<vmem>> -> memref<128xi32, #tpu.memory_space<vmem>>
        %dma_start3A_413 = arith.constant 0 : i32
        %dma_start3A_414 = arith.constant 0 : i32
        %dma_start3A_415 = tpu.memref_slice %arg2[%dma_start3A_413, %dma_start3A_414] : memref<50000x128xf32, #tpu.memory_space<hbm>> -> memref<50000x128xf32, #tpu.memory_space<hbm>>
        tpu.enqueue_indirect_dma source(%dma_start3A_415 : memref<50000x128xf32, #tpu.memory_space<hbm>>) target(%arg6 : memref<128x128xf32, #tpu.memory_space<vmem>>) offsets(%dma_start3A_412 : memref<128xi32, #tpu.memory_space<vmem>>) semaphore(%arg11 : memref<!tpu.dma_semaphore, #tpu.memory_space<semaphore_mem>>)
        %mul3A_416 = arith.constant 5 : i32
        %mul3A_417 = arith.muli %mul3A_416, %scan3A_308 : i32
        %add3A_418 = arith.constant 3 : i32
        %add3A_419 = arith.addi %mul3A_417, %add3A_418 : i32
        %dma_wait3A_420 = arith.constant 0 : i32
        %dma_wait3A_421 = tpu.memref_slice %arg5[%add3A_419, %dma_wait3A_420] : memref<25x128xi32, #tpu.memory_space<vmem>> -> memref<1x128xi32, #tpu.memory_space<vmem>>
        %dma_wait3A_422 = tpu.memref_squeeze %dma_wait3A_421 : memref<1x128xi32, #tpu.memory_space<vmem>> -> memref<128xi32, #tpu.memory_space<vmem>>
        %dma_wait3A_423 = arith.constant 0 : i32
        %dma_wait3A_424 = arith.constant 0 : i32
        %dma_wait3A_425 = tpu.memref_slice %arg2[%dma_wait3A_423, %dma_wait3A_424] : memref<50000x128xf32, #tpu.memory_space<hbm>> -> memref<50000x128xf32, #tpu.memory_space<hbm>>
        tpu.wait_indirect_dma semaphore(%arg14 : memref<!tpu.dma_semaphore, #tpu.memory_space<semaphore_mem>>) src(%dma_wait3A_425 : memref<50000x128xf32, #tpu.memory_space<hbm>>) dst(%arg9 : memref<128x128xf32, #tpu.memory_space<vmem>>)
        %add3A_426 = arith.addi %mul3A_4, %add3A_419 : i32
        %mul3A_427 = arith.constant 128 : i32
        %mul3A_428 = arith.muli %add3A_426, %mul3A_427 : i32
        %dma_start3A_429 = arith.constant 0 : i32
        %dma_start3A_430 = tpu.memref_slice %arg4[%mul3A_428, %dma_start3A_429] : memref<80000x128xf32, #tpu.memory_space<hbm>> -> memref<128x128xf32, #tpu.memory_space<hbm>>
        %dma_start3A_431 = arith.constant 0 : i32
        %dma_start3A_432 = tpu.memref_slice %arg4[%mul3A_428, %dma_start3A_431] : memref<80000x128xf32, #tpu.memory_space<hbm>> -> memref<128x128xf32, #tpu.memory_space<hbm>>
        tpu.enqueue_dma source(%arg9 : memref<128x128xf32, #tpu.memory_space<vmem>>) target(%dma_start3A_432 : memref<128x128xf32, #tpu.memory_space<hbm>>) target_semaphore(%arg19 : memref<!tpu.dma_semaphore, #tpu.memory_space<semaphore_mem>>)
        %add3A_433 = arith.constant 3 : i32
        %add3A_434 = arith.addi %add3A_419, %add3A_433 : i32
        %sub3A_435 = arith.constant 5 : i32
        %sub3A_436 = arith.subi %add3A_434, %sub3A_435 : i32
        %add3A_437 = arith.addi %mul3A_4, %sub3A_436 : i32
        %mul3A_438 = arith.constant 128 : i32
        %mul3A_439 = arith.muli %add3A_437, %mul3A_438 : i32
        %dma_wait3A_440 = arith.constant 0 : i32
        %dma_wait3A_441 = tpu.memref_slice %arg4[%mul3A_439, %dma_wait3A_440] : memref<80000x128xf32, #tpu.memory_space<hbm>> -> memref<128x128xf32, #tpu.memory_space<hbm>>
        %dma_wait3A_442 = arith.constant 0 : i32
        %dma_wait3A_443 = tpu.memref_slice %arg4[%mul3A_439, %dma_wait3A_442] : memref<80000x128xf32, #tpu.memory_space<hbm>> -> memref<128x128xf32, #tpu.memory_space<hbm>>
        tpu.wait_dma2 semaphore(%arg17 : memref<!tpu.dma_semaphore, #tpu.memory_space<semaphore_mem>>) src(%arg7 : memref<128x128xf32, #tpu.memory_space<vmem>>) dst(%dma_wait3A_443 : memref<128x128xf32, #tpu.memory_space<hbm>>)
        %add3A_444 = arith.constant 3 : i32
        %add3A_445 = arith.addi %add3A_419, %add3A_444 : i32
        %dma_start3A_446 = arith.constant 0 : i32
        %dma_start3A_447 = tpu.memref_slice %arg5[%add3A_445, %dma_start3A_446] : memref<25x128xi32, #tpu.memory_space<vmem>> -> memref<1x128xi32, #tpu.memory_space<vmem>>
        %dma_start3A_448 = tpu.memref_squeeze %dma_start3A_447 : memref<1x128xi32, #tpu.memory_space<vmem>> -> memref<128xi32, #tpu.memory_space<vmem>>
        %dma_start3A_449 = arith.constant 0 : i32
        %dma_start3A_450 = arith.constant 0 : i32
        %dma_start3A_451 = tpu.memref_slice %arg2[%dma_start3A_449, %dma_start3A_450] : memref<50000x128xf32, #tpu.memory_space<hbm>> -> memref<50000x128xf32, #tpu.memory_space<hbm>>
        tpu.enqueue_indirect_dma source(%dma_start3A_451 : memref<50000x128xf32, #tpu.memory_space<hbm>>) target(%arg7 : memref<128x128xf32, #tpu.memory_space<vmem>>) offsets(%dma_start3A_448 : memref<128xi32, #tpu.memory_space<vmem>>) semaphore(%arg12 : memref<!tpu.dma_semaphore, #tpu.memory_space<semaphore_mem>>)
        %mul3A_452 = arith.constant 5 : i32
        %mul3A_453 = arith.muli %mul3A_452, %scan3A_308 : i32
        %add3A_454 = arith.constant 4 : i32
        %add3A_455 = arith.addi %mul3A_453, %add3A_454 : i32
        %dma_wait3A_456 = arith.constant 0 : i32
        %dma_wait3A_457 = tpu.memref_slice %arg5[%add3A_455, %dma_wait3A_456] : memref<25x128xi32, #tpu.memory_space<vmem>> -> memref<1x128xi32, #tpu.memory_space<vmem>>
        %dma_wait3A_458 = tpu.memref_squeeze %dma_wait3A_457 : memref<1x128xi32, #tpu.memory_space<vmem>> -> memref<128xi32, #tpu.memory_space<vmem>>
        %dma_wait3A_459 = arith.constant 0 : i32
        %dma_wait3A_460 = arith.constant 0 : i32
        %dma_wait3A_461 = tpu.memref_slice %arg2[%dma_wait3A_459, %dma_wait3A_460] : memref<50000x128xf32, #tpu.memory_space<hbm>> -> memref<50000x128xf32, #tpu.memory_space<hbm>>
        tpu.wait_indirect_dma semaphore(%arg15 : memref<!tpu.dma_semaphore, #tpu.memory_space<semaphore_mem>>) src(%dma_wait3A_461 : memref<50000x128xf32, #tpu.memory_space<hbm>>) dst(%arg10 : memref<128x128xf32, #tpu.memory_space<vmem>>)
        %add3A_462 = arith.addi %mul3A_4, %add3A_455 : i32
        %mul3A_463 = arith.constant 128 : i32
        %mul3A_464 = arith.muli %add3A_462, %mul3A_463 : i32
        %dma_start3A_465 = arith.constant 0 : i32
        %dma_start3A_466 = tpu.memref_slice %arg4[%mul3A_464, %dma_start3A_465] : memref<80000x128xf32, #tpu.memory_space<hbm>> -> memref<128x128xf32, #tpu.memory_space<hbm>>
        %dma_start3A_467 = arith.constant 0 : i32
        %dma_start3A_468 = tpu.memref_slice %arg4[%mul3A_464, %dma_start3A_467] : memref<80000x128xf32, #tpu.memory_space<hbm>> -> memref<128x128xf32, #tpu.memory_space<hbm>>
        tpu.enqueue_dma source(%arg10 : memref<128x128xf32, #tpu.memory_space<vmem>>) target(%dma_start3A_468 : memref<128x128xf32, #tpu.memory_space<hbm>>) target_semaphore(%arg20 : memref<!tpu.dma_semaphore, #tpu.memory_space<semaphore_mem>>)
        %add3A_469 = arith.constant 3 : i32
        %add3A_470 = arith.addi %add3A_455, %add3A_469 : i32
        %sub3A_471 = arith.constant 5 : i32
        %sub3A_472 = arith.subi %add3A_470, %sub3A_471 : i32
        %add3A_473 = arith.addi %mul3A_4, %sub3A_472 : i32
        %mul3A_474 = arith.constant 128 : i32
        %mul3A_475 = arith.muli %add3A_473, %mul3A_474 : i32
        %dma_wait3A_476 = arith.constant 0 : i32
        %dma_wait3A_477 = tpu.memref_slice %arg4[%mul3A_475, %dma_wait3A_476] : memref<80000x128xf32, #tpu.memory_space<hbm>> -> memref<128x128xf32, #tpu.memory_space<hbm>>
        %dma_wait3A_478 = arith.constant 0 : i32
        %dma_wait3A_479 = tpu.memref_slice %arg4[%mul3A_475, %dma_wait3A_478] : memref<80000x128xf32, #tpu.memory_space<hbm>> -> memref<128x128xf32, #tpu.memory_space<hbm>>
        tpu.wait_dma2 semaphore(%arg18 : memref<!tpu.dma_semaphore, #tpu.memory_space<semaphore_mem>>) src(%arg8 : memref<128x128xf32, #tpu.memory_space<vmem>>) dst(%dma_wait3A_479 : memref<128x128xf32, #tpu.memory_space<hbm>>)
        %add3A_480 = arith.constant 3 : i32
        %add3A_481 = arith.addi %add3A_455, %add3A_480 : i32
        %dma_start3A_482 = arith.constant 0 : i32
        %dma_start3A_483 = tpu.memref_slice %arg5[%add3A_481, %dma_start3A_482] : memref<25x128xi32, #tpu.memory_space<vmem>> -> memref<1x128xi32, #tpu.memory_space<vmem>>
        %dma_start3A_484 = tpu.memref_squeeze %dma_start3A_483 : memref<1x128xi32, #tpu.memory_space<vmem>> -> memref<128xi32, #tpu.memory_space<vmem>>
        %dma_start3A_485 = arith.constant 0 : i32
        %dma_start3A_486 = arith.constant 0 : i32
        %dma_start3A_487 = tpu.memref_slice %arg2[%dma_start3A_485, %dma_start3A_486] : memref<50000x128xf32, #tpu.memory_space<hbm>> -> memref<50000x128xf32, #tpu.memory_space<hbm>>
        tpu.enqueue_indirect_dma source(%dma_start3A_487 : memref<50000x128xf32, #tpu.memory_space<hbm>>) target(%arg8 : memref<128x128xf32, #tpu.memory_space<vmem>>) offsets(%dma_start3A_484 : memref<128xi32, #tpu.memory_space<vmem>>) semaphore(%arg13 : memref<!tpu.dma_semaphore, #tpu.memory_space<semaphore_mem>>)
      }
      %scan3A_162 = arith.constant 3 : i32
      %dma_wait3A_163 = arith.constant 20 : i32
      %dma_wait3A_164 = arith.constant 0 : i32
      %dma_wait3A_165 = tpu.memref_slice %arg5[%dma_wait3A_163, %dma_wait3A_164] : memref<25x128xi32, #tpu.memory_space<vmem>> -> memref<1x128xi32, #tpu.memory_space<vmem>>
      %dma_wait3A_166 = tpu.memref_squeeze %dma_wait3A_165 : memref<1x128xi32, #tpu.memory_space<vmem>> -> memref<128xi32, #tpu.memory_space<vmem>>
      %dma_wait3A_167 = arith.constant 0 : i32
      %dma_wait3A_168 = arith.constant 0 : i32
      %dma_wait3A_169 = tpu.memref_slice %arg2[%dma_wait3A_167, %dma_wait3A_168] : memref<50000x128xf32, #tpu.memory_space<hbm>> -> memref<50000x128xf32, #tpu.memory_space<hbm>>
      tpu.wait_indirect_dma semaphore(%arg11 : memref<!tpu.dma_semaphore, #tpu.memory_space<semaphore_mem>>) src(%dma_wait3A_169 : memref<50000x128xf32, #tpu.memory_space<hbm>>) dst(%arg6 : memref<128x128xf32, #tpu.memory_space<vmem>>)
      %add3A_170 = arith.constant 20 : i32
      %add3A_171 = arith.addi %mul3A_4, %add3A_170 : i32
      %mul3A_172 = arith.constant 128 : i32
      %mul3A_173 = arith.muli %add3A_171, %mul3A_172 : i32
      %dma_start3A_174 = arith.constant 0 : i32
      %dma_start3A_175 = tpu.memref_slice %arg4[%mul3A_173, %dma_start3A_174] : memref<80000x128xf32, #tpu.memory_space<hbm>> -> memref<128x128xf32, #tpu.memory_space<hbm>>
      %dma_start3A_176 = arith.constant 0 : i32
      %dma_start3A_177 = tpu.memref_slice %arg4[%mul3A_173, %dma_start3A_176] : memref<80000x128xf32, #tpu.memory_space<hbm>> -> memref<128x128xf32, #tpu.memory_space<hbm>>
      tpu.enqueue_dma source(%arg6 : memref<128x128xf32, #tpu.memory_space<vmem>>) target(%dma_start3A_177 : memref<128x128xf32, #tpu.memory_space<hbm>>) target_semaphore(%arg16 : memref<!tpu.dma_semaphore, #tpu.memory_space<semaphore_mem>>)
      %add3A_178 = arith.constant 18 : i32
      %add3A_179 = arith.addi %mul3A_4, %add3A_178 : i32
      %mul3A_180 = arith.constant 128 : i32
      %mul3A_181 = arith.muli %add3A_179, %mul3A_180 : i32
      %dma_wait3A_182 = arith.constant 0 : i32
      %dma_wait3A_183 = tpu.memref_slice %arg4[%mul3A_181, %dma_wait3A_182] : memref<80000x128xf32, #tpu.memory_space<hbm>> -> memref<128x128xf32, #tpu.memory_space<hbm>>
      %dma_wait3A_184 = arith.constant 0 : i32
      %dma_wait3A_185 = tpu.memref_slice %arg4[%mul3A_181, %dma_wait3A_184] : memref<80000x128xf32, #tpu.memory_space<hbm>> -> memref<128x128xf32, #tpu.memory_space<hbm>>
      tpu.wait_dma2 semaphore(%arg19 : memref<!tpu.dma_semaphore, #tpu.memory_space<semaphore_mem>>) src(%arg9 : memref<128x128xf32, #tpu.memory_space<vmem>>) dst(%dma_wait3A_185 : memref<128x128xf32, #tpu.memory_space<hbm>>)
      %dma_start3A_186 = arith.constant 23 : i32
      %dma_start3A_187 = arith.constant 0 : i32
      %dma_start3A_188 = tpu.memref_slice %arg5[%dma_start3A_186, %dma_start3A_187] : memref<25x128xi32, #tpu.memory_space<vmem>> -> memref<1x128xi32, #tpu.memory_space<vmem>>
      %dma_start3A_189 = tpu.memref_squeeze %dma_start3A_188 : memref<1x128xi32, #tpu.memory_space<vmem>> -> memref<128xi32, #tpu.memory_space<vmem>>
      %dma_start3A_190 = arith.constant 0 : i32
      %dma_start3A_191 = arith.constant 0 : i32
      %dma_start3A_192 = tpu.memref_slice %arg2[%dma_start3A_190, %dma_start3A_191] : memref<50000x128xf32, #tpu.memory_space<hbm>> -> memref<50000x128xf32, #tpu.memory_space<hbm>>
      tpu.enqueue_indirect_dma source(%dma_start3A_192 : memref<50000x128xf32, #tpu.memory_space<hbm>>) target(%arg9 : memref<128x128xf32, #tpu.memory_space<vmem>>) offsets(%dma_start3A_189 : memref<128xi32, #tpu.memory_space<vmem>>) semaphore(%arg14 : memref<!tpu.dma_semaphore, #tpu.memory_space<semaphore_mem>>)
      %dma_wait3A_193 = arith.constant 21 : i32
      %dma_wait3A_194 = arith.constant 0 : i32
      %dma_wait3A_195 = tpu.memref_slice %arg5[%dma_wait3A_193, %dma_wait3A_194] : memref<25x128xi32, #tpu.memory_space<vmem>> -> memref<1x128xi32, #tpu.memory_space<vmem>>
      %dma_wait3A_196 = tpu.memref_squeeze %dma_wait3A_195 : memref<1x128xi32, #tpu.memory_space<vmem>> -> memref<128xi32, #tpu.memory_space<vmem>>
      %dma_wait3A_197 = arith.constant 0 : i32
      %dma_wait3A_198 = arith.constant 0 : i32
      %dma_wait3A_199 = tpu.memref_slice %arg2[%dma_wait3A_197, %dma_wait3A_198] : memref<50000x128xf32, #tpu.memory_space<hbm>> -> memref<50000x128xf32, #tpu.memory_space<hbm>>
      tpu.wait_indirect_dma semaphore(%arg12 : memref<!tpu.dma_semaphore, #tpu.memory_space<semaphore_mem>>) src(%dma_wait3A_199 : memref<50000x128xf32, #tpu.memory_space<hbm>>) dst(%arg7 : memref<128x128xf32, #tpu.memory_space<vmem>>)
      %add3A_200 = arith.constant 21 : i32
      %add3A_201 = arith.addi %mul3A_4, %add3A_200 : i32
      %mul3A_202 = arith.constant 128 : i32
      %mul3A_203 = arith.muli %add3A_201, %mul3A_202 : i32
      %dma_start3A_204 = arith.constant 0 : i32
      %dma_start3A_205 = tpu.memref_slice %arg4[%mul3A_203, %dma_start3A_204] : memref<80000x128xf32, #tpu.memory_space<hbm>> -> memref<128x128xf32, #tpu.memory_space<hbm>>
      %dma_start3A_206 = arith.constant 0 : i32
      %dma_start3A_207 = tpu.memref_slice %arg4[%mul3A_203, %dma_start3A_206] : memref<80000x128xf32, #tpu.memory_space<hbm>> -> memref<128x128xf32, #tpu.memory_space<hbm>>
      tpu.enqueue_dma source(%arg7 : memref<128x128xf32, #tpu.memory_space<vmem>>) target(%dma_start3A_207 : memref<128x128xf32, #tpu.memory_space<hbm>>) target_semaphore(%arg17 : memref<!tpu.dma_semaphore, #tpu.memory_space<semaphore_mem>>)
      %add3A_208 = arith.constant 19 : i32
      %add3A_209 = arith.addi %mul3A_4, %add3A_208 : i32
      %mul3A_210 = arith.constant 128 : i32
      %mul3A_211 = arith.muli %add3A_209, %mul3A_210 : i32
      %dma_wait3A_212 = arith.constant 0 : i32
      %dma_wait3A_213 = tpu.memref_slice %arg4[%mul3A_211, %dma_wait3A_212] : memref<80000x128xf32, #tpu.memory_space<hbm>> -> memref<128x128xf32, #tpu.memory_space<hbm>>
      %dma_wait3A_214 = arith.constant 0 : i32
      %dma_wait3A_215 = tpu.memref_slice %arg4[%mul3A_211, %dma_wait3A_214] : memref<80000x128xf32, #tpu.memory_space<hbm>> -> memref<128x128xf32, #tpu.memory_space<hbm>>
      tpu.wait_dma2 semaphore(%arg20 : memref<!tpu.dma_semaphore, #tpu.memory_space<semaphore_mem>>) src(%arg10 : memref<128x128xf32, #tpu.memory_space<vmem>>) dst(%dma_wait3A_215 : memref<128x128xf32, #tpu.memory_space<hbm>>)
      %dma_start3A_216 = arith.constant 24 : i32
      %dma_start3A_217 = arith.constant 0 : i32
      %dma_start3A_218 = tpu.memref_slice %arg5[%dma_start3A_216, %dma_start3A_217] : memref<25x128xi32, #tpu.memory_space<vmem>> -> memref<1x128xi32, #tpu.memory_space<vmem>>
      %dma_start3A_219 = tpu.memref_squeeze %dma_start3A_218 : memref<1x128xi32, #tpu.memory_space<vmem>> -> memref<128xi32, #tpu.memory_space<vmem>>
      %dma_start3A_220 = arith.constant 0 : i32
      %dma_start3A_221 = arith.constant 0 : i32
      %dma_start3A_222 = tpu.memref_slice %arg2[%dma_start3A_220, %dma_start3A_221] : memref<50000x128xf32, #tpu.memory_space<hbm>> -> memref<50000x128xf32, #tpu.memory_space<hbm>>
      tpu.enqueue_indirect_dma source(%dma_start3A_222 : memref<50000x128xf32, #tpu.memory_space<hbm>>) target(%arg10 : memref<128x128xf32, #tpu.memory_space<vmem>>) offsets(%dma_start3A_219 : memref<128xi32, #tpu.memory_space<vmem>>) semaphore(%arg15 : memref<!tpu.dma_semaphore, #tpu.memory_space<semaphore_mem>>)
      %dma_wait3A_223 = arith.constant 22 : i32
      %dma_wait3A_224 = arith.constant 0 : i32
      %dma_wait3A_225 = tpu.memref_slice %arg5[%dma_wait3A_223, %dma_wait3A_224] : memref<25x128xi32, #tpu.memory_space<vmem>> -> memref<1x128xi32, #tpu.memory_space<vmem>>
      %dma_wait3A_226 = tpu.memref_squeeze %dma_wait3A_225 : memref<1x128xi32, #tpu.memory_space<vmem>> -> memref<128xi32, #tpu.memory_space<vmem>>
      %dma_wait3A_227 = arith.constant 0 : i32
      %dma_wait3A_228 = arith.constant 0 : i32
      %dma_wait3A_229 = tpu.memref_slice %arg2[%dma_wait3A_227, %dma_wait3A_228] : memref<50000x128xf32, #tpu.memory_space<hbm>> -> memref<50000x128xf32, #tpu.memory_space<hbm>>
      tpu.wait_indirect_dma semaphore(%arg13 : memref<!tpu.dma_semaphore, #tpu.memory_space<semaphore_mem>>) src(%dma_wait3A_229 : memref<50000x128xf32, #tpu.memory_space<hbm>>) dst(%arg8 : memref<128x128xf32, #tpu.memory_space<vmem>>)
      %add3A_230 = arith.constant 22 : i32
      %add3A_231 = arith.addi %mul3A_4, %add3A_230 : i32
      %mul3A_232 = arith.constant 128 : i32
      %mul3A_233 = arith.muli %add3A_231, %mul3A_232 : i32
      %dma_start3A_234 = arith.constant 0 : i32
      %dma_start3A_235 = tpu.memref_slice %arg4[%mul3A_233, %dma_start3A_234] : memref<80000x128xf32, #tpu.memory_space<hbm>> -> memref<128x128xf32, #tpu.memory_space<hbm>>
      %dma_start3A_236 = arith.constant 0 : i32
      %dma_start3A_237 = tpu.memref_slice %arg4[%mul3A_233, %dma_start3A_236] : memref<80000x128xf32, #tpu.memory_space<hbm>> -> memref<128x128xf32, #tpu.memory_space<hbm>>
      tpu.enqueue_dma source(%arg8 : memref<128x128xf32, #tpu.memory_space<vmem>>) target(%dma_start3A_237 : memref<128x128xf32, #tpu.memory_space<hbm>>) target_semaphore(%arg18 : memref<!tpu.dma_semaphore, #tpu.memory_space<semaphore_mem>>)
      %add3A_238 = arith.constant 20 : i32
      %add3A_239 = arith.addi %mul3A_4, %add3A_238 : i32
      %mul3A_240 = arith.constant 128 : i32
      %mul3A_241 = arith.muli %add3A_239, %mul3A_240 : i32
      %dma_wait3A_242 = arith.constant 0 : i32
      %dma_wait3A_243 = tpu.memref_slice %arg4[%mul3A_241, %dma_wait3A_242] : memref<80000x128xf32, #tpu.memory_space<hbm>> -> memref<128x128xf32, #tpu.memory_space<hbm>>
      %dma_wait3A_244 = arith.constant 0 : i32
      %dma_wait3A_245 = tpu.memref_slice %arg4[%mul3A_241, %dma_wait3A_244] : memref<80000x128xf32, #tpu.memory_space<hbm>> -> memref<128x128xf32, #tpu.memory_space<hbm>>
      tpu.wait_dma2 semaphore(%arg16 : memref<!tpu.dma_semaphore, #tpu.memory_space<semaphore_mem>>) src(%arg6 : memref<128x128xf32, #tpu.memory_space<vmem>>) dst(%dma_wait3A_245 : memref<128x128xf32, #tpu.memory_space<hbm>>)
      %dma_wait3A_246 = arith.constant 23 : i32
      %dma_wait3A_247 = arith.constant 0 : i32
      %dma_wait3A_248 = tpu.memref_slice %arg5[%dma_wait3A_246, %dma_wait3A_247] : memref<25x128xi32, #tpu.memory_space<vmem>> -> memref<1x128xi32, #tpu.memory_space<vmem>>
      %dma_wait3A_249 = tpu.memref_squeeze %dma_wait3A_248 : memref<1x128xi32, #tpu.memory_space<vmem>> -> memref<128xi32, #tpu.memory_space<vmem>>
      %dma_wait3A_250 = arith.constant 0 : i32
      %dma_wait3A_251 = arith.constant 0 : i32
      %dma_wait3A_252 = tpu.memref_slice %arg2[%dma_wait3A_250, %dma_wait3A_251] : memref<50000x128xf32, #tpu.memory_space<hbm>> -> memref<50000x128xf32, #tpu.memory_space<hbm>>
      tpu.wait_indirect_dma semaphore(%arg14 : memref<!tpu.dma_semaphore, #tpu.memory_space<semaphore_mem>>) src(%dma_wait3A_252 : memref<50000x128xf32, #tpu.memory_space<hbm>>) dst(%arg9 : memref<128x128xf32, #tpu.memory_space<vmem>>)
      %add3A_253 = arith.constant 23 : i32
      %add3A_254 = arith.addi %mul3A_4, %add3A_253 : i32
      %mul3A_255 = arith.constant 128 : i32
      %mul3A_256 = arith.muli %add3A_254, %mul3A_255 : i32
      %dma_start3A_257 = arith.constant 0 : i32
      %dma_start3A_258 = tpu.memref_slice %arg4[%mul3A_256, %dma_start3A_257] : memref<80000x128xf32, #tpu.memory_space<hbm>> -> memref<128x128xf32, #tpu.memory_space<hbm>>
      %dma_start3A_259 = arith.constant 0 : i32
      %dma_start3A_260 = tpu.memref_slice %arg4[%mul3A_256, %dma_start3A_259] : memref<80000x128xf32, #tpu.memory_space<hbm>> -> memref<128x128xf32, #tpu.memory_space<hbm>>
      tpu.enqueue_dma source(%arg9 : memref<128x128xf32, #tpu.memory_space<vmem>>) target(%dma_start3A_260 : memref<128x128xf32, #tpu.memory_space<hbm>>) target_semaphore(%arg19 : memref<!tpu.dma_semaphore, #tpu.memory_space<semaphore_mem>>)
      %add3A_261 = arith.constant 21 : i32
      %add3A_262 = arith.addi %mul3A_4, %add3A_261 : i32
      %mul3A_263 = arith.constant 128 : i32
      %mul3A_264 = arith.muli %add3A_262, %mul3A_263 : i32
      %dma_wait3A_265 = arith.constant 0 : i32
      %dma_wait3A_266 = tpu.memref_slice %arg4[%mul3A_264, %dma_wait3A_265] : memref<80000x128xf32, #tpu.memory_space<hbm>> -> memref<128x128xf32, #tpu.memory_space<hbm>>
      %dma_wait3A_267 = arith.constant 0 : i32
      %dma_wait3A_268 = tpu.memref_slice %arg4[%mul3A_264, %dma_wait3A_267] : memref<80000x128xf32, #tpu.memory_space<hbm>> -> memref<128x128xf32, #tpu.memory_space<hbm>>
      tpu.wait_dma2 semaphore(%arg17 : memref<!tpu.dma_semaphore, #tpu.memory_space<semaphore_mem>>) src(%arg7 : memref<128x128xf32, #tpu.memory_space<vmem>>) dst(%dma_wait3A_268 : memref<128x128xf32, #tpu.memory_space<hbm>>)
      %dma_wait3A_269 = arith.constant 24 : i32
      %dma_wait3A_270 = arith.constant 0 : i32
      %dma_wait3A_271 = tpu.memref_slice %arg5[%dma_wait3A_269, %dma_wait3A_270] : memref<25x128xi32, #tpu.memory_space<vmem>> -> memref<1x128xi32, #tpu.memory_space<vmem>>
      %dma_wait3A_272 = tpu.memref_squeeze %dma_wait3A_271 : memref<1x128xi32, #tpu.memory_space<vmem>> -> memref<128xi32, #tpu.memory_space<vmem>>
      %dma_wait3A_273 = arith.constant 0 : i32
      %dma_wait3A_274 = arith.constant 0 : i32
      %dma_wait3A_275 = tpu.memref_slice %arg2[%dma_wait3A_273, %dma_wait3A_274] : memref<50000x128xf32, #tpu.memory_space<hbm>> -> memref<50000x128xf32, #tpu.memory_space<hbm>>
      tpu.wait_indirect_dma semaphore(%arg15 : memref<!tpu.dma_semaphore, #tpu.memory_space<semaphore_mem>>) src(%dma_wait3A_275 : memref<50000x128xf32, #tpu.memory_space<hbm>>) dst(%arg10 : memref<128x128xf32, #tpu.memory_space<vmem>>)
      %add3A_276 = arith.constant 24 : i32
      %add3A_277 = arith.addi %mul3A_4, %add3A_276 : i32
      %mul3A_278 = arith.constant 128 : i32
      %mul3A_279 = arith.muli %add3A_277, %mul3A_278 : i32
      %dma_start3A_280 = arith.constant 0 : i32
      %dma_start3A_281 = tpu.memref_slice %arg4[%mul3A_279, %dma_start3A_280] : memref<80000x128xf32, #tpu.memory_space<hbm>> -> memref<128x128xf32, #tpu.memory_space<hbm>>
      %dma_start3A_282 = arith.constant 0 : i32
      %dma_start3A_283 = tpu.memref_slice %arg4[%mul3A_279, %dma_start3A_282] : memref<80000x128xf32, #tpu.memory_space<hbm>> -> memref<128x128xf32, #tpu.memory_space<hbm>>
      tpu.enqueue_dma source(%arg10 : memref<128x128xf32, #tpu.memory_space<vmem>>) target(%dma_start3A_283 : memref<128x128xf32, #tpu.memory_space<hbm>>) target_semaphore(%arg20 : memref<!tpu.dma_semaphore, #tpu.memory_space<semaphore_mem>>)
      %add3A_284 = arith.constant 22 : i32
      %add3A_285 = arith.addi %mul3A_4, %add3A_284 : i32
      %mul3A_286 = arith.constant 128 : i32
      %mul3A_287 = arith.muli %add3A_285, %mul3A_286 : i32
      %dma_wait3A_288 = arith.constant 0 : i32
      %dma_wait3A_289 = tpu.memref_slice %arg4[%mul3A_287, %dma_wait3A_288] : memref<80000x128xf32, #tpu.memory_space<hbm>> -> memref<128x128xf32, #tpu.memory_space<hbm>>
      %dma_wait3A_290 = arith.constant 0 : i32
      %dma_wait3A_291 = tpu.memref_slice %arg4[%mul3A_287, %dma_wait3A_290] : memref<80000x128xf32, #tpu.memory_space<hbm>> -> memref<128x128xf32, #tpu.memory_space<hbm>>
      tpu.wait_dma2 semaphore(%arg18 : memref<!tpu.dma_semaphore, #tpu.memory_space<semaphore_mem>>) src(%arg8 : memref<128x128xf32, #tpu.memory_space<vmem>>) dst(%dma_wait3A_291 : memref<128x128xf32, #tpu.memory_space<hbm>>)
      %add3A_292 = arith.constant 23 : i32
      %add3A_293 = arith.addi %mul3A_4, %add3A_292 : i32
      %mul3A_294 = arith.constant 128 : i32
      %mul3A_295 = arith.muli %add3A_293, %mul3A_294 : i32
      %dma_wait3A_296 = arith.constant 0 : i32
      %dma_wait3A_297 = tpu.memref_slice %arg4[%mul3A_295, %dma_wait3A_296] : memref<80000x128xf32, #tpu.memory_space<hbm>> -> memref<128x128xf32, #tpu.memory_space<hbm>>
      %dma_wait3A_298 = arith.constant 0 : i32
      %dma_wait3A_299 = tpu.memref_slice %arg4[%mul3A_295, %dma_wait3A_298] : memref<80000x128xf32, #tpu.memory_space<hbm>> -> memref<128x128xf32, #tpu.memory_space<hbm>>
      tpu.wait_dma2 semaphore(%arg19 : memref<!tpu.dma_semaphore, #tpu.memory_space<semaphore_mem>>) src(%arg9 : memref<128x128xf32, #tpu.memory_space<vmem>>) dst(%dma_wait3A_299 : memref<128x128xf32, #tpu.memory_space<hbm>>)
      %add3A_300 = arith.constant 24 : i32
      %add3A_301 = arith.addi %mul3A_4, %add3A_300 : i32
      %mul3A_302 = arith.constant 128 : i32
      %mul3A_303 = arith.muli %add3A_301, %mul3A_302 : i32
      %dma_wait3A_304 = arith.constant 0 : i32
      %dma_wait3A_305 = tpu.memref_slice %arg4[%mul3A_303, %dma_wait3A_304] : memref<80000x128xf32, #tpu.memory_space<hbm>> -> memref<128x128xf32, #tpu.memory_space<hbm>>
      %dma_wait3A_306 = arith.constant 0 : i32
      %dma_wait3A_307 = tpu.memref_slice %arg4[%mul3A_303, %dma_wait3A_306] : memref<80000x128xf32, #tpu.memory_space<hbm>> -> memref<128x128xf32, #tpu.memory_space<hbm>>
      tpu.wait_dma2 semaphore(%arg20 : memref<!tpu.dma_semaphore, #tpu.memory_space<semaphore_mem>>) src(%arg10 : memref<128x128xf32, #tpu.memory_space<vmem>>) dst(%dma_wait3A_307 : memref<128x128xf32, #tpu.memory_space<hbm>>)
    } else {
    }
    return
  }
}

module attributes {stable_mosaic.version = 14 : i64} {
  func.func @_tail_body(%arg0: i32, %arg1: memref<16000x128xf32, #tpu.memory_space<vmem>>, %arg2: memref<3x16000xf32, #tpu.memory_space<vmem>>, %arg3: memref<128x128xf32, #tpu.memory_space<vmem>>, %arg4: memref<3x128xf32, #tpu.memory_space<vmem>>, %arg5: memref<1x128xf32, #tpu.memory_space<vmem>>, %arg6: memref<128x128xf32, #tpu.memory_space<vmem>>, %arg7: memref<1x128xf32, #tpu.memory_space<vmem>>, %arg8: memref<2000x128xf32, #tpu.memory_space<vmem>>) attributes {dimension_semantics = [#tpu.dimension_semantics<arbitrary>], iteration_bounds = array<i64: 5>, scalar_prefetch = 0 : i64, scratch_operands = 0 : i64, tpu.core_type = #tpu.core_type<tc>, window_params = [{transform_indices = @transform_0, window_bounds = array<i64: 16000, 128>}, {transform_indices = @transform_1, window_bounds = array<i64: 3, 16000>}, {pipeline_mode = #tpu.pipeline_mode<synchronous>, transform_indices = @transform_2, window_bounds = array<i64: 128, 128>}, {pipeline_mode = #tpu.pipeline_mode<synchronous>, transform_indices = @transform_3, window_bounds = array<i64: 3, 128>}, {pipeline_mode = #tpu.pipeline_mode<synchronous>, transform_indices = @transform_4, window_bounds = array<i64: 1, 128>}, {pipeline_mode = #tpu.pipeline_mode<synchronous>, transform_indices = @transform_5, window_bounds = array<i64: 128, 128>}, {pipeline_mode = #tpu.pipeline_mode<synchronous>, transform_indices = @transform_6, window_bounds = array<i64: 1, 128>}, {transform_indices = @transform_7, window_bounds = array<i64: 2000, 128>}]} {
    %get3A = arith.constant 0 : index
    %get3A_0 = arith.constant 0 : index
    %get3A_1 = vector.load %arg1[%get3A, %get3A_0] : memref<16000x128xf32, #tpu.memory_space<vmem>>, vector<16000x128xf32>
    %get3A_2 = arith.constant 0 : index
    %get3A_3 = arith.constant 0 : index
    %get3A_4 = vector.load %arg3[%get3A_2, %get3A_3] : memref<128x128xf32, #tpu.memory_space<vmem>>, vector<128x128xf32>
    %dot_general3A = arith.constant dense<0.000000e+00> : vector<16000x128xf32>
    %dot_general3A_5 = tpu.matmul %get3A_1, %get3A_4, %dot_general3A {dimension_numbers = #tpu.dot_dimension_numbers<[1], [0], [0], [1], [0, 0, 1, 1], [], []>, transpose_lhs_hint = false} : vector<16000x128xf32>, vector<128x128xf32>, vector<16000x128xf32> -> vector<16000x128xf32>
    %get3A_6 = arith.constant 0 : index
    %get3A_7 = arith.constant 0 : index
    %get3A_8 = vector.load %arg2[%get3A_6, %get3A_7] : memref<3x16000xf32, #tpu.memory_space<vmem>>, vector<3x16000xf32>
    %get3A_9 = arith.constant 0 : index
    %get3A_10 = arith.constant 0 : index
    %get3A_11 = vector.load %arg4[%get3A_9, %get3A_10] : memref<3x128xf32, #tpu.memory_space<vmem>>, vector<3x128xf32>
    %dot_general3A_12 = arith.constant dense<0.000000e+00> : vector<16000x128xf32>
    %dot_general3A_13 = tpu.matmul %get3A_8, %get3A_11, %dot_general3A_12 {dimension_numbers = #tpu.dot_dimension_numbers<[0], [0], [1], [1], [0, 1, 1, 1], [], []>, transpose_lhs_hint = false} : vector<3x16000xf32>, vector<3x128xf32>, vector<16000x128xf32> -> vector<16000x128xf32>
    %add3A = arith.addf %dot_general3A_5, %dot_general3A_13 : vector<16000x128xf32>
    %get3A_14 = arith.constant 0 : index
    %get3A_15 = arith.constant 0 : index
    %get3A_16 = vector.load %arg5[%get3A_14, %get3A_15] : memref<1x128xf32, #tpu.memory_space<vmem>>, vector<1x128xf32>
    %add3A_17 = vector.broadcast %get3A_16 : vector<1x128xf32> to vector<16000x128xf32>
    %add3A_18 = arith.addf %add3A, %add3A_17 : vector<16000x128xf32>
    %ge3A = arith.constant 0.000000e+00 : f32
    %ge3A_19 = vector.broadcast %ge3A : f32 to vector<16000x128xf32>
    %ge3A_20 = arith.cmpf oge, %add3A_18, %ge3A_19 : vector<16000x128xf32>
    %mul3A = arith.constant 0.00999999977 : f32
    %mul3A_21 = vector.broadcast %mul3A : f32 to vector<16000x128xf32>
    %mul3A_22 = arith.mulf %mul3A_21, %add3A_18 : vector<16000x128xf32>
    %select_n3A = arith.select %ge3A_20, %add3A_18, %mul3A_22 : vector<16000x128xi1>, vector<16000x128xf32>
    %get3A_23 = arith.constant 0 : index
    %get3A_24 = arith.constant 0 : index
    %get3A_25 = vector.load %arg6[%get3A_23, %get3A_24] : memref<128x128xf32, #tpu.memory_space<vmem>>, vector<128x128xf32>
    %dot_general3A_26 = arith.constant dense<0.000000e+00> : vector<16000x128xf32>
    %dot_general3A_27 = tpu.matmul %select_n3A, %get3A_25, %dot_general3A_26 {dimension_numbers = #tpu.dot_dimension_numbers<[1], [0], [0], [1], [0, 0, 1, 1], [], []>, transpose_lhs_hint = false} : vector<16000x128xf32>, vector<128x128xf32>, vector<16000x128xf32> -> vector<16000x128xf32>
    %get3A_28 = arith.constant 0 : index
    %get3A_29 = arith.constant 0 : index
    %get3A_30 = vector.load %arg7[%get3A_28, %get3A_29] : memref<1x128xf32, #tpu.memory_space<vmem>>, vector<1x128xf32>
    %add3A_31 = vector.broadcast %get3A_30 : vector<1x128xf32> to vector<16000x128xf32>
    %add3A_32 = arith.addf %dot_general3A_27, %add3A_31 : vector<16000x128xf32>
    %reshape3A = vector.shape_cast %add3A_32 : vector<16000x128xf32> to vector<2000x8x128xf32>
    %reduce_max3A = arith.constant dense<0xFF800000> : vector<2000x128xf32>
    %reduce_max3A_33 = vector.multi_reduction <maximumf>, %reshape3A, %reduce_max3A [1] : vector<2000x8x128xf32> to vector<2000x128xf32>
    %swap3A = arith.constant 0 : index
    %swap3A_34 = arith.constant 0 : index
    %swap3A_35 = vector.load %arg8[%swap3A, %swap3A_34] : memref<2000x128xf32, #tpu.memory_space<vmem>>, vector<2000x128xf32>
    tpu.vector_store %arg8[%swap3A, %swap3A_34], %reduce_max3A_33 {strides = array<i32>} : memref<2000x128xf32, #tpu.memory_space<vmem>>, vector<2000x128xf32>,
    return
  }
  func.func @transform_0(%arg0: i32) -> (i32, i32) {
    %c0_i32 = arith.constant 0 : i32
    %c0_i32_0 = arith.constant 0 : i32
    return %arg0, %c0_i32 : i32, i32
  }
  func.func @transform_1(%arg0: i32) -> (i32, i32) {
    %c0_i32 = arith.constant 0 : i32
    %c0_i32_0 = arith.constant 0 : i32
    return %c0_i32, %arg0 : i32, i32
  }
  func.func @transform_2(%arg0: i32) -> (i32, i32) {
    %c0_i32 = arith.constant 0 : i32
    %c0_i32_0 = arith.constant 0 : i32
    %c0_i32_1 = arith.constant 0 : i32
    return %c0_i32, %c0_i32_0 : i32, i32
  }
  func.func @transform_3(%arg0: i32) -> (i32, i32) {
    %c0_i32 = arith.constant 0 : i32
    %c0_i32_0 = arith.constant 0 : i32
    %c0_i32_1 = arith.constant 0 : i32
    return %c0_i32, %c0_i32_0 : i32, i32
  }
  func.func @transform_4(%arg0: i32) -> (i32, i32) {
    %c0_i32 = arith.constant 0 : i32
    %c0_i32_0 = arith.constant 0 : i32
    %c0_i32_1 = arith.constant 0 : i32
    return %c0_i32, %c0_i32_0 : i32, i32
  }
  func.func @transform_5(%arg0: i32) -> (i32, i32) {
    %c0_i32 = arith.constant 0 : i32
    %c0_i32_0 = arith.constant 0 : i32
    %c0_i32_1 = arith.constant 0 : i32
    return %c0_i32, %c0_i32_0 : i32, i32
  }
  func.func @transform_6(%arg0: i32) -> (i32, i32) {
    %c0_i32 = arith.constant 0 : i32
    %c0_i32_0 = arith.constant 0 : i32
    %c0_i32_1 = arith.constant 0 : i32
    return %c0_i32, %c0_i32_0 : i32, i32
  }
  func.func @transform_7(%arg0: i32) -> (i32, i32) {
    %c0_i32 = arith.constant 0 : i32
    %c0_i32_0 = arith.constant 0 : i32
    return %arg0, %c0_i32 : i32, i32
  }
}

</mosaic_0001>

<sc_bundles>
// kernel: kernel.12.cloned.1.call-start
scs
__scs_entry_jumppad:
0x0: {  	(pc) =	sbr.rel $0x88, $3  }
0x1: {  	(tag) =	ssettag $0x0;
	lr =	simm.s32 $0x1  }
0x2: {  	[smem:$0x3F9A] =	sst lr;
	_ =	strace $0xD0000000  }
0x3: {  	_ = 	snop  }
0x4: {  	_ = 	snop  }
0x5: {  	_ = 	snop  }
0x6: {  	_ = 	snop  }
0x7: {  	_ = 	snop  }
__scs_overlays_trampoline_lowered:
0x8: {  	[smem:$0x3FA9] =	sst s0  }
0x9: {  	[smem:$0x3FAA] =	sst s1  }
0xa: {  	[smem:$0x3FAB] =	sst s2  }
0xb: {  	[smem:$0x3FAC] =	sst s3  }
0xc: {  	[smem:$0x3FAD] =	sst s4  }
0xd: {  	[smem:$0x3FAE] =	sst s5  }
0xe: {  	[smem:$0x3FAF] =	sst s6  }
0xf: {  	[smem:$0x3FB0] =	sst s7  }
0x10: {  	[smem:$0x3FB1] =	sst s8  }
0x11: {  	[smem:$0x3FB2] =	sst s9;
	s0 =	simm.s32 @!p0 $0x0  }
0x12: {  	s1 =	sld [smem:$0x3F98];
	s0 =	simm.s32 @p0 $0x1  }
0x13: {  	[smem:$0x3FB3] =	sst s0;
	s0 =	simm.s32 @!p1 $0x0  }
0x14: {  	s2 =	sld [smem:$0x3F97];
	s0 =	simm.s32 @p1 $0x1  }
0x15: {  	[smem:$0x3FB4] =	sst s0;
	s0 =	simm.s32 @!p2 $0x0  }
0x16: {  	s3 =	sld [smem:$0x3FDB];
	s0 =	simm.s32 @p2 $0x1  }
0x17: {  	s4 =	simm.s32 $0x1BF5;
	[smem:$0x3FB6] =	sst s0  }
0x18: {  	s0 =	sld [smem:$0x3F99];
	_ =	swait.ge [sflag:s4], $0x0  }
0x19: {  	s7 =	sld [smem:$0x3F9A]  }
0x1a: {  	s8 =	sadd.s32 $0xFFFFE003, lr  }
0x1b: {  	s9 =	sadd.s32 $0xFFFFFEF7, lr;
	s5 =	simm.s32 $0xFFFFFFFF;
	p2 =	slt.u32 s8, $0xFFFFF086  }
0x1c: {  	p1 =	slt.u32 s9, $0xF7A;
	s5 =	simm.s32 @!p2 $0x0  }
0x1d: {  	s5 =	simm.s32 @p1 $0x1;
	p0 =	seq.s32 s7, s2  }
0x1e: {  	s7 =	smul.u32 @!p0 $0xF7A, s2;
	p2 =	seq.s32 @!p0 s5, $0x0  }
0x1f: {  	s9 =	smul.u32 $0xF7A, s1;
	s8 =	simm.s32 @!p0 $0x1BF5;
	p2 =	por !p2, p0  }
0x20: {  	[sflag:s8] =	ssyncset.s32 @!p0 $0xFFFFF086;
	s6 =	sadd.s32 @!p0 s3, s7;
	s7 =	simm.s32 @!p0 $0x108  }
0x21: {  	s3 =	sadd.s32 s3, s9;
	s6 =	sadd.s32 @!p0 $0x88, s6;
	s7 =	simm.s32 @p2 $0x1082  }
0x22: {  	[simem:s7], [sflag:s8] =	dma.local @!p0 [hbm:s6], $0xF7A  }
0x23: {  	s9 =	sor.u32 $0xD0000000, s2;
	s6 =	simm.s32 $0x108;
	_ =	swait.ge @!p0 [sflag:s8], $0x0  }
0x24: {  	s3 =	sadd.s32 $0x88, s3;
	s6 =	simm.s32 @!p1 $0x1082;
	[sflag:s4] =	ssyncset.s32 $0xFFFFF086  }
0x25: {  	[simem:s6], [sflag:s4] =	dma.local [hbm:s3], $0xF7A  }
0x26: {  	[smem:$0x3F9A] =	sst s1;
	(tag) =	ssettag s2;
	_ =	strace s9  }
0x27: {  	s1 =	sld [smem:$0x3FAA]  }
0x28: {  	s2 =	sld [smem:$0x3FAB]  }
0x29: {  	s4 =	sld [smem:$0x3FAD]  }
0x2a: {  	p0 =	seq.s32 s5, $0x0;
	s5 =	sld [smem:$0x3FAE]  }
0x2b: {  	s6 =	sld [smem:$0x3FAF]  }
0x2c: {  	s7 =	sld [smem:$0x3FB0]  }
0x2d: {  	s3 =	simm.s32 $0x108;
	s8 =	sld [smem:$0x3FB1]  }
0x2e: {  	s3 =	simm.s32 @!p0 $0x1082;
	s9 =	sld [smem:$0x3FB2]  }
0x2f: {  	lr =	sadd.s32 s0, s3;
	s0 =	sld [smem:$0x3FA9]  }
0x30: {  	s3 =	sld [smem:$0x3FAC]  }
0x31: {  	[smem:$0x3FB5] =	sst s10  }
0x32: {  	s10 =	sld [smem:$0x3FB3];
	_ =	sdelay $0x3  }
0x33: {  	p0 =	seq.s32 s10, $0x1;
	s10 =	sld [smem:$0x3FB5];
	_ =	sdelay $0x3  }
0x34: {  	[smem:$0x3FB5] =	sst s10  }
0x35: {  	s10 =	sld [smem:$0x3FB4];
	_ =	sdelay $0x3  }
0x36: {  	p1 =	seq.s32 s10, $0x1;
	s10 =	sld [smem:$0x3FB5];
	_ =	sdelay $0x3  }
0x37: {  	[smem:$0x3FB5] =	sst s10  }
0x38: {  	s10 =	sld [smem:$0x3FB6]  }
0x39: {  	_ = 	snop;
	(pc) =	sbr.ind lr, $3  }
0x3a: {  	_ = 	snop  }
0x3b: {  	_ = 	snop  }
0x3c: {  	p2 =	seq.s32 s10, $0x1;
	s10 =	sld [smem:$0x3FB5]  }
0x3d: {  	_ =	shalt  }
0x3e: {  	_ =	shalt  }
0x3f: {  	_ =	shalt  }
0x40: {  	_ =	shalt  }
0x41: {  	_ =	shalt  }
0x42: {  	_ =	shalt  }
0x43: {  	_ =	shalt  }
0x44: {  	_ =	shalt  }
0x45: {  	_ =	shalt  }
0x46: {  	_ =	shalt  }
0x47: {  	_ =	shalt  }
0x48: {  	_ =	shalt  }
0x49: {  	_ =	shalt  }
0x4a: {  	_ =	shalt  }
0x4b: {  	_ =	shalt  }
0x4c: {  	_ =	shalt  }
0x4d: {  	_ =	shalt  }
0x4e: {  	_ =	shalt  }
0x4f: {  	_ =	shalt  }
0x50: {  	_ =	shalt  }
0x51: {  	_ =	shalt  }
0x52: {  	_ =	shalt  }
0x53: {  	_ =	shalt  }
0x54: {  	_ =	shalt  }
0x55: {  	_ =	shalt  }
0x56: {  	_ =	shalt  }
0x57: {  	_ =	shalt  }
0x58: {  	_ =	shalt  }
0x59: {  	_ =	shalt  }
0x5a: {  	_ =	shalt  }
0x5b: {  	_ =	shalt  }
0x5c: {  	_ =	shalt  }
0x5d: {  	_ =	shalt  }
0x5e: {  	_ =	shalt  }
0x5f: {  	_ =	shalt  }
0x60: {  	_ =	shalt  }
0x61: {  	_ =	shalt  }
0x62: {  	_ =	shalt  }
0x63: {  	_ =	shalt  }
0x64: {  	_ =	shalt  }
0x65: {  	_ =	shalt  }
0x66: {  	_ =	shalt  }
0x67: {  	_ =	shalt  }
0x68: {  	_ =	shalt  }
0x69: {  	_ =	shalt  }
0x6a: {  	_ =	shalt  }
0x6b: {  	_ =	shalt  }
0x6c: {  	_ =	shalt  }
0x6d: {  	_ =	shalt  }
0x6e: {  	_ =	shalt  }
0x6f: {  	_ =	shalt  }
0x70: {  	_ =	shalt  }
0x71: {  	_ =	shalt  }
0x72: {  	_ =	shalt  }
0x73: {  	_ =	shalt  }
0x74: {  	_ =	shalt  }
0x75: {  	_ =	shalt  }
0x76: {  	_ =	shalt  }
0x77: {  	_ =	shalt  }
0x78: {  	_ =	shalt  }
0x79: {  	_ =	shalt  }
0x7a: {  	_ =	shalt  }
0x7b: {  	_ =	shalt  }
0x7c: {  	_ =	shalt  }
0x7d: {  	_ =	shalt  }
0x7e: {  	_ =	shalt  }
0x7f: {  	_ =	shalt  }
0x80: {  	_ =	shalt  }
0x81: {  	_ =	shalt  }
0x82: {  	_ =	shalt  }
0x83: {  	_ =	shalt  }
0x84: {  	_ =	shalt  }
0x85: {  	_ =	shalt  }
0x86: {  	_ =	shalt  }
0x87: {  	_ =	shalt  }
.Lfunc_end0:
.L_simem_size_0:
called_computation_lowered:
.L_overlay_start_0:
0x88: {  	s2 =	sld [smem:$0x3FD9]  }
0x89: {  	s3 =	sld [smem:$0x3FFE];
	_ =	sdelay $0x1  }
0x8a: {  	s1 =	srdreg.scid  }
0x8b: {  	s0 =	sand.u32 $0x1, s1  }
0x8c: {  	s17 =	sshll.u32 s0, $0xA;
	s2 =	sadd.s32 s3, s2  }
0x8d: {  	s2 =	sadd.s32 s2, s17  }
0x8e: {  	[smem:$0x3FC1] =	sst s2  }
0x8f: {  	_ = 	snop  }
0x90: {  	s18 =	sld [smem:$0x3FC9]  }
0x91: {  	s4 =	sld [smem:$0x3FD0];
	(tm) =	ssettm $0x1  }
0x92: {  	s19 =	sld [smem:$0x3FFB];
	_ =	sdelay $0x3  }
0x93: {  	_ =	strace s19  }
0x94: {  	s2 =	sld [smem:$0x3FFC];
	_ =	sdelay $0x3  }
0x95: {  	_ =	strace s2  }
0x96: {  	s2 =	sld [smem:$0x3FFD];
	_ =	sdelay $0x3  }
0x97: {  	_ =	strace s2  }
0x98: {  	_ =	strace $0x8FFFFFFF  }
0x99: {  	s20 =	sld [smem:$0x3FDB];
	_ =	sdelay $0x1  }
0x9a: {  	s5 =	simm.s32 $_scs_section_size  }
0x9b: {  	s6 =	simm.s32 $_size__tile_overlayer_lowered;
	s7 =	simm.s32 $_tile_overlayer_lowered  }
0x9c: {  	s8 =	simm.s32 $0x1BFF;
	s21 =	sshll.u32 s7, $0x1;
	s5 =	sadd.s32 s5, s20  }
0x9d: {  	s22 =	simm.s32 $0x0;
	s6 =	sshll.u32 s6, $0x1;
	s7 =	sadd.s32 s21, s5  }
0x9e: {  	[timem:s22], [sflag:s8] =	dma.local [hbm:s7], s6  }
0x9f: {  	_ =	swait.ge [sflag:s8], s6  }
0xa0: {  	s6 =	ssub.s32 $0x0, s6;
	[sflag:s8] =	ssyncset.done $0x0  }
0xa1: {  	[sflag:s8] =	ssyncadd.s32 s6;
	_ =	sdelay $0x1  }
0xa2: {  	s23 =	simm.s32 $0x1B8B  }
0xa3: {  	_ =	swait.ge [sflag:s23], $0x1  }
0xa4: {  	[sflag:s23] =	ssyncset.done $0x0  }
0xa5: {  	[sflag:s23] =	ssyncadd.s32 $0xFFFFFFFF  }
0xa6: {  	s6 =	sld [smem:$0x0]  }
0xa7: {  	s7 =	sand.u32 $0xFFFFFFFE, s1  }
0xa8: {  	p0 =	sne.s32 s1, s7  }
0xa9: {  	s7 =	sshll.u32 @p0 s7, $0xE  }
0xaa: {  	s7 =	sadd.s32 @p0 $0x11B8D, s7;
	s8 =	sshll.u32 @p0 s6, $0x11  }
0xab: {  	s7 =	sor.u32 @p0 s8, s7  }
0xac: {  	[sflag:s7] =	ssyncadd.remote.s32 @p0 $0x1;
	_ =	sdelay $0x1  }
0xad: {  	s7 =	simm.s32 @p0 $0x1B8D  }
0xae: {  	_ =	swait.eq @p0 [sflag:s7], $0x1  }
0xaf: {  	[sflag:s7] =	ssyncadd.s32 @p0 $0xFFFFFFFF  }
0xb0: {  	s8 =	sshll.u32 @!p0 s1, $0xE  }
0xb1: {  	s8 =	sor.u32 @!p0 $0x4000, s8;
	s7 =	simm.s32 @!p0 $0x1B8D  }
0xb2: {  	s6 =	sshll.u32 @!p0 s6, $0x11;
	s8 =	sadd.s32 @!p0 $0x11B8D, s8;
	_ =	swait.eq @!p0 [sflag:s7], $0x1  }
0xb3: {  	s6 =	sor.u32 @!p0 s6, s8;
	[sflag:s7] =	ssyncadd.s32 @!p0 $0xFFFFFFFF  }
0xb4: {  	s25 =	simm.s32 $0x1B8E;
	s24 =	sld [smem:$0x3FFE];
	[sflag:s6] =	ssyncadd.remote.s32 @!p0 $0x1  }
0xb5: {  	s26 =	simm.s32 $execute0_lowered;
	[smem:$0x3FD2] =	sst s25  }
0xb6: {  	s7 =	sshll.u32 s26, $0x1;
	_ =	strace $0x8000004F;
	[dreg:$0x1] =	wrdreg $0xFFFFFFFF  }
0xb7: {  	s28 =	simm.s32 $_size_execute0_lowered;
	s5 =	sadd.s32 s5, s7;
	[dreg:$0x0] =	wrdreg $0x0  }
0xb8: {  	s7 =	sshll.u32 s28, $0x1;
	[dreg:$0x2] =	wrdreg s5  }
0xb9: {  	[dreg:$0x3] =	wrdreg s7  }
0xba: {  	[dreg:$0x4] =	wrdreg $0xC0  }
0xbb: {  	_ =	task [dreg:s22], $0x5FFFF  }
0xbc: {  	[dreg:$0x1] =	wrdreg $0xFFFFFFFF  }
0xbd: {  	[dreg:$0x0] =	wrdreg $0x60  }
0xbe: {  	[dreg:$0x2] =	wrdreg s18  }
0xbf: {  	[dreg:$0x3] =	wrdreg s4  }
0xc0: {  	[dreg:$0x4] =	wrdreg s24  }
0xc1: {  	[dreg:$0x5] =	wrdreg $0x9  }
0xc2: {  	_ =	task.clear_ibuf [dreg:s22], $0x6FFFF;
	_ =	strace $0x9000004F  }
0xc3: {  	s29 =	simm.s32 $0x9;
	_ =	strace $0x80000051  }
0xc4: {  	_ =	swait.ge [sflag:s29], $0x1  }
0xc5: {  	[sflag:s29] =	ssyncadd.s32 $0xFFFFFFFF  }
0xc6: {  	_ =	strace $0x90000051  }
0xc7: {  	_ =	sfence  }
0xc8: {  	s30 =	sld [smem:$0x0];
	_ =	sdelay $0x2  }
0xc9: {  	s31 =	sshll.u32 s1, $0xD;
	s1 =	sshrl.u32 s1, $0x2  }
0xca: {  	s4 =	sand.u32 $0x4000, s31;
	s1 =	sadd.s32 s1, s30  }
0xcb: {  	s0 =	sor.u32 s4, s0;
	s1 =	sshll.u32 s1, $0x11  }
0xcc: {  	s0 =	sor.u32 s1, s0  }
0xcd: {  	s0 =	sadd.s32 $0x8F2B, s0  }
0xce: {  	[sflag:s0] =	ssyncadd.remote.s32 $0x1  }
0xcf: {  	_ =	sfence.sel $0xFFFF  }
0xd0: {  	[dreg:$0x0] =	wrdreg $0xFFFFFFFF;
	(pc) =	sbr.abs _section_cstart, $3  }
0xd1: {  	[dreg:$0x1] =	wrdreg $0xFFFFFFFF  }
0xd2: {  	_ =	task.clear_ibuf [dreg:s22], $0x2FFFF;
	_ =	strace $0x9FFFFFFF  }
0xd3: {  	(tm) =	ssettm $0x7FFFFFFF  }
tec
execute0_lowered:
.L_overlay_start_1:
0x0: {  	(tag) =	ssettag $0x1  }
0x1: {  	s2 =	srdreg.scid  }
0x2: {  	s2 =	sand.u32 $0x1, s2  }
0x3: {  	s6 =	stileid.u32;
	s4 =	sshll.u32 s2, $0x4  }
0x4: {  	s4 =	sor.u32 s6, s4  }
0x5: {  	p0 =	sgt.u32 s4, $0x18  }
.Ltmp0:
0x6: {  	_ = 	snop;
	(pc) =	sbr.rel @p0 .LBB2_5-.Ltmp0, $4  }
0x7: {  	s0 =	rddreg [dreg:$0x0]  }
0x8: {  	s1 =	rddreg [dreg:$0x1];
	s3 =	simm.s32 $0x0  }
0x9: {  	[smem:$0x7FF] =	sst s3  }
0xa: {  	s5 =	rddreg [dreg:$0x2];
	_ =	strace $0x80000050  }
0xb: {  	s6 =	smul.u32 $0x64000, s4  }
0xc: {  	s5 =	sadd.s32 $0x3B8C00, s5;
	s7 =	smul.u32 $0xC800, s4  }
0xd: {  	s22 =	ssub.s32 $0x2, s2;
	s23 =	smul.u32 $0xC8000, s2;
	s8 =	stileid.u32  }
0xe: {  	s25 =	sshll.u32 s4, $0x9;
	s29 =	simm.s32 $0x11000;
	s30 =	simm.s32 $0x3  }
0xf: {  	s31 =	simm.s32 $0x6;
	s28 =	simm.s32 $0x5;
	s4 =	simm.s32 $0xA  }
0x10: {  	s24 =	sshrl.u32 s22, $0x1;
	s8 =	smul.u32 $0xC800, s8;
	s14 =	sadd.s32 s1, s25  }
0x11: {  	s25 =	simm.s32 $0xD000;
	s1 =	simm.s32 $0x8;
	s6 =	sshrl.u32 s6, $0x3  }
0x12: {  	s7 =	sadd.s32 s5, s7;
	s2 =	sadd.s32 s23, s5;
	s23 =	simm.s32 $0x1  }
0x13: {  	s6 =	sadd.s32 s5, s6;
	[dreg:$0x4] =	wrdreg s7;
	s26 =	sadd.s32 s8, s2  }
0x14: {  	s2 =	simm.s32 $0x4;
	s5 =	simm.s32 $0x0;
	s17 =	sadd.s32 $0x800, s6  }
0x15: {  	s18 =	sadd.s32 $0x1000, s6;
	s19 =	sadd.s32 $0x1800, s6;
	s20 =	sadd.s32 $0x2000, s6  }
0x16: {  	s21 =	sadd.s32 $0xA000, s6;
	s10 =	sadd.s32 $0xA800, s6;
	[dreg:$0x5] =	wrdreg s17  }
0x17: {  	s11 =	sadd.s32 $0xB000, s6;
	s12 =	sadd.s32 $0xB800, s6;
	[dreg:$0x6] =	wrdreg s18  }
0x18: {  	s13 =	sadd.s32 $0xC000, s6;
	s6 =	ssub.s32 s22, s24;
	[dreg:$0x7] =	wrdreg s19  }
0x19: {  	s16 =	sadd.s32 $0x4800, s26;
	s22 =	simm.s32 $0x9000;
	[dreg:$0x8] =	wrdreg s20  }
0x1a: {  	s26 =	simm.s32 $0x2;
	s24 =	simm.s32 $0x9;
	[dreg:$0x9] =	wrdreg s21  }
0x1b: {  	s15 =	smax.u32 s6, $0x1;
	s17 =	simm.s32 $0xB;
	s18 =	simm.s32 $0x80  }
0x1c: {  	s19 =	simm.s32 $0x1000;
	s20 =	simm.s32 $0x5000;
	s21 =	simm.s32 $0x7  }
.LBB2_2:
0x1d: {  	s6 =	simm.s32 $0x0  }
0x1e: {  	[tilespmem:s6], [sflag:$0xB] =	stream.linear.gather [hbm4b:s14+s6], $0xC80, $0x38;
	[tilespmem:$0x15000] =	vst v63  }
0x1f: {  	_ =	swait.ge [sflag:s17], $0xC80  }
0x20: {  	[sflag:s17] =	ssyncset.done $0x0  }
0x21: {  	[sflag:s17] =	ssyncadd.s32 $0xFFFFF380  }
0x22: {  	[tilespmem:s19], [sflag:$0x1] =	stream.indirect.gather [hbm4b:s0+s18], $0x80, s6, s18, $0xb8;
	[tilespmem:$0x15000] =	vst v63  }
0x23: {  	_ = 	snop  }
0x24: {  	[tilespmem:s20], [sflag:$0x2] =	stream.indirect.gather [hbm4b:s0+s18], $0x80, s18, s18, $0xb8;
	[tilespmem:$0x15000] =	vst v63  }
0x25: {  	s7 =	simm.s32 $0x100  }
0x26: {  	[tilespmem:s22], [sflag:$0x3] =	stream.indirect.gather [hbm4b:s0+s18], $0x80, s7, s18, $0xb8;
	[tilespmem:$0x15000] =	vst v63  }
0x27: {  	_ =	swait.ge [sflag:s23], $0x4000  }
0x28: {  	[sflag:s23] =	ssyncset.done $0x0  }
0x29: {  	s9 =	rddreg [dreg:$0x4];
	[sflag:s23] =	ssyncadd.s32 $0xFFFFC000  }
0x2a: {  	[hbm4b:s9+s6] =	stream.linear.scatter [tilespmem:s19], [sflag:$0x6], $0x4000, $0x38;
	[tilespmem:$0x15000] =	vst v63  }
0x2b: {  	s8 =	simm.s32 $0x180  }
0x2c: {  	[tilespmem:s25], [sflag:$0x4] =	stream.indirect.gather [hbm4b:s0+s18], $0x80, s8, s18, $0xb8;
	[tilespmem:$0x15000] =	vst v63  }
0x2d: {  	_ =	swait.ge [sflag:s26], $0x4000  }
0x2e: {  	[sflag:s26] =	ssyncset.done $0x0  }
0x2f: {  	s9 =	rddreg [dreg:$0x5];
	[sflag:s26] =	ssyncadd.s32 $0xFFFFC000  }
0x30: {  	[hbm4b:s9+s6] =	stream.linear.scatter [tilespmem:s20], [sflag:$0x7], $0x4000, $0x38;
	[tilespmem:$0x15000] =	vst v63  }
0x31: {  	s8 =	simm.s32 $0x200  }
0x32: {  	[tilespmem:s29], [sflag:$0x5] =	stream.indirect.gather [hbm4b:s0+s18], $0x80, s8, s18, $0xb8;
	[tilespmem:$0x15000] =	vst v63  }
0x33: {  	_ =	swait.ge [sflag:s30], $0x4000  }
0x34: {  	[sflag:s30] =	ssyncset.done $0x0  }
0x35: {  	s9 =	rddreg [dreg:$0x6];
	[sflag:s30] =	ssyncadd.s32 $0xFFFFC000  }
0x36: {  	[hbm4b:s9+s6] =	stream.linear.scatter [tilespmem:s22], [sflag:$0x8], $0x4000, $0x38;
	[tilespmem:$0x15000] =	vst v63  }
0x37: {  	_ =	swait.ge [sflag:s31], $0x4000  }
0x38: {  	[sflag:s31] =	ssyncset.done $0x0  }
0x39: {  	s8 =	simm.s32 $0x280;
	[sflag:s31] =	ssyncadd.s32 $0xFFFFC000  }
0x3a: {  	[tilespmem:s19], [sflag:$0x1] =	stream.indirect.gather [hbm4b:s0+s18], $0x80, s8, s18, $0xb8;
	[tilespmem:$0x15000] =	vst v63  }
0x3b: {  	_ =	swait.ge [sflag:s2], $0x4000  }
0x3c: {  	[sflag:s2] =	ssyncset.done $0x0  }
0x3d: {  	s9 =	rddreg [dreg:$0x7];
	[sflag:s2] =	ssyncadd.s32 $0xFFFFC000  }
0x3e: {  	[hbm4b:s9+s6] =	stream.linear.scatter [tilespmem:s25], [sflag:$0x9], $0x4000, $0x38;
	[tilespmem:$0x15000] =	vst v63  }
0x3f: {  	_ =	swait.ge [sflag:s21], $0x4000  }
0x40: {  	[sflag:s21] =	ssyncset.done $0x0  }
0x41: {  	s8 =	simm.s32 $0x300;
	[sflag:s21] =	ssyncadd.s32 $0xFFFFC000  }
0x42: {  	[tilespmem:s20], [sflag:$0x2] =	stream.indirect.gather [hbm4b:s0+s18], $0x80, s8, s18, $0xb8;
	[tilespmem:$0x15000] =	vst v63  }
0x43: {  	_ =	swait.ge [sflag:s28], $0x4000  }
0x44: {  	[sflag:s28] =	ssyncset.done $0x0  }
0x45: {  	s9 =	rddreg [dreg:$0x8];
	[sflag:s28] =	ssyncadd.s32 $0xFFFFC000  }
0x46: {  	[hbm4b:s9+s6] =	stream.linear.scatter [tilespmem:s29], [sflag:$0xA], $0x4000, $0x38;
	[tilespmem:$0x15000] =	vst v63  }
0x47: {  	_ =	swait.ge [sflag:s1], $0x4000  }
0x48: {  	[sflag:s1] =	ssyncset.done $0x0  }
0x49: {  	s7 =	simm.s32 $0x380;
	[sflag:s1] =	ssyncadd.s32 $0xFFFFC000  }
0x4a: {  	[tilespmem:s22], [sflag:$0x3] =	stream.indirect.gather [hbm4b:s0+s18], $0x80, s7, s18, $0xb8;
	[tilespmem:$0x15000] =	vst v63  }
0x4b: {  	_ =	swait.ge [sflag:s23], $0x4000  }
0x4c: {  	[sflag:s23] =	ssyncset.done $0x0  }
0x4d: {  	s8 =	sadd.s32 $0xFFFFE000, s16;
	[sflag:s23] =	ssyncadd.s32 $0xFFFFC000  }
0x4e: {  	[hbm4b:s8+s3] =	stream.linear.scatter [tilespmem:s19], [sflag:$0x6], $0x4000, $0x38;
	[tilespmem:$0x15000] =	vst v63  }
0x4f: {  	_ =	swait.ge [sflag:s24], $0x4000  }
0x50: {  	[sflag:s24] =	ssyncset.done $0x0  }
0x51: {  	s9 =	simm.s32 $0x400;
	[sflag:s24] =	ssyncadd.s32 $0xFFFFC000  }
0x52: {  	[tilespmem:s25], [sflag:$0x4] =	stream.indirect.gather [hbm4b:s0+s18], $0x80, s9, s18, $0xb8;
	[tilespmem:$0x15000] =	vst v63  }
0x53: {  	_ =	swait.ge [sflag:s26], $0x4000  }
0x54: {  	[sflag:s26] =	ssyncset.done $0x0  }
0x55: {  	s7 =	sadd.s32 $0xFFFFE800, s16;
	[sflag:s26] =	ssyncadd.s32 $0xFFFFC000  }
0x56: {  	[hbm4b:s7+s3] =	stream.linear.scatter [tilespmem:s20], [sflag:$0x7], $0x4000, $0x38;
	[tilespmem:$0x15000] =	vst v63  }
0x57: {  	_ =	swait.ge [sflag:s4], $0x4000  }
0x58: {  	[sflag:s4] =	ssyncset.done $0x0  }
0x59: {  	s8 =	simm.s32 $0x480;
	[sflag:s4] =	ssyncadd.s32 $0xFFFFC000  }
0x5a: {  	[tilespmem:s29], [sflag:$0x5] =	stream.indirect.gather [hbm4b:s0+s18], $0x80, s8, s18, $0xb8;
	[tilespmem:$0x15000] =	vst v63  }
0x5b: {  	_ =	swait.ge [sflag:s30], $0x4000  }
0x5c: {  	[sflag:s30] =	ssyncset.done $0x0  }
0x5d: {  	s9 =	sadd.s32 $0xFFFFF000, s16;
	[sflag:s30] =	ssyncadd.s32 $0xFFFFC000  }
0x5e: {  	[hbm4b:s9+s3] =	stream.linear.scatter [tilespmem:s22], [sflag:$0x8], $0x4000, $0x38;
	[tilespmem:$0x15000] =	vst v63  }
0x5f: {  	_ =	swait.ge [sflag:s31], $0x4000  }
0x60: {  	[sflag:s31] =	ssyncset.done $0x0  }
0x61: {  	s7 =	simm.s32 $0x500;
	[sflag:s31] =	ssyncadd.s32 $0xFFFFC000  }
0x62: {  	[tilespmem:s19], [sflag:$0x1] =	stream.indirect.gather [hbm4b:s0+s18], $0x80, s7, s18, $0xb8;
	[tilespmem:$0x15000] =	vst v63  }
0x63: {  	_ =	swait.ge [sflag:s2], $0x4000  }
0x64: {  	[sflag:s2] =	ssyncset.done $0x0  }
0x65: {  	s8 =	sadd.s32 $0xFFFFF800, s16;
	[sflag:s2] =	ssyncadd.s32 $0xFFFFC000  }
0x66: {  	[hbm4b:s8+s3] =	stream.linear.scatter [tilespmem:s25], [sflag:$0x9], $0x4000, $0x38;
	[tilespmem:$0x15000] =	vst v63  }
0x67: {  	_ =	swait.ge [sflag:s21], $0x4000  }
0x68: {  	[sflag:s21] =	ssyncset.done $0x0  }
0x69: {  	s9 =	simm.s32 $0x580;
	[sflag:s21] =	ssyncadd.s32 $0xFFFFC000  }
0x6a: {  	[tilespmem:s20], [sflag:$0x2] =	stream.indirect.gather [hbm4b:s0+s18], $0x80, s9, s18, $0xb8;
	[tilespmem:$0x15000] =	vst v63  }
0x6b: {  	_ =	swait.ge [sflag:s28], $0x4000  }
0x6c: {  	[sflag:s28] =	ssyncset.done $0x0  }
0x6d: {  	[sflag:s28] =	ssyncadd.s32 $0xFFFFC000  }
0x6e: {  	[hbm4b:s16+s3] =	stream.linear.scatter [tilespmem:s29], [sflag:$0xA], $0x4000, $0x38;
	[tilespmem:$0x15000] =	vst v63  }
0x6f: {  	_ =	swait.ge [sflag:s1], $0x4000  }
0x70: {  	s6 =	simm.s32 $0xA00;
	[sflag:s1] =	ssyncset.done $0x0  }
0x71: {  	s7 =	sadd.s32 $0x2800, s16;
	s8 =	simm.s32 $0x600;
	[sflag:s1] =	ssyncadd.s32 $0xFFFFC000  }
.LBB2_3:
0x72: {  	[tilespmem:s22], [sflag:$0x3] =	stream.indirect.gather [hbm4b:s0+s18], $0x80, s8, s18, $0xb8;
	[tilespmem:$0x15000] =	vst v63  }
0x73: {  	s8 =	smov.u32 s6  }
0x74: {  	p0 =	sne.s32 s6, $0x1400;
	s6 =	sadd.s32 $0xA00, s6;
	_ =	swait.ge [sflag:s23], $0x4000  }
0x75: {  	[sflag:s23] =	ssyncset.done $0x0  }
0x76: {  	s9 =	sadd.s32 $0xFFFFE000, s7;
	[sflag:s23] =	ssyncadd.s32 $0xFFFFC000  }
0x77: {  	[hbm4b:s9+s3] =	stream.linear.scatter [tilespmem:s19], [sflag:$0x6], $0x4000, $0x38;
	[tilespmem:$0x15000] =	vst v63  }
0x78: {  	_ =	swait.ge [sflag:s24], $0x4000  }
0x79: {  	s8 =	sshra.s32 s8, $0x2;
	[sflag:s24] =	ssyncset.done $0x0  }
0x7a: {  	s9 =	sadd.s32 $0x400, s8;
	[sflag:s24] =	ssyncadd.s32 $0xFFFFC000  }
0x7b: {  	[tilespmem:s25], [sflag:$0x4] =	stream.indirect.gather [hbm4b:s0+s18], $0x80, s9, s18, $0xb8;
	[tilespmem:$0x15000] =	vst v63  }
0x7c: {  	_ =	swait.ge [sflag:s26], $0x4000  }
0x7d: {  	[sflag:s26] =	ssyncset.done $0x0  }
0x7e: {  	s9 =	sadd.s32 $0xFFFFE800, s7;
	[sflag:s26] =	ssyncadd.s32 $0xFFFFC000  }
0x7f: {  	[hbm4b:s9+s3] =	stream.linear.scatter [tilespmem:s20], [sflag:$0x7], $0x4000, $0x38;
	[tilespmem:$0x15000] =	vst v63  }
0x80: {  	_ =	swait.ge [sflag:s4], $0x4000  }
0x81: {  	[sflag:s4] =	ssyncset.done $0x0  }
0x82: {  	s9 =	sadd.s32 $0x480, s8;
	[sflag:s4] =	ssyncadd.s32 $0xFFFFC000  }
0x83: {  	[tilespmem:s29], [sflag:$0x5] =	stream.indirect.gather [hbm4b:s0+s18], $0x80, s9, s18, $0xb8;
	[tilespmem:$0x15000] =	vst v63  }
0x84: {  	_ =	swait.ge [sflag:s30], $0x4000  }
0x85: {  	[sflag:s30] =	ssyncset.done $0x0  }
0x86: {  	s9 =	sadd.s32 $0xFFFFF000, s7;
	[sflag:s30] =	ssyncadd.s32 $0xFFFFC000  }
0x87: {  	[hbm4b:s9+s3] =	stream.linear.scatter [tilespmem:s22], [sflag:$0x8], $0x4000, $0x38;
	[tilespmem:$0x15000] =	vst v63  }
0x88: {  	_ =	swait.ge [sflag:s31], $0x4000  }
0x89: {  	[sflag:s31] =	ssyncset.done $0x0  }
0x8a: {  	s9 =	sadd.s32 $0x500, s8;
	[sflag:s31] =	ssyncadd.s32 $0xFFFFC000  }
0x8b: {  	[tilespmem:s19], [sflag:$0x1] =	stream.indirect.gather [hbm4b:s0+s18], $0x80, s9, s18, $0xb8;
	[tilespmem:$0x15000] =	vst v63  }
0x8c: {  	_ =	swait.ge [sflag:s2], $0x4000  }
0x8d: {  	[sflag:s2] =	ssyncset.done $0x0  }
0x8e: {  	s9 =	sadd.s32 $0xFFFFF800, s7;
	[sflag:s2] =	ssyncadd.s32 $0xFFFFC000  }
0x8f: {  	[hbm4b:s9+s3] =	stream.linear.scatter [tilespmem:s25], [sflag:$0x9], $0x4000, $0x38;
	[tilespmem:$0x15000] =	vst v63  }
0x90: {  	_ =	swait.ge [sflag:s21], $0x4000  }
0x91: {  	[sflag:s21] =	ssyncset.done $0x0  }
0x92: {  	s9 =	sadd.s32 $0x580, s8;
	[sflag:s21] =	ssyncadd.s32 $0xFFFFC000  }
0x93: {  	[tilespmem:s20], [sflag:$0x2] =	stream.indirect.gather [hbm4b:s0+s18], $0x80, s9, s18, $0xb8;
	[tilespmem:$0x15000] =	vst v63  }
0x94: {  	_ =	swait.ge [sflag:s28], $0x4000  }
0x95: {  	[sflag:s28] =	ssyncset.done $0x0  }
.Ltmp1:
0x96: {  	[sflag:s28] =	ssyncadd.s32 $0xFFFFC000;
	(pc) =	sbr.rel @p0 .LBB2_3-.Ltmp1, $4  }
0x97: {  	[hbm4b:s7+s3] =	stream.linear.scatter [tilespmem:s29], [sflag:$0xA], $0x4000, $0x38;
	[tilespmem:$0x15000] =	vst v63  }
0x98: {  	_ =	swait.ge [sflag:s1], $0x4000  }
0x99: {  	[sflag:s1] =	ssyncset.done $0x0  }
0x9a: {  	s8 =	sadd.s32 $0x600, s8;
	s7 =	sadd.s32 $0x2800, s7;
	[sflag:s1] =	ssyncadd.s32 $0xFFFFC000  }
0x9b: {  	[tilespmem:s22], [sflag:$0x3] =	stream.indirect.gather [hbm4b:s0+s18], $0x80, s8, s18, $0xb8;
	[tilespmem:$0x15000] =	vst v63  }
0x9c: {  	_ =	swait.ge [sflag:s23], $0x4000  }
0x9d: {  	[sflag:s23] =	ssyncset.done $0x0  }
0x9e: {  	s6 =	rddreg [dreg:$0x9];
	[sflag:s23] =	ssyncadd.s32 $0xFFFFC000  }
0x9f: {  	[hbm4b:s6+s3] =	stream.linear.scatter [tilespmem:s19], [sflag:$0x6], $0x4000, $0x38;
	[tilespmem:$0x15000] =	vst v63  }
0xa0: {  	_ =	swait.ge [sflag:s24], $0x4000  }
0xa1: {  	[sflag:s24] =	ssyncset.done $0x0  }
0xa2: {  	s8 =	simm.s32 $0xB80;
	[sflag:s24] =	ssyncadd.s32 $0xFFFFC000  }
0xa3: {  	[tilespmem:s25], [sflag:$0x4] =	stream.indirect.gather [hbm4b:s0+s18], $0x80, s8, s18, $0xb8;
	[tilespmem:$0x15000] =	vst v63  }
0xa4: {  	_ =	swait.ge [sflag:s26], $0x4000  }
0xa5: {  	[sflag:s26] =	ssyncset.done $0x0  }
0xa6: {  	[sflag:s26] =	ssyncadd.s32 $0xFFFFC000  }
0xa7: {  	[hbm4b:s10+s3] =	stream.linear.scatter [tilespmem:s20], [sflag:$0x7], $0x4000, $0x38;
	[tilespmem:$0x15000] =	vst v63  }
0xa8: {  	_ =	swait.ge [sflag:s4], $0x4000  }
0xa9: {  	[sflag:s4] =	ssyncset.done $0x0  }
0xaa: {  	s9 =	simm.s32 $0xC00;
	[sflag:s4] =	ssyncadd.s32 $0xFFFFC000  }
0xab: {  	[tilespmem:s29], [sflag:$0x5] =	stream.indirect.gather [hbm4b:s0+s18], $0x80, s9, s18, $0xb8;
	[tilespmem:$0x15000] =	vst v63  }
0xac: {  	_ =	swait.ge [sflag:s30], $0x4000  }
0xad: {  	[sflag:s30] =	ssyncset.done $0x0  }
0xae: {  	[sflag:s30] =	ssyncadd.s32 $0xFFFFC000  }
0xaf: {  	[hbm4b:s11+s3] =	stream.linear.scatter [tilespmem:s22], [sflag:$0x8], $0x4000, $0x38;
	[tilespmem:$0x15000] =	vst v63  }
0xb0: {  	_ =	swait.ge [sflag:s31], $0x4000  }
0xb1: {  	[sflag:s31] =	ssyncset.done $0x0  }
0xb2: {  	[sflag:s31] =	ssyncadd.s32 $0xFFFFC000  }
0xb3: {  	_ =	swait.ge [sflag:s2], $0x4000  }
0xb4: {  	[sflag:s2] =	ssyncset.done $0x0  }
0xb5: {  	[sflag:s2] =	ssyncadd.s32 $0xFFFFC000  }
0xb6: {  	[hbm4b:s12+s3] =	stream.linear.scatter [tilespmem:s25], [sflag:$0x9], $0x4000, $0x38;
	[tilespmem:$0x15000] =	vst v63  }
0xb7: {  	_ =	swait.ge [sflag:s21], $0x4000  }
0xb8: {  	[sflag:s21] =	ssyncset.done $0x0  }
0xb9: {  	[sflag:s21] =	ssyncadd.s32 $0xFFFFC000  }
0xba: {  	_ =	swait.ge [sflag:s28], $0x4000  }
0xbb: {  	[sflag:s28] =	ssyncset.done $0x0  }
0xbc: {  	[sflag:s28] =	ssyncadd.s32 $0xFFFFC000  }
0xbd: {  	[hbm4b:s13+s3] =	stream.linear.scatter [tilespmem:s29], [sflag:$0xA], $0x4000, $0x38;
	[tilespmem:$0x15000] =	vst v63  }
0xbe: {  	_ =	swait.ge [sflag:s1], $0x4000  }
0xbf: {  	[sflag:s1] =	ssyncset.done $0x0  }
0xc0: {  	s5 =	sadd.s32 $0x1, s5;
	[sflag:s1] =	ssyncadd.s32 $0xFFFFC000  }
0xc1: {  	p0 =	sne.s32 s5, s15;
	_ =	swait.ge [sflag:s24], $0x4000  }
.Ltmp2:
0xc2: {  	[sflag:s24] =	ssyncset.done $0x0;
	(pc) =	sbr.rel @p0 .LBB2_2-.Ltmp2, $4  }
0xc3: {  	[sflag:s24] =	ssyncadd.s32 $0xFFFFC000  }
0xc4: {  	_ =	swait.ge [sflag:s4], $0x4000  }
0xc5: {  	[sflag:s4] =	ssyncset.done $0x0  }
0xc6: {  	[sflag:s4] =	ssyncadd.s32 $0xFFFFC000  }
.LBB2_5:
0xc7: {  	_ =	sfence.sel $0x180000  }
0xc8: {  	[bflag:$0x0] =	sbarrier.arrive $0xFFFF  }
0xc9: {  	_ =	strace $0x90000050  }
0xca: {  	s0 =	stileid.u32;
	[bflag:$0x2] =	sbarrier.arrive $0xFFFF  }
0xcb: {  	p0 =	sne.s32 s0, $0x0;
	s0 =	rddreg [dreg:$0x3]  }
0xcc: {  	s0 =	sadd.s32 @!p0 $0x100000, s0  }
0xcd: {  	[sflag:s0] =	ssyncadd.tile.s32 @!p0 $0x1;
	_ =	shalt  }
.Lfunc_end2:
_tile_overlayer_lowered:
.L_overlay_start_2:
0xce: {  	(tag) =	ssettag $0x2  }
0xcf: {  	s0 =	rddreg [dreg:$0x0];
	s2 =	stileid.u32  }
0xd0: {  	s1 =	rddreg [dreg:$0x1];
	p0 =	sne.s32 s2, $0x0  }
0xd1: {  	s3 =	rddreg [dreg:$0x2];
	[bflag:$0x3] =	sbarrier.arrive $0xFFFF;
	s2 =	simm.s32 @!p0 $0x1C0B  }
0xd2: {  	[timem:s3], [sflag:s2] =	dma.local @!p0 [hbm:s0], s1  }
0xd3: {  	s0 =	simm.s32 @!p0 $0xB  }
0xd4: {  	_ =	swait.ge @!p0 [sflag:s0], s1  }
0xd5: {  	s1 =	ssub.s32 @!p0 $0x0, s1;
	[sflag:s0] =	ssyncset.done @!p0 $0x0  }
0xd6: {  	[sflag:s0] =	ssyncadd.s32 @!p0 s1  }
0xd7: {  	[bflag:$0x3] =	sbarrier.arrive $0xFFFF  }
0xd8: {  	_ =	shalt  }

// kernel: kernel.15.cloned.1.call-start
scs
__scs_entry_jumppad:
0x0: {  	(pc) =	sbr.rel $0x88, $3  }
0x1: {  	(tag) =	ssettag $0x0;
	lr =	simm.s32 $0x1  }
0x2: {  	[smem:$0x3F9A] =	sst lr;
	_ =	strace $0xD0000000  }
0x3: {  	_ = 	snop  }
0x4: {  	_ = 	snop  }
0x5: {  	_ = 	snop  }
0x6: {  	_ = 	snop  }
0x7: {  	_ = 	snop  }
__scs_overlays_trampoline_lowered:
0x8: {  	[smem:$0x3FA9] =	sst s0  }
0x9: {  	[smem:$0x3FAA] =	sst s1  }
0xa: {  	[smem:$0x3FAB] =	sst s2  }
0xb: {  	[smem:$0x3FAC] =	sst s3  }
0xc: {  	[smem:$0x3FAD] =	sst s4  }
0xd: {  	[smem:$0x3FAE] =	sst s5  }
0xe: {  	[smem:$0x3FAF] =	sst s6  }
0xf: {  	[smem:$0x3FB0] =	sst s7  }
0x10: {  	[smem:$0x3FB1] =	sst s8  }
0x11: {  	[smem:$0x3FB2] =	sst s9;
	s0 =	simm.s32 @!p0 $0x0  }
0x12: {  	s1 =	sld [smem:$0x3F98];
	s0 =	simm.s32 @p0 $0x1  }
0x13: {  	[smem:$0x3FB3] =	sst s0;
	s0 =	simm.s32 @!p1 $0x0  }
0x14: {  	s2 =	sld [smem:$0x3F97];
	s0 =	simm.s32 @p1 $0x1  }
0x15: {  	[smem:$0x3FB4] =	sst s0;
	s0 =	simm.s32 @!p2 $0x0  }
0x16: {  	s3 =	sld [smem:$0x3FDB];
	s0 =	simm.s32 @p2 $0x1  }
0x17: {  	s4 =	simm.s32 $0x1BF5;
	[smem:$0x3FB6] =	sst s0  }
0x18: {  	s0 =	sld [smem:$0x3F99];
	_ =	swait.ge [sflag:s4], $0x0  }
0x19: {  	s7 =	sld [smem:$0x3F9A]  }
0x1a: {  	s8 =	sadd.s32 $0xFFFFE003, lr  }
0x1b: {  	s9 =	sadd.s32 $0xFFFFFEF7, lr;
	s5 =	simm.s32 $0xFFFFFFFF;
	p2 =	slt.u32 s8, $0xFFFFF086  }
0x1c: {  	p1 =	slt.u32 s9, $0xF7A;
	s5 =	simm.s32 @!p2 $0x0  }
0x1d: {  	s5 =	simm.s32 @p1 $0x1;
	p0 =	seq.s32 s7, s2  }
0x1e: {  	s7 =	smul.u32 @!p0 $0xF7A, s2;
	p2 =	seq.s32 @!p0 s5, $0x0  }
0x1f: {  	s9 =	smul.u32 $0xF7A, s1;
	s8 =	simm.s32 @!p0 $0x1BF5;
	p2 =	por !p2, p0  }
0x20: {  	[sflag:s8] =	ssyncset.s32 @!p0 $0xFFFFF086;
	s6 =	sadd.s32 @!p0 s3, s7;
	s7 =	simm.s32 @!p0 $0x108  }
0x21: {  	s3 =	sadd.s32 s3, s9;
	s6 =	sadd.s32 @!p0 $0x88, s6;
	s7 =	simm.s32 @p2 $0x1082  }
0x22: {  	[simem:s7], [sflag:s8] =	dma.local @!p0 [hbm:s6], $0xF7A  }
0x23: {  	s9 =	sor.u32 $0xD0000000, s2;
	s6 =	simm.s32 $0x108;
	_ =	swait.ge @!p0 [sflag:s8], $0x0  }
0x24: {  	s3 =	sadd.s32 $0x88, s3;
	s6 =	simm.s32 @!p1 $0x1082;
	[sflag:s4] =	ssyncset.s32 $0xFFFFF086  }
0x25: {  	[simem:s6], [sflag:s4] =	dma.local [hbm:s3], $0xF7A  }
0x26: {  	[smem:$0x3F9A] =	sst s1;
	(tag) =	ssettag s2;
	_ =	strace s9  }
0x27: {  	s1 =	sld [smem:$0x3FAA]  }
0x28: {  	s2 =	sld [smem:$0x3FAB]  }
0x29: {  	s4 =	sld [smem:$0x3FAD]  }
0x2a: {  	p0 =	seq.s32 s5, $0x0;
	s5 =	sld [smem:$0x3FAE]  }
0x2b: {  	s6 =	sld [smem:$0x3FAF]  }
0x2c: {  	s7 =	sld [smem:$0x3FB0]  }
0x2d: {  	s3 =	simm.s32 $0x108;
	s8 =	sld [smem:$0x3FB1]  }
0x2e: {  	s3 =	simm.s32 @!p0 $0x1082;
	s9 =	sld [smem:$0x3FB2]  }
0x2f: {  	lr =	sadd.s32 s0, s3;
	s0 =	sld [smem:$0x3FA9]  }
0x30: {  	s3 =	sld [smem:$0x3FAC]  }
0x31: {  	[smem:$0x3FB5] =	sst s10  }
0x32: {  	s10 =	sld [smem:$0x3FB3];
	_ =	sdelay $0x3  }
0x33: {  	p0 =	seq.s32 s10, $0x1;
	s10 =	sld [smem:$0x3FB5];
	_ =	sdelay $0x3  }
0x34: {  	[smem:$0x3FB5] =	sst s10  }
0x35: {  	s10 =	sld [smem:$0x3FB4];
	_ =	sdelay $0x3  }
0x36: {  	p1 =	seq.s32 s10, $0x1;
	s10 =	sld [smem:$0x3FB5];
	_ =	sdelay $0x3  }
0x37: {  	[smem:$0x3FB5] =	sst s10  }
0x38: {  	s10 =	sld [smem:$0x3FB6]  }
0x39: {  	_ = 	snop;
	(pc) =	sbr.ind lr, $3  }
0x3a: {  	_ = 	snop  }
0x3b: {  	_ = 	snop  }
0x3c: {  	p2 =	seq.s32 s10, $0x1;
	s10 =	sld [smem:$0x3FB5]  }
0x3d: {  	_ =	shalt  }
0x3e: {  	_ =	shalt  }
0x3f: {  	_ =	shalt  }
0x40: {  	_ =	shalt  }
0x41: {  	_ =	shalt  }
0x42: {  	_ =	shalt  }
0x43: {  	_ =	shalt  }
0x44: {  	_ =	shalt  }
0x45: {  	_ =	shalt  }
0x46: {  	_ =	shalt  }
0x47: {  	_ =	shalt  }
0x48: {  	_ =	shalt  }
0x49: {  	_ =	shalt  }
0x4a: {  	_ =	shalt  }
0x4b: {  	_ =	shalt  }
0x4c: {  	_ =	shalt  }
0x4d: {  	_ =	shalt  }
0x4e: {  	_ =	shalt  }
0x4f: {  	_ =	shalt  }
0x50: {  	_ =	shalt  }
0x51: {  	_ =	shalt  }
0x52: {  	_ =	shalt  }
0x53: {  	_ =	shalt  }
0x54: {  	_ =	shalt  }
0x55: {  	_ =	shalt  }
0x56: {  	_ =	shalt  }
0x57: {  	_ =	shalt  }
0x58: {  	_ =	shalt  }
0x59: {  	_ =	shalt  }
0x5a: {  	_ =	shalt  }
0x5b: {  	_ =	shalt  }
0x5c: {  	_ =	shalt  }
0x5d: {  	_ =	shalt  }
0x5e: {  	_ =	shalt  }
0x5f: {  	_ =	shalt  }
0x60: {  	_ =	shalt  }
0x61: {  	_ =	shalt  }
0x62: {  	_ =	shalt  }
0x63: {  	_ =	shalt  }
0x64: {  	_ =	shalt  }
0x65: {  	_ =	shalt  }
0x66: {  	_ =	shalt  }
0x67: {  	_ =	shalt  }
0x68: {  	_ =	shalt  }
0x69: {  	_ =	shalt  }
0x6a: {  	_ =	shalt  }
0x6b: {  	_ =	shalt  }
0x6c: {  	_ =	shalt  }
0x6d: {  	_ =	shalt  }
0x6e: {  	_ =	shalt  }
0x6f: {  	_ =	shalt  }
0x70: {  	_ =	shalt  }
0x71: {  	_ =	shalt  }
0x72: {  	_ =	shalt  }
0x73: {  	_ =	shalt  }
0x74: {  	_ =	shalt  }
0x75: {  	_ =	shalt  }
0x76: {  	_ =	shalt  }
0x77: {  	_ =	shalt  }
0x78: {  	_ =	shalt  }
0x79: {  	_ =	shalt  }
0x7a: {  	_ =	shalt  }
0x7b: {  	_ =	shalt  }
0x7c: {  	_ =	shalt  }
0x7d: {  	_ =	shalt  }
0x7e: {  	_ =	shalt  }
0x7f: {  	_ =	shalt  }
0x80: {  	_ =	shalt  }
0x81: {  	_ =	shalt  }
0x82: {  	_ =	shalt  }
0x83: {  	_ =	shalt  }
0x84: {  	_ =	shalt  }
0x85: {  	_ =	shalt  }
0x86: {  	_ =	shalt  }
0x87: {  	_ =	shalt  }
.Lfunc_end0:
.L_simem_size_0:
called_computation.1_lowered:
.L_overlay_start_0:
0x88: {  	s2 =	sld [smem:$0x3FD9]  }
0x89: {  	s3 =	sld [smem:$0x3FFE];
	_ =	sdelay $0x1  }
0x8a: {  	s1 =	srdreg.scid  }
0x8b: {  	s0 =	sand.u32 $0x1, s1  }
0x8c: {  	s17 =	sshll.u32 s0, $0xA;
	s2 =	sadd.s32 s3, s2  }
0x8d: {  	s2 =	sadd.s32 s2, s17  }
0x8e: {  	[smem:$0x3FC1] =	sst s2  }
0x8f: {  	_ = 	snop  }
0x90: {  	s18 =	sld [smem:$0x3FC9];
	(tm) =	ssettm $0x1  }
0x91: {  	s19 =	sld [smem:$0x3FFB];
	_ =	sdelay $0x3  }
0x92: {  	_ =	strace s19  }
0x93: {  	s2 =	sld [smem:$0x3FFC];
	_ =	sdelay $0x3  }
0x94: {  	_ =	strace s2  }
0x95: {  	s2 =	sld [smem:$0x3FFD];
	_ =	sdelay $0x3  }
0x96: {  	_ =	strace s2  }
0x97: {  	_ =	strace $0x8FFFFFFF  }
0x98: {  	s20 =	sld [smem:$0x3FDB];
	_ =	sdelay $0x1  }
0x99: {  	s4 =	simm.s32 $_scs_section_size  }
0x9a: {  	s5 =	simm.s32 $_size__tile_overlayer_lowered;
	s6 =	simm.s32 $_tile_overlayer_lowered  }
0x9b: {  	s7 =	simm.s32 $0x1BFF;
	s21 =	sshll.u32 s6, $0x1;
	s4 =	sadd.s32 s4, s20  }
0x9c: {  	s22 =	simm.s32 $0x0;
	s5 =	sshll.u32 s5, $0x1;
	s6 =	sadd.s32 s21, s4  }
0x9d: {  	[timem:s22], [sflag:s7] =	dma.local [hbm:s6], s5  }
0x9e: {  	_ =	swait.ge [sflag:s7], s5  }
0x9f: {  	s5 =	ssub.s32 $0x0, s5;
	[sflag:s7] =	ssyncset.done $0x0  }
0xa0: {  	[sflag:s7] =	ssyncadd.s32 s5;
	_ =	sdelay $0x1  }
0xa1: {  	s23 =	simm.s32 $0x1B8B  }
0xa2: {  	_ =	swait.ge [sflag:s23], $0x1  }
0xa3: {  	[sflag:s23] =	ssyncset.done $0x0  }
0xa4: {  	[sflag:s23] =	ssyncadd.s32 $0xFFFFFFFF  }
0xa5: {  	s5 =	sld [smem:$0x0]  }
0xa6: {  	s6 =	sand.u32 $0xFFFFFFFE, s1  }
0xa7: {  	p0 =	sne.s32 s1, s6  }
0xa8: {  	s6 =	sshll.u32 @p0 s6, $0xE  }
0xa9: {  	s6 =	sadd.s32 @p0 $0x11B8D, s6;
	s7 =	sshll.u32 @p0 s5, $0x11  }
0xaa: {  	s6 =	sor.u32 @p0 s7, s6  }
0xab: {  	[sflag:s6] =	ssyncadd.remote.s32 @p0 $0x1;
	_ =	sdelay $0x1  }
0xac: {  	s6 =	simm.s32 @p0 $0x1B8D  }
0xad: {  	_ =	swait.eq @p0 [sflag:s6], $0x1  }
0xae: {  	[sflag:s6] =	ssyncadd.s32 @p0 $0xFFFFFFFF  }
0xaf: {  	s7 =	sshll.u32 @!p0 s1, $0xE  }
0xb0: {  	s7 =	sor.u32 @!p0 $0x4000, s7;
	s6 =	simm.s32 @!p0 $0x1B8D  }
0xb1: {  	s5 =	sshll.u32 @!p0 s5, $0x11;
	s7 =	sadd.s32 @!p0 $0x11B8D, s7;
	_ =	swait.eq @!p0 [sflag:s6], $0x1  }
0xb2: {  	s5 =	sor.u32 @!p0 s5, s7;
	[sflag:s6] =	ssyncadd.s32 @!p0 $0xFFFFFFFF  }
0xb3: {  	s25 =	simm.s32 $0x1B8E;
	s24 =	sld [smem:$0x3FFE];
	[sflag:s5] =	ssyncadd.remote.s32 @!p0 $0x1  }
0xb4: {  	s26 =	simm.s32 $execute0_lowered;
	[smem:$0x3FD2] =	sst s25  }
0xb5: {  	s6 =	sshll.u32 s26, $0x1;
	_ =	strace $0x8000004C;
	[dreg:$0x1] =	wrdreg $0xFFFFFFFF  }
0xb6: {  	s28 =	simm.s32 $_size_execute0_lowered;
	s4 =	sadd.s32 s4, s6;
	[dreg:$0x0] =	wrdreg $0x0  }
0xb7: {  	s6 =	sshll.u32 s28, $0x1;
	[dreg:$0x2] =	wrdreg s4  }
0xb8: {  	[dreg:$0x3] =	wrdreg s6  }
0xb9: {  	[dreg:$0x4] =	wrdreg $0xC0  }
0xba: {  	_ =	task [dreg:s22], $0x5FFFF  }
0xbb: {  	[dreg:$0x1] =	wrdreg $0xFFFFFFFF  }
0xbc: {  	[dreg:$0x0] =	wrdreg $0x60  }
0xbd: {  	[dreg:$0x2] =	wrdreg s18  }
0xbe: {  	[dreg:$0x3] =	wrdreg s24  }
0xbf: {  	[dreg:$0x4] =	wrdreg $0xA  }
0xc0: {  	_ =	task.clear_ibuf [dreg:s22], $0x5FFFF;
	_ =	strace $0x9000004C  }
0xc1: {  	s29 =	simm.s32 $0xA;
	_ =	strace $0x8000004E  }
0xc2: {  	_ =	swait.ge [sflag:s29], $0x1  }
0xc3: {  	[sflag:s29] =	ssyncadd.s32 $0xFFFFFFFF  }
0xc4: {  	_ =	strace $0x9000004E  }
0xc5: {  	_ =	sfence  }
0xc6: {  	s30 =	sld [smem:$0x0];
	_ =	sdelay $0x2  }
0xc7: {  	s31 =	sshll.u32 s1, $0xD;
	s1 =	sshrl.u32 s1, $0x2  }
0xc8: {  	s4 =	sand.u32 $0x4000, s31;
	s1 =	sadd.s32 s1, s30  }
0xc9: {  	s0 =	sor.u32 s4, s0;
	s1 =	sshll.u32 s1, $0x11  }
0xca: {  	s0 =	sor.u32 s1, s0  }
0xcb: {  	s0 =	sadd.s32 $0x8F2B, s0  }
0xcc: {  	[sflag:s0] =	ssyncadd.remote.s32 $0x1  }
0xcd: {  	_ =	sfence.sel $0xFFFF  }
0xce: {  	[dreg:$0x0] =	wrdreg $0xFFFFFFFF;
	(pc) =	sbr.abs _section_cstart, $3  }
0xcf: {  	[dreg:$0x1] =	wrdreg $0xFFFFFFFF  }
0xd0: {  	_ =	task.clear_ibuf [dreg:s22], $0x2FFFF;
	_ =	strace $0x9FFFFFFF  }
0xd1: {  	(tm) =	ssettm $0x7FFFFFFF  }
tec
execute0_lowered:
.L_overlay_start_1:
0x0: {  	(tag) =	ssettag $0x1  }
0x1: {  	s0 =	srdreg.scid  }
0x2: {  	s0 =	sand.u32 $0x1, s0  }
0x3: {  	s5 =	stileid.u32;
	s1 =	sshll.u32 s0, $0x4  }
0x4: {  	s1 =	sor.u32 s5, s1  }
0x5: {  	p0 =	sgt.u32 s1, $0x18  }
.Ltmp0:
0x6: {  	_ = 	snop;
	(pc) =	sbr.rel @p0 .LBB2_5-.Ltmp0, $4  }
0x7: {  	_ = 	snop  }
0x8: {  	s2 =	rddreg [dreg:$0x0];
	s3 =	simm.s32 $0x0  }
0x9: {  	[smem:$0x7FF] =	sst s3  }
0xa: {  	s4 =	rddreg [dreg:$0x1];
	_ =	strace $0x8000004D  }
0xb: {  	s5 =	smul.u32 $0x64000, s1  }
0xc: {  	s6 =	sadd.s32 $0x280400, s4;
	s7 =	smul.u32 $0xC800, s1;
	s17 =	sadd.s32 $0x9000, s4  }
0xd: {  	s23 =	ssub.s32 $0x2, s0;
	s24 =	smul.u32 $0xC8000, s0;
	s8 =	stileid.u32  }
0xe: {  	s26 =	sshll.u32 s1, $0x9;
	s29 =	simm.s32 $0x11000;
	s30 =	simm.s32 $0x3  }
0xf: {  	s31 =	simm.s32 $0x6;
	s1 =	simm.s32 $0x4;
	s28 =	simm.s32 $0x5  }
0x10: {  	s4 =	simm.s32 $0xA;
	s25 =	sshrl.u32 s23, $0x1;
	s8 =	smul.u32 $0xC800, s8  }
0x11: {  	s14 =	sadd.s32 s17, s26;
	s17 =	simm.s32 $0xB;
	s26 =	simm.s32 $0x2  }
0x12: {  	s5 =	sshrl.u32 s5, $0x3;
	s7 =	sadd.s32 s6, s7;
	s0 =	sadd.s32 s24, s6  }
0x13: {  	s24 =	simm.s32 $0x9;
	s5 =	sadd.s32 s6, s5;
	[dreg:$0x3] =	wrdreg s7  }
0x14: {  	s0 =	sadd.s32 s8, s0;
	s18 =	sadd.s32 $0x800, s5;
	s19 =	sadd.s32 $0x1000, s5  }
0x15: {  	s20 =	sadd.s32 $0x1800, s5;
	s21 =	sadd.s32 $0x2000, s5;
	s22 =	sadd.s32 $0xA000, s5  }
0x16: {  	s10 =	sadd.s32 $0xA800, s5;
	s11 =	sadd.s32 $0xB000, s5;
	[dreg:$0x4] =	wrdreg s18  }
0x17: {  	s12 =	sadd.s32 $0xB800, s5;
	s13 =	sadd.s32 $0xC000, s5;
	[dreg:$0x5] =	wrdreg s19  }
0x18: {  	s5 =	ssub.s32 s23, s25;
	s16 =	sadd.s32 $0x4800, s0;
	[dreg:$0x6] =	wrdreg s20  }
0x19: {  	s23 =	simm.s32 $0x1;
	s25 =	simm.s32 $0xD000;
	[dreg:$0x7] =	wrdreg s21  }
0x1a: {  	s0 =	simm.s32 $0x8;
	[dreg:$0x8] =	wrdreg s22;
	s15 =	smax.u32 s5, $0x1  }
0x1b: {  	s18 =	simm.s32 $0x80;
	s19 =	simm.s32 $0x1000;
	s20 =	simm.s32 $0x5000  }
0x1c: {  	s22 =	simm.s32 $0x9000;
	s21 =	simm.s32 $0x7;
	s5 =	simm.s32 $0x0  }
.LBB2_2:
0x1d: {  	s6 =	simm.s32 $0x0  }
0x1e: {  	[tilespmem:s6], [sflag:$0xB] =	stream.linear.gather [hbm4b:s14+s6], $0xC80, $0x38;
	[tilespmem:$0x15000] =	vst v63  }
0x1f: {  	_ =	swait.ge [sflag:s17], $0xC80  }
0x20: {  	[sflag:s17] =	ssyncset.done $0x0  }
0x21: {  	[sflag:s17] =	ssyncadd.s32 $0xFFFFF380  }
0x22: {  	[tilespmem:s19], [sflag:$0x1] =	stream.indirect.gather [hbm4b:s2+s18], $0x80, s6, s18, $0xb8;
	[tilespmem:$0x15000] =	vst v63  }
0x23: {  	_ = 	snop  }
0x24: {  	[tilespmem:s20], [sflag:$0x2] =	stream.indirect.gather [hbm4b:s2+s18], $0x80, s18, s18, $0xb8;
	[tilespmem:$0x15000] =	vst v63  }
0x25: {  	s7 =	simm.s32 $0x100  }
0x26: {  	[tilespmem:s22], [sflag:$0x3] =	stream.indirect.gather [hbm4b:s2+s18], $0x80, s7, s18, $0xb8;
	[tilespmem:$0x15000] =	vst v63  }
0x27: {  	_ =	swait.ge [sflag:s23], $0x4000  }
0x28: {  	[sflag:s23] =	ssyncset.done $0x0  }
0x29: {  	s9 =	rddreg [dreg:$0x3];
	[sflag:s23] =	ssyncadd.s32 $0xFFFFC000  }
0x2a: {  	[hbm4b:s9+s6] =	stream.linear.scatter [tilespmem:s19], [sflag:$0x6], $0x4000, $0x38;
	[tilespmem:$0x15000] =	vst v63  }
0x2b: {  	s8 =	simm.s32 $0x180  }
0x2c: {  	[tilespmem:s25], [sflag:$0x4] =	stream.indirect.gather [hbm4b:s2+s18], $0x80, s8, s18, $0xb8;
	[tilespmem:$0x15000] =	vst v63  }
0x2d: {  	_ =	swait.ge [sflag:s26], $0x4000  }
0x2e: {  	[sflag:s26] =	ssyncset.done $0x0  }
0x2f: {  	s9 =	rddreg [dreg:$0x4];
	[sflag:s26] =	ssyncadd.s32 $0xFFFFC000  }
0x30: {  	[hbm4b:s9+s6] =	stream.linear.scatter [tilespmem:s20], [sflag:$0x7], $0x4000, $0x38;
	[tilespmem:$0x15000] =	vst v63  }
0x31: {  	s8 =	simm.s32 $0x200  }
0x32: {  	[tilespmem:s29], [sflag:$0x5] =	stream.indirect.gather [hbm4b:s2+s18], $0x80, s8, s18, $0xb8;
	[tilespmem:$0x15000] =	vst v63  }
0x33: {  	_ =	swait.ge [sflag:s30], $0x4000  }
0x34: {  	[sflag:s30] =	ssyncset.done $0x0  }
0x35: {  	s9 =	rddreg [dreg:$0x5];
	[sflag:s30] =	ssyncadd.s32 $0xFFFFC000  }
0x36: {  	[hbm4b:s9+s6] =	stream.linear.scatter [tilespmem:s22], [sflag:$0x8], $0x4000, $0x38;
	[tilespmem:$0x15000] =	vst v63  }
0x37: {  	_ =	swait.ge [sflag:s31], $0x4000  }
0x38: {  	[sflag:s31] =	ssyncset.done $0x0  }
0x39: {  	s8 =	simm.s32 $0x280;
	[sflag:s31] =	ssyncadd.s32 $0xFFFFC000  }
0x3a: {  	[tilespmem:s19], [sflag:$0x1] =	stream.indirect.gather [hbm4b:s2+s18], $0x80, s8, s18, $0xb8;
	[tilespmem:$0x15000] =	vst v63  }
0x3b: {  	_ =	swait.ge [sflag:s1], $0x4000  }
0x3c: {  	[sflag:s1] =	ssyncset.done $0x0  }
0x3d: {  	s9 =	rddreg [dreg:$0x6];
	[sflag:s1] =	ssyncadd.s32 $0xFFFFC000  }
0x3e: {  	[hbm4b:s9+s6] =	stream.linear.scatter [tilespmem:s25], [sflag:$0x9], $0x4000, $0x38;
	[tilespmem:$0x15000] =	vst v63  }
0x3f: {  	_ =	swait.ge [sflag:s21], $0x4000  }
0x40: {  	[sflag:s21] =	ssyncset.done $0x0  }
0x41: {  	s8 =	simm.s32 $0x300;
	[sflag:s21] =	ssyncadd.s32 $0xFFFFC000  }
0x42: {  	[tilespmem:s20], [sflag:$0x2] =	stream.indirect.gather [hbm4b:s2+s18], $0x80, s8, s18, $0xb8;
	[tilespmem:$0x15000] =	vst v63  }
0x43: {  	_ =	swait.ge [sflag:s28], $0x4000  }
0x44: {  	[sflag:s28] =	ssyncset.done $0x0  }
0x45: {  	s9 =	rddreg [dreg:$0x7];
	[sflag:s28] =	ssyncadd.s32 $0xFFFFC000  }
0x46: {  	[hbm4b:s9+s6] =	stream.linear.scatter [tilespmem:s29], [sflag:$0xA], $0x4000, $0x38;
	[tilespmem:$0x15000] =	vst v63  }
0x47: {  	_ =	swait.ge [sflag:s0], $0x4000  }
0x48: {  	[sflag:s0] =	ssyncset.done $0x0  }
0x49: {  	s7 =	simm.s32 $0x380;
	[sflag:s0] =	ssyncadd.s32 $0xFFFFC000  }
0x4a: {  	[tilespmem:s22], [sflag:$0x3] =	stream.indirect.gather [hbm4b:s2+s18], $0x80, s7, s18, $0xb8;
	[tilespmem:$0x15000] =	vst v63  }
0x4b: {  	_ =	swait.ge [sflag:s23], $0x4000  }
0x4c: {  	[sflag:s23] =	ssyncset.done $0x0  }
0x4d: {  	s8 =	sadd.s32 $0xFFFFE000, s16;
	[sflag:s23] =	ssyncadd.s32 $0xFFFFC000  }
0x4e: {  	[hbm4b:s8+s3] =	stream.linear.scatter [tilespmem:s19], [sflag:$0x6], $0x4000, $0x38;
	[tilespmem:$0x15000] =	vst v63  }
0x4f: {  	_ =	swait.ge [sflag:s24], $0x4000  }
0x50: {  	[sflag:s24] =	ssyncset.done $0x0  }
0x51: {  	s9 =	simm.s32 $0x400;
	[sflag:s24] =	ssyncadd.s32 $0xFFFFC000  }
0x52: {  	[tilespmem:s25], [sflag:$0x4] =	stream.indirect.gather [hbm4b:s2+s18], $0x80, s9, s18, $0xb8;
	[tilespmem:$0x15000] =	vst v63  }
0x53: {  	_ =	swait.ge [sflag:s26], $0x4000  }
0x54: {  	[sflag:s26] =	ssyncset.done $0x0  }
0x55: {  	s7 =	sadd.s32 $0xFFFFE800, s16;
	[sflag:s26] =	ssyncadd.s32 $0xFFFFC000  }
0x56: {  	[hbm4b:s7+s3] =	stream.linear.scatter [tilespmem:s20], [sflag:$0x7], $0x4000, $0x38;
	[tilespmem:$0x15000] =	vst v63  }
0x57: {  	_ =	swait.ge [sflag:s4], $0x4000  }
0x58: {  	[sflag:s4] =	ssyncset.done $0x0  }
0x59: {  	s8 =	simm.s32 $0x480;
	[sflag:s4] =	ssyncadd.s32 $0xFFFFC000  }
0x5a: {  	[tilespmem:s29], [sflag:$0x5] =	stream.indirect.gather [hbm4b:s2+s18], $0x80, s8, s18, $0xb8;
	[tilespmem:$0x15000] =	vst v63  }
0x5b: {  	_ =	swait.ge [sflag:s30], $0x4000  }
0x5c: {  	[sflag:s30] =	ssyncset.done $0x0  }
0x5d: {  	s9 =	sadd.s32 $0xFFFFF000, s16;
	[sflag:s30] =	ssyncadd.s32 $0xFFFFC000  }
0x5e: {  	[hbm4b:s9+s3] =	stream.linear.scatter [tilespmem:s22], [sflag:$0x8], $0x4000, $0x38;
	[tilespmem:$0x15000] =	vst v63  }
0x5f: {  	_ =	swait.ge [sflag:s31], $0x4000  }
0x60: {  	[sflag:s31] =	ssyncset.done $0x0  }
0x61: {  	s7 =	simm.s32 $0x500;
	[sflag:s31] =	ssyncadd.s32 $0xFFFFC000  }
0x62: {  	[tilespmem:s19], [sflag:$0x1] =	stream.indirect.gather [hbm4b:s2+s18], $0x80, s7, s18, $0xb8;
	[tilespmem:$0x15000] =	vst v63  }
0x63: {  	_ =	swait.ge [sflag:s1], $0x4000  }
0x64: {  	[sflag:s1] =	ssyncset.done $0x0  }
0x65: {  	s8 =	sadd.s32 $0xFFFFF800, s16;
	[sflag:s1] =	ssyncadd.s32 $0xFFFFC000  }
0x66: {  	[hbm4b:s8+s3] =	stream.linear.scatter [tilespmem:s25], [sflag:$0x9], $0x4000, $0x38;
	[tilespmem:$0x15000] =	vst v63  }
0x67: {  	_ =	swait.ge [sflag:s21], $0x4000  }
0x68: {  	[sflag:s21] =	ssyncset.done $0x0  }
0x69: {  	s9 =	simm.s32 $0x580;
	[sflag:s21] =	ssyncadd.s32 $0xFFFFC000  }
0x6a: {  	[tilespmem:s20], [sflag:$0x2] =	stream.indirect.gather [hbm4b:s2+s18], $0x80, s9, s18, $0xb8;
	[tilespmem:$0x15000] =	vst v63  }
0x6b: {  	_ =	swait.ge [sflag:s28], $0x4000  }
0x6c: {  	[sflag:s28] =	ssyncset.done $0x0  }
0x6d: {  	[sflag:s28] =	ssyncadd.s32 $0xFFFFC000  }
0x6e: {  	[hbm4b:s16+s3] =	stream.linear.scatter [tilespmem:s29], [sflag:$0xA], $0x4000, $0x38;
	[tilespmem:$0x15000] =	vst v63  }
0x6f: {  	_ =	swait.ge [sflag:s0], $0x4000  }
0x70: {  	s6 =	simm.s32 $0xA00;
	[sflag:s0] =	ssyncset.done $0x0  }
0x71: {  	s7 =	sadd.s32 $0x2800, s16;
	s8 =	simm.s32 $0x600;
	[sflag:s0] =	ssyncadd.s32 $0xFFFFC000  }
.LBB2_3:
0x72: {  	[tilespmem:s22], [sflag:$0x3] =	stream.indirect.gather [hbm4b:s2+s18], $0x80, s8, s18, $0xb8;
	[tilespmem:$0x15000] =	vst v63  }
0x73: {  	s8 =	smov.u32 s6  }
0x74: {  	p0 =	sne.s32 s6, $0x1400;
	s6 =	sadd.s32 $0xA00, s6;
	_ =	swait.ge [sflag:s23], $0x4000  }
0x75: {  	[sflag:s23] =	ssyncset.done $0x0  }
0x76: {  	s9 =	sadd.s32 $0xFFFFE000, s7;
	[sflag:s23] =	ssyncadd.s32 $0xFFFFC000  }
0x77: {  	[hbm4b:s9+s3] =	stream.linear.scatter [tilespmem:s19], [sflag:$0x6], $0x4000, $0x38;
	[tilespmem:$0x15000] =	vst v63  }
0x78: {  	_ =	swait.ge [sflag:s24], $0x4000  }
0x79: {  	s8 =	sshra.s32 s8, $0x2;
	[sflag:s24] =	ssyncset.done $0x0  }
0x7a: {  	s9 =	sadd.s32 $0x400, s8;
	[sflag:s24] =	ssyncadd.s32 $0xFFFFC000  }
0x7b: {  	[tilespmem:s25], [sflag:$0x4] =	stream.indirect.gather [hbm4b:s2+s18], $0x80, s9, s18, $0xb8;
	[tilespmem:$0x15000] =	vst v63  }
0x7c: {  	_ =	swait.ge [sflag:s26], $0x4000  }
0x7d: {  	[sflag:s26] =	ssyncset.done $0x0  }
0x7e: {  	s9 =	sadd.s32 $0xFFFFE800, s7;
	[sflag:s26] =	ssyncadd.s32 $0xFFFFC000  }
0x7f: {  	[hbm4b:s9+s3] =	stream.linear.scatter [tilespmem:s20], [sflag:$0x7], $0x4000, $0x38;
	[tilespmem:$0x15000] =	vst v63  }
0x80: {  	_ =	swait.ge [sflag:s4], $0x4000  }
0x81: {  	[sflag:s4] =	ssyncset.done $0x0  }
0x82: {  	s9 =	sadd.s32 $0x480, s8;
	[sflag:s4] =	ssyncadd.s32 $0xFFFFC000  }
0x83: {  	[tilespmem:s29], [sflag:$0x5] =	stream.indirect.gather [hbm4b:s2+s18], $0x80, s9, s18, $0xb8;
	[tilespmem:$0x15000] =	vst v63  }
0x84: {  	_ =	swait.ge [sflag:s30], $0x4000  }
0x85: {  	[sflag:s30] =	ssyncset.done $0x0  }
0x86: {  	s9 =	sadd.s32 $0xFFFFF000, s7;
	[sflag:s30] =	ssyncadd.s32 $0xFFFFC000  }
0x87: {  	[hbm4b:s9+s3] =	stream.linear.scatter [tilespmem:s22], [sflag:$0x8], $0x4000, $0x38;
	[tilespmem:$0x15000] =	vst v63  }
0x88: {  	_ =	swait.ge [sflag:s31], $0x4000  }
0x89: {  	[sflag:s31] =	ssyncset.done $0x0  }
0x8a: {  	s9 =	sadd.s32 $0x500, s8;
	[sflag:s31] =	ssyncadd.s32 $0xFFFFC000  }
0x8b: {  	[tilespmem:s19], [sflag:$0x1] =	stream.indirect.gather [hbm4b:s2+s18], $0x80, s9, s18, $0xb8;
	[tilespmem:$0x15000] =	vst v63  }
0x8c: {  	_ =	swait.ge [sflag:s1], $0x4000  }
0x8d: {  	[sflag:s1] =	ssyncset.done $0x0  }
0x8e: {  	s9 =	sadd.s32 $0xFFFFF800, s7;
	[sflag:s1] =	ssyncadd.s32 $0xFFFFC000  }
0x8f: {  	[hbm4b:s9+s3] =	stream.linear.scatter [tilespmem:s25], [sflag:$0x9], $0x4000, $0x38;
	[tilespmem:$0x15000] =	vst v63  }
0x90: {  	_ =	swait.ge [sflag:s21], $0x4000  }
0x91: {  	[sflag:s21] =	ssyncset.done $0x0  }
0x92: {  	s9 =	sadd.s32 $0x580, s8;
	[sflag:s21] =	ssyncadd.s32 $0xFFFFC000  }
0x93: {  	[tilespmem:s20], [sflag:$0x2] =	stream.indirect.gather [hbm4b:s2+s18], $0x80, s9, s18, $0xb8;
	[tilespmem:$0x15000] =	vst v63  }
0x94: {  	_ =	swait.ge [sflag:s28], $0x4000  }
0x95: {  	[sflag:s28] =	ssyncset.done $0x0  }
.Ltmp1:
0x96: {  	[sflag:s28] =	ssyncadd.s32 $0xFFFFC000;
	(pc) =	sbr.rel @p0 .LBB2_3-.Ltmp1, $4  }
0x97: {  	[hbm4b:s7+s3] =	stream.linear.scatter [tilespmem:s29], [sflag:$0xA], $0x4000, $0x38;
	[tilespmem:$0x15000] =	vst v63  }
0x98: {  	_ =	swait.ge [sflag:s0], $0x4000  }
0x99: {  	[sflag:s0] =	ssyncset.done $0x0  }
0x9a: {  	s8 =	sadd.s32 $0x600, s8;
	s7 =	sadd.s32 $0x2800, s7;
	[sflag:s0] =	ssyncadd.s32 $0xFFFFC000  }
0x9b: {  	[tilespmem:s22], [sflag:$0x3] =	stream.indirect.gather [hbm4b:s2+s18], $0x80, s8, s18, $0xb8;
	[tilespmem:$0x15000] =	vst v63  }
0x9c: {  	_ =	swait.ge [sflag:s23], $0x4000  }
0x9d: {  	[sflag:s23] =	ssyncset.done $0x0  }
0x9e: {  	s6 =	rddreg [dreg:$0x8];
	[sflag:s23] =	ssyncadd.s32 $0xFFFFC000  }
0x9f: {  	[hbm4b:s6+s3] =	stream.linear.scatter [tilespmem:s19], [sflag:$0x6], $0x4000, $0x38;
	[tilespmem:$0x15000] =	vst v63  }
0xa0: {  	_ =	swait.ge [sflag:s24], $0x4000  }
0xa1: {  	[sflag:s24] =	ssyncset.done $0x0  }
0xa2: {  	s8 =	simm.s32 $0xB80;
	[sflag:s24] =	ssyncadd.s32 $0xFFFFC000  }
0xa3: {  	[tilespmem:s25], [sflag:$0x4] =	stream.indirect.gather [hbm4b:s2+s18], $0x80, s8, s18, $0xb8;
	[tilespmem:$0x15000] =	vst v63  }
0xa4: {  	_ =	swait.ge [sflag:s26], $0x4000  }
0xa5: {  	[sflag:s26] =	ssyncset.done $0x0  }
0xa6: {  	[sflag:s26] =	ssyncadd.s32 $0xFFFFC000  }
0xa7: {  	[hbm4b:s10+s3] =	stream.linear.scatter [tilespmem:s20], [sflag:$0x7], $0x4000, $0x38;
	[tilespmem:$0x15000] =	vst v63  }
0xa8: {  	_ =	swait.ge [sflag:s4], $0x4000  }
0xa9: {  	[sflag:s4] =	ssyncset.done $0x0  }
0xaa: {  	s9 =	simm.s32 $0xC00;
	[sflag:s4] =	ssyncadd.s32 $0xFFFFC000  }
0xab: {  	[tilespmem:s29], [sflag:$0x5] =	stream.indirect.gather [hbm4b:s2+s18], $0x80, s9, s18, $0xb8;
	[tilespmem:$0x15000] =	vst v63  }
0xac: {  	_ =	swait.ge [sflag:s30], $0x4000  }
0xad: {  	[sflag:s30] =	ssyncset.done $0x0  }
0xae: {  	[sflag:s30] =	ssyncadd.s32 $0xFFFFC000  }
0xaf: {  	[hbm4b:s11+s3] =	stream.linear.scatter [tilespmem:s22], [sflag:$0x8], $0x4000, $0x38;
	[tilespmem:$0x15000] =	vst v63  }
0xb0: {  	_ =	swait.ge [sflag:s31], $0x4000  }
0xb1: {  	[sflag:s31] =	ssyncset.done $0x0  }
0xb2: {  	[sflag:s31] =	ssyncadd.s32 $0xFFFFC000  }
0xb3: {  	_ =	swait.ge [sflag:s1], $0x4000  }
0xb4: {  	[sflag:s1] =	ssyncset.done $0x0  }
0xb5: {  	[sflag:s1] =	ssyncadd.s32 $0xFFFFC000  }
0xb6: {  	[hbm4b:s12+s3] =	stream.linear.scatter [tilespmem:s25], [sflag:$0x9], $0x4000, $0x38;
	[tilespmem:$0x15000] =	vst v63  }
0xb7: {  	_ =	swait.ge [sflag:s21], $0x4000  }
0xb8: {  	[sflag:s21] =	ssyncset.done $0x0  }
0xb9: {  	[sflag:s21] =	ssyncadd.s32 $0xFFFFC000  }
0xba: {  	_ =	swait.ge [sflag:s28], $0x4000  }
0xbb: {  	[sflag:s28] =	ssyncset.done $0x0  }
0xbc: {  	[sflag:s28] =	ssyncadd.s32 $0xFFFFC000  }
0xbd: {  	[hbm4b:s13+s3] =	stream.linear.scatter [tilespmem:s29], [sflag:$0xA], $0x4000, $0x38;
	[tilespmem:$0x15000] =	vst v63  }
0xbe: {  	_ =	swait.ge [sflag:s0], $0x4000  }
0xbf: {  	[sflag:s0] =	ssyncset.done $0x0  }
0xc0: {  	s5 =	sadd.s32 $0x1, s5;
	[sflag:s0] =	ssyncadd.s32 $0xFFFFC000  }
0xc1: {  	p0 =	sne.s32 s5, s15;
	_ =	swait.ge [sflag:s24], $0x4000  }
.Ltmp2:
0xc2: {  	[sflag:s24] =	ssyncset.done $0x0;
	(pc) =	sbr.rel @p0 .LBB2_2-.Ltmp2, $4  }
0xc3: {  	[sflag:s24] =	ssyncadd.s32 $0xFFFFC000  }
0xc4: {  	_ =	swait.ge [sflag:s4], $0x4000  }
0xc5: {  	[sflag:s4] =	ssyncset.done $0x0  }
0xc6: {  	[sflag:s4] =	ssyncadd.s32 $0xFFFFC000  }
.LBB2_5:
0xc7: {  	_ =	sfence.sel $0x180000  }
0xc8: {  	[bflag:$0x0] =	sbarrier.arrive $0xFFFF  }
0xc9: {  	_ =	strace $0x9000004D  }
0xca: {  	s0 =	stileid.u32;
	[bflag:$0x2] =	sbarrier.arrive $0xFFFF  }
0xcb: {  	p0 =	sne.s32 s0, $0x0;
	s0 =	rddreg [dreg:$0x2]  }
0xcc: {  	s0 =	sadd.s32 @!p0 $0x100000, s0  }
0xcd: {  	[sflag:s0] =	ssyncadd.tile.s32 @!p0 $0x1;
	_ =	shalt  }
.Lfunc_end2:
_tile_overlayer_lowered:
.L_overlay_start_2:
0xce: {  	(tag) =	ssettag $0x2  }
0xcf: {  	s0 =	rddreg [dreg:$0x0];
	s2 =	stileid.u32  }
0xd0: {  	s1 =	rddreg [dreg:$0x1];
	p0 =	sne.s32 s2, $0x0  }
0xd1: {  	s3 =	rddreg [dreg:$0x2];
	[bflag:$0x3] =	sbarrier.arrive $0xFFFF;
	s2 =	simm.s32 @!p0 $0x1C0B  }
0xd2: {  	[timem:s3], [sflag:s2] =	dma.local @!p0 [hbm:s0], s1  }
0xd3: {  	s0 =	simm.s32 @!p0 $0xB  }
0xd4: {  	_ =	swait.ge @!p0 [sflag:s0], s1  }
0xd5: {  	s1 =	ssub.s32 @!p0 $0x0, s1;
	[sflag:s0] =	ssyncset.done @!p0 $0x0  }
0xd6: {  	[sflag:s0] =	ssyncadd.s32 @!p0 s1  }
0xd7: {  	[bflag:$0x3] =	sbarrier.arrive $0xFFFF  }
0xd8: {  	_ =	shalt  }

// kernel: kernel.18.cloned.1.call-start
scs
__scs_entry_jumppad:
0x0: {  	(pc) =	sbr.rel $0x88, $3  }
0x1: {  	(tag) =	ssettag $0x0;
	lr =	simm.s32 $0x1  }
0x2: {  	[smem:$0x3F9A] =	sst lr;
	_ =	strace $0xD0000000  }
0x3: {  	_ = 	snop  }
0x4: {  	_ = 	snop  }
0x5: {  	_ = 	snop  }
0x6: {  	_ = 	snop  }
0x7: {  	_ = 	snop  }
__scs_overlays_trampoline_lowered:
0x8: {  	[smem:$0x3FA9] =	sst s0  }
0x9: {  	[smem:$0x3FAA] =	sst s1  }
0xa: {  	[smem:$0x3FAB] =	sst s2  }
0xb: {  	[smem:$0x3FAC] =	sst s3  }
0xc: {  	[smem:$0x3FAD] =	sst s4  }
0xd: {  	[smem:$0x3FAE] =	sst s5  }
0xe: {  	[smem:$0x3FAF] =	sst s6  }
0xf: {  	[smem:$0x3FB0] =	sst s7  }
0x10: {  	[smem:$0x3FB1] =	sst s8  }
0x11: {  	[smem:$0x3FB2] =	sst s9;
	s0 =	simm.s32 @!p0 $0x0  }
0x12: {  	s1 =	sld [smem:$0x3F98];
	s0 =	simm.s32 @p0 $0x1  }
0x13: {  	[smem:$0x3FB3] =	sst s0;
	s0 =	simm.s32 @!p1 $0x0  }
0x14: {  	s2 =	sld [smem:$0x3F97];
	s0 =	simm.s32 @p1 $0x1  }
0x15: {  	[smem:$0x3FB4] =	sst s0;
	s0 =	simm.s32 @!p2 $0x0  }
0x16: {  	s3 =	sld [smem:$0x3FDB];
	s0 =	simm.s32 @p2 $0x1  }
0x17: {  	s4 =	simm.s32 $0x1BF5;
	[smem:$0x3FB6] =	sst s0  }
0x18: {  	s0 =	sld [smem:$0x3F99];
	_ =	swait.ge [sflag:s4], $0x0  }
0x19: {  	s7 =	sld [smem:$0x3F9A]  }
0x1a: {  	s8 =	sadd.s32 $0xFFFFE003, lr  }
0x1b: {  	s9 =	sadd.s32 $0xFFFFFEF7, lr;
	s5 =	simm.s32 $0xFFFFFFFF;
	p2 =	slt.u32 s8, $0xFFFFF086  }
0x1c: {  	p1 =	slt.u32 s9, $0xF7A;
	s5 =	simm.s32 @!p2 $0x0  }
0x1d: {  	s5 =	simm.s32 @p1 $0x1;
	p0 =	seq.s32 s7, s2  }
0x1e: {  	s7 =	smul.u32 @!p0 $0xF7A, s2;
	p2 =	seq.s32 @!p0 s5, $0x0  }
0x1f: {  	s9 =	smul.u32 $0xF7A, s1;
	s8 =	simm.s32 @!p0 $0x1BF5;
	p2 =	por !p2, p0  }
0x20: {  	[sflag:s8] =	ssyncset.s32 @!p0 $0xFFFFF086;
	s6 =	sadd.s32 @!p0 s3, s7;
	s7 =	simm.s32 @!p0 $0x108  }
0x21: {  	s3 =	sadd.s32 s3, s9;
	s6 =	sadd.s32 @!p0 $0x88, s6;
	s7 =	simm.s32 @p2 $0x1082  }
0x22: {  	[simem:s7], [sflag:s8] =	dma.local @!p0 [hbm:s6], $0xF7A  }
0x23: {  	s9 =	sor.u32 $0xD0000000, s2;
	s6 =	simm.s32 $0x108;
	_ =	swait.ge @!p0 [sflag:s8], $0x0  }
0x24: {  	s3 =	sadd.s32 $0x88, s3;
	s6 =	simm.s32 @!p1 $0x1082;
	[sflag:s4] =	ssyncset.s32 $0xFFFFF086  }
0x25: {  	[simem:s6], [sflag:s4] =	dma.local [hbm:s3], $0xF7A  }
0x26: {  	[smem:$0x3F9A] =	sst s1;
	(tag) =	ssettag s2;
	_ =	strace s9  }
0x27: {  	s1 =	sld [smem:$0x3FAA]  }
0x28: {  	s2 =	sld [smem:$0x3FAB]  }
0x29: {  	s4 =	sld [smem:$0x3FAD]  }
0x2a: {  	p0 =	seq.s32 s5, $0x0;
	s5 =	sld [smem:$0x3FAE]  }
0x2b: {  	s6 =	sld [smem:$0x3FAF]  }
0x2c: {  	s7 =	sld [smem:$0x3FB0]  }
0x2d: {  	s3 =	simm.s32 $0x108;
	s8 =	sld [smem:$0x3FB1]  }
0x2e: {  	s3 =	simm.s32 @!p0 $0x1082;
	s9 =	sld [smem:$0x3FB2]  }
0x2f: {  	lr =	sadd.s32 s0, s3;
	s0 =	sld [smem:$0x3FA9]  }
0x30: {  	s3 =	sld [smem:$0x3FAC]  }
0x31: {  	[smem:$0x3FB5] =	sst s10  }
0x32: {  	s10 =	sld [smem:$0x3FB3];
	_ =	sdelay $0x3  }
0x33: {  	p0 =	seq.s32 s10, $0x1;
	s10 =	sld [smem:$0x3FB5];
	_ =	sdelay $0x3  }
0x34: {  	[smem:$0x3FB5] =	sst s10  }
0x35: {  	s10 =	sld [smem:$0x3FB4];
	_ =	sdelay $0x3  }
0x36: {  	p1 =	seq.s32 s10, $0x1;
	s10 =	sld [smem:$0x3FB5];
	_ =	sdelay $0x3  }
0x37: {  	[smem:$0x3FB5] =	sst s10  }
0x38: {  	s10 =	sld [smem:$0x3FB6]  }
0x39: {  	_ = 	snop;
	(pc) =	sbr.ind lr, $3  }
0x3a: {  	_ = 	snop  }
0x3b: {  	_ = 	snop  }
0x3c: {  	p2 =	seq.s32 s10, $0x1;
	s10 =	sld [smem:$0x3FB5]  }
0x3d: {  	_ =	shalt  }
0x3e: {  	_ =	shalt  }
0x3f: {  	_ =	shalt  }
0x40: {  	_ =	shalt  }
0x41: {  	_ =	shalt  }
0x42: {  	_ =	shalt  }
0x43: {  	_ =	shalt  }
0x44: {  	_ =	shalt  }
0x45: {  	_ =	shalt  }
0x46: {  	_ =	shalt  }
0x47: {  	_ =	shalt  }
0x48: {  	_ =	shalt  }
0x49: {  	_ =	shalt  }
0x4a: {  	_ =	shalt  }
0x4b: {  	_ =	shalt  }
0x4c: {  	_ =	shalt  }
0x4d: {  	_ =	shalt  }
0x4e: {  	_ =	shalt  }
0x4f: {  	_ =	shalt  }
0x50: {  	_ =	shalt  }
0x51: {  	_ =	shalt  }
0x52: {  	_ =	shalt  }
0x53: {  	_ =	shalt  }
0x54: {  	_ =	shalt  }
0x55: {  	_ =	shalt  }
0x56: {  	_ =	shalt  }
0x57: {  	_ =	shalt  }
0x58: {  	_ =	shalt  }
0x59: {  	_ =	shalt  }
0x5a: {  	_ =	shalt  }
0x5b: {  	_ =	shalt  }
0x5c: {  	_ =	shalt  }
0x5d: {  	_ =	shalt  }
0x5e: {  	_ =	shalt  }
0x5f: {  	_ =	shalt  }
0x60: {  	_ =	shalt  }
0x61: {  	_ =	shalt  }
0x62: {  	_ =	shalt  }
0x63: {  	_ =	shalt  }
0x64: {  	_ =	shalt  }
0x65: {  	_ =	shalt  }
0x66: {  	_ =	shalt  }
0x67: {  	_ =	shalt  }
0x68: {  	_ =	shalt  }
0x69: {  	_ =	shalt  }
0x6a: {  	_ =	shalt  }
0x6b: {  	_ =	shalt  }
0x6c: {  	_ =	shalt  }
0x6d: {  	_ =	shalt  }
0x6e: {  	_ =	shalt  }
0x6f: {  	_ =	shalt  }
0x70: {  	_ =	shalt  }
0x71: {  	_ =	shalt  }
0x72: {  	_ =	shalt  }
0x73: {  	_ =	shalt  }
0x74: {  	_ =	shalt  }
0x75: {  	_ =	shalt  }
0x76: {  	_ =	shalt  }
0x77: {  	_ =	shalt  }
0x78: {  	_ =	shalt  }
0x79: {  	_ =	shalt  }
0x7a: {  	_ =	shalt  }
0x7b: {  	_ =	shalt  }
0x7c: {  	_ =	shalt  }
0x7d: {  	_ =	shalt  }
0x7e: {  	_ =	shalt  }
0x7f: {  	_ =	shalt  }
0x80: {  	_ =	shalt  }
0x81: {  	_ =	shalt  }
0x82: {  	_ =	shalt  }
0x83: {  	_ =	shalt  }
0x84: {  	_ =	shalt  }
0x85: {  	_ =	shalt  }
0x86: {  	_ =	shalt  }
0x87: {  	_ =	shalt  }
.Lfunc_end0:
.L_simem_size_0:
called_computation.2_lowered:
.L_overlay_start_0:
0x88: {  	s2 =	sld [smem:$0x3FD9]  }
0x89: {  	s3 =	sld [smem:$0x3FFE];
	_ =	sdelay $0x1  }
0x8a: {  	s1 =	srdreg.scid  }
0x8b: {  	s0 =	sand.u32 $0x1, s1  }
0x8c: {  	s17 =	sshll.u32 s0, $0xA;
	s2 =	sadd.s32 s3, s2  }
0x8d: {  	s2 =	sadd.s32 s2, s17  }
0x8e: {  	[smem:$0x3FC1] =	sst s2  }
0x8f: {  	_ = 	snop  }
0x90: {  	s18 =	sld [smem:$0x3FC9];
	(tm) =	ssettm $0x1  }
0x91: {  	s19 =	sld [smem:$0x3FFB];
	_ =	sdelay $0x3  }
0x92: {  	_ =	strace s19  }
0x93: {  	s2 =	sld [smem:$0x3FFC];
	_ =	sdelay $0x3  }
0x94: {  	_ =	strace s2  }
0x95: {  	s2 =	sld [smem:$0x3FFD];
	_ =	sdelay $0x3  }
0x96: {  	_ =	strace s2  }
0x97: {  	_ =	strace $0x8FFFFFFF  }
0x98: {  	s20 =	sld [smem:$0x3FDB];
	_ =	sdelay $0x1  }
0x99: {  	s4 =	simm.s32 $_scs_section_size  }
0x9a: {  	s5 =	simm.s32 $_size__tile_overlayer_lowered;
	s6 =	simm.s32 $_tile_overlayer_lowered  }
0x9b: {  	s7 =	simm.s32 $0x1BFF;
	s21 =	sshll.u32 s6, $0x1;
	s4 =	sadd.s32 s4, s20  }
0x9c: {  	s22 =	simm.s32 $0x0;
	s5 =	sshll.u32 s5, $0x1;
	s6 =	sadd.s32 s21, s4  }
0x9d: {  	[timem:s22], [sflag:s7] =	dma.local [hbm:s6], s5  }
0x9e: {  	_ =	swait.ge [sflag:s7], s5  }
0x9f: {  	s5 =	ssub.s32 $0x0, s5;
	[sflag:s7] =	ssyncset.done $0x0  }
0xa0: {  	[sflag:s7] =	ssyncadd.s32 s5;
	_ =	sdelay $0x1  }
0xa1: {  	s23 =	simm.s32 $0x1B8B  }
0xa2: {  	_ =	swait.ge [sflag:s23], $0x1  }
0xa3: {  	[sflag:s23] =	ssyncset.done $0x0  }
0xa4: {  	[sflag:s23] =	ssyncadd.s32 $0xFFFFFFFF  }
0xa5: {  	s5 =	sld [smem:$0x0]  }
0xa6: {  	s6 =	sand.u32 $0xFFFFFFFE, s1  }
0xa7: {  	p0 =	sne.s32 s1, s6  }
0xa8: {  	s6 =	sshll.u32 @p0 s6, $0xE  }
0xa9: {  	s6 =	sadd.s32 @p0 $0x11B8D, s6;
	s7 =	sshll.u32 @p0 s5, $0x11  }
0xaa: {  	s6 =	sor.u32 @p0 s7, s6  }
0xab: {  	[sflag:s6] =	ssyncadd.remote.s32 @p0 $0x1;
	_ =	sdelay $0x1  }
0xac: {  	s6 =	simm.s32 @p0 $0x1B8D  }
0xad: {  	_ =	swait.eq @p0 [sflag:s6], $0x1  }
0xae: {  	[sflag:s6] =	ssyncadd.s32 @p0 $0xFFFFFFFF  }
0xaf: {  	s7 =	sshll.u32 @!p0 s1, $0xE  }
0xb0: {  	s7 =	sor.u32 @!p0 $0x4000, s7;
	s6 =	simm.s32 @!p0 $0x1B8D  }
0xb1: {  	s5 =	sshll.u32 @!p0 s5, $0x11;
	s7 =	sadd.s32 @!p0 $0x11B8D, s7;
	_ =	swait.eq @!p0 [sflag:s6], $0x1  }
0xb2: {  	s5 =	sor.u32 @!p0 s5, s7;
	[sflag:s6] =	ssyncadd.s32 @!p0 $0xFFFFFFFF  }
0xb3: {  	s25 =	simm.s32 $0x1B8E;
	s24 =	sld [smem:$0x3FFE];
	[sflag:s5] =	ssyncadd.remote.s32 @!p0 $0x1  }
0xb4: {  	s26 =	simm.s32 $execute0_lowered;
	[smem:$0x3FD2] =	sst s25  }
0xb5: {  	s6 =	sshll.u32 s26, $0x1;
	_ =	strace $0x80000049;
	[dreg:$0x1] =	wrdreg $0xFFFFFFFF  }
0xb6: {  	s28 =	simm.s32 $_size_execute0_lowered;
	s4 =	sadd.s32 s4, s6;
	[dreg:$0x0] =	wrdreg $0x0  }
0xb7: {  	s6 =	sshll.u32 s28, $0x1;
	[dreg:$0x2] =	wrdreg s4  }
0xb8: {  	[dreg:$0x3] =	wrdreg s6  }
0xb9: {  	[dreg:$0x4] =	wrdreg $0xC0  }
0xba: {  	_ =	task [dreg:s22], $0x5FFFF  }
0xbb: {  	[dreg:$0x1] =	wrdreg $0xFFFFFFFF  }
0xbc: {  	[dreg:$0x0] =	wrdreg $0x60  }
0xbd: {  	[dreg:$0x2] =	wrdreg s18  }
0xbe: {  	[dreg:$0x3] =	wrdreg s24  }
0xbf: {  	[dreg:$0x4] =	wrdreg $0xB  }
0xc0: {  	_ =	task.clear_ibuf [dreg:s22], $0x5FFFF;
	_ =	strace $0x90000049  }
0xc1: {  	s29 =	simm.s32 $0xB;
	_ =	strace $0x8000004B  }
0xc2: {  	_ =	swait.ge [sflag:s29], $0x1  }
0xc3: {  	[sflag:s29] =	ssyncadd.s32 $0xFFFFFFFF  }
0xc4: {  	_ =	strace $0x9000004B  }
0xc5: {  	_ =	sfence  }
0xc6: {  	s30 =	sld [smem:$0x0];
	_ =	sdelay $0x2  }
0xc7: {  	s31 =	sshll.u32 s1, $0xD;
	s1 =	sshrl.u32 s1, $0x2  }
0xc8: {  	s4 =	sand.u32 $0x4000, s31;
	s1 =	sadd.s32 s1, s30  }
0xc9: {  	s0 =	sor.u32 s4, s0;
	s1 =	sshll.u32 s1, $0x11  }
0xca: {  	s0 =	sor.u32 s1, s0  }
0xcb: {  	s0 =	sadd.s32 $0x8F2B, s0  }
0xcc: {  	[sflag:s0] =	ssyncadd.remote.s32 $0x1  }
0xcd: {  	_ =	sfence.sel $0xFFFF  }
0xce: {  	[dreg:$0x0] =	wrdreg $0xFFFFFFFF;
	(pc) =	sbr.abs _section_cstart, $3  }
0xcf: {  	[dreg:$0x1] =	wrdreg $0xFFFFFFFF  }
0xd0: {  	_ =	task.clear_ibuf [dreg:s22], $0x2FFFF;
	_ =	strace $0x9FFFFFFF  }
0xd1: {  	(tm) =	ssettm $0x7FFFFFFF  }
tec
execute0_lowered:
.L_overlay_start_1:
0x0: {  	(tag) =	ssettag $0x1  }
0x1: {  	s0 =	srdreg.scid  }
0x2: {  	s0 =	sand.u32 $0x1, s0  }
0x3: {  	s5 =	stileid.u32;
	s1 =	sshll.u32 s0, $0x4  }
0x4: {  	s1 =	sor.u32 s5, s1  }
0x5: {  	p0 =	sgt.u32 s1, $0x18  }
.Ltmp0:
0x6: {  	_ = 	snop;
	(pc) =	sbr.rel @p0 .LBB2_5-.Ltmp0, $4  }
0x7: {  	_ = 	snop  }
0x8: {  	s2 =	rddreg [dreg:$0x0];
	s3 =	simm.s32 $0x0  }
0x9: {  	[smem:$0x7FF] =	sst s3  }
0xa: {  	s4 =	rddreg [dreg:$0x1];
	_ =	strace $0x8000004A  }
0xb: {  	s5 =	smul.u32 $0x64000, s1  }
0xc: {  	s6 =	sadd.s32 $0x147C00, s4;
	s7 =	smul.u32 $0xC800, s1;
	s17 =	sadd.s32 $0x5E00, s4  }
0xd: {  	s23 =	ssub.s32 $0x2, s0;
	s24 =	smul.u32 $0xC8000, s0;
	s8 =	stileid.u32  }
0xe: {  	s26 =	sshll.u32 s1, $0x9;
	s29 =	simm.s32 $0x11000;
	s30 =	simm.s32 $0x3  }
0xf: {  	s31 =	simm.s32 $0x6;
	s1 =	simm.s32 $0x4;
	s28 =	simm.s32 $0x5  }
0x10: {  	s4 =	simm.s32 $0xA;
	s25 =	sshrl.u32 s23, $0x1;
	s8 =	smul.u32 $0xC800, s8  }
0x11: {  	s14 =	sadd.s32 s17, s26;
	s17 =	simm.s32 $0xB;
	s26 =	simm.s32 $0x2  }
0x12: {  	s5 =	sshrl.u32 s5, $0x3;
	s7 =	sadd.s32 s6, s7;
	s0 =	sadd.s32 s24, s6  }
0x13: {  	s24 =	simm.s32 $0x9;
	s5 =	sadd.s32 s6, s5;
	[dreg:$0x3] =	wrdreg s7  }
0x14: {  	s0 =	sadd.s32 s8, s0;
	s18 =	sadd.s32 $0x800, s5;
	s19 =	sadd.s32 $0x1000, s5  }
0x15: {  	s20 =	sadd.s32 $0x1800, s5;
	s21 =	sadd.s32 $0x2000, s5;
	s22 =	sadd.s32 $0xA000, s5  }
0x16: {  	s10 =	sadd.s32 $0xA800, s5;
	s11 =	sadd.s32 $0xB000, s5;
	[dreg:$0x4] =	wrdreg s18  }
0x17: {  	s12 =	sadd.s32 $0xB800, s5;
	s13 =	sadd.s32 $0xC000, s5;
	[dreg:$0x5] =	wrdreg s19  }
0x18: {  	s5 =	ssub.s32 s23, s25;
	s16 =	sadd.s32 $0x4800, s0;
	[dreg:$0x6] =	wrdreg s20  }
0x19: {  	s23 =	simm.s32 $0x1;
	s25 =	simm.s32 $0xD000;
	[dreg:$0x7] =	wrdreg s21  }
0x1a: {  	s0 =	simm.s32 $0x8;
	[dreg:$0x8] =	wrdreg s22;
	s15 =	smax.u32 s5, $0x1  }
0x1b: {  	s18 =	simm.s32 $0x80;
	s19 =	simm.s32 $0x1000;
	s20 =	simm.s32 $0x5000  }
0x1c: {  	s22 =	simm.s32 $0x9000;
	s21 =	simm.s32 $0x7;
	s5 =	simm.s32 $0x0  }
.LBB2_2:
0x1d: {  	s6 =	simm.s32 $0x0  }
0x1e: {  	[tilespmem:s6], [sflag:$0xB] =	stream.linear.gather [hbm4b:s14+s6], $0xC80, $0x38;
	[tilespmem:$0x15000] =	vst v63  }
0x1f: {  	_ =	swait.ge [sflag:s17], $0xC80  }
0x20: {  	[sflag:s17] =	ssyncset.done $0x0  }
0x21: {  	[sflag:s17] =	ssyncadd.s32 $0xFFFFF380  }
0x22: {  	[tilespmem:s19], [sflag:$0x1] =	stream.indirect.gather [hbm4b:s2+s18], $0x80, s6, s18, $0xb8;
	[tilespmem:$0x15000] =	vst v63  }
0x23: {  	_ = 	snop  }
0x24: {  	[tilespmem:s20], [sflag:$0x2] =	stream.indirect.gather [hbm4b:s2+s18], $0x80, s18, s18, $0xb8;
	[tilespmem:$0x15000] =	vst v63  }
0x25: {  	s7 =	simm.s32 $0x100  }
0x26: {  	[tilespmem:s22], [sflag:$0x3] =	stream.indirect.gather [hbm4b:s2+s18], $0x80, s7, s18, $0xb8;
	[tilespmem:$0x15000] =	vst v63  }
0x27: {  	_ =	swait.ge [sflag:s23], $0x4000  }
0x28: {  	[sflag:s23] =	ssyncset.done $0x0  }
0x29: {  	s9 =	rddreg [dreg:$0x3];
	[sflag:s23] =	ssyncadd.s32 $0xFFFFC000  }
0x2a: {  	[hbm4b:s9+s6] =	stream.linear.scatter [tilespmem:s19], [sflag:$0x6], $0x4000, $0x38;
	[tilespmem:$0x15000] =	vst v63  }
0x2b: {  	s8 =	simm.s32 $0x180  }
0x2c: {  	[tilespmem:s25], [sflag:$0x4] =	stream.indirect.gather [hbm4b:s2+s18], $0x80, s8, s18, $0xb8;
	[tilespmem:$0x15000] =	vst v63  }
0x2d: {  	_ =	swait.ge [sflag:s26], $0x4000  }
0x2e: {  	[sflag:s26] =	ssyncset.done $0x0  }
0x2f: {  	s9 =	rddreg [dreg:$0x4];
	[sflag:s26] =	ssyncadd.s32 $0xFFFFC000  }
0x30: {  	[hbm4b:s9+s6] =	stream.linear.scatter [tilespmem:s20], [sflag:$0x7], $0x4000, $0x38;
	[tilespmem:$0x15000] =	vst v63  }
0x31: {  	s8 =	simm.s32 $0x200  }
0x32: {  	[tilespmem:s29], [sflag:$0x5] =	stream.indirect.gather [hbm4b:s2+s18], $0x80, s8, s18, $0xb8;
	[tilespmem:$0x15000] =	vst v63  }
0x33: {  	_ =	swait.ge [sflag:s30], $0x4000  }
0x34: {  	[sflag:s30] =	ssyncset.done $0x0  }
0x35: {  	s9 =	rddreg [dreg:$0x5];
	[sflag:s30] =	ssyncadd.s32 $0xFFFFC000  }
0x36: {  	[hbm4b:s9+s6] =	stream.linear.scatter [tilespmem:s22], [sflag:$0x8], $0x4000, $0x38;
	[tilespmem:$0x15000] =	vst v63  }
0x37: {  	_ =	swait.ge [sflag:s31], $0x4000  }
0x38: {  	[sflag:s31] =	ssyncset.done $0x0  }
0x39: {  	s8 =	simm.s32 $0x280;
	[sflag:s31] =	ssyncadd.s32 $0xFFFFC000  }
0x3a: {  	[tilespmem:s19], [sflag:$0x1] =	stream.indirect.gather [hbm4b:s2+s18], $0x80, s8, s18, $0xb8;
	[tilespmem:$0x15000] =	vst v63  }
0x3b: {  	_ =	swait.ge [sflag:s1], $0x4000  }
0x3c: {  	[sflag:s1] =	ssyncset.done $0x0  }
0x3d: {  	s9 =	rddreg [dreg:$0x6];
	[sflag:s1] =	ssyncadd.s32 $0xFFFFC000  }
0x3e: {  	[hbm4b:s9+s6] =	stream.linear.scatter [tilespmem:s25], [sflag:$0x9], $0x4000, $0x38;
	[tilespmem:$0x15000] =	vst v63  }
0x3f: {  	_ =	swait.ge [sflag:s21], $0x4000  }
0x40: {  	[sflag:s21] =	ssyncset.done $0x0  }
0x41: {  	s8 =	simm.s32 $0x300;
	[sflag:s21] =	ssyncadd.s32 $0xFFFFC000  }
0x42: {  	[tilespmem:s20], [sflag:$0x2] =	stream.indirect.gather [hbm4b:s2+s18], $0x80, s8, s18, $0xb8;
	[tilespmem:$0x15000] =	vst v63  }
0x43: {  	_ =	swait.ge [sflag:s28], $0x4000  }
0x44: {  	[sflag:s28] =	ssyncset.done $0x0  }
0x45: {  	s9 =	rddreg [dreg:$0x7];
	[sflag:s28] =	ssyncadd.s32 $0xFFFFC000  }
0x46: {  	[hbm4b:s9+s6] =	stream.linear.scatter [tilespmem:s29], [sflag:$0xA], $0x4000, $0x38;
	[tilespmem:$0x15000] =	vst v63  }
0x47: {  	_ =	swait.ge [sflag:s0], $0x4000  }
0x48: {  	[sflag:s0] =	ssyncset.done $0x0  }
0x49: {  	s7 =	simm.s32 $0x380;
	[sflag:s0] =	ssyncadd.s32 $0xFFFFC000  }
0x4a: {  	[tilespmem:s22], [sflag:$0x3] =	stream.indirect.gather [hbm4b:s2+s18], $0x80, s7, s18, $0xb8;
	[tilespmem:$0x15000] =	vst v63  }
0x4b: {  	_ =	swait.ge [sflag:s23], $0x4000  }
0x4c: {  	[sflag:s23] =	ssyncset.done $0x0  }
0x4d: {  	s8 =	sadd.s32 $0xFFFFE000, s16;
	[sflag:s23] =	ssyncadd.s32 $0xFFFFC000  }
0x4e: {  	[hbm4b:s8+s3] =	stream.linear.scatter [tilespmem:s19], [sflag:$0x6], $0x4000, $0x38;
	[tilespmem:$0x15000] =	vst v63  }
0x4f: {  	_ =	swait.ge [sflag:s24], $0x4000  }
0x50: {  	[sflag:s24] =	ssyncset.done $0x0  }
0x51: {  	s9 =	simm.s32 $0x400;
	[sflag:s24] =	ssyncadd.s32 $0xFFFFC000  }
0x52: {  	[tilespmem:s25], [sflag:$0x4] =	stream.indirect.gather [hbm4b:s2+s18], $0x80, s9, s18, $0xb8;
	[tilespmem:$0x15000] =	vst v63  }
0x53: {  	_ =	swait.ge [sflag:s26], $0x4000  }
0x54: {  	[sflag:s26] =	ssyncset.done $0x0  }
0x55: {  	s7 =	sadd.s32 $0xFFFFE800, s16;
	[sflag:s26] =	ssyncadd.s32 $0xFFFFC000  }
0x56: {  	[hbm4b:s7+s3] =	stream.linear.scatter [tilespmem:s20], [sflag:$0x7], $0x4000, $0x38;
	[tilespmem:$0x15000] =	vst v63  }
0x57: {  	_ =	swait.ge [sflag:s4], $0x4000  }
0x58: {  	[sflag:s4] =	ssyncset.done $0x0  }
0x59: {  	s8 =	simm.s32 $0x480;
	[sflag:s4] =	ssyncadd.s32 $0xFFFFC000  }
0x5a: {  	[tilespmem:s29], [sflag:$0x5] =	stream.indirect.gather [hbm4b:s2+s18], $0x80, s8, s18, $0xb8;
	[tilespmem:$0x15000] =	vst v63  }
0x5b: {  	_ =	swait.ge [sflag:s30], $0x4000  }
0x5c: {  	[sflag:s30] =	ssyncset.done $0x0  }
0x5d: {  	s9 =	sadd.s32 $0xFFFFF000, s16;
	[sflag:s30] =	ssyncadd.s32 $0xFFFFC000  }
0x5e: {  	[hbm4b:s9+s3] =	stream.linear.scatter [tilespmem:s22], [sflag:$0x8], $0x4000, $0x38;
	[tilespmem:$0x15000] =	vst v63  }
0x5f: {  	_ =	swait.ge [sflag:s31], $0x4000  }
0x60: {  	[sflag:s31] =	ssyncset.done $0x0  }
0x61: {  	s7 =	simm.s32 $0x500;
	[sflag:s31] =	ssyncadd.s32 $0xFFFFC000  }
0x62: {  	[tilespmem:s19], [sflag:$0x1] =	stream.indirect.gather [hbm4b:s2+s18], $0x80, s7, s18, $0xb8;
	[tilespmem:$0x15000] =	vst v63  }
0x63: {  	_ =	swait.ge [sflag:s1], $0x4000  }
0x64: {  	[sflag:s1] =	ssyncset.done $0x0  }
0x65: {  	s8 =	sadd.s32 $0xFFFFF800, s16;
	[sflag:s1] =	ssyncadd.s32 $0xFFFFC000  }
0x66: {  	[hbm4b:s8+s3] =	stream.linear.scatter [tilespmem:s25], [sflag:$0x9], $0x4000, $0x38;
	[tilespmem:$0x15000] =	vst v63  }
0x67: {  	_ =	swait.ge [sflag:s21], $0x4000  }
0x68: {  	[sflag:s21] =	ssyncset.done $0x0  }
0x69: {  	s9 =	simm.s32 $0x580;
	[sflag:s21] =	ssyncadd.s32 $0xFFFFC000  }
0x6a: {  	[tilespmem:s20], [sflag:$0x2] =	stream.indirect.gather [hbm4b:s2+s18], $0x80, s9, s18, $0xb8;
	[tilespmem:$0x15000] =	vst v63  }
0x6b: {  	_ =	swait.ge [sflag:s28], $0x4000  }
0x6c: {  	[sflag:s28] =	ssyncset.done $0x0  }
0x6d: {  	[sflag:s28] =	ssyncadd.s32 $0xFFFFC000  }
0x6e: {  	[hbm4b:s16+s3] =	stream.linear.scatter [tilespmem:s29], [sflag:$0xA], $0x4000, $0x38;
	[tilespmem:$0x15000] =	vst v63  }
0x6f: {  	_ =	swait.ge [sflag:s0], $0x4000  }
0x70: {  	s6 =	simm.s32 $0xA00;
	[sflag:s0] =	ssyncset.done $0x0  }
0x71: {  	s7 =	sadd.s32 $0x2800, s16;
	s8 =	simm.s32 $0x600;
	[sflag:s0] =	ssyncadd.s32 $0xFFFFC000  }
.LBB2_3:
0x72: {  	[tilespmem:s22], [sflag:$0x3] =	stream.indirect.gather [hbm4b:s2+s18], $0x80, s8, s18, $0xb8;
	[tilespmem:$0x15000] =	vst v63  }
0x73: {  	s8 =	smov.u32 s6  }
0x74: {  	p0 =	sne.s32 s6, $0x1400;
	s6 =	sadd.s32 $0xA00, s6;
	_ =	swait.ge [sflag:s23], $0x4000  }
0x75: {  	[sflag:s23] =	ssyncset.done $0x0  }
0x76: {  	s9 =	sadd.s32 $0xFFFFE000, s7;
	[sflag:s23] =	ssyncadd.s32 $0xFFFFC000  }
0x77: {  	[hbm4b:s9+s3] =	stream.linear.scatter [tilespmem:s19], [sflag:$0x6], $0x4000, $0x38;
	[tilespmem:$0x15000] =	vst v63  }
0x78: {  	_ =	swait.ge [sflag:s24], $0x4000  }
0x79: {  	s8 =	sshra.s32 s8, $0x2;
	[sflag:s24] =	ssyncset.done $0x0  }
0x7a: {  	s9 =	sadd.s32 $0x400, s8;
	[sflag:s24] =	ssyncadd.s32 $0xFFFFC000  }
0x7b: {  	[tilespmem:s25], [sflag:$0x4] =	stream.indirect.gather [hbm4b:s2+s18], $0x80, s9, s18, $0xb8;
	[tilespmem:$0x15000] =	vst v63  }
0x7c: {  	_ =	swait.ge [sflag:s26], $0x4000  }
0x7d: {  	[sflag:s26] =	ssyncset.done $0x0  }
0x7e: {  	s9 =	sadd.s32 $0xFFFFE800, s7;
	[sflag:s26] =	ssyncadd.s32 $0xFFFFC000  }
0x7f: {  	[hbm4b:s9+s3] =	stream.linear.scatter [tilespmem:s20], [sflag:$0x7], $0x4000, $0x38;
	[tilespmem:$0x15000] =	vst v63  }
0x80: {  	_ =	swait.ge [sflag:s4], $0x4000  }
0x81: {  	[sflag:s4] =	ssyncset.done $0x0  }
0x82: {  	s9 =	sadd.s32 $0x480, s8;
	[sflag:s4] =	ssyncadd.s32 $0xFFFFC000  }
0x83: {  	[tilespmem:s29], [sflag:$0x5] =	stream.indirect.gather [hbm4b:s2+s18], $0x80, s9, s18, $0xb8;
	[tilespmem:$0x15000] =	vst v63  }
0x84: {  	_ =	swait.ge [sflag:s30], $0x4000  }
0x85: {  	[sflag:s30] =	ssyncset.done $0x0  }
0x86: {  	s9 =	sadd.s32 $0xFFFFF000, s7;
	[sflag:s30] =	ssyncadd.s32 $0xFFFFC000  }
0x87: {  	[hbm4b:s9+s3] =	stream.linear.scatter [tilespmem:s22], [sflag:$0x8], $0x4000, $0x38;
	[tilespmem:$0x15000] =	vst v63  }
0x88: {  	_ =	swait.ge [sflag:s31], $0x4000  }
0x89: {  	[sflag:s31] =	ssyncset.done $0x0  }
0x8a: {  	s9 =	sadd.s32 $0x500, s8;
	[sflag:s31] =	ssyncadd.s32 $0xFFFFC000  }
0x8b: {  	[tilespmem:s19], [sflag:$0x1] =	stream.indirect.gather [hbm4b:s2+s18], $0x80, s9, s18, $0xb8;
	[tilespmem:$0x15000] =	vst v63  }
0x8c: {  	_ =	swait.ge [sflag:s1], $0x4000  }
0x8d: {  	[sflag:s1] =	ssyncset.done $0x0  }
0x8e: {  	s9 =	sadd.s32 $0xFFFFF800, s7;
	[sflag:s1] =	ssyncadd.s32 $0xFFFFC000  }
0x8f: {  	[hbm4b:s9+s3] =	stream.linear.scatter [tilespmem:s25], [sflag:$0x9], $0x4000, $0x38;
	[tilespmem:$0x15000] =	vst v63  }
0x90: {  	_ =	swait.ge [sflag:s21], $0x4000  }
0x91: {  	[sflag:s21] =	ssyncset.done $0x0  }
0x92: {  	s9 =	sadd.s32 $0x580, s8;
	[sflag:s21] =	ssyncadd.s32 $0xFFFFC000  }
0x93: {  	[tilespmem:s20], [sflag:$0x2] =	stream.indirect.gather [hbm4b:s2+s18], $0x80, s9, s18, $0xb8;
	[tilespmem:$0x15000] =	vst v63  }
0x94: {  	_ =	swait.ge [sflag:s28], $0x4000  }
0x95: {  	[sflag:s28] =	ssyncset.done $0x0  }
.Ltmp1:
0x96: {  	[sflag:s28] =	ssyncadd.s32 $0xFFFFC000;
	(pc) =	sbr.rel @p0 .LBB2_3-.Ltmp1, $4  }
0x97: {  	[hbm4b:s7+s3] =	stream.linear.scatter [tilespmem:s29], [sflag:$0xA], $0x4000, $0x38;
	[tilespmem:$0x15000] =	vst v63  }
0x98: {  	_ =	swait.ge [sflag:s0], $0x4000  }
0x99: {  	[sflag:s0] =	ssyncset.done $0x0  }
0x9a: {  	s8 =	sadd.s32 $0x600, s8;
	s7 =	sadd.s32 $0x2800, s7;
	[sflag:s0] =	ssyncadd.s32 $0xFFFFC000  }
0x9b: {  	[tilespmem:s22], [sflag:$0x3] =	stream.indirect.gather [hbm4b:s2+s18], $0x80, s8, s18, $0xb8;
	[tilespmem:$0x15000] =	vst v63  }
0x9c: {  	_ =	swait.ge [sflag:s23], $0x4000  }
0x9d: {  	[sflag:s23] =	ssyncset.done $0x0  }
0x9e: {  	s6 =	rddreg [dreg:$0x8];
	[sflag:s23] =	ssyncadd.s32 $0xFFFFC000  }
0x9f: {  	[hbm4b:s6+s3] =	stream.linear.scatter [tilespmem:s19], [sflag:$0x6], $0x4000, $0x38;
	[tilespmem:$0x15000] =	vst v63  }
0xa0: {  	_ =	swait.ge [sflag:s24], $0x4000  }
0xa1: {  	[sflag:s24] =	ssyncset.done $0x0  }
0xa2: {  	s8 =	simm.s32 $0xB80;
	[sflag:s24] =	ssyncadd.s32 $0xFFFFC000  }
0xa3: {  	[tilespmem:s25], [sflag:$0x4] =	stream.indirect.gather [hbm4b:s2+s18], $0x80, s8, s18, $0xb8;
	[tilespmem:$0x15000] =	vst v63  }
0xa4: {  	_ =	swait.ge [sflag:s26], $0x4000  }
0xa5: {  	[sflag:s26] =	ssyncset.done $0x0  }
0xa6: {  	[sflag:s26] =	ssyncadd.s32 $0xFFFFC000  }
0xa7: {  	[hbm4b:s10+s3] =	stream.linear.scatter [tilespmem:s20], [sflag:$0x7], $0x4000, $0x38;
	[tilespmem:$0x15000] =	vst v63  }
0xa8: {  	_ =	swait.ge [sflag:s4], $0x4000  }
0xa9: {  	[sflag:s4] =	ssyncset.done $0x0  }
0xaa: {  	s9 =	simm.s32 $0xC00;
	[sflag:s4] =	ssyncadd.s32 $0xFFFFC000  }
0xab: {  	[tilespmem:s29], [sflag:$0x5] =	stream.indirect.gather [hbm4b:s2+s18], $0x80, s9, s18, $0xb8;
	[tilespmem:$0x15000] =	vst v63  }
0xac: {  	_ =	swait.ge [sflag:s30], $0x4000  }
0xad: {  	[sflag:s30] =	ssyncset.done $0x0  }
0xae: {  	[sflag:s30] =	ssyncadd.s32 $0xFFFFC000  }
0xaf: {  	[hbm4b:s11+s3] =	stream.linear.scatter [tilespmem:s22], [sflag:$0x8], $0x4000, $0x38;
	[tilespmem:$0x15000] =	vst v63  }
0xb0: {  	_ =	swait.ge [sflag:s31], $0x4000  }
0xb1: {  	[sflag:s31] =	ssyncset.done $0x0  }
0xb2: {  	[sflag:s31] =	ssyncadd.s32 $0xFFFFC000  }
0xb3: {  	_ =	swait.ge [sflag:s1], $0x4000  }
0xb4: {  	[sflag:s1] =	ssyncset.done $0x0  }
0xb5: {  	[sflag:s1] =	ssyncadd.s32 $0xFFFFC000  }
0xb6: {  	[hbm4b:s12+s3] =	stream.linear.scatter [tilespmem:s25], [sflag:$0x9], $0x4000, $0x38;
	[tilespmem:$0x15000] =	vst v63  }
0xb7: {  	_ =	swait.ge [sflag:s21], $0x4000  }
0xb8: {  	[sflag:s21] =	ssyncset.done $0x0  }
0xb9: {  	[sflag:s21] =	ssyncadd.s32 $0xFFFFC000  }
0xba: {  	_ =	swait.ge [sflag:s28], $0x4000  }
0xbb: {  	[sflag:s28] =	ssyncset.done $0x0  }
0xbc: {  	[sflag:s28] =	ssyncadd.s32 $0xFFFFC000  }
0xbd: {  	[hbm4b:s13+s3] =	stream.linear.scatter [tilespmem:s29], [sflag:$0xA], $0x4000, $0x38;
	[tilespmem:$0x15000] =	vst v63  }
0xbe: {  	_ =	swait.ge [sflag:s0], $0x4000  }
0xbf: {  	[sflag:s0] =	ssyncset.done $0x0  }
0xc0: {  	s5 =	sadd.s32 $0x1, s5;
	[sflag:s0] =	ssyncadd.s32 $0xFFFFC000  }
0xc1: {  	p0 =	sne.s32 s5, s15;
	_ =	swait.ge [sflag:s24], $0x4000  }
.Ltmp2:
0xc2: {  	[sflag:s24] =	ssyncset.done $0x0;
	(pc) =	sbr.rel @p0 .LBB2_2-.Ltmp2, $4  }
0xc3: {  	[sflag:s24] =	ssyncadd.s32 $0xFFFFC000  }
0xc4: {  	_ =	swait.ge [sflag:s4], $0x4000  }
0xc5: {  	[sflag:s4] =	ssyncset.done $0x0  }
0xc6: {  	[sflag:s4] =	ssyncadd.s32 $0xFFFFC000  }
.LBB2_5:
0xc7: {  	_ =	sfence.sel $0x180000  }
0xc8: {  	[bflag:$0x0] =	sbarrier.arrive $0xFFFF  }
0xc9: {  	_ =	strace $0x9000004A  }
0xca: {  	s0 =	stileid.u32;
	[bflag:$0x2] =	sbarrier.arrive $0xFFFF  }
0xcb: {  	p0 =	sne.s32 s0, $0x0;
	s0 =	rddreg [dreg:$0x2]  }
0xcc: {  	s0 =	sadd.s32 @!p0 $0x100000, s0  }
0xcd: {  	[sflag:s0] =	ssyncadd.tile.s32 @!p0 $0x1;
	_ =	shalt  }
.Lfunc_end2:
_tile_overlayer_lowered:
.L_overlay_start_2:
0xce: {  	(tag) =	ssettag $0x2  }
0xcf: {  	s0 =	rddreg [dreg:$0x0];
	s2 =	stileid.u32  }
0xd0: {  	s1 =	rddreg [dreg:$0x1];
	p0 =	sne.s32 s2, $0x0  }
0xd1: {  	s3 =	rddreg [dreg:$0x2];
	[bflag:$0x3] =	sbarrier.arrive $0xFFFF;
	s2 =	simm.s32 @!p0 $0x1C0B  }
0xd2: {  	[timem:s3], [sflag:s2] =	dma.local @!p0 [hbm:s0], s1  }
0xd3: {  	s0 =	simm.s32 @!p0 $0xB  }
0xd4: {  	_ =	swait.ge @!p0 [sflag:s0], s1  }
0xd5: {  	s1 =	ssub.s32 @!p0 $0x0, s1;
	[sflag:s0] =	ssyncset.done @!p0 $0x0  }
0xd6: {  	[sflag:s0] =	ssyncadd.s32 @!p0 s1  }
0xd7: {  	[bflag:$0x3] =	sbarrier.arrive $0xFFFF  }
0xd8: {  	_ =	shalt  }

// kernel: kernel.21.cloned.1.call-start
scs
__scs_entry_jumppad:
0x0: {  	(pc) =	sbr.rel $0x88, $3  }
0x1: {  	(tag) =	ssettag $0x0;
	lr =	simm.s32 $0x1  }
0x2: {  	[smem:$0x3F9A] =	sst lr;
	_ =	strace $0xD0000000  }
0x3: {  	_ = 	snop  }
0x4: {  	_ = 	snop  }
0x5: {  	_ = 	snop  }
0x6: {  	_ = 	snop  }
0x7: {  	_ = 	snop  }
__scs_overlays_trampoline_lowered:
0x8: {  	[smem:$0x3FA9] =	sst s0  }
0x9: {  	[smem:$0x3FAA] =	sst s1  }
0xa: {  	[smem:$0x3FAB] =	sst s2  }
0xb: {  	[smem:$0x3FAC] =	sst s3  }
0xc: {  	[smem:$0x3FAD] =	sst s4  }
0xd: {  	[smem:$0x3FAE] =	sst s5  }
0xe: {  	[smem:$0x3FAF] =	sst s6  }
0xf: {  	[smem:$0x3FB0] =	sst s7  }
0x10: {  	[smem:$0x3FB1] =	sst s8  }
0x11: {  	[smem:$0x3FB2] =	sst s9;
	s0 =	simm.s32 @!p0 $0x0  }
0x12: {  	s1 =	sld [smem:$0x3F98];
	s0 =	simm.s32 @p0 $0x1  }
0x13: {  	[smem:$0x3FB3] =	sst s0;
	s0 =	simm.s32 @!p1 $0x0  }
0x14: {  	s2 =	sld [smem:$0x3F97];
	s0 =	simm.s32 @p1 $0x1  }
0x15: {  	[smem:$0x3FB4] =	sst s0;
	s0 =	simm.s32 @!p2 $0x0  }
0x16: {  	s3 =	sld [smem:$0x3FDB];
	s0 =	simm.s32 @p2 $0x1  }
0x17: {  	s4 =	simm.s32 $0x1BF5;
	[smem:$0x3FB6] =	sst s0  }
0x18: {  	s0 =	sld [smem:$0x3F99];
	_ =	swait.ge [sflag:s4], $0x0  }
0x19: {  	s7 =	sld [smem:$0x3F9A]  }
0x1a: {  	s8 =	sadd.s32 $0xFFFFE003, lr  }
0x1b: {  	s9 =	sadd.s32 $0xFFFFFEF7, lr;
	s5 =	simm.s32 $0xFFFFFFFF;
	p2 =	slt.u32 s8, $0xFFFFF086  }
0x1c: {  	p1 =	slt.u32 s9, $0xF7A;
	s5 =	simm.s32 @!p2 $0x0  }
0x1d: {  	s5 =	simm.s32 @p1 $0x1;
	p0 =	seq.s32 s7, s2  }
0x1e: {  	s7 =	smul.u32 @!p0 $0xF7A, s2;
	p2 =	seq.s32 @!p0 s5, $0x0  }
0x1f: {  	s9 =	smul.u32 $0xF7A, s1;
	s8 =	simm.s32 @!p0 $0x1BF5;
	p2 =	por !p2, p0  }
0x20: {  	[sflag:s8] =	ssyncset.s32 @!p0 $0xFFFFF086;
	s6 =	sadd.s32 @!p0 s3, s7;
	s7 =	simm.s32 @!p0 $0x108  }
0x21: {  	s3 =	sadd.s32 s3, s9;
	s6 =	sadd.s32 @!p0 $0x88, s6;
	s7 =	simm.s32 @p2 $0x1082  }
0x22: {  	[simem:s7], [sflag:s8] =	dma.local @!p0 [hbm:s6], $0xF7A  }
0x23: {  	s9 =	sor.u32 $0xD0000000, s2;
	s6 =	simm.s32 $0x108;
	_ =	swait.ge @!p0 [sflag:s8], $0x0  }
0x24: {  	s3 =	sadd.s32 $0x88, s3;
	s6 =	simm.s32 @!p1 $0x1082;
	[sflag:s4] =	ssyncset.s32 $0xFFFFF086  }
0x25: {  	[simem:s6], [sflag:s4] =	dma.local [hbm:s3], $0xF7A  }
0x26: {  	[smem:$0x3F9A] =	sst s1;
	(tag) =	ssettag s2;
	_ =	strace s9  }
0x27: {  	s1 =	sld [smem:$0x3FAA]  }
0x28: {  	s2 =	sld [smem:$0x3FAB]  }
0x29: {  	s4 =	sld [smem:$0x3FAD]  }
0x2a: {  	p0 =	seq.s32 s5, $0x0;
	s5 =	sld [smem:$0x3FAE]  }
0x2b: {  	s6 =	sld [smem:$0x3FAF]  }
0x2c: {  	s7 =	sld [smem:$0x3FB0]  }
0x2d: {  	s3 =	simm.s32 $0x108;
	s8 =	sld [smem:$0x3FB1]  }
0x2e: {  	s3 =	simm.s32 @!p0 $0x1082;
	s9 =	sld [smem:$0x3FB2]  }
0x2f: {  	lr =	sadd.s32 s0, s3;
	s0 =	sld [smem:$0x3FA9]  }
0x30: {  	s3 =	sld [smem:$0x3FAC]  }
0x31: {  	[smem:$0x3FB5] =	sst s10  }
0x32: {  	s10 =	sld [smem:$0x3FB3];
	_ =	sdelay $0x3  }
0x33: {  	p0 =	seq.s32 s10, $0x1;
	s10 =	sld [smem:$0x3FB5];
	_ =	sdelay $0x3  }
0x34: {  	[smem:$0x3FB5] =	sst s10  }
0x35: {  	s10 =	sld [smem:$0x3FB4];
	_ =	sdelay $0x3  }
0x36: {  	p1 =	seq.s32 s10, $0x1;
	s10 =	sld [smem:$0x3FB5];
	_ =	sdelay $0x3  }
0x37: {  	[smem:$0x3FB5] =	sst s10  }
0x38: {  	s10 =	sld [smem:$0x3FB6]  }
0x39: {  	_ = 	snop;
	(pc) =	sbr.ind lr, $3  }
0x3a: {  	_ = 	snop  }
0x3b: {  	_ = 	snop  }
0x3c: {  	p2 =	seq.s32 s10, $0x1;
	s10 =	sld [smem:$0x3FB5]  }
0x3d: {  	_ =	shalt  }
0x3e: {  	_ =	shalt  }
0x3f: {  	_ =	shalt  }
0x40: {  	_ =	shalt  }
0x41: {  	_ =	shalt  }
0x42: {  	_ =	shalt  }
0x43: {  	_ =	shalt  }
0x44: {  	_ =	shalt  }
0x45: {  	_ =	shalt  }
0x46: {  	_ =	shalt  }
0x47: {  	_ =	shalt  }
0x48: {  	_ =	shalt  }
0x49: {  	_ =	shalt  }
0x4a: {  	_ =	shalt  }
0x4b: {  	_ =	shalt  }
0x4c: {  	_ =	shalt  }
0x4d: {  	_ =	shalt  }
0x4e: {  	_ =	shalt  }
0x4f: {  	_ =	shalt  }
0x50: {  	_ =	shalt  }
0x51: {  	_ =	shalt  }
0x52: {  	_ =	shalt  }
0x53: {  	_ =	shalt  }
0x54: {  	_ =	shalt  }
0x55: {  	_ =	shalt  }
0x56: {  	_ =	shalt  }
0x57: {  	_ =	shalt  }
0x58: {  	_ =	shalt  }
0x59: {  	_ =	shalt  }
0x5a: {  	_ =	shalt  }
0x5b: {  	_ =	shalt  }
0x5c: {  	_ =	shalt  }
0x5d: {  	_ =	shalt  }
0x5e: {  	_ =	shalt  }
0x5f: {  	_ =	shalt  }
0x60: {  	_ =	shalt  }
0x61: {  	_ =	shalt  }
0x62: {  	_ =	shalt  }
0x63: {  	_ =	shalt  }
0x64: {  	_ =	shalt  }
0x65: {  	_ =	shalt  }
0x66: {  	_ =	shalt  }
0x67: {  	_ =	shalt  }
0x68: {  	_ =	shalt  }
0x69: {  	_ =	shalt  }
0x6a: {  	_ =	shalt  }
0x6b: {  	_ =	shalt  }
0x6c: {  	_ =	shalt  }
0x6d: {  	_ =	shalt  }
0x6e: {  	_ =	shalt  }
0x6f: {  	_ =	shalt  }
0x70: {  	_ =	shalt  }
0x71: {  	_ =	shalt  }
0x72: {  	_ =	shalt  }
0x73: {  	_ =	shalt  }
0x74: {  	_ =	shalt  }
0x75: {  	_ =	shalt  }
0x76: {  	_ =	shalt  }
0x77: {  	_ =	shalt  }
0x78: {  	_ =	shalt  }
0x79: {  	_ =	shalt  }
0x7a: {  	_ =	shalt  }
0x7b: {  	_ =	shalt  }
0x7c: {  	_ =	shalt  }
0x7d: {  	_ =	shalt  }
0x7e: {  	_ =	shalt  }
0x7f: {  	_ =	shalt  }
0x80: {  	_ =	shalt  }
0x81: {  	_ =	shalt  }
0x82: {  	_ =	shalt  }
0x83: {  	_ =	shalt  }
0x84: {  	_ =	shalt  }
0x85: {  	_ =	shalt  }
0x86: {  	_ =	shalt  }
0x87: {  	_ =	shalt  }
.Lfunc_end0:
.L_simem_size_0:
called_computation.3_lowered:
.L_overlay_start_0:
0x88: {  	s2 =	sld [smem:$0x3FD9]  }
0x89: {  	s3 =	sld [smem:$0x3FFE];
	_ =	sdelay $0x1  }
0x8a: {  	s1 =	srdreg.scid  }
0x8b: {  	s0 =	sand.u32 $0x1, s1  }
0x8c: {  	s17 =	sshll.u32 s0, $0xA;
	s2 =	sadd.s32 s3, s2  }
0x8d: {  	s2 =	sadd.s32 s2, s17  }
0x8e: {  	[smem:$0x3FC1] =	sst s2  }
0x8f: {  	_ = 	snop  }
0x90: {  	s2 =	sld [smem:$0x3FC9];
	(tm) =	ssettm $0x1  }
0x91: {  	s18 =	sld [smem:$0x3FFB];
	_ =	sdelay $0x3  }
0x92: {  	_ =	strace s18  }
0x93: {  	s3 =	sld [smem:$0x3FFC];
	_ =	sdelay $0x3  }
0x94: {  	_ =	strace s3  }
0x95: {  	s3 =	sld [smem:$0x3FFD];
	_ =	sdelay $0x3  }
0x96: {  	_ =	strace s3  }
0x97: {  	_ =	strace $0x8FFFFFFF  }
0x98: {  	s19 =	sld [smem:$0x3FDB];
	_ =	sdelay $0x1  }
0x99: {  	s4 =	simm.s32 $_scs_section_size  }
0x9a: {  	s5 =	simm.s32 $_size__tile_overlayer_lowered;
	s6 =	simm.s32 $_tile_overlayer_lowered  }
0x9b: {  	s22 =	simm.s32 $0x1BFF;
	s21 =	sshll.u32 s6, $0x1;
	s3 =	sadd.s32 s4, s19  }
0x9c: {  	s7 =	simm.s32 $0x0;
	s20 =	sshll.u32 s5, $0x1;
	s5 =	sadd.s32 s21, s3  }
0x9d: {  	[timem:s7], [sflag:s22] =	dma.local [hbm:s5], s20  }
0x9e: {  	_ =	swait.ge [sflag:s22], s20  }
0x9f: {  	s4 =	ssub.s32 $0x0, s20;
	[sflag:s22] =	ssyncset.done $0x0  }
0xa0: {  	[sflag:s22] =	ssyncadd.s32 s4;
	_ =	sdelay $0x1  }
0xa1: {  	s23 =	simm.s32 $0x1B8B  }
0xa2: {  	_ =	swait.ge [sflag:s23], $0x1  }
0xa3: {  	[sflag:s23] =	ssyncset.done $0x0  }
0xa4: {  	s25 =	simm.s32 $0x1B8E;
	s24 =	sld [smem:$0x3FFE];
	[sflag:s23] =	ssyncadd.s32 $0xFFFFFFFF  }
0xa5: {  	s26 =	simm.s32 $execute0_lowered;
	[smem:$0x3FD2] =	sst s25  }
0xa6: {  	s5 =	sshll.u32 s26, $0x1;
	_ =	strace $0x80000046;
	[dreg:$0x1] =	wrdreg $0xFFFFFFFF  }
0xa7: {  	s28 =	simm.s32 $_size_execute0_lowered;
	s3 =	sadd.s32 s3, s5;
	[dreg:$0x0] =	wrdreg $0x0  }
0xa8: {  	s5 =	sshll.u32 s28, $0x1;
	[dreg:$0x2] =	wrdreg s3  }
0xa9: {  	[dreg:$0x3] =	wrdreg s5  }
0xaa: {  	[dreg:$0x4] =	wrdreg $0xC0  }
0xab: {  	_ =	task [dreg:s7], $0x5FFFF  }
0xac: {  	[dreg:$0x1] =	wrdreg $0xFFFFFFFF  }
0xad: {  	[dreg:$0x0] =	wrdreg $0x60  }
0xae: {  	[dreg:$0x2] =	wrdreg s2  }
0xaf: {  	[dreg:$0x3] =	wrdreg s24  }
0xb0: {  	[dreg:$0x4] =	wrdreg $0xC  }
0xb1: {  	_ =	task.clear_ibuf [dreg:s7], $0x5FFFF;
	_ =	strace $0x90000046  }
0xb2: {  	s29 =	simm.s32 $0xC;
	_ =	strace $0x80000048  }
0xb3: {  	_ =	swait.ge [sflag:s29], $0x1  }
0xb4: {  	[sflag:s29] =	ssyncadd.s32 $0xFFFFFFFF  }
0xb5: {  	_ =	strace $0x90000048  }
0xb6: {  	_ =	sfence  }
0xb7: {  	s30 =	sld [smem:$0x0];
	_ =	sdelay $0x2  }
0xb8: {  	s31 =	sshll.u32 s1, $0xD;
	s1 =	sshrl.u32 s1, $0x2  }
0xb9: {  	s3 =	sand.u32 $0x4000, s31;
	s1 =	sadd.s32 s1, s30  }
0xba: {  	s0 =	sor.u32 s3, s0;
	s1 =	sshll.u32 s1, $0x11  }
0xbb: {  	s0 =	sor.u32 s1, s0  }
0xbc: {  	s0 =	sadd.s32 $0x8F2B, s0  }
0xbd: {  	[sflag:s0] =	ssyncadd.remote.s32 $0x1  }
0xbe: {  	_ =	sfence.sel $0xFFFF  }
0xbf: {  	[dreg:$0x0] =	wrdreg $0xFFFFFFFF;
	(pc) =	sbr.abs _section_cstart, $3  }
0xc0: {  	[dreg:$0x1] =	wrdreg $0xFFFFFFFF  }
0xc1: {  	_ =	task.clear_ibuf [dreg:s7], $0x2FFFF;
	_ =	strace $0x9FFFFFFF  }
0xc2: {  	(tm) =	ssettm $0x7FFFFFFF  }
0xc3: {  	_ =	shalt  }
tec
execute0_lowered:
.L_overlay_start_1:
0x0: {  	(tag) =	ssettag $0x1  }
0x1: {  	s0 =	srdreg.scid  }
0x2: {  	s0 =	sand.u32 $0x1, s0  }
0x3: {  	s5 =	stileid.u32;
	s1 =	sshll.u32 s0, $0x4  }
0x4: {  	s1 =	sor.u32 s5, s1  }
0x5: {  	p0 =	sgt.u32 s1, $0x18  }
.Ltmp0:
0x6: {  	_ = 	snop;
	(pc) =	sbr.rel @p0 .LBB2_5-.Ltmp0, $4  }
0x7: {  	_ = 	snop  }
0x8: {  	s2 =	rddreg [dreg:$0x0];
	s3 =	simm.s32 $0x0  }
0x9: {  	[smem:$0x7FF] =	sst s3  }
0xa: {  	s4 =	rddreg [dreg:$0x1];
	_ =	strace $0x80000047  }
0xb: {  	s5 =	smul.u32 $0x64000, s1  }
0xc: {  	s6 =	sadd.s32 $0xF400, s4;
	s7 =	smul.u32 $0xC800, s1;
	s17 =	sadd.s32 $0x2C00, s4  }
0xd: {  	s23 =	ssub.s32 $0x2, s0;
	s24 =	smul.u32 $0xC8000, s0;
	s8 =	stileid.u32  }
0xe: {  	s26 =	sshll.u32 s1, $0x9;
	s29 =	simm.s32 $0x11000;
	s30 =	simm.s32 $0x3  }
0xf: {  	s31 =	simm.s32 $0x6;
	s1 =	simm.s32 $0x4;
	s28 =	simm.s32 $0x5  }
0x10: {  	s4 =	simm.s32 $0xA;
	s25 =	sshrl.u32 s23, $0x1;
	s8 =	smul.u32 $0xC800, s8  }
0x11: {  	s14 =	sadd.s32 s17, s26;
	s17 =	simm.s32 $0xB;
	s26 =	simm.s32 $0x2  }
0x12: {  	s5 =	sshrl.u32 s5, $0x3;
	s7 =	sadd.s32 s6, s7;
	s0 =	sadd.s32 s24, s6  }
0x13: {  	s24 =	simm.s32 $0x9;
	s5 =	sadd.s32 s6, s5;
	[dreg:$0x3] =	wrdreg s7  }
0x14: {  	s0 =	sadd.s32 s8, s0;
	s18 =	sadd.s32 $0x800, s5;
	s19 =	sadd.s32 $0x1000, s5  }
0x15: {  	s20 =	sadd.s32 $0x1800, s5;
	s21 =	sadd.s32 $0x2000, s5;
	s22 =	sadd.s32 $0xA000, s5  }
0x16: {  	s10 =	sadd.s32 $0xA800, s5;
	s11 =	sadd.s32 $0xB000, s5;
	[dreg:$0x4] =	wrdreg s18  }
0x17: {  	s12 =	sadd.s32 $0xB800, s5;
	s13 =	sadd.s32 $0xC000, s5;
	[dreg:$0x5] =	wrdreg s19  }
0x18: {  	s5 =	ssub.s32 s23, s25;
	s16 =	sadd.s32 $0x4800, s0;
	[dreg:$0x6] =	wrdreg s20  }
0x19: {  	s23 =	simm.s32 $0x1;
	s25 =	simm.s32 $0xD000;
	[dreg:$0x7] =	wrdreg s21  }
0x1a: {  	s0 =	simm.s32 $0x8;
	[dreg:$0x8] =	wrdreg s22;
	s15 =	smax.u32 s5, $0x1  }
0x1b: {  	s18 =	simm.s32 $0x80;
	s19 =	simm.s32 $0x1000;
	s20 =	simm.s32 $0x5000  }
0x1c: {  	s22 =	simm.s32 $0x9000;
	s21 =	simm.s32 $0x7;
	s5 =	simm.s32 $0x0  }
.LBB2_2:
0x1d: {  	s6 =	simm.s32 $0x0  }
0x1e: {  	[tilespmem:s6], [sflag:$0xB] =	stream.linear.gather [hbm4b:s14+s6], $0xC80, $0x38;
	[tilespmem:$0x15000] =	vst v63  }
0x1f: {  	_ =	swait.ge [sflag:s17], $0xC80  }
0x20: {  	[sflag:s17] =	ssyncset.done $0x0  }
0x21: {  	[sflag:s17] =	ssyncadd.s32 $0xFFFFF380  }
0x22: {  	[tilespmem:s19], [sflag:$0x1] =	stream.indirect.gather [hbm4b:s2+s18], $0x80, s6, s18, $0xb8;
	[tilespmem:$0x15000] =	vst v63  }
0x23: {  	_ = 	snop  }
0x24: {  	[tilespmem:s20], [sflag:$0x2] =	stream.indirect.gather [hbm4b:s2+s18], $0x80, s18, s18, $0xb8;
	[tilespmem:$0x15000] =	vst v63  }
0x25: {  	s7 =	simm.s32 $0x100  }
0x26: {  	[tilespmem:s22], [sflag:$0x3] =	stream.indirect.gather [hbm4b:s2+s18], $0x80, s7, s18, $0xb8;
	[tilespmem:$0x15000] =	vst v63  }
0x27: {  	_ =	swait.ge [sflag:s23], $0x4000  }
0x28: {  	[sflag:s23] =	ssyncset.done $0x0  }
0x29: {  	s9 =	rddreg [dreg:$0x3];
	[sflag:s23] =	ssyncadd.s32 $0xFFFFC000  }
0x2a: {  	[hbm4b:s9+s6] =	stream.linear.scatter [tilespmem:s19], [sflag:$0x6], $0x4000, $0x38;
	[tilespmem:$0x15000] =	vst v63  }
0x2b: {  	s8 =	simm.s32 $0x180  }
0x2c: {  	[tilespmem:s25], [sflag:$0x4] =	stream.indirect.gather [hbm4b:s2+s18], $0x80, s8, s18, $0xb8;
	[tilespmem:$0x15000] =	vst v63  }
0x2d: {  	_ =	swait.ge [sflag:s26], $0x4000  }
0x2e: {  	[sflag:s26] =	ssyncset.done $0x0  }
0x2f: {  	s9 =	rddreg [dreg:$0x4];
	[sflag:s26] =	ssyncadd.s32 $0xFFFFC000  }
0x30: {  	[hbm4b:s9+s6] =	stream.linear.scatter [tilespmem:s20], [sflag:$0x7], $0x4000, $0x38;
	[tilespmem:$0x15000] =	vst v63  }
0x31: {  	s8 =	simm.s32 $0x200  }
0x32: {  	[tilespmem:s29], [sflag:$0x5] =	stream.indirect.gather [hbm4b:s2+s18], $0x80, s8, s18, $0xb8;
	[tilespmem:$0x15000] =	vst v63  }
0x33: {  	_ =	swait.ge [sflag:s30], $0x4000  }
0x34: {  	[sflag:s30] =	ssyncset.done $0x0  }
0x35: {  	s9 =	rddreg [dreg:$0x5];
	[sflag:s30] =	ssyncadd.s32 $0xFFFFC000  }
0x36: {  	[hbm4b:s9+s6] =	stream.linear.scatter [tilespmem:s22], [sflag:$0x8], $0x4000, $0x38;
	[tilespmem:$0x15000] =	vst v63  }
0x37: {  	_ =	swait.ge [sflag:s31], $0x4000  }
0x38: {  	[sflag:s31] =	ssyncset.done $0x0  }
0x39: {  	s8 =	simm.s32 $0x280;
	[sflag:s31] =	ssyncadd.s32 $0xFFFFC000  }
0x3a: {  	[tilespmem:s19], [sflag:$0x1] =	stream.indirect.gather [hbm4b:s2+s18], $0x80, s8, s18, $0xb8;
	[tilespmem:$0x15000] =	vst v63  }
0x3b: {  	_ =	swait.ge [sflag:s1], $0x4000  }
0x3c: {  	[sflag:s1] =	ssyncset.done $0x0  }
0x3d: {  	s9 =	rddreg [dreg:$0x6];
	[sflag:s1] =	ssyncadd.s32 $0xFFFFC000  }
0x3e: {  	[hbm4b:s9+s6] =	stream.linear.scatter [tilespmem:s25], [sflag:$0x9], $0x4000, $0x38;
	[tilespmem:$0x15000] =	vst v63  }
0x3f: {  	_ =	swait.ge [sflag:s21], $0x4000  }
0x40: {  	[sflag:s21] =	ssyncset.done $0x0  }
0x41: {  	s8 =	simm.s32 $0x300;
	[sflag:s21] =	ssyncadd.s32 $0xFFFFC000  }
0x42: {  	[tilespmem:s20], [sflag:$0x2] =	stream.indirect.gather [hbm4b:s2+s18], $0x80, s8, s18, $0xb8;
	[tilespmem:$0x15000] =	vst v63  }
0x43: {  	_ =	swait.ge [sflag:s28], $0x4000  }
0x44: {  	[sflag:s28] =	ssyncset.done $0x0  }
0x45: {  	s9 =	rddreg [dreg:$0x7];
	[sflag:s28] =	ssyncadd.s32 $0xFFFFC000  }
0x46: {  	[hbm4b:s9+s6] =	stream.linear.scatter [tilespmem:s29], [sflag:$0xA], $0x4000, $0x38;
	[tilespmem:$0x15000] =	vst v63  }
0x47: {  	_ =	swait.ge [sflag:s0], $0x4000  }
0x48: {  	[sflag:s0] =	ssyncset.done $0x0  }
0x49: {  	s7 =	simm.s32 $0x380;
	[sflag:s0] =	ssyncadd.s32 $0xFFFFC000  }
0x4a: {  	[tilespmem:s22], [sflag:$0x3] =	stream.indirect.gather [hbm4b:s2+s18], $0x80, s7, s18, $0xb8;
	[tilespmem:$0x15000] =	vst v63  }
0x4b: {  	_ =	swait.ge [sflag:s23], $0x4000  }
0x4c: {  	[sflag:s23] =	ssyncset.done $0x0  }
0x4d: {  	s8 =	sadd.s32 $0xFFFFE000, s16;
	[sflag:s23] =	ssyncadd.s32 $0xFFFFC000  }
0x4e: {  	[hbm4b:s8+s3] =	stream.linear.scatter [tilespmem:s19], [sflag:$0x6], $0x4000, $0x38;
	[tilespmem:$0x15000] =	vst v63  }
0x4f: {  	_ =	swait.ge [sflag:s24], $0x4000  }
0x50: {  	[sflag:s24] =	ssyncset.done $0x0  }
0x51: {  	s9 =	simm.s32 $0x400;
	[sflag:s24] =	ssyncadd.s32 $0xFFFFC000  }
0x52: {  	[tilespmem:s25], [sflag:$0x4] =	stream.indirect.gather [hbm4b:s2+s18], $0x80, s9, s18, $0xb8;
	[tilespmem:$0x15000] =	vst v63  }
0x53: {  	_ =	swait.ge [sflag:s26], $0x4000  }
0x54: {  	[sflag:s26] =	ssyncset.done $0x0  }
0x55: {  	s7 =	sadd.s32 $0xFFFFE800, s16;
	[sflag:s26] =	ssyncadd.s32 $0xFFFFC000  }
0x56: {  	[hbm4b:s7+s3] =	stream.linear.scatter [tilespmem:s20], [sflag:$0x7], $0x4000, $0x38;
	[tilespmem:$0x15000] =	vst v63  }
0x57: {  	_ =	swait.ge [sflag:s4], $0x4000  }
0x58: {  	[sflag:s4] =	ssyncset.done $0x0  }
0x59: {  	s8 =	simm.s32 $0x480;
	[sflag:s4] =	ssyncadd.s32 $0xFFFFC000  }
0x5a: {  	[tilespmem:s29], [sflag:$0x5] =	stream.indirect.gather [hbm4b:s2+s18], $0x80, s8, s18, $0xb8;
	[tilespmem:$0x15000] =	vst v63  }
0x5b: {  	_ =	swait.ge [sflag:s30], $0x4000  }
0x5c: {  	[sflag:s30] =	ssyncset.done $0x0  }
0x5d: {  	s9 =	sadd.s32 $0xFFFFF000, s16;
	[sflag:s30] =	ssyncadd.s32 $0xFFFFC000  }
0x5e: {  	[hbm4b:s9+s3] =	stream.linear.scatter [tilespmem:s22], [sflag:$0x8], $0x4000, $0x38;
	[tilespmem:$0x15000] =	vst v63  }
0x5f: {  	_ =	swait.ge [sflag:s31], $0x4000  }
0x60: {  	[sflag:s31] =	ssyncset.done $0x0  }
0x61: {  	s7 =	simm.s32 $0x500;
	[sflag:s31] =	ssyncadd.s32 $0xFFFFC000  }
0x62: {  	[tilespmem:s19], [sflag:$0x1] =	stream.indirect.gather [hbm4b:s2+s18], $0x80, s7, s18, $0xb8;
	[tilespmem:$0x15000] =	vst v63  }
0x63: {  	_ =	swait.ge [sflag:s1], $0x4000  }
0x64: {  	[sflag:s1] =	ssyncset.done $0x0  }
0x65: {  	s8 =	sadd.s32 $0xFFFFF800, s16;
	[sflag:s1] =	ssyncadd.s32 $0xFFFFC000  }
0x66: {  	[hbm4b:s8+s3] =	stream.linear.scatter [tilespmem:s25], [sflag:$0x9], $0x4000, $0x38;
	[tilespmem:$0x15000] =	vst v63  }
0x67: {  	_ =	swait.ge [sflag:s21], $0x4000  }
0x68: {  	[sflag:s21] =	ssyncset.done $0x0  }
0x69: {  	s9 =	simm.s32 $0x580;
	[sflag:s21] =	ssyncadd.s32 $0xFFFFC000  }
0x6a: {  	[tilespmem:s20], [sflag:$0x2] =	stream.indirect.gather [hbm4b:s2+s18], $0x80, s9, s18, $0xb8;
	[tilespmem:$0x15000] =	vst v63  }
0x6b: {  	_ =	swait.ge [sflag:s28], $0x4000  }
0x6c: {  	[sflag:s28] =	ssyncset.done $0x0  }
0x6d: {  	[sflag:s28] =	ssyncadd.s32 $0xFFFFC000  }
0x6e: {  	[hbm4b:s16+s3] =	stream.linear.scatter [tilespmem:s29], [sflag:$0xA], $0x4000, $0x38;
	[tilespmem:$0x15000] =	vst v63  }
0x6f: {  	_ =	swait.ge [sflag:s0], $0x4000  }
0x70: {  	s6 =	simm.s32 $0xA00;
	[sflag:s0] =	ssyncset.done $0x0  }
0x71: {  	s7 =	sadd.s32 $0x2800, s16;
	s8 =	simm.s32 $0x600;
	[sflag:s0] =	ssyncadd.s32 $0xFFFFC000  }
.LBB2_3:
0x72: {  	[tilespmem:s22], [sflag:$0x3] =	stream.indirect.gather [hbm4b:s2+s18], $0x80, s8, s18, $0xb8;
	[tilespmem:$0x15000] =	vst v63  }
0x73: {  	s8 =	smov.u32 s6  }
0x74: {  	p0 =	sne.s32 s6, $0x1400;
	s6 =	sadd.s32 $0xA00, s6;
	_ =	swait.ge [sflag:s23], $0x4000  }
0x75: {  	[sflag:s23] =	ssyncset.done $0x0  }
0x76: {  	s9 =	sadd.s32 $0xFFFFE000, s7;
	[sflag:s23] =	ssyncadd.s32 $0xFFFFC000  }
0x77: {  	[hbm4b:s9+s3] =	stream.linear.scatter [tilespmem:s19], [sflag:$0x6], $0x4000, $0x38;
	[tilespmem:$0x15000] =	vst v63  }
0x78: {  	_ =	swait.ge [sflag:s24], $0x4000  }
0x79: {  	s8 =	sshra.s32 s8, $0x2;
	[sflag:s24] =	ssyncset.done $0x0  }
0x7a: {  	s9 =	sadd.s32 $0x400, s8;
	[sflag:s24] =	ssyncadd.s32 $0xFFFFC000  }
0x7b: {  	[tilespmem:s25], [sflag:$0x4] =	stream.indirect.gather [hbm4b:s2+s18], $0x80, s9, s18, $0xb8;
	[tilespmem:$0x15000] =	vst v63  }
0x7c: {  	_ =	swait.ge [sflag:s26], $0x4000  }
0x7d: {  	[sflag:s26] =	ssyncset.done $0x0  }
0x7e: {  	s9 =	sadd.s32 $0xFFFFE800, s7;
	[sflag:s26] =	ssyncadd.s32 $0xFFFFC000  }
0x7f: {  	[hbm4b:s9+s3] =	stream.linear.scatter [tilespmem:s20], [sflag:$0x7], $0x4000, $0x38;
	[tilespmem:$0x15000] =	vst v63  }
0x80: {  	_ =	swait.ge [sflag:s4], $0x4000  }
0x81: {  	[sflag:s4] =	ssyncset.done $0x0  }
0x82: {  	s9 =	sadd.s32 $0x480, s8;
	[sflag:s4] =	ssyncadd.s32 $0xFFFFC000  }
0x83: {  	[tilespmem:s29], [sflag:$0x5] =	stream.indirect.gather [hbm4b:s2+s18], $0x80, s9, s18, $0xb8;
	[tilespmem:$0x15000] =	vst v63  }
0x84: {  	_ =	swait.ge [sflag:s30], $0x4000  }
0x85: {  	[sflag:s30] =	ssyncset.done $0x0  }
0x86: {  	s9 =	sadd.s32 $0xFFFFF000, s7;
	[sflag:s30] =	ssyncadd.s32 $0xFFFFC000  }
0x87: {  	[hbm4b:s9+s3] =	stream.linear.scatter [tilespmem:s22], [sflag:$0x8], $0x4000, $0x38;
	[tilespmem:$0x15000] =	vst v63  }
0x88: {  	_ =	swait.ge [sflag:s31], $0x4000  }
0x89: {  	[sflag:s31] =	ssyncset.done $0x0  }
0x8a: {  	s9 =	sadd.s32 $0x500, s8;
	[sflag:s31] =	ssyncadd.s32 $0xFFFFC000  }
0x8b: {  	[tilespmem:s19], [sflag:$0x1] =	stream.indirect.gather [hbm4b:s2+s18], $0x80, s9, s18, $0xb8;
	[tilespmem:$0x15000] =	vst v63  }
0x8c: {  	_ =	swait.ge [sflag:s1], $0x4000  }
0x8d: {  	[sflag:s1] =	ssyncset.done $0x0  }
0x8e: {  	s9 =	sadd.s32 $0xFFFFF800, s7;
	[sflag:s1] =	ssyncadd.s32 $0xFFFFC000  }
0x8f: {  	[hbm4b:s9+s3] =	stream.linear.scatter [tilespmem:s25], [sflag:$0x9], $0x4000, $0x38;
	[tilespmem:$0x15000] =	vst v63  }
0x90: {  	_ =	swait.ge [sflag:s21], $0x4000  }
0x91: {  	[sflag:s21] =	ssyncset.done $0x0  }
0x92: {  	s9 =	sadd.s32 $0x580, s8;
	[sflag:s21] =	ssyncadd.s32 $0xFFFFC000  }
0x93: {  	[tilespmem:s20], [sflag:$0x2] =	stream.indirect.gather [hbm4b:s2+s18], $0x80, s9, s18, $0xb8;
	[tilespmem:$0x15000] =	vst v63  }
0x94: {  	_ =	swait.ge [sflag:s28], $0x4000  }
0x95: {  	[sflag:s28] =	ssyncset.done $0x0  }
.Ltmp1:
0x96: {  	[sflag:s28] =	ssyncadd.s32 $0xFFFFC000;
	(pc) =	sbr.rel @p0 .LBB2_3-.Ltmp1, $4  }
0x97: {  	[hbm4b:s7+s3] =	stream.linear.scatter [tilespmem:s29], [sflag:$0xA], $0x4000, $0x38;
	[tilespmem:$0x15000] =	vst v63  }
0x98: {  	_ =	swait.ge [sflag:s0], $0x4000  }
0x99: {  	[sflag:s0] =	ssyncset.done $0x0  }
0x9a: {  	s8 =	sadd.s32 $0x600, s8;
	s7 =	sadd.s32 $0x2800, s7;
	[sflag:s0] =	ssyncadd.s32 $0xFFFFC000  }
0x9b: {  	[tilespmem:s22], [sflag:$0x3] =	stream.indirect.gather [hbm4b:s2+s18], $0x80, s8, s18, $0xb8;
	[tilespmem:$0x15000] =	vst v63  }
0x9c: {  	_ =	swait.ge [sflag:s23], $0x4000  }
0x9d: {  	[sflag:s23] =	ssyncset.done $0x0  }
0x9e: {  	s6 =	rddreg [dreg:$0x8];
	[sflag:s23] =	ssyncadd.s32 $0xFFFFC000  }
0x9f: {  	[hbm4b:s6+s3] =	stream.linear.scatter [tilespmem:s19], [sflag:$0x6], $0x4000, $0x38;
	[tilespmem:$0x15000] =	vst v63  }
0xa0: {  	_ =	swait.ge [sflag:s24], $0x4000  }
0xa1: {  	[sflag:s24] =	ssyncset.done $0x0  }
0xa2: {  	s8 =	simm.s32 $0xB80;
	[sflag:s24] =	ssyncadd.s32 $0xFFFFC000  }
0xa3: {  	[tilespmem:s25], [sflag:$0x4] =	stream.indirect.gather [hbm4b:s2+s18], $0x80, s8, s18, $0xb8;
	[tilespmem:$0x15000] =	vst v63  }
0xa4: {  	_ =	swait.ge [sflag:s26], $0x4000  }
0xa5: {  	[sflag:s26] =	ssyncset.done $0x0  }
0xa6: {  	[sflag:s26] =	ssyncadd.s32 $0xFFFFC000  }
0xa7: {  	[hbm4b:s10+s3] =	stream.linear.scatter [tilespmem:s20], [sflag:$0x7], $0x4000, $0x38;
	[tilespmem:$0x15000] =	vst v63  }
0xa8: {  	_ =	swait.ge [sflag:s4], $0x4000  }
0xa9: {  	[sflag:s4] =	ssyncset.done $0x0  }
0xaa: {  	s9 =	simm.s32 $0xC00;
	[sflag:s4] =	ssyncadd.s32 $0xFFFFC000  }
0xab: {  	[tilespmem:s29], [sflag:$0x5] =	stream.indirect.gather [hbm4b:s2+s18], $0x80, s9, s18, $0xb8;
	[tilespmem:$0x15000] =	vst v63  }
0xac: {  	_ =	swait.ge [sflag:s30], $0x4000  }
0xad: {  	[sflag:s30] =	ssyncset.done $0x0  }
0xae: {  	[sflag:s30] =	ssyncadd.s32 $0xFFFFC000  }
0xaf: {  	[hbm4b:s11+s3] =	stream.linear.scatter [tilespmem:s22], [sflag:$0x8], $0x4000, $0x38;
	[tilespmem:$0x15000] =	vst v63  }
0xb0: {  	_ =	swait.ge [sflag:s31], $0x4000  }
0xb1: {  	[sflag:s31] =	ssyncset.done $0x0  }
0xb2: {  	[sflag:s31] =	ssyncadd.s32 $0xFFFFC000  }
0xb3: {  	_ =	swait.ge [sflag:s1], $0x4000  }
0xb4: {  	[sflag:s1] =	ssyncset.done $0x0  }
0xb5: {  	[sflag:s1] =	ssyncadd.s32 $0xFFFFC000  }
0xb6: {  	[hbm4b:s12+s3] =	stream.linear.scatter [tilespmem:s25], [sflag:$0x9], $0x4000, $0x38;
	[tilespmem:$0x15000] =	vst v63  }
0xb7: {  	_ =	swait.ge [sflag:s21], $0x4000  }
0xb8: {  	[sflag:s21] =	ssyncset.done $0x0  }
0xb9: {  	[sflag:s21] =	ssyncadd.s32 $0xFFFFC000  }
0xba: {  	_ =	swait.ge [sflag:s28], $0x4000  }
0xbb: {  	[sflag:s28] =	ssyncset.done $0x0  }
0xbc: {  	[sflag:s28] =	ssyncadd.s32 $0xFFFFC000  }
0xbd: {  	[hbm4b:s13+s3] =	stream.linear.scatter [tilespmem:s29], [sflag:$0xA], $0x4000, $0x38;
	[tilespmem:$0x15000] =	vst v63  }
0xbe: {  	_ =	swait.ge [sflag:s0], $0x4000  }
0xbf: {  	[sflag:s0] =	ssyncset.done $0x0  }
0xc0: {  	s5 =	sadd.s32 $0x1, s5;
	[sflag:s0] =	ssyncadd.s32 $0xFFFFC000  }
0xc1: {  	p0 =	sne.s32 s5, s15;
	_ =	swait.ge [sflag:s24], $0x4000  }
.Ltmp2:
0xc2: {  	[sflag:s24] =	ssyncset.done $0x0;
	(pc) =	sbr.rel @p0 .LBB2_2-.Ltmp2, $4  }
0xc3: {  	[sflag:s24] =	ssyncadd.s32 $0xFFFFC000  }
0xc4: {  	_ =	swait.ge [sflag:s4], $0x4000  }
0xc5: {  	[sflag:s4] =	ssyncset.done $0x0  }
0xc6: {  	[sflag:s4] =	ssyncadd.s32 $0xFFFFC000  }
.LBB2_5:
0xc7: {  	_ =	sfence.sel $0x180000  }
0xc8: {  	[bflag:$0x0] =	sbarrier.arrive $0xFFFF  }
0xc9: {  	_ =	strace $0x90000047  }
0xca: {  	s0 =	stileid.u32;
	[bflag:$0x2] =	sbarrier.arrive $0xFFFF  }
0xcb: {  	p0 =	sne.s32 s0, $0x0;
	s0 =	rddreg [dreg:$0x2]  }
0xcc: {  	s0 =	sadd.s32 @!p0 $0x100000, s0  }
0xcd: {  	[sflag:s0] =	ssyncadd.tile.s32 @!p0 $0x1;
	_ =	shalt  }
.Lfunc_end2:
_tile_overlayer_lowered:
.L_overlay_start_2:
0xce: {  	(tag) =	ssettag $0x2  }
0xcf: {  	s0 =	rddreg [dreg:$0x0];
	s2 =	stileid.u32  }
0xd0: {  	s1 =	rddreg [dreg:$0x1];
	p0 =	sne.s32 s2, $0x0  }
0xd1: {  	s3 =	rddreg [dreg:$0x2];
	[bflag:$0x3] =	sbarrier.arrive $0xFFFF;
	s2 =	simm.s32 @!p0 $0x1C0B  }
0xd2: {  	[timem:s3], [sflag:s2] =	dma.local @!p0 [hbm:s0], s1  }
0xd3: {  	s0 =	simm.s32 @!p0 $0xB  }
0xd4: {  	_ =	swait.ge @!p0 [sflag:s0], s1  }
0xd5: {  	s1 =	ssub.s32 @!p0 $0x0, s1;
	[sflag:s0] =	ssyncset.done @!p0 $0x0  }
0xd6: {  	[sflag:s0] =	ssyncadd.s32 @!p0 s1  }
0xd7: {  	[bflag:$0x3] =	sbarrier.arrive $0xFFFF  }
0xd8: {  	_ =	shalt  }

// kernel: kernel.24.cloned.1.call-start
scs
__scs_entry_jumppad:
0x0: {  	(pc) =	sbr.rel $0x88, $3  }
0x1: {  	(tag) =	ssettag $0x0;
	lr =	simm.s32 $0x1  }
0x2: {  	[smem:$0x3F9A] =	sst lr;
	_ =	strace $0xD0000000  }
0x3: {  	_ = 	snop  }
0x4: {  	_ = 	snop  }
0x5: {  	_ = 	snop  }
0x6: {  	_ = 	snop  }
0x7: {  	_ = 	snop  }
__scs_overlays_trampoline_lowered:
0x8: {  	[smem:$0x3FA9] =	sst s0  }
0x9: {  	[smem:$0x3FAA] =	sst s1  }
0xa: {  	[smem:$0x3FAB] =	sst s2  }
0xb: {  	[smem:$0x3FAC] =	sst s3  }
0xc: {  	[smem:$0x3FAD] =	sst s4  }
0xd: {  	[smem:$0x3FAE] =	sst s5  }
0xe: {  	[smem:$0x3FAF] =	sst s6  }
0xf: {  	[smem:$0x3FB0] =	sst s7  }
0x10: {  	[smem:$0x3FB1] =	sst s8  }
0x11: {  	[smem:$0x3FB2] =	sst s9;
	s0 =	simm.s32 @!p0 $0x0  }
0x12: {  	s1 =	sld [smem:$0x3F98];
	s0 =	simm.s32 @p0 $0x1  }
0x13: {  	[smem:$0x3FB3] =	sst s0;
	s0 =	simm.s32 @!p1 $0x0  }
0x14: {  	s2 =	sld [smem:$0x3F97];
	s0 =	simm.s32 @p1 $0x1  }
0x15: {  	[smem:$0x3FB4] =	sst s0;
	s0 =	simm.s32 @!p2 $0x0  }
0x16: {  	s3 =	sld [smem:$0x3FDB];
	s0 =	simm.s32 @p2 $0x1  }
0x17: {  	s4 =	simm.s32 $0x1BF5;
	[smem:$0x3FB6] =	sst s0  }
0x18: {  	s0 =	sld [smem:$0x3F99];
	_ =	swait.ge [sflag:s4], $0x0  }
0x19: {  	s7 =	sld [smem:$0x3F9A]  }
0x1a: {  	s8 =	sadd.s32 $0xFFFFE003, lr  }
0x1b: {  	s9 =	sadd.s32 $0xFFFFFEF7, lr;
	s5 =	simm.s32 $0xFFFFFFFF;
	p2 =	slt.u32 s8, $0xFFFFF086  }
0x1c: {  	p1 =	slt.u32 s9, $0xF7A;
	s5 =	simm.s32 @!p2 $0x0  }
0x1d: {  	s5 =	simm.s32 @p1 $0x1;
	p0 =	seq.s32 s7, s2  }
0x1e: {  	s7 =	smul.u32 @!p0 $0xF7A, s2;
	p2 =	seq.s32 @!p0 s5, $0x0  }
0x1f: {  	s9 =	smul.u32 $0xF7A, s1;
	s8 =	simm.s32 @!p0 $0x1BF5;
	p2 =	por !p2, p0  }
0x20: {  	[sflag:s8] =	ssyncset.s32 @!p0 $0xFFFFF086;
	s6 =	sadd.s32 @!p0 s3, s7;
	s7 =	simm.s32 @!p0 $0x108  }
0x21: {  	s3 =	sadd.s32 s3, s9;
	s6 =	sadd.s32 @!p0 $0x88, s6;
	s7 =	simm.s32 @p2 $0x1082  }
0x22: {  	[simem:s7], [sflag:s8] =	dma.local @!p0 [hbm:s6], $0xF7A  }
0x23: {  	s9 =	sor.u32 $0xD0000000, s2;
	s6 =	simm.s32 $0x108;
	_ =	swait.ge @!p0 [sflag:s8], $0x0  }
0x24: {  	s3 =	sadd.s32 $0x88, s3;
	s6 =	simm.s32 @!p1 $0x1082;
	[sflag:s4] =	ssyncset.s32 $0xFFFFF086  }
0x25: {  	[simem:s6], [sflag:s4] =	dma.local [hbm:s3], $0xF7A  }
0x26: {  	[smem:$0x3F9A] =	sst s1;
	(tag) =	ssettag s2;
	_ =	strace s9  }
0x27: {  	s1 =	sld [smem:$0x3FAA]  }
0x28: {  	s2 =	sld [smem:$0x3FAB]  }
0x29: {  	s4 =	sld [smem:$0x3FAD]  }
0x2a: {  	p0 =	seq.s32 s5, $0x0;
	s5 =	sld [smem:$0x3FAE]  }
0x2b: {  	s6 =	sld [smem:$0x3FAF]  }
0x2c: {  	s7 =	sld [smem:$0x3FB0]  }
0x2d: {  	s3 =	simm.s32 $0x108;
	s8 =	sld [smem:$0x3FB1]  }
0x2e: {  	s3 =	simm.s32 @!p0 $0x1082;
	s9 =	sld [smem:$0x3FB2]  }
0x2f: {  	lr =	sadd.s32 s0, s3;
	s0 =	sld [smem:$0x3FA9]  }
0x30: {  	s3 =	sld [smem:$0x3FAC]  }
0x31: {  	[smem:$0x3FB5] =	sst s10  }
0x32: {  	s10 =	sld [smem:$0x3FB3];
	_ =	sdelay $0x3  }
0x33: {  	p0 =	seq.s32 s10, $0x1;
	s10 =	sld [smem:$0x3FB5];
	_ =	sdelay $0x3  }
0x34: {  	[smem:$0x3FB5] =	sst s10  }
0x35: {  	s10 =	sld [smem:$0x3FB4];
	_ =	sdelay $0x3  }
0x36: {  	p1 =	seq.s32 s10, $0x1;
	s10 =	sld [smem:$0x3FB5];
	_ =	sdelay $0x3  }
0x37: {  	[smem:$0x3FB5] =	sst s10  }
0x38: {  	s10 =	sld [smem:$0x3FB6]  }
0x39: {  	_ = 	snop;
	(pc) =	sbr.ind lr, $3  }
0x3a: {  	_ = 	snop  }
0x3b: {  	_ = 	snop  }
0x3c: {  	p2 =	seq.s32 s10, $0x1;
	s10 =	sld [smem:$0x3FB5]  }
0x3d: {  	_ =	shalt  }
0x3e: {  	_ =	shalt  }
0x3f: {  	_ =	shalt  }
0x40: {  	_ =	shalt  }
0x41: {  	_ =	shalt  }
0x42: {  	_ =	shalt  }
0x43: {  	_ =	shalt  }
0x44: {  	_ =	shalt  }
0x45: {  	_ =	shalt  }
0x46: {  	_ =	shalt  }
0x47: {  	_ =	shalt  }
0x48: {  	_ =	shalt  }
0x49: {  	_ =	shalt  }
0x4a: {  	_ =	shalt  }
0x4b: {  	_ =	shalt  }
0x4c: {  	_ =	shalt  }
0x4d: {  	_ =	shalt  }
0x4e: {  	_ =	shalt  }
0x4f: {  	_ =	shalt  }
0x50: {  	_ =	shalt  }
0x51: {  	_ =	shalt  }
0x52: {  	_ =	shalt  }
0x53: {  	_ =	shalt  }
0x54: {  	_ =	shalt  }
0x55: {  	_ =	shalt  }
0x56: {  	_ =	shalt  }
0x57: {  	_ =	shalt  }
0x58: {  	_ =	shalt  }
0x59: {  	_ =	shalt  }
0x5a: {  	_ =	shalt  }
0x5b: {  	_ =	shalt  }
0x5c: {  	_ =	shalt  }
0x5d: {  	_ =	shalt  }
0x5e: {  	_ =	shalt  }
0x5f: {  	_ =	shalt  }
0x60: {  	_ =	shalt  }
0x61: {  	_ =	shalt  }
0x62: {  	_ =	shalt  }
0x63: {  	_ =	shalt  }
0x64: {  	_ =	shalt  }
0x65: {  	_ =	shalt  }
0x66: {  	_ =	shalt  }
0x67: {  	_ =	shalt  }
0x68: {  	_ =	shalt  }
0x69: {  	_ =	shalt  }
0x6a: {  	_ =	shalt  }
0x6b: {  	_ =	shalt  }
0x6c: {  	_ =	shalt  }
0x6d: {  	_ =	shalt  }
0x6e: {  	_ =	shalt  }
0x6f: {  	_ =	shalt  }
0x70: {  	_ =	shalt  }
0x71: {  	_ =	shalt  }
0x72: {  	_ =	shalt  }
0x73: {  	_ =	shalt  }
0x74: {  	_ =	shalt  }
0x75: {  	_ =	shalt  }
0x76: {  	_ =	shalt  }
0x77: {  	_ =	shalt  }
0x78: {  	_ =	shalt  }
0x79: {  	_ =	shalt  }
0x7a: {  	_ =	shalt  }
0x7b: {  	_ =	shalt  }
0x7c: {  	_ =	shalt  }
0x7d: {  	_ =	shalt  }
0x7e: {  	_ =	shalt  }
0x7f: {  	_ =	shalt  }
0x80: {  	_ =	shalt  }
0x81: {  	_ =	shalt  }
0x82: {  	_ =	shalt  }
0x83: {  	_ =	shalt  }
0x84: {  	_ =	shalt  }
0x85: {  	_ =	shalt  }
0x86: {  	_ =	shalt  }
0x87: {  	_ =	shalt  }
.Lfunc_end0:
.L_simem_size_0:
called_computation.4_lowered:
.L_overlay_start_0:
0x88: {  	s2 =	sld [smem:$0x3FD9]  }
0x89: {  	s3 =	sld [smem:$0x3FFE];
	_ =	sdelay $0x1  }
0x8a: {  	s1 =	srdreg.scid  }
0x8b: {  	s0 =	sand.u32 $0x1, s1  }
0x8c: {  	s17 =	sshll.u32 s0, $0xA;
	s2 =	sadd.s32 s3, s2  }
0x8d: {  	s2 =	sadd.s32 s2, s17  }
0x8e: {  	[smem:$0x3FC1] =	sst s2  }
0x8f: {  	_ = 	snop  }
0x90: {  	s18 =	sld [smem:$0x3FC9];
	(tm) =	ssettm $0x1  }
0x91: {  	s19 =	sld [smem:$0x3FFB];
	_ =	sdelay $0x3  }
0x92: {  	_ =	strace s19  }
0x93: {  	s2 =	sld [smem:$0x3FFC];
	_ =	sdelay $0x3  }
0x94: {  	_ =	strace s2  }
0x95: {  	s2 =	sld [smem:$0x3FFD];
	_ =	sdelay $0x3  }
0x96: {  	_ =	strace s2  }
0x97: {  	_ =	strace $0x8FFFFFFF  }
0x98: {  	s20 =	sld [smem:$0x3FDB];
	_ =	sdelay $0x1  }
0x99: {  	s4 =	simm.s32 $_scs_section_size  }
0x9a: {  	s5 =	simm.s32 $_size__tile_overlayer_lowered;
	s6 =	simm.s32 $_tile_overlayer_lowered  }
0x9b: {  	s7 =	simm.s32 $0x1BFF;
	s21 =	sshll.u32 s6, $0x1;
	s4 =	sadd.s32 s4, s20  }
0x9c: {  	s22 =	simm.s32 $0x0;
	s5 =	sshll.u32 s5, $0x1;
	s6 =	sadd.s32 s21, s4  }
0x9d: {  	[timem:s22], [sflag:s7] =	dma.local [hbm:s6], s5  }
0x9e: {  	_ =	swait.ge [sflag:s7], s5  }
0x9f: {  	s5 =	ssub.s32 $0x0, s5;
	[sflag:s7] =	ssyncset.done $0x0  }
0xa0: {  	[sflag:s7] =	ssyncadd.s32 s5;
	_ =	sdelay $0x1  }
0xa1: {  	s23 =	simm.s32 $0x1B8B  }
0xa2: {  	_ =	swait.ge [sflag:s23], $0x1  }
0xa3: {  	[sflag:s23] =	ssyncset.done $0x0  }
0xa4: {  	[sflag:s23] =	ssyncadd.s32 $0xFFFFFFFF  }
0xa5: {  	s5 =	sld [smem:$0x0]  }
0xa6: {  	s6 =	sand.u32 $0xFFFFFFFE, s1  }
0xa7: {  	p0 =	sne.s32 s1, s6  }
0xa8: {  	s6 =	sshll.u32 @p0 s6, $0xE  }
0xa9: {  	s6 =	sadd.s32 @p0 $0x11B8D, s6;
	s7 =	sshll.u32 @p0 s5, $0x11  }
0xaa: {  	s6 =	sor.u32 @p0 s7, s6  }
0xab: {  	[sflag:s6] =	ssyncadd.remote.s32 @p0 $0x1;
	_ =	sdelay $0x1  }
0xac: {  	s6 =	simm.s32 @p0 $0x1B8D  }
0xad: {  	_ =	swait.eq @p0 [sflag:s6], $0x1  }
0xae: {  	[sflag:s6] =	ssyncadd.s32 @p0 $0xFFFFFFFF  }
0xaf: {  	s7 =	sshll.u32 @!p0 s1, $0xE  }
0xb0: {  	s7 =	sor.u32 @!p0 $0x4000, s7;
	s6 =	simm.s32 @!p0 $0x1B8D  }
0xb1: {  	s5 =	sshll.u32 @!p0 s5, $0x11;
	s7 =	sadd.s32 @!p0 $0x11B8D, s7;
	_ =	swait.eq @!p0 [sflag:s6], $0x1  }
0xb2: {  	s5 =	sor.u32 @!p0 s5, s7;
	[sflag:s6] =	ssyncadd.s32 @!p0 $0xFFFFFFFF  }
0xb3: {  	s25 =	simm.s32 $0x1B8E;
	s24 =	sld [smem:$0x3FFE];
	[sflag:s5] =	ssyncadd.remote.s32 @!p0 $0x1  }
0xb4: {  	s26 =	simm.s32 $execute0_lowered;
	[smem:$0x3FD2] =	sst s25  }
0xb5: {  	s6 =	sshll.u32 s26, $0x1;
	_ =	strace $0x80000052;
	[dreg:$0x1] =	wrdreg $0xFFFFFFFF  }
0xb6: {  	s28 =	simm.s32 $_size_execute0_lowered;
	s4 =	sadd.s32 s4, s6;
	[dreg:$0x0] =	wrdreg $0x0  }
0xb7: {  	s6 =	sshll.u32 s28, $0x1;
	[dreg:$0x2] =	wrdreg s4  }
0xb8: {  	[dreg:$0x3] =	wrdreg s6  }
0xb9: {  	[dreg:$0x4] =	wrdreg $0xC0  }
0xba: {  	_ =	task [dreg:s22], $0x5FFFF  }
0xbb: {  	[dreg:$0x1] =	wrdreg $0xFFFFFFFF  }
0xbc: {  	[dreg:$0x0] =	wrdreg $0x60  }
0xbd: {  	[dreg:$0x2] =	wrdreg s18  }
0xbe: {  	[dreg:$0x3] =	wrdreg s24  }
0xbf: {  	[dreg:$0x4] =	wrdreg $0xD  }
0xc0: {  	_ =	task.clear_ibuf [dreg:s22], $0x5FFFF;
	_ =	strace $0x90000052  }
0xc1: {  	s29 =	simm.s32 $0xD;
	_ =	strace $0x80000054  }
0xc2: {  	_ =	swait.ge [sflag:s29], $0x1  }
0xc3: {  	[sflag:s29] =	ssyncadd.s32 $0xFFFFFFFF  }
0xc4: {  	_ =	strace $0x90000054  }
0xc5: {  	_ =	sfence  }
0xc6: {  	s30 =	sld [smem:$0x0];
	_ =	sdelay $0x2  }
0xc7: {  	s31 =	sshll.u32 s1, $0xD;
	s1 =	sshrl.u32 s1, $0x2  }
0xc8: {  	s4 =	sand.u32 $0x4000, s31;
	s1 =	sadd.s32 s1, s30  }
0xc9: {  	s0 =	sor.u32 s4, s0;
	s1 =	sshll.u32 s1, $0x11  }
0xca: {  	s0 =	sor.u32 s1, s0  }
0xcb: {  	s0 =	sadd.s32 $0x8F2B, s0  }
0xcc: {  	[sflag:s0] =	ssyncadd.remote.s32 $0x1  }
0xcd: {  	_ =	sfence.sel $0xFFFF  }
0xce: {  	[dreg:$0x0] =	wrdreg $0xFFFFFFFF;
	(pc) =	sbr.abs _section_cstart, $3  }
0xcf: {  	[dreg:$0x1] =	wrdreg $0xFFFFFFFF  }
0xd0: {  	_ =	task.clear_ibuf [dreg:s22], $0x2FFFF;
	_ =	strace $0x9FFFFFFF  }
0xd1: {  	(tm) =	ssettm $0x7FFFFFFF  }
tec
execute0_lowered:
.L_overlay_start_1:
0x0: {  	(tag) =	ssettag $0x1  }
0x1: {  	s0 =	srdreg.scid  }
0x2: {  	s0 =	sand.u32 $0x1, s0  }
0x3: {  	s5 =	stileid.u32;
	s1 =	sshll.u32 s0, $0x4  }
0x4: {  	s1 =	sor.u32 s5, s1  }
0x5: {  	p0 =	sgt.u32 s1, $0x18  }
.Ltmp0:
0x6: {  	_ = 	snop;
	(pc) =	sbr.rel @p0 .LBB2_5-.Ltmp0, $4  }
0x7: {  	_ = 	snop  }
0x8: {  	s2 =	rddreg [dreg:$0x0];
	s3 =	simm.s32 $0x0  }
0x9: {  	[smem:$0x7FF] =	sst s3  }
0xa: {  	s4 =	rddreg [dreg:$0x1];
	_ =	strace $0x80000053  }
0xb: {  	s5 =	smul.u32 $0x64000, s1  }
0xc: {  	s6 =	sadd.s32 $0x4F1400, s4;
	s7 =	smul.u32 $0xC800, s1;
	s17 =	sadd.s32 $0xC200, s4  }
0xd: {  	s23 =	ssub.s32 $0x2, s0;
	s24 =	smul.u32 $0xC8000, s0;
	s8 =	stileid.u32  }
0xe: {  	s26 =	sshll.u32 s1, $0x9;
	s29 =	simm.s32 $0x11000;
	s30 =	simm.s32 $0x3  }
0xf: {  	s31 =	simm.s32 $0x6;
	s1 =	simm.s32 $0x4;
	s28 =	simm.s32 $0x5  }
0x10: {  	s4 =	simm.s32 $0xA;
	s25 =	sshrl.u32 s23, $0x1;
	s8 =	smul.u32 $0xC800, s8  }
0x11: {  	s14 =	sadd.s32 s17, s26;
	s17 =	simm.s32 $0xB;
	s26 =	simm.s32 $0x2  }
0x12: {  	s5 =	sshrl.u32 s5, $0x3;
	s7 =	sadd.s32 s6, s7;
	s0 =	sadd.s32 s24, s6  }
0x13: {  	s24 =	simm.s32 $0x9;
	s5 =	sadd.s32 s6, s5;
	[dreg:$0x3] =	wrdreg s7  }
0x14: {  	s0 =	sadd.s32 s8, s0;
	s18 =	sadd.s32 $0x800, s5;
	s19 =	sadd.s32 $0x1000, s5  }
0x15: {  	s20 =	sadd.s32 $0x1800, s5;
	s21 =	sadd.s32 $0x2000, s5;
	s22 =	sadd.s32 $0xA000, s5  }
0x16: {  	s10 =	sadd.s32 $0xA800, s5;
	s11 =	sadd.s32 $0xB000, s5;
	[dreg:$0x4] =	wrdreg s18  }
0x17: {  	s12 =	sadd.s32 $0xB800, s5;
	s13 =	sadd.s32 $0xC000, s5;
	[dreg:$0x5] =	wrdreg s19  }
0x18: {  	s5 =	ssub.s32 s23, s25;
	s16 =	sadd.s32 $0x4800, s0;
	[dreg:$0x6] =	wrdreg s20  }
0x19: {  	s23 =	simm.s32 $0x1;
	s25 =	simm.s32 $0xD000;
	[dreg:$0x7] =	wrdreg s21  }
0x1a: {  	s0 =	simm.s32 $0x8;
	[dreg:$0x8] =	wrdreg s22;
	s15 =	smax.u32 s5, $0x1  }
0x1b: {  	s18 =	simm.s32 $0x80;
	s19 =	simm.s32 $0x1000;
	s20 =	simm.s32 $0x5000  }
0x1c: {  	s22 =	simm.s32 $0x9000;
	s21 =	simm.s32 $0x7;
	s5 =	simm.s32 $0x0  }
.LBB2_2:
0x1d: {  	s6 =	simm.s32 $0x0  }
0x1e: {  	[tilespmem:s6], [sflag:$0xB] =	stream.linear.gather [hbm4b:s14+s6], $0xC80, $0x38;
	[tilespmem:$0x15000] =	vst v63  }
0x1f: {  	_ =	swait.ge [sflag:s17], $0xC80  }
0x20: {  	[sflag:s17] =	ssyncset.done $0x0  }
0x21: {  	[sflag:s17] =	ssyncadd.s32 $0xFFFFF380  }
0x22: {  	[tilespmem:s19], [sflag:$0x1] =	stream.indirect.gather [hbm4b:s2+s18], $0x80, s6, s18, $0xb8;
	[tilespmem:$0x15000] =	vst v63  }
0x23: {  	_ = 	snop  }
0x24: {  	[tilespmem:s20], [sflag:$0x2] =	stream.indirect.gather [hbm4b:s2+s18], $0x80, s18, s18, $0xb8;
	[tilespmem:$0x15000] =	vst v63  }
0x25: {  	s7 =	simm.s32 $0x100  }
0x26: {  	[tilespmem:s22], [sflag:$0x3] =	stream.indirect.gather [hbm4b:s2+s18], $0x80, s7, s18, $0xb8;
	[tilespmem:$0x15000] =	vst v63  }
0x27: {  	_ =	swait.ge [sflag:s23], $0x4000  }
0x28: {  	[sflag:s23] =	ssyncset.done $0x0  }
0x29: {  	s9 =	rddreg [dreg:$0x3];
	[sflag:s23] =	ssyncadd.s32 $0xFFFFC000  }
0x2a: {  	[hbm4b:s9+s6] =	stream.linear.scatter [tilespmem:s19], [sflag:$0x6], $0x4000, $0x38;
	[tilespmem:$0x15000] =	vst v63  }
0x2b: {  	s8 =	simm.s32 $0x180  }
0x2c: {  	[tilespmem:s25], [sflag:$0x4] =	stream.indirect.gather [hbm4b:s2+s18], $0x80, s8, s18, $0xb8;
	[tilespmem:$0x15000] =	vst v63  }
0x2d: {  	_ =	swait.ge [sflag:s26], $0x4000  }
0x2e: {  	[sflag:s26] =	ssyncset.done $0x0  }
0x2f: {  	s9 =	rddreg [dreg:$0x4];
	[sflag:s26] =	ssyncadd.s32 $0xFFFFC000  }
0x30: {  	[hbm4b:s9+s6] =	stream.linear.scatter [tilespmem:s20], [sflag:$0x7], $0x4000, $0x38;
	[tilespmem:$0x15000] =	vst v63  }
0x31: {  	s8 =	simm.s32 $0x200  }
0x32: {  	[tilespmem:s29], [sflag:$0x5] =	stream.indirect.gather [hbm4b:s2+s18], $0x80, s8, s18, $0xb8;
	[tilespmem:$0x15000] =	vst v63  }
0x33: {  	_ =	swait.ge [sflag:s30], $0x4000  }
0x34: {  	[sflag:s30] =	ssyncset.done $0x0  }
0x35: {  	s9 =	rddreg [dreg:$0x5];
	[sflag:s30] =	ssyncadd.s32 $0xFFFFC000  }
0x36: {  	[hbm4b:s9+s6] =	stream.linear.scatter [tilespmem:s22], [sflag:$0x8], $0x4000, $0x38;
	[tilespmem:$0x15000] =	vst v63  }
0x37: {  	_ =	swait.ge [sflag:s31], $0x4000  }
0x38: {  	[sflag:s31] =	ssyncset.done $0x0  }
0x39: {  	s8 =	simm.s32 $0x280;
	[sflag:s31] =	ssyncadd.s32 $0xFFFFC000  }
0x3a: {  	[tilespmem:s19], [sflag:$0x1] =	stream.indirect.gather [hbm4b:s2+s18], $0x80, s8, s18, $0xb8;
	[tilespmem:$0x15000] =	vst v63  }
0x3b: {  	_ =	swait.ge [sflag:s1], $0x4000  }
0x3c: {  	[sflag:s1] =	ssyncset.done $0x0  }
0x3d: {  	s9 =	rddreg [dreg:$0x6];
	[sflag:s1] =	ssyncadd.s32 $0xFFFFC000  }
0x3e: {  	[hbm4b:s9+s6] =	stream.linear.scatter [tilespmem:s25], [sflag:$0x9], $0x4000, $0x38;
	[tilespmem:$0x15000] =	vst v63  }
0x3f: {  	_ =	swait.ge [sflag:s21], $0x4000  }
0x40: {  	[sflag:s21] =	ssyncset.done $0x0  }
0x41: {  	s8 =	simm.s32 $0x300;
	[sflag:s21] =	ssyncadd.s32 $0xFFFFC000  }
0x42: {  	[tilespmem:s20], [sflag:$0x2] =	stream.indirect.gather [hbm4b:s2+s18], $0x80, s8, s18, $0xb8;
	[tilespmem:$0x15000] =	vst v63  }
0x43: {  	_ =	swait.ge [sflag:s28], $0x4000  }
0x44: {  	[sflag:s28] =	ssyncset.done $0x0  }
0x45: {  	s9 =	rddreg [dreg:$0x7];
	[sflag:s28] =	ssyncadd.s32 $0xFFFFC000  }
0x46: {  	[hbm4b:s9+s6] =	stream.linear.scatter [tilespmem:s29], [sflag:$0xA], $0x4000, $0x38;
	[tilespmem:$0x15000] =	vst v63  }
0x47: {  	_ =	swait.ge [sflag:s0], $0x4000  }
0x48: {  	[sflag:s0] =	ssyncset.done $0x0  }
0x49: {  	s7 =	simm.s32 $0x380;
	[sflag:s0] =	ssyncadd.s32 $0xFFFFC000  }
0x4a: {  	[tilespmem:s22], [sflag:$0x3] =	stream.indirect.gather [hbm4b:s2+s18], $0x80, s7, s18, $0xb8;
	[tilespmem:$0x15000] =	vst v63  }
0x4b: {  	_ =	swait.ge [sflag:s23], $0x4000  }
0x4c: {  	[sflag:s23] =	ssyncset.done $0x0  }
0x4d: {  	s8 =	sadd.s32 $0xFFFFE000, s16;
	[sflag:s23] =	ssyncadd.s32 $0xFFFFC000  }
0x4e: {  	[hbm4b:s8+s3] =	stream.linear.scatter [tilespmem:s19], [sflag:$0x6], $0x4000, $0x38;
	[tilespmem:$0x15000] =	vst v63  }
0x4f: {  	_ =	swait.ge [sflag:s24], $0x4000  }
0x50: {  	[sflag:s24] =	ssyncset.done $0x0  }
0x51: {  	s9 =	simm.s32 $0x400;
	[sflag:s24] =	ssyncadd.s32 $0xFFFFC000  }
0x52: {  	[tilespmem:s25], [sflag:$0x4] =	stream.indirect.gather [hbm4b:s2+s18], $0x80, s9, s18, $0xb8;
	[tilespmem:$0x15000] =	vst v63  }
0x53: {  	_ =	swait.ge [sflag:s26], $0x4000  }
0x54: {  	[sflag:s26] =	ssyncset.done $0x0  }
0x55: {  	s7 =	sadd.s32 $0xFFFFE800, s16;
	[sflag:s26] =	ssyncadd.s32 $0xFFFFC000  }
0x56: {  	[hbm4b:s7+s3] =	stream.linear.scatter [tilespmem:s20], [sflag:$0x7], $0x4000, $0x38;
	[tilespmem:$0x15000] =	vst v63  }
0x57: {  	_ =	swait.ge [sflag:s4], $0x4000  }
0x58: {  	[sflag:s4] =	ssyncset.done $0x0  }
0x59: {  	s8 =	simm.s32 $0x480;
	[sflag:s4] =	ssyncadd.s32 $0xFFFFC000  }
0x5a: {  	[tilespmem:s29], [sflag:$0x5] =	stream.indirect.gather [hbm4b:s2+s18], $0x80, s8, s18, $0xb8;
	[tilespmem:$0x15000] =	vst v63  }
0x5b: {  	_ =	swait.ge [sflag:s30], $0x4000  }
0x5c: {  	[sflag:s30] =	ssyncset.done $0x0  }
0x5d: {  	s9 =	sadd.s32 $0xFFFFF000, s16;
	[sflag:s30] =	ssyncadd.s32 $0xFFFFC000  }
0x5e: {  	[hbm4b:s9+s3] =	stream.linear.scatter [tilespmem:s22], [sflag:$0x8], $0x4000, $0x38;
	[tilespmem:$0x15000] =	vst v63  }
0x5f: {  	_ =	swait.ge [sflag:s31], $0x4000  }
0x60: {  	[sflag:s31] =	ssyncset.done $0x0  }
0x61: {  	s7 =	simm.s32 $0x500;
	[sflag:s31] =	ssyncadd.s32 $0xFFFFC000  }
0x62: {  	[tilespmem:s19], [sflag:$0x1] =	stream.indirect.gather [hbm4b:s2+s18], $0x80, s7, s18, $0xb8;
	[tilespmem:$0x15000] =	vst v63  }
0x63: {  	_ =	swait.ge [sflag:s1], $0x4000  }
0x64: {  	[sflag:s1] =	ssyncset.done $0x0  }
0x65: {  	s8 =	sadd.s32 $0xFFFFF800, s16;
	[sflag:s1] =	ssyncadd.s32 $0xFFFFC000  }
0x66: {  	[hbm4b:s8+s3] =	stream.linear.scatter [tilespmem:s25], [sflag:$0x9], $0x4000, $0x38;
	[tilespmem:$0x15000] =	vst v63  }
0x67: {  	_ =	swait.ge [sflag:s21], $0x4000  }
0x68: {  	[sflag:s21] =	ssyncset.done $0x0  }
0x69: {  	s9 =	simm.s32 $0x580;
	[sflag:s21] =	ssyncadd.s32 $0xFFFFC000  }
0x6a: {  	[tilespmem:s20], [sflag:$0x2] =	stream.indirect.gather [hbm4b:s2+s18], $0x80, s9, s18, $0xb8;
	[tilespmem:$0x15000] =	vst v63  }
0x6b: {  	_ =	swait.ge [sflag:s28], $0x4000  }
0x6c: {  	[sflag:s28] =	ssyncset.done $0x0  }
0x6d: {  	[sflag:s28] =	ssyncadd.s32 $0xFFFFC000  }
0x6e: {  	[hbm4b:s16+s3] =	stream.linear.scatter [tilespmem:s29], [sflag:$0xA], $0x4000, $0x38;
	[tilespmem:$0x15000] =	vst v63  }
0x6f: {  	_ =	swait.ge [sflag:s0], $0x4000  }
0x70: {  	s6 =	simm.s32 $0xA00;
	[sflag:s0] =	ssyncset.done $0x0  }
0x71: {  	s7 =	sadd.s32 $0x2800, s16;
	s8 =	simm.s32 $0x600;
	[sflag:s0] =	ssyncadd.s32 $0xFFFFC000  }
.LBB2_3:
0x72: {  	[tilespmem:s22], [sflag:$0x3] =	stream.indirect.gather [hbm4b:s2+s18], $0x80, s8, s18, $0xb8;
	[tilespmem:$0x15000] =	vst v63  }
0x73: {  	s8 =	smov.u32 s6  }
0x74: {  	p0 =	sne.s32 s6, $0x1400;
	s6 =	sadd.s32 $0xA00, s6;
	_ =	swait.ge [sflag:s23], $0x4000  }
0x75: {  	[sflag:s23] =	ssyncset.done $0x0  }
0x76: {  	s9 =	sadd.s32 $0xFFFFE000, s7;
	[sflag:s23] =	ssyncadd.s32 $0xFFFFC000  }
0x77: {  	[hbm4b:s9+s3] =	stream.linear.scatter [tilespmem:s19], [sflag:$0x6], $0x4000, $0x38;
	[tilespmem:$0x15000] =	vst v63  }
0x78: {  	_ =	swait.ge [sflag:s24], $0x4000  }
0x79: {  	s8 =	sshra.s32 s8, $0x2;
	[sflag:s24] =	ssyncset.done $0x0  }
0x7a: {  	s9 =	sadd.s32 $0x400, s8;
	[sflag:s24] =	ssyncadd.s32 $0xFFFFC000  }
0x7b: {  	[tilespmem:s25], [sflag:$0x4] =	stream.indirect.gather [hbm4b:s2+s18], $0x80, s9, s18, $0xb8;
	[tilespmem:$0x15000] =	vst v63  }
0x7c: {  	_ =	swait.ge [sflag:s26], $0x4000  }
0x7d: {  	[sflag:s26] =	ssyncset.done $0x0  }
0x7e: {  	s9 =	sadd.s32 $0xFFFFE800, s7;
	[sflag:s26] =	ssyncadd.s32 $0xFFFFC000  }
0x7f: {  	[hbm4b:s9+s3] =	stream.linear.scatter [tilespmem:s20], [sflag:$0x7], $0x4000, $0x38;
	[tilespmem:$0x15000] =	vst v63  }
0x80: {  	_ =	swait.ge [sflag:s4], $0x4000  }
0x81: {  	[sflag:s4] =	ssyncset.done $0x0  }
0x82: {  	s9 =	sadd.s32 $0x480, s8;
	[sflag:s4] =	ssyncadd.s32 $0xFFFFC000  }
0x83: {  	[tilespmem:s29], [sflag:$0x5] =	stream.indirect.gather [hbm4b:s2+s18], $0x80, s9, s18, $0xb8;
	[tilespmem:$0x15000] =	vst v63  }
0x84: {  	_ =	swait.ge [sflag:s30], $0x4000  }
0x85: {  	[sflag:s30] =	ssyncset.done $0x0  }
0x86: {  	s9 =	sadd.s32 $0xFFFFF000, s7;
	[sflag:s30] =	ssyncadd.s32 $0xFFFFC000  }
0x87: {  	[hbm4b:s9+s3] =	stream.linear.scatter [tilespmem:s22], [sflag:$0x8], $0x4000, $0x38;
	[tilespmem:$0x15000] =	vst v63  }
0x88: {  	_ =	swait.ge [sflag:s31], $0x4000  }
0x89: {  	[sflag:s31] =	ssyncset.done $0x0  }
0x8a: {  	s9 =	sadd.s32 $0x500, s8;
	[sflag:s31] =	ssyncadd.s32 $0xFFFFC000  }
0x8b: {  	[tilespmem:s19], [sflag:$0x1] =	stream.indirect.gather [hbm4b:s2+s18], $0x80, s9, s18, $0xb8;
	[tilespmem:$0x15000] =	vst v63  }
0x8c: {  	_ =	swait.ge [sflag:s1], $0x4000  }
0x8d: {  	[sflag:s1] =	ssyncset.done $0x0  }
0x8e: {  	s9 =	sadd.s32 $0xFFFFF800, s7;
	[sflag:s1] =	ssyncadd.s32 $0xFFFFC000  }
0x8f: {  	[hbm4b:s9+s3] =	stream.linear.scatter [tilespmem:s25], [sflag:$0x9], $0x4000, $0x38;
	[tilespmem:$0x15000] =	vst v63  }
0x90: {  	_ =	swait.ge [sflag:s21], $0x4000  }
0x91: {  	[sflag:s21] =	ssyncset.done $0x0  }
0x92: {  	s9 =	sadd.s32 $0x580, s8;
	[sflag:s21] =	ssyncadd.s32 $0xFFFFC000  }
0x93: {  	[tilespmem:s20], [sflag:$0x2] =	stream.indirect.gather [hbm4b:s2+s18], $0x80, s9, s18, $0xb8;
	[tilespmem:$0x15000] =	vst v63  }
0x94: {  	_ =	swait.ge [sflag:s28], $0x4000  }
0x95: {  	[sflag:s28] =	ssyncset.done $0x0  }
.Ltmp1:
0x96: {  	[sflag:s28] =	ssyncadd.s32 $0xFFFFC000;
	(pc) =	sbr.rel @p0 .LBB2_3-.Ltmp1, $4  }
0x97: {  	[hbm4b:s7+s3] =	stream.linear.scatter [tilespmem:s29], [sflag:$0xA], $0x4000, $0x38;
	[tilespmem:$0x15000] =	vst v63  }
0x98: {  	_ =	swait.ge [sflag:s0], $0x4000  }
0x99: {  	[sflag:s0] =	ssyncset.done $0x0  }
0x9a: {  	s8 =	sadd.s32 $0x600, s8;
	s7 =	sadd.s32 $0x2800, s7;
	[sflag:s0] =	ssyncadd.s32 $0xFFFFC000  }
0x9b: {  	[tilespmem:s22], [sflag:$0x3] =	stream.indirect.gather [hbm4b:s2+s18], $0x80, s8, s18, $0xb8;
	[tilespmem:$0x15000] =	vst v63  }
0x9c: {  	_ =	swait.ge [sflag:s23], $0x4000  }
0x9d: {  	[sflag:s23] =	ssyncset.done $0x0  }
0x9e: {  	s6 =	rddreg [dreg:$0x8];
	[sflag:s23] =	ssyncadd.s32 $0xFFFFC000  }
0x9f: {  	[hbm4b:s6+s3] =	stream.linear.scatter [tilespmem:s19], [sflag:$0x6], $0x4000, $0x38;
	[tilespmem:$0x15000] =	vst v63  }
0xa0: {  	_ =	swait.ge [sflag:s24], $0x4000  }
0xa1: {  	[sflag:s24] =	ssyncset.done $0x0  }
0xa2: {  	s8 =	simm.s32 $0xB80;
	[sflag:s24] =	ssyncadd.s32 $0xFFFFC000  }
0xa3: {  	[tilespmem:s25], [sflag:$0x4] =	stream.indirect.gather [hbm4b:s2+s18], $0x80, s8, s18, $0xb8;
	[tilespmem:$0x15000] =	vst v63  }
0xa4: {  	_ =	swait.ge [sflag:s26], $0x4000  }
0xa5: {  	[sflag:s26] =	ssyncset.done $0x0  }
0xa6: {  	[sflag:s26] =	ssyncadd.s32 $0xFFFFC000  }
0xa7: {  	[hbm4b:s10+s3] =	stream.linear.scatter [tilespmem:s20], [sflag:$0x7], $0x4000, $0x38;
	[tilespmem:$0x15000] =	vst v63  }
0xa8: {  	_ =	swait.ge [sflag:s4], $0x4000  }
0xa9: {  	[sflag:s4] =	ssyncset.done $0x0  }
0xaa: {  	s9 =	simm.s32 $0xC00;
	[sflag:s4] =	ssyncadd.s32 $0xFFFFC000  }
0xab: {  	[tilespmem:s29], [sflag:$0x5] =	stream.indirect.gather [hbm4b:s2+s18], $0x80, s9, s18, $0xb8;
	[tilespmem:$0x15000] =	vst v63  }
0xac: {  	_ =	swait.ge [sflag:s30], $0x4000  }
0xad: {  	[sflag:s30] =	ssyncset.done $0x0  }
0xae: {  	[sflag:s30] =	ssyncadd.s32 $0xFFFFC000  }
0xaf: {  	[hbm4b:s11+s3] =	stream.linear.scatter [tilespmem:s22], [sflag:$0x8], $0x4000, $0x38;
	[tilespmem:$0x15000] =	vst v63  }
0xb0: {  	_ =	swait.ge [sflag:s31], $0x4000  }
0xb1: {  	[sflag:s31] =	ssyncset.done $0x0  }
0xb2: {  	[sflag:s31] =	ssyncadd.s32 $0xFFFFC000  }
0xb3: {  	_ =	swait.ge [sflag:s1], $0x4000  }
0xb4: {  	[sflag:s1] =	ssyncset.done $0x0  }
0xb5: {  	[sflag:s1] =	ssyncadd.s32 $0xFFFFC000  }
0xb6: {  	[hbm4b:s12+s3] =	stream.linear.scatter [tilespmem:s25], [sflag:$0x9], $0x4000, $0x38;
	[tilespmem:$0x15000] =	vst v63  }
0xb7: {  	_ =	swait.ge [sflag:s21], $0x4000  }
0xb8: {  	[sflag:s21] =	ssyncset.done $0x0  }
0xb9: {  	[sflag:s21] =	ssyncadd.s32 $0xFFFFC000  }
0xba: {  	_ =	swait.ge [sflag:s28], $0x4000  }
0xbb: {  	[sflag:s28] =	ssyncset.done $0x0  }
0xbc: {  	[sflag:s28] =	ssyncadd.s32 $0xFFFFC000  }
0xbd: {  	[hbm4b:s13+s3] =	stream.linear.scatter [tilespmem:s29], [sflag:$0xA], $0x4000, $0x38;
	[tilespmem:$0x15000] =	vst v63  }
0xbe: {  	_ =	swait.ge [sflag:s0], $0x4000  }
0xbf: {  	[sflag:s0] =	ssyncset.done $0x0  }
0xc0: {  	s5 =	sadd.s32 $0x1, s5;
	[sflag:s0] =	ssyncadd.s32 $0xFFFFC000  }
0xc1: {  	p0 =	sne.s32 s5, s15;
	_ =	swait.ge [sflag:s24], $0x4000  }
.Ltmp2:
0xc2: {  	[sflag:s24] =	ssyncset.done $0x0;
	(pc) =	sbr.rel @p0 .LBB2_2-.Ltmp2, $4  }
0xc3: {  	[sflag:s24] =	ssyncadd.s32 $0xFFFFC000  }
0xc4: {  	_ =	swait.ge [sflag:s4], $0x4000  }
0xc5: {  	[sflag:s4] =	ssyncset.done $0x0  }
0xc6: {  	[sflag:s4] =	ssyncadd.s32 $0xFFFFC000  }
.LBB2_5:
0xc7: {  	_ =	sfence.sel $0x180000  }
0xc8: {  	[bflag:$0x0] =	sbarrier.arrive $0xFFFF  }
0xc9: {  	_ =	strace $0x90000053  }
0xca: {  	s0 =	stileid.u32;
	[bflag:$0x2] =	sbarrier.arrive $0xFFFF  }
0xcb: {  	p0 =	sne.s32 s0, $0x0;
	s0 =	rddreg [dreg:$0x2]  }
0xcc: {  	s0 =	sadd.s32 @!p0 $0x100000, s0  }
0xcd: {  	[sflag:s0] =	ssyncadd.tile.s32 @!p0 $0x1;
	_ =	shalt  }
.Lfunc_end2:
_tile_overlayer_lowered:
.L_overlay_start_2:
0xce: {  	(tag) =	ssettag $0x2  }
0xcf: {  	s0 =	rddreg [dreg:$0x0];
	s2 =	stileid.u32  }
0xd0: {  	s1 =	rddreg [dreg:$0x1];
	p0 =	sne.s32 s2, $0x0  }
0xd1: {  	s3 =	rddreg [dreg:$0x2];
	[bflag:$0x3] =	sbarrier.arrive $0xFFFF;
	s2 =	simm.s32 @!p0 $0x1C0B  }
0xd2: {  	[timem:s3], [sflag:s2] =	dma.local @!p0 [hbm:s0], s1  }
0xd3: {  	s0 =	simm.s32 @!p0 $0xB  }
0xd4: {  	_ =	swait.ge @!p0 [sflag:s0], s1  }
0xd5: {  	s1 =	ssub.s32 @!p0 $0x0, s1;
	[sflag:s0] =	ssyncset.done @!p0 $0x0  }
0xd6: {  	[sflag:s0] =	ssyncadd.s32 @!p0 s1  }
0xd7: {  	[bflag:$0x3] =	sbarrier.arrive $0xFFFF  }
0xd8: {  	_ =	shalt  }

</sc_bundles>
